<compile_context>
chip_gen: v7x
topology: tpu7x:2x2x1
jax: 0.10.2.dev20260603
libtpu: 0.0.44.dev20260713+nightly
codegen_flags: <defaults>
</compile_context>

<pallas_src>
import jax
import jax.numpy as jnp
from jax import lax
from jax.experimental import pallas as pl
from jax.experimental.pallas import tpu as pltpu
from jax.experimental.pallas import tpu_sc as plsc

N_NODES = 50000
N_EDGES = 1600000
NC = 2
NS = 16
NW = NC * NS
LANES = 16

BLK = 128
NBLK = N_EDGES // BLK
BLK_MAIN = NBLK // NW
NEXTRA = NBLK - BLK_MAIN * NW
CPB = 16
CHUNK = CPB * BLK
NCHUNKS = BLK_MAIN // CPB
TAIL0 = NCHUNKS * CPB
NGROUPS = CHUNK // LANES

_MAGIC = 0x5F3759DF


def _tec_body(px_hbm, py_hbm, pz_hbm, nl_hbm,
              shx_hbm, shy_hbm, shz_hbm, par_hbm, out_hbm,
              px_sh, py_sh, pz_sh, nlv, shxv, shyv, shzv,
              xib, yib, zib, xjb, yjb, zjb,
              parv, accv, sem_i, sem_j, sem_x, sem_s):
    cid = lax.axis_index("c")
    sid = lax.axis_index("s")
    wid = sid * NC + cid

    @pl.when(sid == 0)
    def _stage():
        pltpu.sync_copy(px_hbm, px_sh)
        pltpu.sync_copy(py_hbm, py_sh)
        pltpu.sync_copy(pz_hbm, pz_sh)

    pltpu.sync_copy(par_hbm, parv)
    plsc.subcore_barrier()

    a1 = parv[0, :]
    a2 = parv[1, :]
    b1 = parv[2, :]
    b2 = parv[3, :]
    ev = parv[4, :]

    half = jnp.full((LANES,), 0.5, jnp.float32)
    three_half = jnp.full((LANES,), 1.5, jnp.float32)
    one = jnp.full((LANES,), 1.0, jnp.float32)
    zero = jnp.zeros((LANES,), jnp.float32)
    magic = jnp.full((LANES,), _MAGIC, jnp.int32)

    base_blk = wid * BLK_MAIN + jnp.minimum(wid, NEXTRA)
    n_tail = BLK_MAIN - TAIL0 + jnp.where(wid < NEXTRA, 1, 0)

    def morse16(dx, dy, dz, acc_in):
        d2 = dx * dx + dy * dy + dz * dz
        d2 = jnp.maximum(d2, jnp.full((LANES,), 1e-30, jnp.float32))
        y = plsc.bitcast(magic - (plsc.bitcast(d2, jnp.int32) >> 1),
                         jnp.float32)
        xh = half * d2
        y = y * (three_half - xh * y * y)
        y = y * (three_half - xh * y * y)
        y = y * (three_half - xh * y * y)
        dist = d2 * y
        expf = jnp.exp(a1 - a2 * dist)
        s = b1 - b2 * dist
        s3 = (s * s) * s
        poly = ((jnp.full((LANES,), 6.0, jnp.float32) * s
                 - jnp.full((LANES,), 15.0, jnp.float32)) * s
                + jnp.full((LANES,), 10.0, jnp.float32)) * s3
        fc = jnp.where(s >= one, one, jnp.maximum(poly, zero))
        return acc_in + expf * (expf - jnp.full((LANES,), 2.0,
                                                jnp.float32)) * fc

    def compute(nedges, acc):
        def group_body(g, acc_in):
            base = g * LANES
            sl16 = pl.ds(base, LANES)
            dx = xjb[sl16] - xib[sl16] + shxv[sl16]
            dy = yjb[sl16] - yib[sl16] + shyv[sl16]
            dz = zjb[sl16] - zib[sl16] + shzv[sl16]
            return morse16(dx, dy, dz, acc_in)
        return lax.fori_loop(0, nedges // LANES, group_body, acc)

    def chunk_body(ci, acc):
        eb = pl.multiple_of((base_blk + ci * CPB) * BLK, BLK)
        sl = pl.ds(eb, CHUNK)
        lin = [pltpu.async_copy(nl_hbm.at[:, sl], nlv, sem_x),
               pltpu.async_copy(shx_hbm.at[sl], shxv, sem_s),
               pltpu.async_copy(shy_hbm.at[sl], shyv, sem_s),
               pltpu.async_copy(shz_hbm.at[sl], shzv, sem_s)]
        lin[0].wait()

        descs = [lin[1], lin[2], lin[3]]
        for k in range(CPB):
            gsl = pl.ds(k * BLK, BLK)
            ii = nlv.at[0, gsl]
            jj = nlv.at[1, gsl]
            descs.append(pltpu.async_copy(px_sh.at[ii], xib.at[gsl], sem_i))
            descs.append(pltpu.async_copy(py_sh.at[ii], yib.at[gsl], sem_i))
            descs.append(pltpu.async_copy(pz_sh.at[ii], zib.at[gsl], sem_i))
            descs.append(pltpu.async_copy(px_sh.at[jj], xjb.at[gsl], sem_j))
            descs.append(pltpu.async_copy(py_sh.at[jj], yjb.at[gsl], sem_j))
            descs.append(pltpu.async_copy(pz_sh.at[jj], zjb.at[gsl], sem_j))
        for d in descs:
            d.wait()

        return compute(CHUNK, acc)

    acc = lax.fori_loop(0, NCHUNKS, chunk_body,
                        jnp.zeros((LANES,), jnp.float32))

    def tail_body(t, acc):
        eb = pl.multiple_of((base_blk + TAIL0 + t) * BLK, BLK)
        sl = pl.ds(eb, BLK)
        slv = pl.ds(0, BLK)
        lin = [pltpu.async_copy(nl_hbm.at[:, sl], nlv.at[:, slv], sem_x),
               pltpu.async_copy(shx_hbm.at[sl], shxv.at[slv], sem_s),
               pltpu.async_copy(shy_hbm.at[sl], shyv.at[slv], sem_s),
               pltpu.async_copy(shz_hbm.at[sl], shzv.at[slv], sem_s)]
        lin[0].wait()
        ii = nlv.at[0, slv]
        jj = nlv.at[1, slv]
        descs = [lin[1], lin[2], lin[3],
                 pltpu.async_copy(px_sh.at[ii], xib.at[slv], sem_i),
                 pltpu.async_copy(py_sh.at[ii], yib.at[slv], sem_i),
                 pltpu.async_copy(pz_sh.at[ii], zib.at[slv], sem_i),
                 pltpu.async_copy(px_sh.at[jj], xjb.at[slv], sem_j),
                 pltpu.async_copy(py_sh.at[jj], yjb.at[slv], sem_j),
                 pltpu.async_copy(pz_sh.at[jj], zjb.at[slv], sem_j)]
        for d in descs:
            d.wait()
        return compute(BLK, acc)

    acc = lax.fori_loop(0, n_tail, tail_body, acc)

    accv[...] = acc * ev
    pltpu.sync_copy(accv, out_hbm.at[wid])


@jax.jit
def _run(px, py, pz, nl, shx, shy, shz, params):
    mesh = plsc.VectorSubcoreMesh(core_axis_name="c", subcore_axis_name="s")
    kfn = pl.kernel(
        _tec_body,
        out_type=jax.ShapeDtypeStruct((NW, LANES), jnp.float32),
        mesh=mesh,
        scratch_types=[
            pltpu.MemorySpace.VMEM_SHARED((N_NODES,), jnp.float32),
            pltpu.MemorySpace.VMEM_SHARED((N_NODES,), jnp.float32),
            pltpu.MemorySpace.VMEM_SHARED((N_NODES,), jnp.float32),
            pltpu.MemorySpace.VMEM((2, CHUNK), jnp.int32),
            pltpu.MemorySpace.VMEM((CHUNK,), jnp.float32),
            pltpu.MemorySpace.VMEM((CHUNK,), jnp.float32),
            pltpu.MemorySpace.VMEM((CHUNK,), jnp.float32),
            pltpu.MemorySpace.VMEM((CHUNK,), jnp.float32),
            pltpu.MemorySpace.VMEM((CHUNK,), jnp.float32),
            pltpu.MemorySpace.VMEM((CHUNK,), jnp.float32),
            pltpu.MemorySpace.VMEM((CHUNK,), jnp.float32),
            pltpu.MemorySpace.VMEM((CHUNK,), jnp.float32),
            pltpu.MemorySpace.VMEM((CHUNK,), jnp.float32),
            pltpu.MemorySpace.VMEM((8, LANES), jnp.float32),
            pltpu.MemorySpace.VMEM((LANES,), jnp.float32),
            pltpu.SemaphoreType.DMA,
            pltpu.SemaphoreType.DMA,
            pltpu.SemaphoreType.DMA,
            pltpu.SemaphoreType.DMA,
        ],
        compiler_params=pltpu.CompilerParams(needs_layout_passes=False),
    )
    return kfn(px, py, pz, nl, shx, shy, shz, params)


def kernel(positions, neigh_list, shifts, alpha, epsilon, r0, rcut1, rcut2):
    px = positions[:, 0]
    py = positions[:, 1]
    pz = positions[:, 2]
    shx = shifts[:, 0]
    shy = shifts[:, 1]
    shz = shifts[:, 2]
    inv = 1.0 / (rcut2 - rcut1)
    rows = [
        jnp.broadcast_to(alpha, (LANES,)),
        jnp.broadcast_to(alpha / r0, (LANES,)),
        jnp.broadcast_to(1.0 + rcut1 * inv, (LANES,)),
        jnp.broadcast_to(inv, (LANES,)),
        jnp.broadcast_to(0.5 * epsilon, (LANES,)),
        jnp.zeros((LANES,), jnp.float32),
        jnp.zeros((LANES,), jnp.float32),
        jnp.zeros((LANES,), jnp.float32),
    ]
    params = jnp.stack(rows).astype(jnp.float32)
    out = _run(px, py, pz, neigh_list, shx, shy, shz, params)
    energy = jnp.sum(out)
    return (energy,)

# --- scband reference (transcript-rebuilt; emitter-appended) ---
"""Pipeline reference for scband-morse-73169062854890 (READ-ONLY COPY).

The authoritative reference and input builder live on the scoring server;
editing this copy changes nothing except your own understanding.
"""

import jax, jax.numpy as jnp
import numpy as np

N_NODES = 50000
N_EDGES = 1600000


def setup_inputs(seed: int = 0) -> dict:
    key = jax.random.key(seed)
    k1, k2, k3 = jax.random.split(key, 3)
    positions = jax.random.normal(k1, (N_NODES, 3), dtype=jnp.float32)
    neigh_list = jax.random.randint(k2, (2, N_EDGES), 0, N_NODES, dtype=jnp.int32)
    shifts = jax.random.normal(k3, (N_EDGES, 3), dtype=jnp.float32)
    # learned parameters (shape [1] like torch.nn.Parameter(torch.Tensor([v])))
    alpha = jnp.array([6.0], dtype=jnp.float32)
    epsilon = jnp.array([1.0], dtype=jnp.float32)
    r0 = jnp.array([1.0], dtype=jnp.float32)
    # registered buffers
    rcut1 = jnp.array([1.9], dtype=jnp.float32)
    rcut2 = jnp.array([2.7], dtype=jnp.float32)
    return {
        "positions": positions,
        "neigh_list": neigh_list,
        "shifts": shifts,
        "alpha": alpha,
        "epsilon": epsilon,
        "r0": r0,
        "rcut1": rcut1,
        "rcut2": rcut2,
    }


def _cutoff(distances, rcut1, rcut2):
    s = 1.0 - (distances - rcut1) / (rcut2 - rcut1)
    poly = 6.0 * s ** 5 - 15.0 * s ** 4 + 10.0 * s ** 3
    return (s >= 1.0).astype(distances.dtype) + ((s > 0.0) & (s < 1.0)).astype(distances.dtype) * poly


def reference(positions, neigh_list, shifts, alpha, epsilon, r0, rcut1, rcut2):
    # gather both endpoints of every edge: [2*E] -> [2, E, 3]
    selected = jnp.take(positions, neigh_list.reshape(-1), axis=0).reshape(2, -1, 3)
    dvectors = selected[1] - selected[0] + shifts
    distances = jnp.linalg.norm(dvectors, axis=-1)
    expf = jnp.exp(alpha * (1.0 - distances / r0))
    fc = _cutoff(distances, rcut1, rcut2)
    energy = 0.5 * jnp.sum(epsilon * expf * (expf - 2.0) * fc)
    return (energy,)

if __name__ == "__main__":
    import jax
    _d = setup_inputs()
    print(jax.jit(kernel)(*tuple(_d.values())))

</pallas_src>

<mosaic_0001>
#map = affine_map<(d0, d1) -> (0)>
#map1 = affine_map<(d0, d1) -> (0, 0)>
module attributes {stable_mosaic.version = 14 : i64} {
  func.func @_tec_body(%arg0: i32, %arg1: i32, %arg2: memref<50000xf32, #tpu.memory_space<hbm>>, %arg3: memref<50000xf32, #tpu.memory_space<hbm>>, %arg4: memref<50000xf32, #tpu.memory_space<hbm>>, %arg5: memref<2x1600000xi32, #tpu.memory_space<hbm>>, %arg6: memref<1600000xf32, #tpu.memory_space<hbm>>, %arg7: memref<1600000xf32, #tpu.memory_space<hbm>>, %arg8: memref<1600000xf32, #tpu.memory_space<hbm>>, %arg9: memref<8x16xf32, #tpu.memory_space<hbm>>, %arg10: memref<32x16xf32, #tpu.memory_space<hbm>>, %arg11: memref<50000xf32, #tpu.memory_space<vmem_shared>>, %arg12: memref<50000xf32, #tpu.memory_space<vmem_shared>>, %arg13: memref<50000xf32, #tpu.memory_space<vmem_shared>>, %arg14: memref<2x2048xi32, #tpu.memory_space<vmem>>, %arg15: memref<2048xf32, #tpu.memory_space<vmem>>, %arg16: memref<2048xf32, #tpu.memory_space<vmem>>, %arg17: memref<2048xf32, #tpu.memory_space<vmem>>, %arg18: memref<2048xf32, #tpu.memory_space<vmem>>, %arg19: memref<2048xf32, #tpu.memory_space<vmem>>, %arg20: memref<2048xf32, #tpu.memory_space<vmem>>, %arg21: memref<2048xf32, #tpu.memory_space<vmem>>, %arg22: memref<2048xf32, #tpu.memory_space<vmem>>, %arg23: memref<2048xf32, #tpu.memory_space<vmem>>, %arg24: memref<8x16xf32, #tpu.memory_space<vmem>>, %arg25: memref<16xf32, #tpu.memory_space<vmem>>, %arg26: memref<!tpu.dma_semaphore, #tpu.memory_space<semaphore_mem>>, %arg27: memref<!tpu.dma_semaphore, #tpu.memory_space<semaphore_mem>>, %arg28: memref<!tpu.dma_semaphore, #tpu.memory_space<semaphore_mem>>, %arg29: memref<!tpu.dma_semaphore, #tpu.memory_space<semaphore_mem>>) attributes {dimension_semantics = [#tpu.dimension_semantics<core_parallel>, #tpu.dimension_semantics<subcore_parallel>], iteration_bounds = array<i64: 2, 16>, scalar_prefetch = 0 : i64, scratch_operands = 19 : i64, tpu.core_type = #tpu.core_type<sc_vector_subcore>, window_params = [{transform_indices = #map}, {transform_indices = #map}, {transform_indices = #map}, {transform_indices = #map1}, {transform_indices = #map}, {transform_indices = #map}, {transform_indices = #map}, {transform_indices = #map1}, {transform_indices = #map1}]} {
    %mul3A = arith.constant 2 : i32
    %mul3A_0 = arith.muli %arg1, %mul3A : i32
    %add3A = arith.addi %mul3A_0, %arg0 : i32
    %eq3A = arith.constant 0 : i32
    %eq3A_1 = arith.cmpi eq, %arg1, %eq3A : i32
    %convert_element_type3A = arith.extui %eq3A_1 : i1 to i32
    %cond3A = arith.constant 0 : i32
    %cond3A_2 = arith.cmpi ne, %convert_element_type3A, %cond3A : i32
    scf.if %cond3A_2 {
      "tpu.region"() ({
        %run_scoped3A = tpu.sem_alloc : memref<!tpu.dma_semaphore, #tpu.memory_space<semaphore_mem>>
        tpu.enqueue_dma source(%arg2 : memref<50000xf32, #tpu.memory_space<hbm>>) target(%arg11 : memref<50000xf32, #tpu.memory_space<vmem_shared>>) target_semaphore(%run_scoped3A : memref<!tpu.dma_semaphore, #tpu.memory_space<semaphore_mem>>)
        tpu.wait_dma2 semaphore(%run_scoped3A : memref<!tpu.dma_semaphore, #tpu.memory_space<semaphore_mem>>) src(%arg2 : memref<50000xf32, #tpu.memory_space<hbm>>) dst(%arg11 : memref<50000xf32, #tpu.memory_space<vmem_shared>>)
        tpu.yield
      }) : () -> ()
      "tpu.region"() ({
        %run_scoped3A = tpu.sem_alloc : memref<!tpu.dma_semaphore, #tpu.memory_space<semaphore_mem>>
        tpu.enqueue_dma source(%arg3 : memref<50000xf32, #tpu.memory_space<hbm>>) target(%arg12 : memref<50000xf32, #tpu.memory_space<vmem_shared>>) target_semaphore(%run_scoped3A : memref<!tpu.dma_semaphore, #tpu.memory_space<semaphore_mem>>)
        tpu.wait_dma2 semaphore(%run_scoped3A : memref<!tpu.dma_semaphore, #tpu.memory_space<semaphore_mem>>) src(%arg3 : memref<50000xf32, #tpu.memory_space<hbm>>) dst(%arg12 : memref<50000xf32, #tpu.memory_space<vmem_shared>>)
        tpu.yield
      }) : () -> ()
      "tpu.region"() ({
        %run_scoped3A = tpu.sem_alloc : memref<!tpu.dma_semaphore, #tpu.memory_space<semaphore_mem>>
        tpu.enqueue_dma source(%arg4 : memref<50000xf32, #tpu.memory_space<hbm>>) target(%arg13 : memref<50000xf32, #tpu.memory_space<vmem_shared>>) target_semaphore(%run_scoped3A : memref<!tpu.dma_semaphore, #tpu.memory_space<semaphore_mem>>)
        tpu.wait_dma2 semaphore(%run_scoped3A : memref<!tpu.dma_semaphore, #tpu.memory_space<semaphore_mem>>) src(%arg4 : memref<50000xf32, #tpu.memory_space<hbm>>) dst(%arg13 : memref<50000xf32, #tpu.memory_space<vmem_shared>>)
        tpu.yield
      }) : () -> ()
    } else {
    }
    "tpu.region"() ({
      %run_scoped3A = tpu.sem_alloc : memref<!tpu.dma_semaphore, #tpu.memory_space<semaphore_mem>>
      tpu.enqueue_dma source(%arg9 : memref<8x16xf32, #tpu.memory_space<hbm>>) target(%arg24 : memref<8x16xf32, #tpu.memory_space<vmem>>) target_semaphore(%run_scoped3A : memref<!tpu.dma_semaphore, #tpu.memory_space<semaphore_mem>>)
      tpu.wait_dma2 semaphore(%run_scoped3A : memref<!tpu.dma_semaphore, #tpu.memory_space<semaphore_mem>>) src(%arg9 : memref<8x16xf32, #tpu.memory_space<hbm>>) dst(%arg24 : memref<8x16xf32, #tpu.memory_space<vmem>>)
      tpu.yield
    }) : () -> ()
    %barrier3A = arith.constant 0 : index
    tpu.barrier barrier_id(%barrier3A)
    %get3A = arith.constant 0 : i32
    %get3A_3 = arith.index_cast %get3A : i32 to index
    %get3A_4 = arith.constant 0 : index
    %get3A_5 = tpu.vector_load %arg24[%get3A_3, %get3A_4] {strides = array<i32>} : memref<8x16xf32, #tpu.memory_space<vmem>>, vector<16xf32>,
    %get3A_6 = arith.constant 1 : i32
    %get3A_7 = arith.index_cast %get3A_6 : i32 to index
    %get3A_8 = arith.constant 0 : index
    %get3A_9 = tpu.vector_load %arg24[%get3A_7, %get3A_8] {strides = array<i32>} : memref<8x16xf32, #tpu.memory_space<vmem>>, vector<16xf32>,
    %get3A_10 = arith.constant 2 : i32
    %get3A_11 = arith.index_cast %get3A_10 : i32 to index
    %get3A_12 = arith.constant 0 : index
    %get3A_13 = tpu.vector_load %arg24[%get3A_11, %get3A_12] {strides = array<i32>} : memref<8x16xf32, #tpu.memory_space<vmem>>, vector<16xf32>,
    %get3A_14 = arith.constant 3 : i32
    %get3A_15 = arith.index_cast %get3A_14 : i32 to index
    %get3A_16 = arith.constant 0 : index
    %get3A_17 = tpu.vector_load %arg24[%get3A_15, %get3A_16] {strides = array<i32>} : memref<8x16xf32, #tpu.memory_space<vmem>>, vector<16xf32>,
    %get3A_18 = arith.constant 4 : i32
    %get3A_19 = arith.index_cast %get3A_18 : i32 to index
    %get3A_20 = arith.constant 0 : index
    %get3A_21 = tpu.vector_load %arg24[%get3A_19, %get3A_20] {strides = array<i32>} : memref<8x16xf32, #tpu.memory_space<vmem>>, vector<16xf32>,
    %broadcast_in_dim3A = arith.constant 5.000000e-01 : f32
    %broadcast_in_dim3A_22 = vector.broadcast %broadcast_in_dim3A : f32 to vector<16xf32>
    %broadcast_in_dim3A_23 = arith.constant 1.500000e+00 : f32
    %broadcast_in_dim3A_24 = vector.broadcast %broadcast_in_dim3A_23 : f32 to vector<16xf32>
    %broadcast_in_dim3A_25 = arith.constant 1.000000e+00 : f32
    %broadcast_in_dim3A_26 = vector.broadcast %broadcast_in_dim3A_25 : f32 to vector<16xf32>
    %broadcast_in_dim3A_27 = arith.constant 0.000000e+00 : f32
    %broadcast_in_dim3A_28 = vector.broadcast %broadcast_in_dim3A_27 : f32 to vector<16xf32>
    %broadcast_in_dim3A_29 = arith.constant 1597463007 : i32
    %broadcast_in_dim3A_30 = vector.broadcast %broadcast_in_dim3A_29 : i32 to vector<16xi32>
    %mul3A_31 = arith.constant 390 : i32
    %mul3A_32 = arith.muli %add3A, %mul3A_31 : i32
    %min3A = arith.constant 20 : i32
    %min3A_33 = arith.minsi %add3A, %min3A : i32
    %add3A_34 = arith.addi %mul3A_32, %min3A_33 : i32
    %lt3A = arith.constant 20 : i32
    %lt3A_35 = arith.cmpi slt, %add3A, %lt3A : i32
    %jit3A = arith.constant 1 : i32
    %jit3A_36 = arith.constant 0 : i32
    %select_n3A = arith.select %lt3A_35, %jit3A, %jit3A_36 : i32
    %add3A_37 = arith.constant 6 : i32
    %add3A_38 = arith.addi %add3A_37, %select_n3A : i32
    %broadcast_in_dim3A_39 = arith.constant 0.000000e+00 : f32
    %broadcast_in_dim3A_40 = vector.broadcast %broadcast_in_dim3A_39 : f32 to vector<16xf32>
    %scan3A = arith.constant 0 : i32
    %scan3A_41 = arith.constant 24 : i32
    %scan3A_42 = arith.addi %scan3A, %scan3A_41 : i32
    %scan3A_43 = arith.constant 1 : i32
    %scan3A_44 = scf.for %scan3A_58 = %scan3A to %scan3A_42 step %scan3A_43 iter_args(%scan3A_59 = %broadcast_in_dim3A_40) -> (vector<16xf32>)  : i32 {
      %mul3A_60 = arith.constant 16 : i32
      %mul3A_61 = arith.muli %scan3A_58, %mul3A_60 : i32
      %add3A_62 = arith.addi %add3A_34, %mul3A_61 : i32
      %mul3A_63 = arith.constant 128 : i32
      %mul3A_64 = arith.muli %add3A_62, %mul3A_63 : i32
      %multiple_of3A = tpu.assume_multiple %mul3A_64, 128 : i32
      %dma_start3A = arith.constant 0 : i32
      %dma_start3A_65 = tpu.memref_slice %arg5[%dma_start3A, %multiple_of3A] : memref<2x1600000xi32, #tpu.memory_space<hbm>> -> memref<2x2048xi32, #tpu.memory_space<hbm>>
      %dma_start3A_66 = arith.constant 0 : i32
      %dma_start3A_67 = tpu.memref_slice %arg5[%dma_start3A_66, %multiple_of3A] : memref<2x1600000xi32, #tpu.memory_space<hbm>> -> memref<2x2048xi32, #tpu.memory_space<hbm>>
      tpu.enqueue_dma source(%dma_start3A_67 : memref<2x2048xi32, #tpu.memory_space<hbm>>) target(%arg14 : memref<2x2048xi32, #tpu.memory_space<vmem>>) target_semaphore(%arg28 : memref<!tpu.dma_semaphore, #tpu.memory_space<semaphore_mem>>)
      %dma_start3A_68 = tpu.memref_slice %arg6[%multiple_of3A] : memref<1600000xf32, #tpu.memory_space<hbm>> -> memref<2048xf32, #tpu.memory_space<hbm>>
      %dma_start3A_69 = tpu.memref_slice %arg6[%multiple_of3A] : memref<1600000xf32, #tpu.memory_space<hbm>> -> memref<2048xf32, #tpu.memory_space<hbm>>
      tpu.enqueue_dma source(%dma_start3A_69 : memref<2048xf32, #tpu.memory_space<hbm>>) target(%arg15 : memref<2048xf32, #tpu.memory_space<vmem>>) target_semaphore(%arg29 : memref<!tpu.dma_semaphore, #tpu.memory_space<semaphore_mem>>)
      %dma_start3A_70 = tpu.memref_slice %arg7[%multiple_of3A] : memref<1600000xf32, #tpu.memory_space<hbm>> -> memref<2048xf32, #tpu.memory_space<hbm>>
      %dma_start3A_71 = tpu.memref_slice %arg7[%multiple_of3A] : memref<1600000xf32, #tpu.memory_space<hbm>> -> memref<2048xf32, #tpu.memory_space<hbm>>
      tpu.enqueue_dma source(%dma_start3A_71 : memref<2048xf32, #tpu.memory_space<hbm>>) target(%arg16 : memref<2048xf32, #tpu.memory_space<vmem>>) target_semaphore(%arg29 : memref<!tpu.dma_semaphore, #tpu.memory_space<semaphore_mem>>)
      %dma_start3A_72 = tpu.memref_slice %arg8[%multiple_of3A] : memref<1600000xf32, #tpu.memory_space<hbm>> -> memref<2048xf32, #tpu.memory_space<hbm>>
      %dma_start3A_73 = tpu.memref_slice %arg8[%multiple_of3A] : memref<1600000xf32, #tpu.memory_space<hbm>> -> memref<2048xf32, #tpu.memory_space<hbm>>
      tpu.enqueue_dma source(%dma_start3A_73 : memref<2048xf32, #tpu.memory_space<hbm>>) target(%arg17 : memref<2048xf32, #tpu.memory_space<vmem>>) target_semaphore(%arg29 : memref<!tpu.dma_semaphore, #tpu.memory_space<semaphore_mem>>)
      %dma_wait3A = arith.constant 0 : i32
      %dma_wait3A_74 = tpu.memref_slice %arg5[%dma_wait3A, %multiple_of3A] : memref<2x1600000xi32, #tpu.memory_space<hbm>> -> memref<2x2048xi32, #tpu.memory_space<hbm>>
      %dma_wait3A_75 = arith.constant 0 : i32
      %dma_wait3A_76 = tpu.memref_slice %arg5[%dma_wait3A_75, %multiple_of3A] : memref<2x1600000xi32, #tpu.memory_space<hbm>> -> memref<2x2048xi32, #tpu.memory_space<hbm>>
      tpu.wait_dma2 semaphore(%arg28 : memref<!tpu.dma_semaphore, #tpu.memory_space<semaphore_mem>>) src(%dma_wait3A_76 : memref<2x2048xi32, #tpu.memory_space<hbm>>) dst(%arg14 : memref<2x2048xi32, #tpu.memory_space<vmem>>)
      %dma_start3A_77 = arith.constant 0 : i32
      %dma_start3A_78 = arith.constant 0 : i32
      %dma_start3A_79 = tpu.memref_slice %arg18[%dma_start3A_78] : memref<2048xf32, #tpu.memory_space<vmem>> -> memref<128xf32, #tpu.memory_space<vmem>>
      %dma_start3A_80 = arith.constant 0 : i32
      %dma_start3A_81 = tpu.memref_slice %arg14[%dma_start3A_77, %dma_start3A_80] : memref<2x2048xi32, #tpu.memory_space<vmem>> -> memref<1x128xi32, #tpu.memory_space<vmem>>
      %dma_start3A_82 = tpu.memref_squeeze %dma_start3A_81 : memref<1x128xi32, #tpu.memory_space<vmem>> -> memref<128xi32, #tpu.memory_space<vmem>>
      %dma_start3A_83 = arith.constant 0 : i32
      %dma_start3A_84 = tpu.memref_slice %arg11[%dma_start3A_83] : memref<50000xf32, #tpu.memory_space<vmem_shared>> -> memref<50000xf32, #tpu.memory_space<vmem_shared>>
      tpu.enqueue_indirect_dma source(%dma_start3A_84 : memref<50000xf32, #tpu.memory_space<vmem_shared>>) target(%dma_start3A_79 : memref<128xf32, #tpu.memory_space<vmem>>) offsets(%dma_start3A_82 : memref<128xi32, #tpu.memory_space<vmem>>) semaphore(%arg26 : memref<!tpu.dma_semaphore, #tpu.memory_space<semaphore_mem>>)
      %dma_start3A_85 = arith.constant 0 : i32
      %dma_start3A_86 = arith.constant 0 : i32
      %dma_start3A_87 = tpu.memref_slice %arg19[%dma_start3A_86] : memref<2048xf32, #tpu.memory_space<vmem>> -> memref<128xf32, #tpu.memory_space<vmem>>
      %dma_start3A_88 = arith.constant 0 : i32
      %dma_start3A_89 = tpu.memref_slice %arg14[%dma_start3A_85, %dma_start3A_88] : memref<2x2048xi32, #tpu.memory_space<vmem>> -> memref<1x128xi32, #tpu.memory_space<vmem>>
      %dma_start3A_90 = tpu.memref_squeeze %dma_start3A_89 : memref<1x128xi32, #tpu.memory_space<vmem>> -> memref<128xi32, #tpu.memory_space<vmem>>
      %dma_start3A_91 = arith.constant 0 : i32
      %dma_start3A_92 = tpu.memref_slice %arg12[%dma_start3A_91] : memref<50000xf32, #tpu.memory_space<vmem_shared>> -> memref<50000xf32, #tpu.memory_space<vmem_shared>>
      tpu.enqueue_indirect_dma source(%dma_start3A_92 : memref<50000xf32, #tpu.memory_space<vmem_shared>>) target(%dma_start3A_87 : memref<128xf32, #tpu.memory_space<vmem>>) offsets(%dma_start3A_90 : memref<128xi32, #tpu.memory_space<vmem>>) semaphore(%arg26 : memref<!tpu.dma_semaphore, #tpu.memory_space<semaphore_mem>>)
      %dma_start3A_93 = arith.constant 0 : i32
      %dma_start3A_94 = arith.constant 0 : i32
      %dma_start3A_95 = tpu.memref_slice %arg20[%dma_start3A_94] : memref<2048xf32, #tpu.memory_space<vmem>> -> memref<128xf32, #tpu.memory_space<vmem>>
      %dma_start3A_96 = arith.constant 0 : i32
      %dma_start3A_97 = tpu.memref_slice %arg14[%dma_start3A_93, %dma_start3A_96] : memref<2x2048xi32, #tpu.memory_space<vmem>> -> memref<1x128xi32, #tpu.memory_space<vmem>>
      %dma_start3A_98 = tpu.memref_squeeze %dma_start3A_97 : memref<1x128xi32, #tpu.memory_space<vmem>> -> memref<128xi32, #tpu.memory_space<vmem>>
      %dma_start3A_99 = arith.constant 0 : i32
      %dma_start3A_100 = tpu.memref_slice %arg13[%dma_start3A_99] : memref<50000xf32, #tpu.memory_space<vmem_shared>> -> memref<50000xf32, #tpu.memory_space<vmem_shared>>
      tpu.enqueue_indirect_dma source(%dma_start3A_100 : memref<50000xf32, #tpu.memory_space<vmem_shared>>) target(%dma_start3A_95 : memref<128xf32, #tpu.memory_space<vmem>>) offsets(%dma_start3A_98 : memref<128xi32, #tpu.memory_space<vmem>>) semaphore(%arg26 : memref<!tpu.dma_semaphore, #tpu.memory_space<semaphore_mem>>)
      %dma_start3A_101 = arith.constant 1 : i32
      %dma_start3A_102 = arith.constant 0 : i32
      %dma_start3A_103 = tpu.memref_slice %arg21[%dma_start3A_102] : memref<2048xf32, #tpu.memory_space<vmem>> -> memref<128xf32, #tpu.memory_space<vmem>>
      %dma_start3A_104 = arith.constant 0 : i32
      %dma_start3A_105 = tpu.memref_slice %arg14[%dma_start3A_101, %dma_start3A_104] : memref<2x2048xi32, #tpu.memory_space<vmem>> -> memref<1x128xi32, #tpu.memory_space<vmem>>
      %dma_start3A_106 = tpu.memref_squeeze %dma_start3A_105 : memref<1x128xi32, #tpu.memory_space<vmem>> -> memref<128xi32, #tpu.memory_space<vmem>>
      %dma_start3A_107 = arith.constant 0 : i32
      %dma_start3A_108 = tpu.memref_slice %arg11[%dma_start3A_107] : memref<50000xf32, #tpu.memory_space<vmem_shared>> -> memref<50000xf32, #tpu.memory_space<vmem_shared>>
      tpu.enqueue_indirect_dma source(%dma_start3A_108 : memref<50000xf32, #tpu.memory_space<vmem_shared>>) target(%dma_start3A_103 : memref<128xf32, #tpu.memory_space<vmem>>) offsets(%dma_start3A_106 : memref<128xi32, #tpu.memory_space<vmem>>) semaphore(%arg27 : memref<!tpu.dma_semaphore, #tpu.memory_space<semaphore_mem>>)
      %dma_start3A_109 = arith.constant 1 : i32
      %dma_start3A_110 = arith.constant 0 : i32
      %dma_start3A_111 = tpu.memref_slice %arg22[%dma_start3A_110] : memref<2048xf32, #tpu.memory_space<vmem>> -> memref<128xf32, #tpu.memory_space<vmem>>
      %dma_start3A_112 = arith.constant 0 : i32
      %dma_start3A_113 = tpu.memref_slice %arg14[%dma_start3A_109, %dma_start3A_112] : memref<2x2048xi32, #tpu.memory_space<vmem>> -> memref<1x128xi32, #tpu.memory_space<vmem>>
      %dma_start3A_114 = tpu.memref_squeeze %dma_start3A_113 : memref<1x128xi32, #tpu.memory_space<vmem>> -> memref<128xi32, #tpu.memory_space<vmem>>
      %dma_start3A_115 = arith.constant 0 : i32
      %dma_start3A_116 = tpu.memref_slice %arg12[%dma_start3A_115] : memref<50000xf32, #tpu.memory_space<vmem_shared>> -> memref<50000xf32, #tpu.memory_space<vmem_shared>>
      tpu.enqueue_indirect_dma source(%dma_start3A_116 : memref<50000xf32, #tpu.memory_space<vmem_shared>>) target(%dma_start3A_111 : memref<128xf32, #tpu.memory_space<vmem>>) offsets(%dma_start3A_114 : memref<128xi32, #tpu.memory_space<vmem>>) semaphore(%arg27 : memref<!tpu.dma_semaphore, #tpu.memory_space<semaphore_mem>>)
      %dma_start3A_117 = arith.constant 1 : i32
      %dma_start3A_118 = arith.constant 0 : i32
      %dma_start3A_119 = tpu.memref_slice %arg23[%dma_start3A_118] : memref<2048xf32, #tpu.memory_space<vmem>> -> memref<128xf32, #tpu.memory_space<vmem>>
      %dma_start3A_120 = arith.constant 0 : i32
      %dma_start3A_121 = tpu.memref_slice %arg14[%dma_start3A_117, %dma_start3A_120] : memref<2x2048xi32, #tpu.memory_space<vmem>> -> memref<1x128xi32, #tpu.memory_space<vmem>>
      %dma_start3A_122 = tpu.memref_squeeze %dma_start3A_121 : memref<1x128xi32, #tpu.memory_space<vmem>> -> memref<128xi32, #tpu.memory_space<vmem>>
      %dma_start3A_123 = arith.constant 0 : i32
      %dma_start3A_124 = tpu.memref_slice %arg13[%dma_start3A_123] : memref<50000xf32, #tpu.memory_space<vmem_shared>> -> memref<50000xf32, #tpu.memory_space<vmem_shared>>
      tpu.enqueue_indirect_dma source(%dma_start3A_124 : memref<50000xf32, #tpu.memory_space<vmem_shared>>) target(%dma_start3A_119 : memref<128xf32, #tpu.memory_space<vmem>>) offsets(%dma_start3A_122 : memref<128xi32, #tpu.memory_space<vmem>>) semaphore(%arg27 : memref<!tpu.dma_semaphore, #tpu.memory_space<semaphore_mem>>)
      %dma_start3A_125 = arith.constant 0 : i32
      %dma_start3A_126 = arith.constant 128 : i32
      %dma_start3A_127 = tpu.memref_slice %arg18[%dma_start3A_126] : memref<2048xf32, #tpu.memory_space<vmem>> -> memref<128xf32, #tpu.memory_space<vmem>>
      %dma_start3A_128 = arith.constant 128 : i32
      %dma_start3A_129 = tpu.memref_slice %arg14[%dma_start3A_125, %dma_start3A_128] : memref<2x2048xi32, #tpu.memory_space<vmem>> -> memref<1x128xi32, #tpu.memory_space<vmem>>
      %dma_start3A_130 = tpu.memref_squeeze %dma_start3A_129 : memref<1x128xi32, #tpu.memory_space<vmem>> -> memref<128xi32, #tpu.memory_space<vmem>>
      %dma_start3A_131 = arith.constant 0 : i32
      %dma_start3A_132 = tpu.memref_slice %arg11[%dma_start3A_131] : memref<50000xf32, #tpu.memory_space<vmem_shared>> -> memref<50000xf32, #tpu.memory_space<vmem_shared>>
      tpu.enqueue_indirect_dma source(%dma_start3A_132 : memref<50000xf32, #tpu.memory_space<vmem_shared>>) target(%dma_start3A_127 : memref<128xf32, #tpu.memory_space<vmem>>) offsets(%dma_start3A_130 : memref<128xi32, #tpu.memory_space<vmem>>) semaphore(%arg26 : memref<!tpu.dma_semaphore, #tpu.memory_space<semaphore_mem>>)
      %dma_start3A_133 = arith.constant 0 : i32
      %dma_start3A_134 = arith.constant 128 : i32
      %dma_start3A_135 = tpu.memref_slice %arg19[%dma_start3A_134] : memref<2048xf32, #tpu.memory_space<vmem>> -> memref<128xf32, #tpu.memory_space<vmem>>
      %dma_start3A_136 = arith.constant 128 : i32
      %dma_start3A_137 = tpu.memref_slice %arg14[%dma_start3A_133, %dma_start3A_136] : memref<2x2048xi32, #tpu.memory_space<vmem>> -> memref<1x128xi32, #tpu.memory_space<vmem>>
      %dma_start3A_138 = tpu.memref_squeeze %dma_start3A_137 : memref<1x128xi32, #tpu.memory_space<vmem>> -> memref<128xi32, #tpu.memory_space<vmem>>
      %dma_start3A_139 = arith.constant 0 : i32
      %dma_start3A_140 = tpu.memref_slice %arg12[%dma_start3A_139] : memref<50000xf32, #tpu.memory_space<vmem_shared>> -> memref<50000xf32, #tpu.memory_space<vmem_shared>>
      tpu.enqueue_indirect_dma source(%dma_start3A_140 : memref<50000xf32, #tpu.memory_space<vmem_shared>>) target(%dma_start3A_135 : memref<128xf32, #tpu.memory_space<vmem>>) offsets(%dma_start3A_138 : memref<128xi32, #tpu.memory_space<vmem>>) semaphore(%arg26 : memref<!tpu.dma_semaphore, #tpu.memory_space<semaphore_mem>>)
      %dma_start3A_141 = arith.constant 0 : i32
      %dma_start3A_142 = arith.constant 128 : i32
      %dma_start3A_143 = tpu.memref_slice %arg20[%dma_start3A_142] : memref<2048xf32, #tpu.memory_space<vmem>> -> memref<128xf32, #tpu.memory_space<vmem>>
      %dma_start3A_144 = arith.constant 128 : i32
      %dma_start3A_145 = tpu.memref_slice %arg14[%dma_start3A_141, %dma_start3A_144] : memref<2x2048xi32, #tpu.memory_space<vmem>> -> memref<1x128xi32, #tpu.memory_space<vmem>>
      %dma_start3A_146 = tpu.memref_squeeze %dma_start3A_145 : memref<1x128xi32, #tpu.memory_space<vmem>> -> memref<128xi32, #tpu.memory_space<vmem>>
      %dma_start3A_147 = arith.constant 0 : i32
      %dma_start3A_148 = tpu.memref_slice %arg13[%dma_start3A_147] : memref<50000xf32, #tpu.memory_space<vmem_shared>> -> memref<50000xf32, #tpu.memory_space<vmem_shared>>
      tpu.enqueue_indirect_dma source(%dma_start3A_148 : memref<50000xf32, #tpu.memory_space<vmem_shared>>) target(%dma_start3A_143 : memref<128xf32, #tpu.memory_space<vmem>>) offsets(%dma_start3A_146 : memref<128xi32, #tpu.memory_space<vmem>>) semaphore(%arg26 : memref<!tpu.dma_semaphore, #tpu.memory_space<semaphore_mem>>)
      %dma_start3A_149 = arith.constant 1 : i32
      %dma_start3A_150 = arith.constant 128 : i32
      %dma_start3A_151 = tpu.memref_slice %arg21[%dma_start3A_150] : memref<2048xf32, #tpu.memory_space<vmem>> -> memref<128xf32, #tpu.memory_space<vmem>>
      %dma_start3A_152 = arith.constant 128 : i32
      %dma_start3A_153 = tpu.memref_slice %arg14[%dma_start3A_149, %dma_start3A_152] : memref<2x2048xi32, #tpu.memory_space<vmem>> -> memref<1x128xi32, #tpu.memory_space<vmem>>
      %dma_start3A_154 = tpu.memref_squeeze %dma_start3A_153 : memref<1x128xi32, #tpu.memory_space<vmem>> -> memref<128xi32, #tpu.memory_space<vmem>>
      %dma_start3A_155 = arith.constant 0 : i32
      %dma_start3A_156 = tpu.memref_slice %arg11[%dma_start3A_155] : memref<50000xf32, #tpu.memory_space<vmem_shared>> -> memref<50000xf32, #tpu.memory_space<vmem_shared>>
      tpu.enqueue_indirect_dma source(%dma_start3A_156 : memref<50000xf32, #tpu.memory_space<vmem_shared>>) target(%dma_start3A_151 : memref<128xf32, #tpu.memory_space<vmem>>) offsets(%dma_start3A_154 : memref<128xi32, #tpu.memory_space<vmem>>) semaphore(%arg27 : memref<!tpu.dma_semaphore, #tpu.memory_space<semaphore_mem>>)
      %dma_start3A_157 = arith.constant 1 : i32
      %dma_start3A_158 = arith.constant 128 : i32
      %dma_start3A_159 = tpu.memref_slice %arg22[%dma_start3A_158] : memref<2048xf32, #tpu.memory_space<vmem>> -> memref<128xf32, #tpu.memory_space<vmem>>
      %dma_start3A_160 = arith.constant 128 : i32
      %dma_start3A_161 = tpu.memref_slice %arg14[%dma_start3A_157, %dma_start3A_160] : memref<2x2048xi32, #tpu.memory_space<vmem>> -> memref<1x128xi32, #tpu.memory_space<vmem>>
      %dma_start3A_162 = tpu.memref_squeeze %dma_start3A_161 : memref<1x128xi32, #tpu.memory_space<vmem>> -> memref<128xi32, #tpu.memory_space<vmem>>
      %dma_start3A_163 = arith.constant 0 : i32
      %dma_start3A_164 = tpu.memref_slice %arg12[%dma_start3A_163] : memref<50000xf32, #tpu.memory_space<vmem_shared>> -> memref<50000xf32, #tpu.memory_space<vmem_shared>>
      tpu.enqueue_indirect_dma source(%dma_start3A_164 : memref<50000xf32, #tpu.memory_space<vmem_shared>>) target(%dma_start3A_159 : memref<128xf32, #tpu.memory_space<vmem>>) offsets(%dma_start3A_162 : memref<128xi32, #tpu.memory_space<vmem>>) semaphore(%arg27 : memref<!tpu.dma_semaphore, #tpu.memory_space<semaphore_mem>>)
      %dma_start3A_165 = arith.constant 1 : i32
      %dma_start3A_166 = arith.constant 128 : i32
      %dma_start3A_167 = tpu.memref_slice %arg23[%dma_start3A_166] : memref<2048xf32, #tpu.memory_space<vmem>> -> memref<128xf32, #tpu.memory_space<vmem>>
      %dma_start3A_168 = arith.constant 128 : i32
      %dma_start3A_169 = tpu.memref_slice %arg14[%dma_start3A_165, %dma_start3A_168] : memref<2x2048xi32, #tpu.memory_space<vmem>> -> memref<1x128xi32, #tpu.memory_space<vmem>>
      %dma_start3A_170 = tpu.memref_squeeze %dma_start3A_169 : memref<1x128xi32, #tpu.memory_space<vmem>> -> memref<128xi32, #tpu.memory_space<vmem>>
      %dma_start3A_171 = arith.constant 0 : i32
      %dma_start3A_172 = tpu.memref_slice %arg13[%dma_start3A_171] : memref<50000xf32, #tpu.memory_space<vmem_shared>> -> memref<50000xf32, #tpu.memory_space<vmem_shared>>
      tpu.enqueue_indirect_dma source(%dma_start3A_172 : memref<50000xf32, #tpu.memory_space<vmem_shared>>) target(%dma_start3A_167 : memref<128xf32, #tpu.memory_space<vmem>>) offsets(%dma_start3A_170 : memref<128xi32, #tpu.memory_space<vmem>>) semaphore(%arg27 : memref<!tpu.dma_semaphore, #tpu.memory_space<semaphore_mem>>)
      %dma_start3A_173 = arith.constant 0 : i32
      %dma_start3A_174 = arith.constant 256 : i32
      %dma_start3A_175 = tpu.memref_slice %arg18[%dma_start3A_174] : memref<2048xf32, #tpu.memory_space<vmem>> -> memref<128xf32, #tpu.memory_space<vmem>>
      %dma_start3A_176 = arith.constant 256 : i32
      %dma_start3A_177 = tpu.memref_slice %arg14[%dma_start3A_173, %dma_start3A_176] : memref<2x2048xi32, #tpu.memory_space<vmem>> -> memref<1x128xi32, #tpu.memory_space<vmem>>
      %dma_start3A_178 = tpu.memref_squeeze %dma_start3A_177 : memref<1x128xi32, #tpu.memory_space<vmem>> -> memref<128xi32, #tpu.memory_space<vmem>>
      %dma_start3A_179 = arith.constant 0 : i32
      %dma_start3A_180 = tpu.memref_slice %arg11[%dma_start3A_179] : memref<50000xf32, #tpu.memory_space<vmem_shared>> -> memref<50000xf32, #tpu.memory_space<vmem_shared>>
      tpu.enqueue_indirect_dma source(%dma_start3A_180 : memref<50000xf32, #tpu.memory_space<vmem_shared>>) target(%dma_start3A_175 : memref<128xf32, #tpu.memory_space<vmem>>) offsets(%dma_start3A_178 : memref<128xi32, #tpu.memory_space<vmem>>) semaphore(%arg26 : memref<!tpu.dma_semaphore, #tpu.memory_space<semaphore_mem>>)
      %dma_start3A_181 = arith.constant 0 : i32
      %dma_start3A_182 = arith.constant 256 : i32
      %dma_start3A_183 = tpu.memref_slice %arg19[%dma_start3A_182] : memref<2048xf32, #tpu.memory_space<vmem>> -> memref<128xf32, #tpu.memory_space<vmem>>
      %dma_start3A_184 = arith.constant 256 : i32
      %dma_start3A_185 = tpu.memref_slice %arg14[%dma_start3A_181, %dma_start3A_184] : memref<2x2048xi32, #tpu.memory_space<vmem>> -> memref<1x128xi32, #tpu.memory_space<vmem>>
      %dma_start3A_186 = tpu.memref_squeeze %dma_start3A_185 : memref<1x128xi32, #tpu.memory_space<vmem>> -> memref<128xi32, #tpu.memory_space<vmem>>
      %dma_start3A_187 = arith.constant 0 : i32
      %dma_start3A_188 = tpu.memref_slice %arg12[%dma_start3A_187] : memref<50000xf32, #tpu.memory_space<vmem_shared>> -> memref<50000xf32, #tpu.memory_space<vmem_shared>>
      tpu.enqueue_indirect_dma source(%dma_start3A_188 : memref<50000xf32, #tpu.memory_space<vmem_shared>>) target(%dma_start3A_183 : memref<128xf32, #tpu.memory_space<vmem>>) offsets(%dma_start3A_186 : memref<128xi32, #tpu.memory_space<vmem>>) semaphore(%arg26 : memref<!tpu.dma_semaphore, #tpu.memory_space<semaphore_mem>>)
      %dma_start3A_189 = arith.constant 0 : i32
      %dma_start3A_190 = arith.constant 256 : i32
      %dma_start3A_191 = tpu.memref_slice %arg20[%dma_start3A_190] : memref<2048xf32, #tpu.memory_space<vmem>> -> memref<128xf32, #tpu.memory_space<vmem>>
      %dma_start3A_192 = arith.constant 256 : i32
      %dma_start3A_193 = tpu.memref_slice %arg14[%dma_start3A_189, %dma_start3A_192] : memref<2x2048xi32, #tpu.memory_space<vmem>> -> memref<1x128xi32, #tpu.memory_space<vmem>>
      %dma_start3A_194 = tpu.memref_squeeze %dma_start3A_193 : memref<1x128xi32, #tpu.memory_space<vmem>> -> memref<128xi32, #tpu.memory_space<vmem>>
      %dma_start3A_195 = arith.constant 0 : i32
      %dma_start3A_196 = tpu.memref_slice %arg13[%dma_start3A_195] : memref<50000xf32, #tpu.memory_space<vmem_shared>> -> memref<50000xf32, #tpu.memory_space<vmem_shared>>
      tpu.enqueue_indirect_dma source(%dma_start3A_196 : memref<50000xf32, #tpu.memory_space<vmem_shared>>) target(%dma_start3A_191 : memref<128xf32, #tpu.memory_space<vmem>>) offsets(%dma_start3A_194 : memref<128xi32, #tpu.memory_space<vmem>>) semaphore(%arg26 : memref<!tpu.dma_semaphore, #tpu.memory_space<semaphore_mem>>)
      %dma_start3A_197 = arith.constant 1 : i32
      %dma_start3A_198 = arith.constant 256 : i32
      %dma_start3A_199 = tpu.memref_slice %arg21[%dma_start3A_198] : memref<2048xf32, #tpu.memory_space<vmem>> -> memref<128xf32, #tpu.memory_space<vmem>>
      %dma_start3A_200 = arith.constant 256 : i32
      %dma_start3A_201 = tpu.memref_slice %arg14[%dma_start3A_197, %dma_start3A_200] : memref<2x2048xi32, #tpu.memory_space<vmem>> -> memref<1x128xi32, #tpu.memory_space<vmem>>
      %dma_start3A_202 = tpu.memref_squeeze %dma_start3A_201 : memref<1x128xi32, #tpu.memory_space<vmem>> -> memref<128xi32, #tpu.memory_space<vmem>>
      %dma_start3A_203 = arith.constant 0 : i32
      %dma_start3A_204 = tpu.memref_slice %arg11[%dma_start3A_203] : memref<50000xf32, #tpu.memory_space<vmem_shared>> -> memref<50000xf32, #tpu.memory_space<vmem_shared>>
      tpu.enqueue_indirect_dma source(%dma_start3A_204 : memref<50000xf32, #tpu.memory_space<vmem_shared>>) target(%dma_start3A_199 : memref<128xf32, #tpu.memory_space<vmem>>) offsets(%dma_start3A_202 : memref<128xi32, #tpu.memory_space<vmem>>) semaphore(%arg27 : memref<!tpu.dma_semaphore, #tpu.memory_space<semaphore_mem>>)
      %dma_start3A_205 = arith.constant 1 : i32
      %dma_start3A_206 = arith.constant 256 : i32
      %dma_start3A_207 = tpu.memref_slice %arg22[%dma_start3A_206] : memref<2048xf32, #tpu.memory_space<vmem>> -> memref<128xf32, #tpu.memory_space<vmem>>
      %dma_start3A_208 = arith.constant 256 : i32
      %dma_start3A_209 = tpu.memref_slice %arg14[%dma_start3A_205, %dma_start3A_208] : memref<2x2048xi32, #tpu.memory_space<vmem>> -> memref<1x128xi32, #tpu.memory_space<vmem>>
      %dma_start3A_210 = tpu.memref_squeeze %dma_start3A_209 : memref<1x128xi32, #tpu.memory_space<vmem>> -> memref<128xi32, #tpu.memory_space<vmem>>
      %dma_start3A_211 = arith.constant 0 : i32
      %dma_start3A_212 = tpu.memref_slice %arg12[%dma_start3A_211] : memref<50000xf32, #tpu.memory_space<vmem_shared>> -> memref<50000xf32, #tpu.memory_space<vmem_shared>>
      tpu.enqueue_indirect_dma source(%dma_start3A_212 : memref<50000xf32, #tpu.memory_space<vmem_shared>>) target(%dma_start3A_207 : memref<128xf32, #tpu.memory_space<vmem>>) offsets(%dma_start3A_210 : memref<128xi32, #tpu.memory_space<vmem>>) semaphore(%arg27 : memref<!tpu.dma_semaphore, #tpu.memory_space<semaphore_mem>>)
      %dma_start3A_213 = arith.constant 1 : i32
      %dma_start3A_214 = arith.constant 256 : i32
      %dma_start3A_215 = tpu.memref_slice %arg23[%dma_start3A_214] : memref<2048xf32, #tpu.memory_space<vmem>> -> memref<128xf32, #tpu.memory_space<vmem>>
      %dma_start3A_216 = arith.constant 256 : i32
      %dma_start3A_217 = tpu.memref_slice %arg14[%dma_start3A_213, %dma_start3A_216] : memref<2x2048xi32, #tpu.memory_space<vmem>> -> memref<1x128xi32, #tpu.memory_space<vmem>>
      %dma_start3A_218 = tpu.memref_squeeze %dma_start3A_217 : memref<1x128xi32, #tpu.memory_space<vmem>> -> memref<128xi32, #tpu.memory_space<vmem>>
      %dma_start3A_219 = arith.constant 0 : i32
      %dma_start3A_220 = tpu.memref_slice %arg13[%dma_start3A_219] : memref<50000xf32, #tpu.memory_space<vmem_shared>> -> memref<50000xf32, #tpu.memory_space<vmem_shared>>
      tpu.enqueue_indirect_dma source(%dma_start3A_220 : memref<50000xf32, #tpu.memory_space<vmem_shared>>) target(%dma_start3A_215 : memref<128xf32, #tpu.memory_space<vmem>>) offsets(%dma_start3A_218 : memref<128xi32, #tpu.memory_space<vmem>>) semaphore(%arg27 : memref<!tpu.dma_semaphore, #tpu.memory_space<semaphore_mem>>)
      %dma_start3A_221 = arith.constant 0 : i32
      %dma_start3A_222 = arith.constant 384 : i32
      %dma_start3A_223 = tpu.memref_slice %arg18[%dma_start3A_222] : memref<2048xf32, #tpu.memory_space<vmem>> -> memref<128xf32, #tpu.memory_space<vmem>>
      %dma_start3A_224 = arith.constant 384 : i32
      %dma_start3A_225 = tpu.memref_slice %arg14[%dma_start3A_221, %dma_start3A_224] : memref<2x2048xi32, #tpu.memory_space<vmem>> -> memref<1x128xi32, #tpu.memory_space<vmem>>
      %dma_start3A_226 = tpu.memref_squeeze %dma_start3A_225 : memref<1x128xi32, #tpu.memory_space<vmem>> -> memref<128xi32, #tpu.memory_space<vmem>>
      %dma_start3A_227 = arith.constant 0 : i32
      %dma_start3A_228 = tpu.memref_slice %arg11[%dma_start3A_227] : memref<50000xf32, #tpu.memory_space<vmem_shared>> -> memref<50000xf32, #tpu.memory_space<vmem_shared>>
      tpu.enqueue_indirect_dma source(%dma_start3A_228 : memref<50000xf32, #tpu.memory_space<vmem_shared>>) target(%dma_start3A_223 : memref<128xf32, #tpu.memory_space<vmem>>) offsets(%dma_start3A_226 : memref<128xi32, #tpu.memory_space<vmem>>) semaphore(%arg26 : memref<!tpu.dma_semaphore, #tpu.memory_space<semaphore_mem>>)
      %dma_start3A_229 = arith.constant 0 : i32
      %dma_start3A_230 = arith.constant 384 : i32
      %dma_start3A_231 = tpu.memref_slice %arg19[%dma_start3A_230] : memref<2048xf32, #tpu.memory_space<vmem>> -> memref<128xf32, #tpu.memory_space<vmem>>
      %dma_start3A_232 = arith.constant 384 : i32
      %dma_start3A_233 = tpu.memref_slice %arg14[%dma_start3A_229, %dma_start3A_232] : memref<2x2048xi32, #tpu.memory_space<vmem>> -> memref<1x128xi32, #tpu.memory_space<vmem>>
      %dma_start3A_234 = tpu.memref_squeeze %dma_start3A_233 : memref<1x128xi32, #tpu.memory_space<vmem>> -> memref<128xi32, #tpu.memory_space<vmem>>
      %dma_start3A_235 = arith.constant 0 : i32
      %dma_start3A_236 = tpu.memref_slice %arg12[%dma_start3A_235] : memref<50000xf32, #tpu.memory_space<vmem_shared>> -> memref<50000xf32, #tpu.memory_space<vmem_shared>>
      tpu.enqueue_indirect_dma source(%dma_start3A_236 : memref<50000xf32, #tpu.memory_space<vmem_shared>>) target(%dma_start3A_231 : memref<128xf32, #tpu.memory_space<vmem>>) offsets(%dma_start3A_234 : memref<128xi32, #tpu.memory_space<vmem>>) semaphore(%arg26 : memref<!tpu.dma_semaphore, #tpu.memory_space<semaphore_mem>>)
      %dma_start3A_237 = arith.constant 0 : i32
      %dma_start3A_238 = arith.constant 384 : i32
      %dma_start3A_239 = tpu.memref_slice %arg20[%dma_start3A_238] : memref<2048xf32, #tpu.memory_space<vmem>> -> memref<128xf32, #tpu.memory_space<vmem>>
      %dma_start3A_240 = arith.constant 384 : i32
      %dma_start3A_241 = tpu.memref_slice %arg14[%dma_start3A_237, %dma_start3A_240] : memref<2x2048xi32, #tpu.memory_space<vmem>> -> memref<1x128xi32, #tpu.memory_space<vmem>>
      %dma_start3A_242 = tpu.memref_squeeze %dma_start3A_241 : memref<1x128xi32, #tpu.memory_space<vmem>> -> memref<128xi32, #tpu.memory_space<vmem>>
      %dma_start3A_243 = arith.constant 0 : i32
      %dma_start3A_244 = tpu.memref_slice %arg13[%dma_start3A_243] : memref<50000xf32, #tpu.memory_space<vmem_shared>> -> memref<50000xf32, #tpu.memory_space<vmem_shared>>
      tpu.enqueue_indirect_dma source(%dma_start3A_244 : memref<50000xf32, #tpu.memory_space<vmem_shared>>) target(%dma_start3A_239 : memref<128xf32, #tpu.memory_space<vmem>>) offsets(%dma_start3A_242 : memref<128xi32, #tpu.memory_space<vmem>>) semaphore(%arg26 : memref<!tpu.dma_semaphore, #tpu.memory_space<semaphore_mem>>)
      %dma_start3A_245 = arith.constant 1 : i32
      %dma_start3A_246 = arith.constant 384 : i32
      %dma_start3A_247 = tpu.memref_slice %arg21[%dma_start3A_246] : memref<2048xf32, #tpu.memory_space<vmem>> -> memref<128xf32, #tpu.memory_space<vmem>>
      %dma_start3A_248 = arith.constant 384 : i32
      %dma_start3A_249 = tpu.memref_slice %arg14[%dma_start3A_245, %dma_start3A_248] : memref<2x2048xi32, #tpu.memory_space<vmem>> -> memref<1x128xi32, #tpu.memory_space<vmem>>
      %dma_start3A_250 = tpu.memref_squeeze %dma_start3A_249 : memref<1x128xi32, #tpu.memory_space<vmem>> -> memref<128xi32, #tpu.memory_space<vmem>>
      %dma_start3A_251 = arith.constant 0 : i32
      %dma_start3A_252 = tpu.memref_slice %arg11[%dma_start3A_251] : memref<50000xf32, #tpu.memory_space<vmem_shared>> -> memref<50000xf32, #tpu.memory_space<vmem_shared>>
      tpu.enqueue_indirect_dma source(%dma_start3A_252 : memref<50000xf32, #tpu.memory_space<vmem_shared>>) target(%dma_start3A_247 : memref<128xf32, #tpu.memory_space<vmem>>) offsets(%dma_start3A_250 : memref<128xi32, #tpu.memory_space<vmem>>) semaphore(%arg27 : memref<!tpu.dma_semaphore, #tpu.memory_space<semaphore_mem>>)
      %dma_start3A_253 = arith.constant 1 : i32
      %dma_start3A_254 = arith.constant 384 : i32
      %dma_start3A_255 = tpu.memref_slice %arg22[%dma_start3A_254] : memref<2048xf32, #tpu.memory_space<vmem>> -> memref<128xf32, #tpu.memory_space<vmem>>
      %dma_start3A_256 = arith.constant 384 : i32
      %dma_start3A_257 = tpu.memref_slice %arg14[%dma_start3A_253, %dma_start3A_256] : memref<2x2048xi32, #tpu.memory_space<vmem>> -> memref<1x128xi32, #tpu.memory_space<vmem>>
      %dma_start3A_258 = tpu.memref_squeeze %dma_start3A_257 : memref<1x128xi32, #tpu.memory_space<vmem>> -> memref<128xi32, #tpu.memory_space<vmem>>
      %dma_start3A_259 = arith.constant 0 : i32
      %dma_start3A_260 = tpu.memref_slice %arg12[%dma_start3A_259] : memref<50000xf32, #tpu.memory_space<vmem_shared>> -> memref<50000xf32, #tpu.memory_space<vmem_shared>>
      tpu.enqueue_indirect_dma source(%dma_start3A_260 : memref<50000xf32, #tpu.memory_space<vmem_shared>>) target(%dma_start3A_255 : memref<128xf32, #tpu.memory_space<vmem>>) offsets(%dma_start3A_258 : memref<128xi32, #tpu.memory_space<vmem>>) semaphore(%arg27 : memref<!tpu.dma_semaphore, #tpu.memory_space<semaphore_mem>>)
      %dma_start3A_261 = arith.constant 1 : i32
      %dma_start3A_262 = arith.constant 384 : i32
      %dma_start3A_263 = tpu.memref_slice %arg23[%dma_start3A_262] : memref<2048xf32, #tpu.memory_space<vmem>> -> memref<128xf32, #tpu.memory_space<vmem>>
      %dma_start3A_264 = arith.constant 384 : i32
      %dma_start3A_265 = tpu.memref_slice %arg14[%dma_start3A_261, %dma_start3A_264] : memref<2x2048xi32, #tpu.memory_space<vmem>> -> memref<1x128xi32, #tpu.memory_space<vmem>>
      %dma_start3A_266 = tpu.memref_squeeze %dma_start3A_265 : memref<1x128xi32, #tpu.memory_space<vmem>> -> memref<128xi32, #tpu.memory_space<vmem>>
      %dma_start3A_267 = arith.constant 0 : i32
      %dma_start3A_268 = tpu.memref_slice %arg13[%dma_start3A_267] : memref<50000xf32, #tpu.memory_space<vmem_shared>> -> memref<50000xf32, #tpu.memory_space<vmem_shared>>
      tpu.enqueue_indirect_dma source(%dma_start3A_268 : memref<50000xf32, #tpu.memory_space<vmem_shared>>) target(%dma_start3A_263 : memref<128xf32, #tpu.memory_space<vmem>>) offsets(%dma_start3A_266 : memref<128xi32, #tpu.memory_space<vmem>>) semaphore(%arg27 : memref<!tpu.dma_semaphore, #tpu.memory_space<semaphore_mem>>)
      %dma_start3A_269 = arith.constant 0 : i32
      %dma_start3A_270 = arith.constant 512 : i32
      %dma_start3A_271 = tpu.memref_slice %arg18[%dma_start3A_270] : memref<2048xf32, #tpu.memory_space<vmem>> -> memref<128xf32, #tpu.memory_space<vmem>>
      %dma_start3A_272 = arith.constant 512 : i32
      %dma_start3A_273 = tpu.memref_slice %arg14[%dma_start3A_269, %dma_start3A_272] : memref<2x2048xi32, #tpu.memory_space<vmem>> -> memref<1x128xi32, #tpu.memory_space<vmem>>
      %dma_start3A_274 = tpu.memref_squeeze %dma_start3A_273 : memref<1x128xi32, #tpu.memory_space<vmem>> -> memref<128xi32, #tpu.memory_space<vmem>>
      %dma_start3A_275 = arith.constant 0 : i32
      %dma_start3A_276 = tpu.memref_slice %arg11[%dma_start3A_275] : memref<50000xf32, #tpu.memory_space<vmem_shared>> -> memref<50000xf32, #tpu.memory_space<vmem_shared>>
      tpu.enqueue_indirect_dma source(%dma_start3A_276 : memref<50000xf32, #tpu.memory_space<vmem_shared>>) target(%dma_start3A_271 : memref<128xf32, #tpu.memory_space<vmem>>) offsets(%dma_start3A_274 : memref<128xi32, #tpu.memory_space<vmem>>) semaphore(%arg26 : memref<!tpu.dma_semaphore, #tpu.memory_space<semaphore_mem>>)
      %dma_start3A_277 = arith.constant 0 : i32
      %dma_start3A_278 = arith.constant 512 : i32
      %dma_start3A_279 = tpu.memref_slice %arg19[%dma_start3A_278] : memref<2048xf32, #tpu.memory_space<vmem>> -> memref<128xf32, #tpu.memory_space<vmem>>
      %dma_start3A_280 = arith.constant 512 : i32
      %dma_start3A_281 = tpu.memref_slice %arg14[%dma_start3A_277, %dma_start3A_280] : memref<2x2048xi32, #tpu.memory_space<vmem>> -> memref<1x128xi32, #tpu.memory_space<vmem>>
      %dma_start3A_282 = tpu.memref_squeeze %dma_start3A_281 : memref<1x128xi32, #tpu.memory_space<vmem>> -> memref<128xi32, #tpu.memory_space<vmem>>
      %dma_start3A_283 = arith.constant 0 : i32
      %dma_start3A_284 = tpu.memref_slice %arg12[%dma_start3A_283] : memref<50000xf32, #tpu.memory_space<vmem_shared>> -> memref<50000xf32, #tpu.memory_space<vmem_shared>>
      tpu.enqueue_indirect_dma source(%dma_start3A_284 : memref<50000xf32, #tpu.memory_space<vmem_shared>>) target(%dma_start3A_279 : memref<128xf32, #tpu.memory_space<vmem>>) offsets(%dma_start3A_282 : memref<128xi32, #tpu.memory_space<vmem>>) semaphore(%arg26 : memref<!tpu.dma_semaphore, #tpu.memory_space<semaphore_mem>>)
      %dma_start3A_285 = arith.constant 0 : i32
      %dma_start3A_286 = arith.constant 512 : i32
      %dma_start3A_287 = tpu.memref_slice %arg20[%dma_start3A_286] : memref<2048xf32, #tpu.memory_space<vmem>> -> memref<128xf32, #tpu.memory_space<vmem>>
      %dma_start3A_288 = arith.constant 512 : i32
      %dma_start3A_289 = tpu.memref_slice %arg14[%dma_start3A_285, %dma_start3A_288] : memref<2x2048xi32, #tpu.memory_space<vmem>> -> memref<1x128xi32, #tpu.memory_space<vmem>>
      %dma_start3A_290 = tpu.memref_squeeze %dma_start3A_289 : memref<1x128xi32, #tpu.memory_space<vmem>> -> memref<128xi32, #tpu.memory_space<vmem>>
      %dma_start3A_291 = arith.constant 0 : i32
      %dma_start3A_292 = tpu.memref_slice %arg13[%dma_start3A_291] : memref<50000xf32, #tpu.memory_space<vmem_shared>> -> memref<50000xf32, #tpu.memory_space<vmem_shared>>
      tpu.enqueue_indirect_dma source(%dma_start3A_292 : memref<50000xf32, #tpu.memory_space<vmem_shared>>) target(%dma_start3A_287 : memref<128xf32, #tpu.memory_space<vmem>>) offsets(%dma_start3A_290 : memref<128xi32, #tpu.memory_space<vmem>>) semaphore(%arg26 : memref<!tpu.dma_semaphore, #tpu.memory_space<semaphore_mem>>)
      %dma_start3A_293 = arith.constant 1 : i32
      %dma_start3A_294 = arith.constant 512 : i32
      %dma_start3A_295 = tpu.memref_slice %arg21[%dma_start3A_294] : memref<2048xf32, #tpu.memory_space<vmem>> -> memref<128xf32, #tpu.memory_space<vmem>>
      %dma_start3A_296 = arith.constant 512 : i32
      %dma_start3A_297 = tpu.memref_slice %arg14[%dma_start3A_293, %dma_start3A_296] : memref<2x2048xi32, #tpu.memory_space<vmem>> -> memref<1x128xi32, #tpu.memory_space<vmem>>
      %dma_start3A_298 = tpu.memref_squeeze %dma_start3A_297 : memref<1x128xi32, #tpu.memory_space<vmem>> -> memref<128xi32, #tpu.memory_space<vmem>>
      %dma_start3A_299 = arith.constant 0 : i32
      %dma_start3A_300 = tpu.memref_slice %arg11[%dma_start3A_299] : memref<50000xf32, #tpu.memory_space<vmem_shared>> -> memref<50000xf32, #tpu.memory_space<vmem_shared>>
      tpu.enqueue_indirect_dma source(%dma_start3A_300 : memref<50000xf32, #tpu.memory_space<vmem_shared>>) target(%dma_start3A_295 : memref<128xf32, #tpu.memory_space<vmem>>) offsets(%dma_start3A_298 : memref<128xi32, #tpu.memory_space<vmem>>) semaphore(%arg27 : memref<!tpu.dma_semaphore, #tpu.memory_space<semaphore_mem>>)
      %dma_start3A_301 = arith.constant 1 : i32
      %dma_start3A_302 = arith.constant 512 : i32
      %dma_start3A_303 = tpu.memref_slice %arg22[%dma_start3A_302] : memref<2048xf32, #tpu.memory_space<vmem>> -> memref<128xf32, #tpu.memory_space<vmem>>
      %dma_start3A_304 = arith.constant 512 : i32
      %dma_start3A_305 = tpu.memref_slice %arg14[%dma_start3A_301, %dma_start3A_304] : memref<2x2048xi32, #tpu.memory_space<vmem>> -> memref<1x128xi32, #tpu.memory_space<vmem>>
      %dma_start3A_306 = tpu.memref_squeeze %dma_start3A_305 : memref<1x128xi32, #tpu.memory_space<vmem>> -> memref<128xi32, #tpu.memory_space<vmem>>
      %dma_start3A_307 = arith.constant 0 : i32
      %dma_start3A_308 = tpu.memref_slice %arg12[%dma_start3A_307] : memref<50000xf32, #tpu.memory_space<vmem_shared>> -> memref<50000xf32, #tpu.memory_space<vmem_shared>>
      tpu.enqueue_indirect_dma source(%dma_start3A_308 : memref<50000xf32, #tpu.memory_space<vmem_shared>>) target(%dma_start3A_303 : memref<128xf32, #tpu.memory_space<vmem>>) offsets(%dma_start3A_306 : memref<128xi32, #tpu.memory_space<vmem>>) semaphore(%arg27 : memref<!tpu.dma_semaphore, #tpu.memory_space<semaphore_mem>>)
      %dma_start3A_309 = arith.constant 1 : i32
      %dma_start3A_310 = arith.constant 512 : i32
      %dma_start3A_311 = tpu.memref_slice %arg23[%dma_start3A_310] : memref<2048xf32, #tpu.memory_space<vmem>> -> memref<128xf32, #tpu.memory_space<vmem>>
      %dma_start3A_312 = arith.constant 512 : i32
      %dma_start3A_313 = tpu.memref_slice %arg14[%dma_start3A_309, %dma_start3A_312] : memref<2x2048xi32, #tpu.memory_space<vmem>> -> memref<1x128xi32, #tpu.memory_space<vmem>>
      %dma_start3A_314 = tpu.memref_squeeze %dma_start3A_313 : memref<1x128xi32, #tpu.memory_space<vmem>> -> memref<128xi32, #tpu.memory_space<vmem>>
      %dma_start3A_315 = arith.constant 0 : i32
      %dma_start3A_316 = tpu.memref_slice %arg13[%dma_start3A_315] : memref<50000xf32, #tpu.memory_space<vmem_shared>> -> memref<50000xf32, #tpu.memory_space<vmem_shared>>
      tpu.enqueue_indirect_dma source(%dma_start3A_316 : memref<50000xf32, #tpu.memory_space<vmem_shared>>) target(%dma_start3A_311 : memref<128xf32, #tpu.memory_space<vmem>>) offsets(%dma_start3A_314 : memref<128xi32, #tpu.memory_space<vmem>>) semaphore(%arg27 : memref<!tpu.dma_semaphore, #tpu.memory_space<semaphore_mem>>)
      %dma_start3A_317 = arith.constant 0 : i32
      %dma_start3A_318 = arith.constant 640 : i32
      %dma_start3A_319 = tpu.memref_slice %arg18[%dma_start3A_318] : memref<2048xf32, #tpu.memory_space<vmem>> -> memref<128xf32, #tpu.memory_space<vmem>>
      %dma_start3A_320 = arith.constant 640 : i32
      %dma_start3A_321 = tpu.memref_slice %arg14[%dma_start3A_317, %dma_start3A_320] : memref<2x2048xi32, #tpu.memory_space<vmem>> -> memref<1x128xi32, #tpu.memory_space<vmem>>
      %dma_start3A_322 = tpu.memref_squeeze %dma_start3A_321 : memref<1x128xi32, #tpu.memory_space<vmem>> -> memref<128xi32, #tpu.memory_space<vmem>>
      %dma_start3A_323 = arith.constant 0 : i32
      %dma_start3A_324 = tpu.memref_slice %arg11[%dma_start3A_323] : memref<50000xf32, #tpu.memory_space<vmem_shared>> -> memref<50000xf32, #tpu.memory_space<vmem_shared>>
      tpu.enqueue_indirect_dma source(%dma_start3A_324 : memref<50000xf32, #tpu.memory_space<vmem_shared>>) target(%dma_start3A_319 : memref<128xf32, #tpu.memory_space<vmem>>) offsets(%dma_start3A_322 : memref<128xi32, #tpu.memory_space<vmem>>) semaphore(%arg26 : memref<!tpu.dma_semaphore, #tpu.memory_space<semaphore_mem>>)
      %dma_start3A_325 = arith.constant 0 : i32
      %dma_start3A_326 = arith.constant 640 : i32
      %dma_start3A_327 = tpu.memref_slice %arg19[%dma_start3A_326] : memref<2048xf32, #tpu.memory_space<vmem>> -> memref<128xf32, #tpu.memory_space<vmem>>
      %dma_start3A_328 = arith.constant 640 : i32
      %dma_start3A_329 = tpu.memref_slice %arg14[%dma_start3A_325, %dma_start3A_328] : memref<2x2048xi32, #tpu.memory_space<vmem>> -> memref<1x128xi32, #tpu.memory_space<vmem>>
      %dma_start3A_330 = tpu.memref_squeeze %dma_start3A_329 : memref<1x128xi32, #tpu.memory_space<vmem>> -> memref<128xi32, #tpu.memory_space<vmem>>
      %dma_start3A_331 = arith.constant 0 : i32
      %dma_start3A_332 = tpu.memref_slice %arg12[%dma_start3A_331] : memref<50000xf32, #tpu.memory_space<vmem_shared>> -> memref<50000xf32, #tpu.memory_space<vmem_shared>>
      tpu.enqueue_indirect_dma source(%dma_start3A_332 : memref<50000xf32, #tpu.memory_space<vmem_shared>>) target(%dma_start3A_327 : memref<128xf32, #tpu.memory_space<vmem>>) offsets(%dma_start3A_330 : memref<128xi32, #tpu.memory_space<vmem>>) semaphore(%arg26 : memref<!tpu.dma_semaphore, #tpu.memory_space<semaphore_mem>>)
      %dma_start3A_333 = arith.constant 0 : i32
      %dma_start3A_334 = arith.constant 640 : i32
      %dma_start3A_335 = tpu.memref_slice %arg20[%dma_start3A_334] : memref<2048xf32, #tpu.memory_space<vmem>> -> memref<128xf32, #tpu.memory_space<vmem>>
      %dma_start3A_336 = arith.constant 640 : i32
      %dma_start3A_337 = tpu.memref_slice %arg14[%dma_start3A_333, %dma_start3A_336] : memref<2x2048xi32, #tpu.memory_space<vmem>> -> memref<1x128xi32, #tpu.memory_space<vmem>>
      %dma_start3A_338 = tpu.memref_squeeze %dma_start3A_337 : memref<1x128xi32, #tpu.memory_space<vmem>> -> memref<128xi32, #tpu.memory_space<vmem>>
      %dma_start3A_339 = arith.constant 0 : i32
      %dma_start3A_340 = tpu.memref_slice %arg13[%dma_start3A_339] : memref<50000xf32, #tpu.memory_space<vmem_shared>> -> memref<50000xf32, #tpu.memory_space<vmem_shared>>
      tpu.enqueue_indirect_dma source(%dma_start3A_340 : memref<50000xf32, #tpu.memory_space<vmem_shared>>) target(%dma_start3A_335 : memref<128xf32, #tpu.memory_space<vmem>>) offsets(%dma_start3A_338 : memref<128xi32, #tpu.memory_space<vmem>>) semaphore(%arg26 : memref<!tpu.dma_semaphore, #tpu.memory_space<semaphore_mem>>)
      %dma_start3A_341 = arith.constant 1 : i32
      %dma_start3A_342 = arith.constant 640 : i32
      %dma_start3A_343 = tpu.memref_slice %arg21[%dma_start3A_342] : memref<2048xf32, #tpu.memory_space<vmem>> -> memref<128xf32, #tpu.memory_space<vmem>>
      %dma_start3A_344 = arith.constant 640 : i32
      %dma_start3A_345 = tpu.memref_slice %arg14[%dma_start3A_341, %dma_start3A_344] : memref<2x2048xi32, #tpu.memory_space<vmem>> -> memref<1x128xi32, #tpu.memory_space<vmem>>
      %dma_start3A_346 = tpu.memref_squeeze %dma_start3A_345 : memref<1x128xi32, #tpu.memory_space<vmem>> -> memref<128xi32, #tpu.memory_space<vmem>>
      %dma_start3A_347 = arith.constant 0 : i32
      %dma_start3A_348 = tpu.memref_slice %arg11[%dma_start3A_347] : memref<50000xf32, #tpu.memory_space<vmem_shared>> -> memref<50000xf32, #tpu.memory_space<vmem_shared>>
      tpu.enqueue_indirect_dma source(%dma_start3A_348 : memref<50000xf32, #tpu.memory_space<vmem_shared>>) target(%dma_start3A_343 : memref<128xf32, #tpu.memory_space<vmem>>) offsets(%dma_start3A_346 : memref<128xi32, #tpu.memory_space<vmem>>) semaphore(%arg27 : memref<!tpu.dma_semaphore, #tpu.memory_space<semaphore_mem>>)
      %dma_start3A_349 = arith.constant 1 : i32
      %dma_start3A_350 = arith.constant 640 : i32
      %dma_start3A_351 = tpu.memref_slice %arg22[%dma_start3A_350] : memref<2048xf32, #tpu.memory_space<vmem>> -> memref<128xf32, #tpu.memory_space<vmem>>
      %dma_start3A_352 = arith.constant 640 : i32
      %dma_start3A_353 = tpu.memref_slice %arg14[%dma_start3A_349, %dma_start3A_352] : memref<2x2048xi32, #tpu.memory_space<vmem>> -> memref<1x128xi32, #tpu.memory_space<vmem>>
      %dma_start3A_354 = tpu.memref_squeeze %dma_start3A_353 : memref<1x128xi32, #tpu.memory_space<vmem>> -> memref<128xi32, #tpu.memory_space<vmem>>
      %dma_start3A_355 = arith.constant 0 : i32
      %dma_start3A_356 = tpu.memref_slice %arg12[%dma_start3A_355] : memref<50000xf32, #tpu.memory_space<vmem_shared>> -> memref<50000xf32, #tpu.memory_space<vmem_shared>>
      tpu.enqueue_indirect_dma source(%dma_start3A_356 : memref<50000xf32, #tpu.memory_space<vmem_shared>>) target(%dma_start3A_351 : memref<128xf32, #tpu.memory_space<vmem>>) offsets(%dma_start3A_354 : memref<128xi32, #tpu.memory_space<vmem>>) semaphore(%arg27 : memref<!tpu.dma_semaphore, #tpu.memory_space<semaphore_mem>>)
      %dma_start3A_357 = arith.constant 1 : i32
      %dma_start3A_358 = arith.constant 640 : i32
      %dma_start3A_359 = tpu.memref_slice %arg23[%dma_start3A_358] : memref<2048xf32, #tpu.memory_space<vmem>> -> memref<128xf32, #tpu.memory_space<vmem>>
      %dma_start3A_360 = arith.constant 640 : i32
      %dma_start3A_361 = tpu.memref_slice %arg14[%dma_start3A_357, %dma_start3A_360] : memref<2x2048xi32, #tpu.memory_space<vmem>> -> memref<1x128xi32, #tpu.memory_space<vmem>>
      %dma_start3A_362 = tpu.memref_squeeze %dma_start3A_361 : memref<1x128xi32, #tpu.memory_space<vmem>> -> memref<128xi32, #tpu.memory_space<vmem>>
      %dma_start3A_363 = arith.constant 0 : i32
      %dma_start3A_364 = tpu.memref_slice %arg13[%dma_start3A_363] : memref<50000xf32, #tpu.memory_space<vmem_shared>> -> memref<50000xf32, #tpu.memory_space<vmem_shared>>
      tpu.enqueue_indirect_dma source(%dma_start3A_364 : memref<50000xf32, #tpu.memory_space<vmem_shared>>) target(%dma_start3A_359 : memref<128xf32, #tpu.memory_space<vmem>>) offsets(%dma_start3A_362 : memref<128xi32, #tpu.memory_space<vmem>>) semaphore(%arg27 : memref<!tpu.dma_semaphore, #tpu.memory_space<semaphore_mem>>)
      %dma_start3A_365 = arith.constant 0 : i32
      %dma_start3A_366 = arith.constant 768 : i32
      %dma_start3A_367 = tpu.memref_slice %arg18[%dma_start3A_366] : memref<2048xf32, #tpu.memory_space<vmem>> -> memref<128xf32, #tpu.memory_space<vmem>>
      %dma_start3A_368 = arith.constant 768 : i32
      %dma_start3A_369 = tpu.memref_slice %arg14[%dma_start3A_365, %dma_start3A_368] : memref<2x2048xi32, #tpu.memory_space<vmem>> -> memref<1x128xi32, #tpu.memory_space<vmem>>
      %dma_start3A_370 = tpu.memref_squeeze %dma_start3A_369 : memref<1x128xi32, #tpu.memory_space<vmem>> -> memref<128xi32, #tpu.memory_space<vmem>>
      %dma_start3A_371 = arith.constant 0 : i32
      %dma_start3A_372 = tpu.memref_slice %arg11[%dma_start3A_371] : memref<50000xf32, #tpu.memory_space<vmem_shared>> -> memref<50000xf32, #tpu.memory_space<vmem_shared>>
      tpu.enqueue_indirect_dma source(%dma_start3A_372 : memref<50000xf32, #tpu.memory_space<vmem_shared>>) target(%dma_start3A_367 : memref<128xf32, #tpu.memory_space<vmem>>) offsets(%dma_start3A_370 : memref<128xi32, #tpu.memory_space<vmem>>) semaphore(%arg26 : memref<!tpu.dma_semaphore, #tpu.memory_space<semaphore_mem>>)
      %dma_start3A_373 = arith.constant 0 : i32
      %dma_start3A_374 = arith.constant 768 : i32
      %dma_start3A_375 = tpu.memref_slice %arg19[%dma_start3A_374] : memref<2048xf32, #tpu.memory_space<vmem>> -> memref<128xf32, #tpu.memory_space<vmem>>
      %dma_start3A_376 = arith.constant 768 : i32
      %dma_start3A_377 = tpu.memref_slice %arg14[%dma_start3A_373, %dma_start3A_376] : memref<2x2048xi32, #tpu.memory_space<vmem>> -> memref<1x128xi32, #tpu.memory_space<vmem>>
      %dma_start3A_378 = tpu.memref_squeeze %dma_start3A_377 : memref<1x128xi32, #tpu.memory_space<vmem>> -> memref<128xi32, #tpu.memory_space<vmem>>
      %dma_start3A_379 = arith.constant 0 : i32
      %dma_start3A_380 = tpu.memref_slice %arg12[%dma_start3A_379] : memref<50000xf32, #tpu.memory_space<vmem_shared>> -> memref<50000xf32, #tpu.memory_space<vmem_shared>>
      tpu.enqueue_indirect_dma source(%dma_start3A_380 : memref<50000xf32, #tpu.memory_space<vmem_shared>>) target(%dma_start3A_375 : memref<128xf32, #tpu.memory_space<vmem>>) offsets(%dma_start3A_378 : memref<128xi32, #tpu.memory_space<vmem>>) semaphore(%arg26 : memref<!tpu.dma_semaphore, #tpu.memory_space<semaphore_mem>>)
      %dma_start3A_381 = arith.constant 0 : i32
      %dma_start3A_382 = arith.constant 768 : i32
      %dma_start3A_383 = tpu.memref_slice %arg20[%dma_start3A_382] : memref<2048xf32, #tpu.memory_space<vmem>> -> memref<128xf32, #tpu.memory_space<vmem>>
      %dma_start3A_384 = arith.constant 768 : i32
      %dma_start3A_385 = tpu.memref_slice %arg14[%dma_start3A_381, %dma_start3A_384] : memref<2x2048xi32, #tpu.memory_space<vmem>> -> memref<1x128xi32, #tpu.memory_space<vmem>>
      %dma_start3A_386 = tpu.memref_squeeze %dma_start3A_385 : memref<1x128xi32, #tpu.memory_space<vmem>> -> memref<128xi32, #tpu.memory_space<vmem>>
      %dma_start3A_387 = arith.constant 0 : i32
      %dma_start3A_388 = tpu.memref_slice %arg13[%dma_start3A_387] : memref<50000xf32, #tpu.memory_space<vmem_shared>> -> memref<50000xf32, #tpu.memory_space<vmem_shared>>
      tpu.enqueue_indirect_dma source(%dma_start3A_388 : memref<50000xf32, #tpu.memory_space<vmem_shared>>) target(%dma_start3A_383 : memref<128xf32, #tpu.memory_space<vmem>>) offsets(%dma_start3A_386 : memref<128xi32, #tpu.memory_space<vmem>>) semaphore(%arg26 : memref<!tpu.dma_semaphore, #tpu.memory_space<semaphore_mem>>)
      %dma_start3A_389 = arith.constant 1 : i32
      %dma_start3A_390 = arith.constant 768 : i32
      %dma_start3A_391 = tpu.memref_slice %arg21[%dma_start3A_390] : memref<2048xf32, #tpu.memory_space<vmem>> -> memref<128xf32, #tpu.memory_space<vmem>>
      %dma_start3A_392 = arith.constant 768 : i32
      %dma_start3A_393 = tpu.memref_slice %arg14[%dma_start3A_389, %dma_start3A_392] : memref<2x2048xi32, #tpu.memory_space<vmem>> -> memref<1x128xi32, #tpu.memory_space<vmem>>
      %dma_start3A_394 = tpu.memref_squeeze %dma_start3A_393 : memref<1x128xi32, #tpu.memory_space<vmem>> -> memref<128xi32, #tpu.memory_space<vmem>>
      %dma_start3A_395 = arith.constant 0 : i32
      %dma_start3A_396 = tpu.memref_slice %arg11[%dma_start3A_395] : memref<50000xf32, #tpu.memory_space<vmem_shared>> -> memref<50000xf32, #tpu.memory_space<vmem_shared>>
      tpu.enqueue_indirect_dma source(%dma_start3A_396 : memref<50000xf32, #tpu.memory_space<vmem_shared>>) target(%dma_start3A_391 : memref<128xf32, #tpu.memory_space<vmem>>) offsets(%dma_start3A_394 : memref<128xi32, #tpu.memory_space<vmem>>) semaphore(%arg27 : memref<!tpu.dma_semaphore, #tpu.memory_space<semaphore_mem>>)
      %dma_start3A_397 = arith.constant 1 : i32
      %dma_start3A_398 = arith.constant 768 : i32
      %dma_start3A_399 = tpu.memref_slice %arg22[%dma_start3A_398] : memref<2048xf32, #tpu.memory_space<vmem>> -> memref<128xf32, #tpu.memory_space<vmem>>
      %dma_start3A_400 = arith.constant 768 : i32
      %dma_start3A_401 = tpu.memref_slice %arg14[%dma_start3A_397, %dma_start3A_400] : memref<2x2048xi32, #tpu.memory_space<vmem>> -> memref<1x128xi32, #tpu.memory_space<vmem>>
      %dma_start3A_402 = tpu.memref_squeeze %dma_start3A_401 : memref<1x128xi32, #tpu.memory_space<vmem>> -> memref<128xi32, #tpu.memory_space<vmem>>
      %dma_start3A_403 = arith.constant 0 : i32
      %dma_start3A_404 = tpu.memref_slice %arg12[%dma_start3A_403] : memref<50000xf32, #tpu.memory_space<vmem_shared>> -> memref<50000xf32, #tpu.memory_space<vmem_shared>>
      tpu.enqueue_indirect_dma source(%dma_start3A_404 : memref<50000xf32, #tpu.memory_space<vmem_shared>>) target(%dma_start3A_399 : memref<128xf32, #tpu.memory_space<vmem>>) offsets(%dma_start3A_402 : memref<128xi32, #tpu.memory_space<vmem>>) semaphore(%arg27 : memref<!tpu.dma_semaphore, #tpu.memory_space<semaphore_mem>>)
      %dma_start3A_405 = arith.constant 1 : i32
      %dma_start3A_406 = arith.constant 768 : i32
      %dma_start3A_407 = tpu.memref_slice %arg23[%dma_start3A_406] : memref<2048xf32, #tpu.memory_space<vmem>> -> memref<128xf32, #tpu.memory_space<vmem>>
      %dma_start3A_408 = arith.constant 768 : i32
      %dma_start3A_409 = tpu.memref_slice %arg14[%dma_start3A_405, %dma_start3A_408] : memref<2x2048xi32, #tpu.memory_space<vmem>> -> memref<1x128xi32, #tpu.memory_space<vmem>>
      %dma_start3A_410 = tpu.memref_squeeze %dma_start3A_409 : memref<1x128xi32, #tpu.memory_space<vmem>> -> memref<128xi32, #tpu.memory_space<vmem>>
      %dma_start3A_411 = arith.constant 0 : i32
      %dma_start3A_412 = tpu.memref_slice %arg13[%dma_start3A_411] : memref<50000xf32, #tpu.memory_space<vmem_shared>> -> memref<50000xf32, #tpu.memory_space<vmem_shared>>
      tpu.enqueue_indirect_dma source(%dma_start3A_412 : memref<50000xf32, #tpu.memory_space<vmem_shared>>) target(%dma_start3A_407 : memref<128xf32, #tpu.memory_space<vmem>>) offsets(%dma_start3A_410 : memref<128xi32, #tpu.memory_space<vmem>>) semaphore(%arg27 : memref<!tpu.dma_semaphore, #tpu.memory_space<semaphore_mem>>)
      %dma_start3A_413 = arith.constant 0 : i32
      %dma_start3A_414 = arith.constant 896 : i32
      %dma_start3A_415 = tpu.memref_slice %arg18[%dma_start3A_414] : memref<2048xf32, #tpu.memory_space<vmem>> -> memref<128xf32, #tpu.memory_space<vmem>>
      %dma_start3A_416 = arith.constant 896 : i32
      %dma_start3A_417 = tpu.memref_slice %arg14[%dma_start3A_413, %dma_start3A_416] : memref<2x2048xi32, #tpu.memory_space<vmem>> -> memref<1x128xi32, #tpu.memory_space<vmem>>
      %dma_start3A_418 = tpu.memref_squeeze %dma_start3A_417 : memref<1x128xi32, #tpu.memory_space<vmem>> -> memref<128xi32, #tpu.memory_space<vmem>>
      %dma_start3A_419 = arith.constant 0 : i32
      %dma_start3A_420 = tpu.memref_slice %arg11[%dma_start3A_419] : memref<50000xf32, #tpu.memory_space<vmem_shared>> -> memref<50000xf32, #tpu.memory_space<vmem_shared>>
      tpu.enqueue_indirect_dma source(%dma_start3A_420 : memref<50000xf32, #tpu.memory_space<vmem_shared>>) target(%dma_start3A_415 : memref<128xf32, #tpu.memory_space<vmem>>) offsets(%dma_start3A_418 : memref<128xi32, #tpu.memory_space<vmem>>) semaphore(%arg26 : memref<!tpu.dma_semaphore, #tpu.memory_space<semaphore_mem>>)
      %dma_start3A_421 = arith.constant 0 : i32
      %dma_start3A_422 = arith.constant 896 : i32
      %dma_start3A_423 = tpu.memref_slice %arg19[%dma_start3A_422] : memref<2048xf32, #tpu.memory_space<vmem>> -> memref<128xf32, #tpu.memory_space<vmem>>
      %dma_start3A_424 = arith.constant 896 : i32
      %dma_start3A_425 = tpu.memref_slice %arg14[%dma_start3A_421, %dma_start3A_424] : memref<2x2048xi32, #tpu.memory_space<vmem>> -> memref<1x128xi32, #tpu.memory_space<vmem>>
      %dma_start3A_426 = tpu.memref_squeeze %dma_start3A_425 : memref<1x128xi32, #tpu.memory_space<vmem>> -> memref<128xi32, #tpu.memory_space<vmem>>
      %dma_start3A_427 = arith.constant 0 : i32
      %dma_start3A_428 = tpu.memref_slice %arg12[%dma_start3A_427] : memref<50000xf32, #tpu.memory_space<vmem_shared>> -> memref<50000xf32, #tpu.memory_space<vmem_shared>>
      tpu.enqueue_indirect_dma source(%dma_start3A_428 : memref<50000xf32, #tpu.memory_space<vmem_shared>>) target(%dma_start3A_423 : memref<128xf32, #tpu.memory_space<vmem>>) offsets(%dma_start3A_426 : memref<128xi32, #tpu.memory_space<vmem>>) semaphore(%arg26 : memref<!tpu.dma_semaphore, #tpu.memory_space<semaphore_mem>>)
      %dma_start3A_429 = arith.constant 0 : i32
      %dma_start3A_430 = arith.constant 896 : i32
      %dma_start3A_431 = tpu.memref_slice %arg20[%dma_start3A_430] : memref<2048xf32, #tpu.memory_space<vmem>> -> memref<128xf32, #tpu.memory_space<vmem>>
      %dma_start3A_432 = arith.constant 896 : i32
      %dma_start3A_433 = tpu.memref_slice %arg14[%dma_start3A_429, %dma_start3A_432] : memref<2x2048xi32, #tpu.memory_space<vmem>> -> memref<1x128xi32, #tpu.memory_space<vmem>>
      %dma_start3A_434 = tpu.memref_squeeze %dma_start3A_433 : memref<1x128xi32, #tpu.memory_space<vmem>> -> memref<128xi32, #tpu.memory_space<vmem>>
      %dma_start3A_435 = arith.constant 0 : i32
      %dma_start3A_436 = tpu.memref_slice %arg13[%dma_start3A_435] : memref<50000xf32, #tpu.memory_space<vmem_shared>> -> memref<50000xf32, #tpu.memory_space<vmem_shared>>
      tpu.enqueue_indirect_dma source(%dma_start3A_436 : memref<50000xf32, #tpu.memory_space<vmem_shared>>) target(%dma_start3A_431 : memref<128xf32, #tpu.memory_space<vmem>>) offsets(%dma_start3A_434 : memref<128xi32, #tpu.memory_space<vmem>>) semaphore(%arg26 : memref<!tpu.dma_semaphore, #tpu.memory_space<semaphore_mem>>)
      %dma_start3A_437 = arith.constant 1 : i32
      %dma_start3A_438 = arith.constant 896 : i32
      %dma_start3A_439 = tpu.memref_slice %arg21[%dma_start3A_438] : memref<2048xf32, #tpu.memory_space<vmem>> -> memref<128xf32, #tpu.memory_space<vmem>>
      %dma_start3A_440 = arith.constant 896 : i32
      %dma_start3A_441 = tpu.memref_slice %arg14[%dma_start3A_437, %dma_start3A_440] : memref<2x2048xi32, #tpu.memory_space<vmem>> -> memref<1x128xi32, #tpu.memory_space<vmem>>
      %dma_start3A_442 = tpu.memref_squeeze %dma_start3A_441 : memref<1x128xi32, #tpu.memory_space<vmem>> -> memref<128xi32, #tpu.memory_space<vmem>>
      %dma_start3A_443 = arith.constant 0 : i32
      %dma_start3A_444 = tpu.memref_slice %arg11[%dma_start3A_443] : memref<50000xf32, #tpu.memory_space<vmem_shared>> -> memref<50000xf32, #tpu.memory_space<vmem_shared>>
      tpu.enqueue_indirect_dma source(%dma_start3A_444 : memref<50000xf32, #tpu.memory_space<vmem_shared>>) target(%dma_start3A_439 : memref<128xf32, #tpu.memory_space<vmem>>) offsets(%dma_start3A_442 : memref<128xi32, #tpu.memory_space<vmem>>) semaphore(%arg27 : memref<!tpu.dma_semaphore, #tpu.memory_space<semaphore_mem>>)
      %dma_start3A_445 = arith.constant 1 : i32
      %dma_start3A_446 = arith.constant 896 : i32
      %dma_start3A_447 = tpu.memref_slice %arg22[%dma_start3A_446] : memref<2048xf32, #tpu.memory_space<vmem>> -> memref<128xf32, #tpu.memory_space<vmem>>
      %dma_start3A_448 = arith.constant 896 : i32
      %dma_start3A_449 = tpu.memref_slice %arg14[%dma_start3A_445, %dma_start3A_448] : memref<2x2048xi32, #tpu.memory_space<vmem>> -> memref<1x128xi32, #tpu.memory_space<vmem>>
      %dma_start3A_450 = tpu.memref_squeeze %dma_start3A_449 : memref<1x128xi32, #tpu.memory_space<vmem>> -> memref<128xi32, #tpu.memory_space<vmem>>
      %dma_start3A_451 = arith.constant 0 : i32
      %dma_start3A_452 = tpu.memref_slice %arg12[%dma_start3A_451] : memref<50000xf32, #tpu.memory_space<vmem_shared>> -> memref<50000xf32, #tpu.memory_space<vmem_shared>>
      tpu.enqueue_indirect_dma source(%dma_start3A_452 : memref<50000xf32, #tpu.memory_space<vmem_shared>>) target(%dma_start3A_447 : memref<128xf32, #tpu.memory_space<vmem>>) offsets(%dma_start3A_450 : memref<128xi32, #tpu.memory_space<vmem>>) semaphore(%arg27 : memref<!tpu.dma_semaphore, #tpu.memory_space<semaphore_mem>>)
      %dma_start3A_453 = arith.constant 1 : i32
      %dma_start3A_454 = arith.constant 896 : i32
      %dma_start3A_455 = tpu.memref_slice %arg23[%dma_start3A_454] : memref<2048xf32, #tpu.memory_space<vmem>> -> memref<128xf32, #tpu.memory_space<vmem>>
      %dma_start3A_456 = arith.constant 896 : i32
      %dma_start3A_457 = tpu.memref_slice %arg14[%dma_start3A_453, %dma_start3A_456] : memref<2x2048xi32, #tpu.memory_space<vmem>> -> memref<1x128xi32, #tpu.memory_space<vmem>>
      %dma_start3A_458 = tpu.memref_squeeze %dma_start3A_457 : memref<1x128xi32, #tpu.memory_space<vmem>> -> memref<128xi32, #tpu.memory_space<vmem>>
      %dma_start3A_459 = arith.constant 0 : i32
      %dma_start3A_460 = tpu.memref_slice %arg13[%dma_start3A_459] : memref<50000xf32, #tpu.memory_space<vmem_shared>> -> memref<50000xf32, #tpu.memory_space<vmem_shared>>
      tpu.enqueue_indirect_dma source(%dma_start3A_460 : memref<50000xf32, #tpu.memory_space<vmem_shared>>) target(%dma_start3A_455 : memref<128xf32, #tpu.memory_space<vmem>>) offsets(%dma_start3A_458 : memref<128xi32, #tpu.memory_space<vmem>>) semaphore(%arg27 : memref<!tpu.dma_semaphore, #tpu.memory_space<semaphore_mem>>)
      %dma_start3A_461 = arith.constant 0 : i32
      %dma_start3A_462 = arith.constant 1024 : i32
      %dma_start3A_463 = tpu.memref_slice %arg18[%dma_start3A_462] : memref<2048xf32, #tpu.memory_space<vmem>> -> memref<128xf32, #tpu.memory_space<vmem>>
      %dma_start3A_464 = arith.constant 1024 : i32
      %dma_start3A_465 = tpu.memref_slice %arg14[%dma_start3A_461, %dma_start3A_464] : memref<2x2048xi32, #tpu.memory_space<vmem>> -> memref<1x128xi32, #tpu.memory_space<vmem>>
      %dma_start3A_466 = tpu.memref_squeeze %dma_start3A_465 : memref<1x128xi32, #tpu.memory_space<vmem>> -> memref<128xi32, #tpu.memory_space<vmem>>
      %dma_start3A_467 = arith.constant 0 : i32
      %dma_start3A_468 = tpu.memref_slice %arg11[%dma_start3A_467] : memref<50000xf32, #tpu.memory_space<vmem_shared>> -> memref<50000xf32, #tpu.memory_space<vmem_shared>>
      tpu.enqueue_indirect_dma source(%dma_start3A_468 : memref<50000xf32, #tpu.memory_space<vmem_shared>>) target(%dma_start3A_463 : memref<128xf32, #tpu.memory_space<vmem>>) offsets(%dma_start3A_466 : memref<128xi32, #tpu.memory_space<vmem>>) semaphore(%arg26 : memref<!tpu.dma_semaphore, #tpu.memory_space<semaphore_mem>>)
      %dma_start3A_469 = arith.constant 0 : i32
      %dma_start3A_470 = arith.constant 1024 : i32
      %dma_start3A_471 = tpu.memref_slice %arg19[%dma_start3A_470] : memref<2048xf32, #tpu.memory_space<vmem>> -> memref<128xf32, #tpu.memory_space<vmem>>
      %dma_start3A_472 = arith.constant 1024 : i32
      %dma_start3A_473 = tpu.memref_slice %arg14[%dma_start3A_469, %dma_start3A_472] : memref<2x2048xi32, #tpu.memory_space<vmem>> -> memref<1x128xi32, #tpu.memory_space<vmem>>
      %dma_start3A_474 = tpu.memref_squeeze %dma_start3A_473 : memref<1x128xi32, #tpu.memory_space<vmem>> -> memref<128xi32, #tpu.memory_space<vmem>>
      %dma_start3A_475 = arith.constant 0 : i32
      %dma_start3A_476 = tpu.memref_slice %arg12[%dma_start3A_475] : memref<50000xf32, #tpu.memory_space<vmem_shared>> -> memref<50000xf32, #tpu.memory_space<vmem_shared>>
      tpu.enqueue_indirect_dma source(%dma_start3A_476 : memref<50000xf32, #tpu.memory_space<vmem_shared>>) target(%dma_start3A_471 : memref<128xf32, #tpu.memory_space<vmem>>) offsets(%dma_start3A_474 : memref<128xi32, #tpu.memory_space<vmem>>) semaphore(%arg26 : memref<!tpu.dma_semaphore, #tpu.memory_space<semaphore_mem>>)
      %dma_start3A_477 = arith.constant 0 : i32
      %dma_start3A_478 = arith.constant 1024 : i32
      %dma_start3A_479 = tpu.memref_slice %arg20[%dma_start3A_478] : memref<2048xf32, #tpu.memory_space<vmem>> -> memref<128xf32, #tpu.memory_space<vmem>>
      %dma_start3A_480 = arith.constant 1024 : i32
      %dma_start3A_481 = tpu.memref_slice %arg14[%dma_start3A_477, %dma_start3A_480] : memref<2x2048xi32, #tpu.memory_space<vmem>> -> memref<1x128xi32, #tpu.memory_space<vmem>>
      %dma_start3A_482 = tpu.memref_squeeze %dma_start3A_481 : memref<1x128xi32, #tpu.memory_space<vmem>> -> memref<128xi32, #tpu.memory_space<vmem>>
      %dma_start3A_483 = arith.constant 0 : i32
      %dma_start3A_484 = tpu.memref_slice %arg13[%dma_start3A_483] : memref<50000xf32, #tpu.memory_space<vmem_shared>> -> memref<50000xf32, #tpu.memory_space<vmem_shared>>
      tpu.enqueue_indirect_dma source(%dma_start3A_484 : memref<50000xf32, #tpu.memory_space<vmem_shared>>) target(%dma_start3A_479 : memref<128xf32, #tpu.memory_space<vmem>>) offsets(%dma_start3A_482 : memref<128xi32, #tpu.memory_space<vmem>>) semaphore(%arg26 : memref<!tpu.dma_semaphore, #tpu.memory_space<semaphore_mem>>)
      %dma_start3A_485 = arith.constant 1 : i32
      %dma_start3A_486 = arith.constant 1024 : i32
      %dma_start3A_487 = tpu.memref_slice %arg21[%dma_start3A_486] : memref<2048xf32, #tpu.memory_space<vmem>> -> memref<128xf32, #tpu.memory_space<vmem>>
      %dma_start3A_488 = arith.constant 1024 : i32
      %dma_start3A_489 = tpu.memref_slice %arg14[%dma_start3A_485, %dma_start3A_488] : memref<2x2048xi32, #tpu.memory_space<vmem>> -> memref<1x128xi32, #tpu.memory_space<vmem>>
      %dma_start3A_490 = tpu.memref_squeeze %dma_start3A_489 : memref<1x128xi32, #tpu.memory_space<vmem>> -> memref<128xi32, #tpu.memory_space<vmem>>
      %dma_start3A_491 = arith.constant 0 : i32
      %dma_start3A_492 = tpu.memref_slice %arg11[%dma_start3A_491] : memref<50000xf32, #tpu.memory_space<vmem_shared>> -> memref<50000xf32, #tpu.memory_space<vmem_shared>>
      tpu.enqueue_indirect_dma source(%dma_start3A_492 : memref<50000xf32, #tpu.memory_space<vmem_shared>>) target(%dma_start3A_487 : memref<128xf32, #tpu.memory_space<vmem>>) offsets(%dma_start3A_490 : memref<128xi32, #tpu.memory_space<vmem>>) semaphore(%arg27 : memref<!tpu.dma_semaphore, #tpu.memory_space<semaphore_mem>>)
      %dma_start3A_493 = arith.constant 1 : i32
      %dma_start3A_494 = arith.constant 1024 : i32
      %dma_start3A_495 = tpu.memref_slice %arg22[%dma_start3A_494] : memref<2048xf32, #tpu.memory_space<vmem>> -> memref<128xf32, #tpu.memory_space<vmem>>
      %dma_start3A_496 = arith.constant 1024 : i32
      %dma_start3A_497 = tpu.memref_slice %arg14[%dma_start3A_493, %dma_start3A_496] : memref<2x2048xi32, #tpu.memory_space<vmem>> -> memref<1x128xi32, #tpu.memory_space<vmem>>
      %dma_start3A_498 = tpu.memref_squeeze %dma_start3A_497 : memref<1x128xi32, #tpu.memory_space<vmem>> -> memref<128xi32, #tpu.memory_space<vmem>>
      %dma_start3A_499 = arith.constant 0 : i32
      %dma_start3A_500 = tpu.memref_slice %arg12[%dma_start3A_499] : memref<50000xf32, #tpu.memory_space<vmem_shared>> -> memref<50000xf32, #tpu.memory_space<vmem_shared>>
      tpu.enqueue_indirect_dma source(%dma_start3A_500 : memref<50000xf32, #tpu.memory_space<vmem_shared>>) target(%dma_start3A_495 : memref<128xf32, #tpu.memory_space<vmem>>) offsets(%dma_start3A_498 : memref<128xi32, #tpu.memory_space<vmem>>) semaphore(%arg27 : memref<!tpu.dma_semaphore, #tpu.memory_space<semaphore_mem>>)
      %dma_start3A_501 = arith.constant 1 : i32
      %dma_start3A_502 = arith.constant 1024 : i32
      %dma_start3A_503 = tpu.memref_slice %arg23[%dma_start3A_502] : memref<2048xf32, #tpu.memory_space<vmem>> -> memref<128xf32, #tpu.memory_space<vmem>>
      %dma_start3A_504 = arith.constant 1024 : i32
      %dma_start3A_505 = tpu.memref_slice %arg14[%dma_start3A_501, %dma_start3A_504] : memref<2x2048xi32, #tpu.memory_space<vmem>> -> memref<1x128xi32, #tpu.memory_space<vmem>>
      %dma_start3A_506 = tpu.memref_squeeze %dma_start3A_505 : memref<1x128xi32, #tpu.memory_space<vmem>> -> memref<128xi32, #tpu.memory_space<vmem>>
      %dma_start3A_507 = arith.constant 0 : i32
      %dma_start3A_508 = tpu.memref_slice %arg13[%dma_start3A_507] : memref<50000xf32, #tpu.memory_space<vmem_shared>> -> memref<50000xf32, #tpu.memory_space<vmem_shared>>
      tpu.enqueue_indirect_dma source(%dma_start3A_508 : memref<50000xf32, #tpu.memory_space<vmem_shared>>) target(%dma_start3A_503 : memref<128xf32, #tpu.memory_space<vmem>>) offsets(%dma_start3A_506 : memref<128xi32, #tpu.memory_space<vmem>>) semaphore(%arg27 : memref<!tpu.dma_semaphore, #tpu.memory_space<semaphore_mem>>)
      %dma_start3A_509 = arith.constant 0 : i32
      %dma_start3A_510 = arith.constant 1152 : i32
      %dma_start3A_511 = tpu.memref_slice %arg18[%dma_start3A_510] : memref<2048xf32, #tpu.memory_space<vmem>> -> memref<128xf32, #tpu.memory_space<vmem>>
      %dma_start3A_512 = arith.constant 1152 : i32
      %dma_start3A_513 = tpu.memref_slice %arg14[%dma_start3A_509, %dma_start3A_512] : memref<2x2048xi32, #tpu.memory_space<vmem>> -> memref<1x128xi32, #tpu.memory_space<vmem>>
      %dma_start3A_514 = tpu.memref_squeeze %dma_start3A_513 : memref<1x128xi32, #tpu.memory_space<vmem>> -> memref<128xi32, #tpu.memory_space<vmem>>
      %dma_start3A_515 = arith.constant 0 : i32
      %dma_start3A_516 = tpu.memref_slice %arg11[%dma_start3A_515] : memref<50000xf32, #tpu.memory_space<vmem_shared>> -> memref<50000xf32, #tpu.memory_space<vmem_shared>>
      tpu.enqueue_indirect_dma source(%dma_start3A_516 : memref<50000xf32, #tpu.memory_space<vmem_shared>>) target(%dma_start3A_511 : memref<128xf32, #tpu.memory_space<vmem>>) offsets(%dma_start3A_514 : memref<128xi32, #tpu.memory_space<vmem>>) semaphore(%arg26 : memref<!tpu.dma_semaphore, #tpu.memory_space<semaphore_mem>>)
      %dma_start3A_517 = arith.constant 0 : i32
      %dma_start3A_518 = arith.constant 1152 : i32
      %dma_start3A_519 = tpu.memref_slice %arg19[%dma_start3A_518] : memref<2048xf32, #tpu.memory_space<vmem>> -> memref<128xf32, #tpu.memory_space<vmem>>
      %dma_start3A_520 = arith.constant 1152 : i32
      %dma_start3A_521 = tpu.memref_slice %arg14[%dma_start3A_517, %dma_start3A_520] : memref<2x2048xi32, #tpu.memory_space<vmem>> -> memref<1x128xi32, #tpu.memory_space<vmem>>
      %dma_start3A_522 = tpu.memref_squeeze %dma_start3A_521 : memref<1x128xi32, #tpu.memory_space<vmem>> -> memref<128xi32, #tpu.memory_space<vmem>>
      %dma_start3A_523 = arith.constant 0 : i32
      %dma_start3A_524 = tpu.memref_slice %arg12[%dma_start3A_523] : memref<50000xf32, #tpu.memory_space<vmem_shared>> -> memref<50000xf32, #tpu.memory_space<vmem_shared>>
      tpu.enqueue_indirect_dma source(%dma_start3A_524 : memref<50000xf32, #tpu.memory_space<vmem_shared>>) target(%dma_start3A_519 : memref<128xf32, #tpu.memory_space<vmem>>) offsets(%dma_start3A_522 : memref<128xi32, #tpu.memory_space<vmem>>) semaphore(%arg26 : memref<!tpu.dma_semaphore, #tpu.memory_space<semaphore_mem>>)
      %dma_start3A_525 = arith.constant 0 : i32
      %dma_start3A_526 = arith.constant 1152 : i32
      %dma_start3A_527 = tpu.memref_slice %arg20[%dma_start3A_526] : memref<2048xf32, #tpu.memory_space<vmem>> -> memref<128xf32, #tpu.memory_space<vmem>>
      %dma_start3A_528 = arith.constant 1152 : i32
      %dma_start3A_529 = tpu.memref_slice %arg14[%dma_start3A_525, %dma_start3A_528] : memref<2x2048xi32, #tpu.memory_space<vmem>> -> memref<1x128xi32, #tpu.memory_space<vmem>>
      %dma_start3A_530 = tpu.memref_squeeze %dma_start3A_529 : memref<1x128xi32, #tpu.memory_space<vmem>> -> memref<128xi32, #tpu.memory_space<vmem>>
      %dma_start3A_531 = arith.constant 0 : i32
      %dma_start3A_532 = tpu.memref_slice %arg13[%dma_start3A_531] : memref<50000xf32, #tpu.memory_space<vmem_shared>> -> memref<50000xf32, #tpu.memory_space<vmem_shared>>
      tpu.enqueue_indirect_dma source(%dma_start3A_532 : memref<50000xf32, #tpu.memory_space<vmem_shared>>) target(%dma_start3A_527 : memref<128xf32, #tpu.memory_space<vmem>>) offsets(%dma_start3A_530 : memref<128xi32, #tpu.memory_space<vmem>>) semaphore(%arg26 : memref<!tpu.dma_semaphore, #tpu.memory_space<semaphore_mem>>)
      %dma_start3A_533 = arith.constant 1 : i32
      %dma_start3A_534 = arith.constant 1152 : i32
      %dma_start3A_535 = tpu.memref_slice %arg21[%dma_start3A_534] : memref<2048xf32, #tpu.memory_space<vmem>> -> memref<128xf32, #tpu.memory_space<vmem>>
      %dma_start3A_536 = arith.constant 1152 : i32
      %dma_start3A_537 = tpu.memref_slice %arg14[%dma_start3A_533, %dma_start3A_536] : memref<2x2048xi32, #tpu.memory_space<vmem>> -> memref<1x128xi32, #tpu.memory_space<vmem>>
      %dma_start3A_538 = tpu.memref_squeeze %dma_start3A_537 : memref<1x128xi32, #tpu.memory_space<vmem>> -> memref<128xi32, #tpu.memory_space<vmem>>
      %dma_start3A_539 = arith.constant 0 : i32
      %dma_start3A_540 = tpu.memref_slice %arg11[%dma_start3A_539] : memref<50000xf32, #tpu.memory_space<vmem_shared>> -> memref<50000xf32, #tpu.memory_space<vmem_shared>>
      tpu.enqueue_indirect_dma source(%dma_start3A_540 : memref<50000xf32, #tpu.memory_space<vmem_shared>>) target(%dma_start3A_535 : memref<128xf32, #tpu.memory_space<vmem>>) offsets(%dma_start3A_538 : memref<128xi32, #tpu.memory_space<vmem>>) semaphore(%arg27 : memref<!tpu.dma_semaphore, #tpu.memory_space<semaphore_mem>>)
      %dma_start3A_541 = arith.constant 1 : i32
      %dma_start3A_542 = arith.constant 1152 : i32
      %dma_start3A_543 = tpu.memref_slice %arg22[%dma_start3A_542] : memref<2048xf32, #tpu.memory_space<vmem>> -> memref<128xf32, #tpu.memory_space<vmem>>
      %dma_start3A_544 = arith.constant 1152 : i32
      %dma_start3A_545 = tpu.memref_slice %arg14[%dma_start3A_541, %dma_start3A_544] : memref<2x2048xi32, #tpu.memory_space<vmem>> -> memref<1x128xi32, #tpu.memory_space<vmem>>
      %dma_start3A_546 = tpu.memref_squeeze %dma_start3A_545 : memref<1x128xi32, #tpu.memory_space<vmem>> -> memref<128xi32, #tpu.memory_space<vmem>>
      %dma_start3A_547 = arith.constant 0 : i32
      %dma_start3A_548 = tpu.memref_slice %arg12[%dma_start3A_547] : memref<50000xf32, #tpu.memory_space<vmem_shared>> -> memref<50000xf32, #tpu.memory_space<vmem_shared>>
      tpu.enqueue_indirect_dma source(%dma_start3A_548 : memref<50000xf32, #tpu.memory_space<vmem_shared>>) target(%dma_start3A_543 : memref<128xf32, #tpu.memory_space<vmem>>) offsets(%dma_start3A_546 : memref<128xi32, #tpu.memory_space<vmem>>) semaphore(%arg27 : memref<!tpu.dma_semaphore, #tpu.memory_space<semaphore_mem>>)
      %dma_start3A_549 = arith.constant 1 : i32
      %dma_start3A_550 = arith.constant 1152 : i32
      %dma_start3A_551 = tpu.memref_slice %arg23[%dma_start3A_550] : memref<2048xf32, #tpu.memory_space<vmem>> -> memref<128xf32, #tpu.memory_space<vmem>>
      %dma_start3A_552 = arith.constant 1152 : i32
      %dma_start3A_553 = tpu.memref_slice %arg14[%dma_start3A_549, %dma_start3A_552] : memref<2x2048xi32, #tpu.memory_space<vmem>> -> memref<1x128xi32, #tpu.memory_space<vmem>>
      %dma_start3A_554 = tpu.memref_squeeze %dma_start3A_553 : memref<1x128xi32, #tpu.memory_space<vmem>> -> memref<128xi32, #tpu.memory_space<vmem>>
      %dma_start3A_555 = arith.constant 0 : i32
      %dma_start3A_556 = tpu.memref_slice %arg13[%dma_start3A_555] : memref<50000xf32, #tpu.memory_space<vmem_shared>> -> memref<50000xf32, #tpu.memory_space<vmem_shared>>
      tpu.enqueue_indirect_dma source(%dma_start3A_556 : memref<50000xf32, #tpu.memory_space<vmem_shared>>) target(%dma_start3A_551 : memref<128xf32, #tpu.memory_space<vmem>>) offsets(%dma_start3A_554 : memref<128xi32, #tpu.memory_space<vmem>>) semaphore(%arg27 : memref<!tpu.dma_semaphore, #tpu.memory_space<semaphore_mem>>)
      %dma_start3A_557 = arith.constant 0 : i32
      %dma_start3A_558 = arith.constant 1280 : i32
      %dma_start3A_559 = tpu.memref_slice %arg18[%dma_start3A_558] : memref<2048xf32, #tpu.memory_space<vmem>> -> memref<128xf32, #tpu.memory_space<vmem>>
      %dma_start3A_560 = arith.constant 1280 : i32
      %dma_start3A_561 = tpu.memref_slice %arg14[%dma_start3A_557, %dma_start3A_560] : memref<2x2048xi32, #tpu.memory_space<vmem>> -> memref<1x128xi32, #tpu.memory_space<vmem>>
      %dma_start3A_562 = tpu.memref_squeeze %dma_start3A_561 : memref<1x128xi32, #tpu.memory_space<vmem>> -> memref<128xi32, #tpu.memory_space<vmem>>
      %dma_start3A_563 = arith.constant 0 : i32
      %dma_start3A_564 = tpu.memref_slice %arg11[%dma_start3A_563] : memref<50000xf32, #tpu.memory_space<vmem_shared>> -> memref<50000xf32, #tpu.memory_space<vmem_shared>>
      tpu.enqueue_indirect_dma source(%dma_start3A_564 : memref<50000xf32, #tpu.memory_space<vmem_shared>>) target(%dma_start3A_559 : memref<128xf32, #tpu.memory_space<vmem>>) offsets(%dma_start3A_562 : memref<128xi32, #tpu.memory_space<vmem>>) semaphore(%arg26 : memref<!tpu.dma_semaphore, #tpu.memory_space<semaphore_mem>>)
      %dma_start3A_565 = arith.constant 0 : i32
      %dma_start3A_566 = arith.constant 1280 : i32
      %dma_start3A_567 = tpu.memref_slice %arg19[%dma_start3A_566] : memref<2048xf32, #tpu.memory_space<vmem>> -> memref<128xf32, #tpu.memory_space<vmem>>
      %dma_start3A_568 = arith.constant 1280 : i32
      %dma_start3A_569 = tpu.memref_slice %arg14[%dma_start3A_565, %dma_start3A_568] : memref<2x2048xi32, #tpu.memory_space<vmem>> -> memref<1x128xi32, #tpu.memory_space<vmem>>
      %dma_start3A_570 = tpu.memref_squeeze %dma_start3A_569 : memref<1x128xi32, #tpu.memory_space<vmem>> -> memref<128xi32, #tpu.memory_space<vmem>>
      %dma_start3A_571 = arith.constant 0 : i32
      %dma_start3A_572 = tpu.memref_slice %arg12[%dma_start3A_571] : memref<50000xf32, #tpu.memory_space<vmem_shared>> -> memref<50000xf32, #tpu.memory_space<vmem_shared>>
      tpu.enqueue_indirect_dma source(%dma_start3A_572 : memref<50000xf32, #tpu.memory_space<vmem_shared>>) target(%dma_start3A_567 : memref<128xf32, #tpu.memory_space<vmem>>) offsets(%dma_start3A_570 : memref<128xi32, #tpu.memory_space<vmem>>) semaphore(%arg26 : memref<!tpu.dma_semaphore, #tpu.memory_space<semaphore_mem>>)
      %dma_start3A_573 = arith.constant 0 : i32
      %dma_start3A_574 = arith.constant 1280 : i32
      %dma_start3A_575 = tpu.memref_slice %arg20[%dma_start3A_574] : memref<2048xf32, #tpu.memory_space<vmem>> -> memref<128xf32, #tpu.memory_space<vmem>>
      %dma_start3A_576 = arith.constant 1280 : i32
      %dma_start3A_577 = tpu.memref_slice %arg14[%dma_start3A_573, %dma_start3A_576] : memref<2x2048xi32, #tpu.memory_space<vmem>> -> memref<1x128xi32, #tpu.memory_space<vmem>>
      %dma_start3A_578 = tpu.memref_squeeze %dma_start3A_577 : memref<1x128xi32, #tpu.memory_space<vmem>> -> memref<128xi32, #tpu.memory_space<vmem>>
      %dma_start3A_579 = arith.constant 0 : i32
      %dma_start3A_580 = tpu.memref_slice %arg13[%dma_start3A_579] : memref<50000xf32, #tpu.memory_space<vmem_shared>> -> memref<50000xf32, #tpu.memory_space<vmem_shared>>
      tpu.enqueue_indirect_dma source(%dma_start3A_580 : memref<50000xf32, #tpu.memory_space<vmem_shared>>) target(%dma_start3A_575 : memref<128xf32, #tpu.memory_space<vmem>>) offsets(%dma_start3A_578 : memref<128xi32, #tpu.memory_space<vmem>>) semaphore(%arg26 : memref<!tpu.dma_semaphore, #tpu.memory_space<semaphore_mem>>)
      %dma_start3A_581 = arith.constant 1 : i32
      %dma_start3A_582 = arith.constant 1280 : i32
      %dma_start3A_583 = tpu.memref_slice %arg21[%dma_start3A_582] : memref<2048xf32, #tpu.memory_space<vmem>> -> memref<128xf32, #tpu.memory_space<vmem>>
      %dma_start3A_584 = arith.constant 1280 : i32
      %dma_start3A_585 = tpu.memref_slice %arg14[%dma_start3A_581, %dma_start3A_584] : memref<2x2048xi32, #tpu.memory_space<vmem>> -> memref<1x128xi32, #tpu.memory_space<vmem>>
      %dma_start3A_586 = tpu.memref_squeeze %dma_start3A_585 : memref<1x128xi32, #tpu.memory_space<vmem>> -> memref<128xi32, #tpu.memory_space<vmem>>
      %dma_start3A_587 = arith.constant 0 : i32
      %dma_start3A_588 = tpu.memref_slice %arg11[%dma_start3A_587] : memref<50000xf32, #tpu.memory_space<vmem_shared>> -> memref<50000xf32, #tpu.memory_space<vmem_shared>>
      tpu.enqueue_indirect_dma source(%dma_start3A_588 : memref<50000xf32, #tpu.memory_space<vmem_shared>>) target(%dma_start3A_583 : memref<128xf32, #tpu.memory_space<vmem>>) offsets(%dma_start3A_586 : memref<128xi32, #tpu.memory_space<vmem>>) semaphore(%arg27 : memref<!tpu.dma_semaphore, #tpu.memory_space<semaphore_mem>>)
      %dma_start3A_589 = arith.constant 1 : i32
      %dma_start3A_590 = arith.constant 1280 : i32
      %dma_start3A_591 = tpu.memref_slice %arg22[%dma_start3A_590] : memref<2048xf32, #tpu.memory_space<vmem>> -> memref<128xf32, #tpu.memory_space<vmem>>
      %dma_start3A_592 = arith.constant 1280 : i32
      %dma_start3A_593 = tpu.memref_slice %arg14[%dma_start3A_589, %dma_start3A_592] : memref<2x2048xi32, #tpu.memory_space<vmem>> -> memref<1x128xi32, #tpu.memory_space<vmem>>
      %dma_start3A_594 = tpu.memref_squeeze %dma_start3A_593 : memref<1x128xi32, #tpu.memory_space<vmem>> -> memref<128xi32, #tpu.memory_space<vmem>>
      %dma_start3A_595 = arith.constant 0 : i32
      %dma_start3A_596 = tpu.memref_slice %arg12[%dma_start3A_595] : memref<50000xf32, #tpu.memory_space<vmem_shared>> -> memref<50000xf32, #tpu.memory_space<vmem_shared>>
      tpu.enqueue_indirect_dma source(%dma_start3A_596 : memref<50000xf32, #tpu.memory_space<vmem_shared>>) target(%dma_start3A_591 : memref<128xf32, #tpu.memory_space<vmem>>) offsets(%dma_start3A_594 : memref<128xi32, #tpu.memory_space<vmem>>) semaphore(%arg27 : memref<!tpu.dma_semaphore, #tpu.memory_space<semaphore_mem>>)
      %dma_start3A_597 = arith.constant 1 : i32
      %dma_start3A_598 = arith.constant 1280 : i32
      %dma_start3A_599 = tpu.memref_slice %arg23[%dma_start3A_598] : memref<2048xf32, #tpu.memory_space<vmem>> -> memref<128xf32, #tpu.memory_space<vmem>>
      %dma_start3A_600 = arith.constant 1280 : i32
      %dma_start3A_601 = tpu.memref_slice %arg14[%dma_start3A_597, %dma_start3A_600] : memref<2x2048xi32, #tpu.memory_space<vmem>> -> memref<1x128xi32, #tpu.memory_space<vmem>>
      %dma_start3A_602 = tpu.memref_squeeze %dma_start3A_601 : memref<1x128xi32, #tpu.memory_space<vmem>> -> memref<128xi32, #tpu.memory_space<vmem>>
      %dma_start3A_603 = arith.constant 0 : i32
      %dma_start3A_604 = tpu.memref_slice %arg13[%dma_start3A_603] : memref<50000xf32, #tpu.memory_space<vmem_shared>> -> memref<50000xf32, #tpu.memory_space<vmem_shared>>
      tpu.enqueue_indirect_dma source(%dma_start3A_604 : memref<50000xf32, #tpu.memory_space<vmem_shared>>) target(%dma_start3A_599 : memref<128xf32, #tpu.memory_space<vmem>>) offsets(%dma_start3A_602 : memref<128xi32, #tpu.memory_space<vmem>>) semaphore(%arg27 : memref<!tpu.dma_semaphore, #tpu.memory_space<semaphore_mem>>)
      %dma_start3A_605 = arith.constant 0 : i32
      %dma_start3A_606 = arith.constant 1408 : i32
      %dma_start3A_607 = tpu.memref_slice %arg18[%dma_start3A_606] : memref<2048xf32, #tpu.memory_space<vmem>> -> memref<128xf32, #tpu.memory_space<vmem>>
      %dma_start3A_608 = arith.constant 1408 : i32
      %dma_start3A_609 = tpu.memref_slice %arg14[%dma_start3A_605, %dma_start3A_608] : memref<2x2048xi32, #tpu.memory_space<vmem>> -> memref<1x128xi32, #tpu.memory_space<vmem>>
      %dma_start3A_610 = tpu.memref_squeeze %dma_start3A_609 : memref<1x128xi32, #tpu.memory_space<vmem>> -> memref<128xi32, #tpu.memory_space<vmem>>
      %dma_start3A_611 = arith.constant 0 : i32
      %dma_start3A_612 = tpu.memref_slice %arg11[%dma_start3A_611] : memref<50000xf32, #tpu.memory_space<vmem_shared>> -> memref<50000xf32, #tpu.memory_space<vmem_shared>>
      tpu.enqueue_indirect_dma source(%dma_start3A_612 : memref<50000xf32, #tpu.memory_space<vmem_shared>>) target(%dma_start3A_607 : memref<128xf32, #tpu.memory_space<vmem>>) offsets(%dma_start3A_610 : memref<128xi32, #tpu.memory_space<vmem>>) semaphore(%arg26 : memref<!tpu.dma_semaphore, #tpu.memory_space<semaphore_mem>>)
      %dma_start3A_613 = arith.constant 0 : i32
      %dma_start3A_614 = arith.constant 1408 : i32
      %dma_start3A_615 = tpu.memref_slice %arg19[%dma_start3A_614] : memref<2048xf32, #tpu.memory_space<vmem>> -> memref<128xf32, #tpu.memory_space<vmem>>
      %dma_start3A_616 = arith.constant 1408 : i32
      %dma_start3A_617 = tpu.memref_slice %arg14[%dma_start3A_613, %dma_start3A_616] : memref<2x2048xi32, #tpu.memory_space<vmem>> -> memref<1x128xi32, #tpu.memory_space<vmem>>
      %dma_start3A_618 = tpu.memref_squeeze %dma_start3A_617 : memref<1x128xi32, #tpu.memory_space<vmem>> -> memref<128xi32, #tpu.memory_space<vmem>>
      %dma_start3A_619 = arith.constant 0 : i32
      %dma_start3A_620 = tpu.memref_slice %arg12[%dma_start3A_619] : memref<50000xf32, #tpu.memory_space<vmem_shared>> -> memref<50000xf32, #tpu.memory_space<vmem_shared>>
      tpu.enqueue_indirect_dma source(%dma_start3A_620 : memref<50000xf32, #tpu.memory_space<vmem_shared>>) target(%dma_start3A_615 : memref<128xf32, #tpu.memory_space<vmem>>) offsets(%dma_start3A_618 : memref<128xi32, #tpu.memory_space<vmem>>) semaphore(%arg26 : memref<!tpu.dma_semaphore, #tpu.memory_space<semaphore_mem>>)
      %dma_start3A_621 = arith.constant 0 : i32
      %dma_start3A_622 = arith.constant 1408 : i32
      %dma_start3A_623 = tpu.memref_slice %arg20[%dma_start3A_622] : memref<2048xf32, #tpu.memory_space<vmem>> -> memref<128xf32, #tpu.memory_space<vmem>>
      %dma_start3A_624 = arith.constant 1408 : i32
      %dma_start3A_625 = tpu.memref_slice %arg14[%dma_start3A_621, %dma_start3A_624] : memref<2x2048xi32, #tpu.memory_space<vmem>> -> memref<1x128xi32, #tpu.memory_space<vmem>>
      %dma_start3A_626 = tpu.memref_squeeze %dma_start3A_625 : memref<1x128xi32, #tpu.memory_space<vmem>> -> memref<128xi32, #tpu.memory_space<vmem>>
      %dma_start3A_627 = arith.constant 0 : i32
      %dma_start3A_628 = tpu.memref_slice %arg13[%dma_start3A_627] : memref<50000xf32, #tpu.memory_space<vmem_shared>> -> memref<50000xf32, #tpu.memory_space<vmem_shared>>
      tpu.enqueue_indirect_dma source(%dma_start3A_628 : memref<50000xf32, #tpu.memory_space<vmem_shared>>) target(%dma_start3A_623 : memref<128xf32, #tpu.memory_space<vmem>>) offsets(%dma_start3A_626 : memref<128xi32, #tpu.memory_space<vmem>>) semaphore(%arg26 : memref<!tpu.dma_semaphore, #tpu.memory_space<semaphore_mem>>)
      %dma_start3A_629 = arith.constant 1 : i32
      %dma_start3A_630 = arith.constant 1408 : i32
      %dma_start3A_631 = tpu.memref_slice %arg21[%dma_start3A_630] : memref<2048xf32, #tpu.memory_space<vmem>> -> memref<128xf32, #tpu.memory_space<vmem>>
      %dma_start3A_632 = arith.constant 1408 : i32
      %dma_start3A_633 = tpu.memref_slice %arg14[%dma_start3A_629, %dma_start3A_632] : memref<2x2048xi32, #tpu.memory_space<vmem>> -> memref<1x128xi32, #tpu.memory_space<vmem>>
      %dma_start3A_634 = tpu.memref_squeeze %dma_start3A_633 : memref<1x128xi32, #tpu.memory_space<vmem>> -> memref<128xi32, #tpu.memory_space<vmem>>
      %dma_start3A_635 = arith.constant 0 : i32
      %dma_start3A_636 = tpu.memref_slice %arg11[%dma_start3A_635] : memref<50000xf32, #tpu.memory_space<vmem_shared>> -> memref<50000xf32, #tpu.memory_space<vmem_shared>>
      tpu.enqueue_indirect_dma source(%dma_start3A_636 : memref<50000xf32, #tpu.memory_space<vmem_shared>>) target(%dma_start3A_631 : memref<128xf32, #tpu.memory_space<vmem>>) offsets(%dma_start3A_634 : memref<128xi32, #tpu.memory_space<vmem>>) semaphore(%arg27 : memref<!tpu.dma_semaphore, #tpu.memory_space<semaphore_mem>>)
      %dma_start3A_637 = arith.constant 1 : i32
      %dma_start3A_638 = arith.constant 1408 : i32
      %dma_start3A_639 = tpu.memref_slice %arg22[%dma_start3A_638] : memref<2048xf32, #tpu.memory_space<vmem>> -> memref<128xf32, #tpu.memory_space<vmem>>
      %dma_start3A_640 = arith.constant 1408 : i32
      %dma_start3A_641 = tpu.memref_slice %arg14[%dma_start3A_637, %dma_start3A_640] : memref<2x2048xi32, #tpu.memory_space<vmem>> -> memref<1x128xi32, #tpu.memory_space<vmem>>
      %dma_start3A_642 = tpu.memref_squeeze %dma_start3A_641 : memref<1x128xi32, #tpu.memory_space<vmem>> -> memref<128xi32, #tpu.memory_space<vmem>>
      %dma_start3A_643 = arith.constant 0 : i32
      %dma_start3A_644 = tpu.memref_slice %arg12[%dma_start3A_643] : memref<50000xf32, #tpu.memory_space<vmem_shared>> -> memref<50000xf32, #tpu.memory_space<vmem_shared>>
      tpu.enqueue_indirect_dma source(%dma_start3A_644 : memref<50000xf32, #tpu.memory_space<vmem_shared>>) target(%dma_start3A_639 : memref<128xf32, #tpu.memory_space<vmem>>) offsets(%dma_start3A_642 : memref<128xi32, #tpu.memory_space<vmem>>) semaphore(%arg27 : memref<!tpu.dma_semaphore, #tpu.memory_space<semaphore_mem>>)
      %dma_start3A_645 = arith.constant 1 : i32
      %dma_start3A_646 = arith.constant 1408 : i32
      %dma_start3A_647 = tpu.memref_slice %arg23[%dma_start3A_646] : memref<2048xf32, #tpu.memory_space<vmem>> -> memref<128xf32, #tpu.memory_space<vmem>>
      %dma_start3A_648 = arith.constant 1408 : i32
      %dma_start3A_649 = tpu.memref_slice %arg14[%dma_start3A_645, %dma_start3A_648] : memref<2x2048xi32, #tpu.memory_space<vmem>> -> memref<1x128xi32, #tpu.memory_space<vmem>>
      %dma_start3A_650 = tpu.memref_squeeze %dma_start3A_649 : memref<1x128xi32, #tpu.memory_space<vmem>> -> memref<128xi32, #tpu.memory_space<vmem>>
      %dma_start3A_651 = arith.constant 0 : i32
      %dma_start3A_652 = tpu.memref_slice %arg13[%dma_start3A_651] : memref<50000xf32, #tpu.memory_space<vmem_shared>> -> memref<50000xf32, #tpu.memory_space<vmem_shared>>
      tpu.enqueue_indirect_dma source(%dma_start3A_652 : memref<50000xf32, #tpu.memory_space<vmem_shared>>) target(%dma_start3A_647 : memref<128xf32, #tpu.memory_space<vmem>>) offsets(%dma_start3A_650 : memref<128xi32, #tpu.memory_space<vmem>>) semaphore(%arg27 : memref<!tpu.dma_semaphore, #tpu.memory_space<semaphore_mem>>)
      %dma_start3A_653 = arith.constant 0 : i32
      %dma_start3A_654 = arith.constant 1536 : i32
      %dma_start3A_655 = tpu.memref_slice %arg18[%dma_start3A_654] : memref<2048xf32, #tpu.memory_space<vmem>> -> memref<128xf32, #tpu.memory_space<vmem>>
      %dma_start3A_656 = arith.constant 1536 : i32
      %dma_start3A_657 = tpu.memref_slice %arg14[%dma_start3A_653, %dma_start3A_656] : memref<2x2048xi32, #tpu.memory_space<vmem>> -> memref<1x128xi32, #tpu.memory_space<vmem>>
      %dma_start3A_658 = tpu.memref_squeeze %dma_start3A_657 : memref<1x128xi32, #tpu.memory_space<vmem>> -> memref<128xi32, #tpu.memory_space<vmem>>
      %dma_start3A_659 = arith.constant 0 : i32
      %dma_start3A_660 = tpu.memref_slice %arg11[%dma_start3A_659] : memref<50000xf32, #tpu.memory_space<vmem_shared>> -> memref<50000xf32, #tpu.memory_space<vmem_shared>>
      tpu.enqueue_indirect_dma source(%dma_start3A_660 : memref<50000xf32, #tpu.memory_space<vmem_shared>>) target(%dma_start3A_655 : memref<128xf32, #tpu.memory_space<vmem>>) offsets(%dma_start3A_658 : memref<128xi32, #tpu.memory_space<vmem>>) semaphore(%arg26 : memref<!tpu.dma_semaphore, #tpu.memory_space<semaphore_mem>>)
      %dma_start3A_661 = arith.constant 0 : i32
      %dma_start3A_662 = arith.constant 1536 : i32
      %dma_start3A_663 = tpu.memref_slice %arg19[%dma_start3A_662] : memref<2048xf32, #tpu.memory_space<vmem>> -> memref<128xf32, #tpu.memory_space<vmem>>
      %dma_start3A_664 = arith.constant 1536 : i32
      %dma_start3A_665 = tpu.memref_slice %arg14[%dma_start3A_661, %dma_start3A_664] : memref<2x2048xi32, #tpu.memory_space<vmem>> -> memref<1x128xi32, #tpu.memory_space<vmem>>
      %dma_start3A_666 = tpu.memref_squeeze %dma_start3A_665 : memref<1x128xi32, #tpu.memory_space<vmem>> -> memref<128xi32, #tpu.memory_space<vmem>>
      %dma_start3A_667 = arith.constant 0 : i32
      %dma_start3A_668 = tpu.memref_slice %arg12[%dma_start3A_667] : memref<50000xf32, #tpu.memory_space<vmem_shared>> -> memref<50000xf32, #tpu.memory_space<vmem_shared>>
      tpu.enqueue_indirect_dma source(%dma_start3A_668 : memref<50000xf32, #tpu.memory_space<vmem_shared>>) target(%dma_start3A_663 : memref<128xf32, #tpu.memory_space<vmem>>) offsets(%dma_start3A_666 : memref<128xi32, #tpu.memory_space<vmem>>) semaphore(%arg26 : memref<!tpu.dma_semaphore, #tpu.memory_space<semaphore_mem>>)
      %dma_start3A_669 = arith.constant 0 : i32
      %dma_start3A_670 = arith.constant 1536 : i32
      %dma_start3A_671 = tpu.memref_slice %arg20[%dma_start3A_670] : memref<2048xf32, #tpu.memory_space<vmem>> -> memref<128xf32, #tpu.memory_space<vmem>>
      %dma_start3A_672 = arith.constant 1536 : i32
      %dma_start3A_673 = tpu.memref_slice %arg14[%dma_start3A_669, %dma_start3A_672] : memref<2x2048xi32, #tpu.memory_space<vmem>> -> memref<1x128xi32, #tpu.memory_space<vmem>>
      %dma_start3A_674 = tpu.memref_squeeze %dma_start3A_673 : memref<1x128xi32, #tpu.memory_space<vmem>> -> memref<128xi32, #tpu.memory_space<vmem>>
      %dma_start3A_675 = arith.constant 0 : i32
      %dma_start3A_676 = tpu.memref_slice %arg13[%dma_start3A_675] : memref<50000xf32, #tpu.memory_space<vmem_shared>> -> memref<50000xf32, #tpu.memory_space<vmem_shared>>
      tpu.enqueue_indirect_dma source(%dma_start3A_676 : memref<50000xf32, #tpu.memory_space<vmem_shared>>) target(%dma_start3A_671 : memref<128xf32, #tpu.memory_space<vmem>>) offsets(%dma_start3A_674 : memref<128xi32, #tpu.memory_space<vmem>>) semaphore(%arg26 : memref<!tpu.dma_semaphore, #tpu.memory_space<semaphore_mem>>)
      %dma_start3A_677 = arith.constant 1 : i32
      %dma_start3A_678 = arith.constant 1536 : i32
      %dma_start3A_679 = tpu.memref_slice %arg21[%dma_start3A_678] : memref<2048xf32, #tpu.memory_space<vmem>> -> memref<128xf32, #tpu.memory_space<vmem>>
      %dma_start3A_680 = arith.constant 1536 : i32
      %dma_start3A_681 = tpu.memref_slice %arg14[%dma_start3A_677, %dma_start3A_680] : memref<2x2048xi32, #tpu.memory_space<vmem>> -> memref<1x128xi32, #tpu.memory_space<vmem>>
      %dma_start3A_682 = tpu.memref_squeeze %dma_start3A_681 : memref<1x128xi32, #tpu.memory_space<vmem>> -> memref<128xi32, #tpu.memory_space<vmem>>
      %dma_start3A_683 = arith.constant 0 : i32
      %dma_start3A_684 = tpu.memref_slice %arg11[%dma_start3A_683] : memref<50000xf32, #tpu.memory_space<vmem_shared>> -> memref<50000xf32, #tpu.memory_space<vmem_shared>>
      tpu.enqueue_indirect_dma source(%dma_start3A_684 : memref<50000xf32, #tpu.memory_space<vmem_shared>>) target(%dma_start3A_679 : memref<128xf32, #tpu.memory_space<vmem>>) offsets(%dma_start3A_682 : memref<128xi32, #tpu.memory_space<vmem>>) semaphore(%arg27 : memref<!tpu.dma_semaphore, #tpu.memory_space<semaphore_mem>>)
      %dma_start3A_685 = arith.constant 1 : i32
      %dma_start3A_686 = arith.constant 1536 : i32
      %dma_start3A_687 = tpu.memref_slice %arg22[%dma_start3A_686] : memref<2048xf32, #tpu.memory_space<vmem>> -> memref<128xf32, #tpu.memory_space<vmem>>
      %dma_start3A_688 = arith.constant 1536 : i32
      %dma_start3A_689 = tpu.memref_slice %arg14[%dma_start3A_685, %dma_start3A_688] : memref<2x2048xi32, #tpu.memory_space<vmem>> -> memref<1x128xi32, #tpu.memory_space<vmem>>
      %dma_start3A_690 = tpu.memref_squeeze %dma_start3A_689 : memref<1x128xi32, #tpu.memory_space<vmem>> -> memref<128xi32, #tpu.memory_space<vmem>>
      %dma_start3A_691 = arith.constant 0 : i32
      %dma_start3A_692 = tpu.memref_slice %arg12[%dma_start3A_691] : memref<50000xf32, #tpu.memory_space<vmem_shared>> -> memref<50000xf32, #tpu.memory_space<vmem_shared>>
      tpu.enqueue_indirect_dma source(%dma_start3A_692 : memref<50000xf32, #tpu.memory_space<vmem_shared>>) target(%dma_start3A_687 : memref<128xf32, #tpu.memory_space<vmem>>) offsets(%dma_start3A_690 : memref<128xi32, #tpu.memory_space<vmem>>) semaphore(%arg27 : memref<!tpu.dma_semaphore, #tpu.memory_space<semaphore_mem>>)
      %dma_start3A_693 = arith.constant 1 : i32
      %dma_start3A_694 = arith.constant 1536 : i32
      %dma_start3A_695 = tpu.memref_slice %arg23[%dma_start3A_694] : memref<2048xf32, #tpu.memory_space<vmem>> -> memref<128xf32, #tpu.memory_space<vmem>>
      %dma_start3A_696 = arith.constant 1536 : i32
      %dma_start3A_697 = tpu.memref_slice %arg14[%dma_start3A_693, %dma_start3A_696] : memref<2x2048xi32, #tpu.memory_space<vmem>> -> memref<1x128xi32, #tpu.memory_space<vmem>>
      %dma_start3A_698 = tpu.memref_squeeze %dma_start3A_697 : memref<1x128xi32, #tpu.memory_space<vmem>> -> memref<128xi32, #tpu.memory_space<vmem>>
      %dma_start3A_699 = arith.constant 0 : i32
      %dma_start3A_700 = tpu.memref_slice %arg13[%dma_start3A_699] : memref<50000xf32, #tpu.memory_space<vmem_shared>> -> memref<50000xf32, #tpu.memory_space<vmem_shared>>
      tpu.enqueue_indirect_dma source(%dma_start3A_700 : memref<50000xf32, #tpu.memory_space<vmem_shared>>) target(%dma_start3A_695 : memref<128xf32, #tpu.memory_space<vmem>>) offsets(%dma_start3A_698 : memref<128xi32, #tpu.memory_space<vmem>>) semaphore(%arg27 : memref<!tpu.dma_semaphore, #tpu.memory_space<semaphore_mem>>)
      %dma_start3A_701 = arith.constant 0 : i32
      %dma_start3A_702 = arith.constant 1664 : i32
      %dma_start3A_703 = tpu.memref_slice %arg18[%dma_start3A_702] : memref<2048xf32, #tpu.memory_space<vmem>> -> memref<128xf32, #tpu.memory_space<vmem>>
      %dma_start3A_704 = arith.constant 1664 : i32
      %dma_start3A_705 = tpu.memref_slice %arg14[%dma_start3A_701, %dma_start3A_704] : memref<2x2048xi32, #tpu.memory_space<vmem>> -> memref<1x128xi32, #tpu.memory_space<vmem>>
      %dma_start3A_706 = tpu.memref_squeeze %dma_start3A_705 : memref<1x128xi32, #tpu.memory_space<vmem>> -> memref<128xi32, #tpu.memory_space<vmem>>
      %dma_start3A_707 = arith.constant 0 : i32
      %dma_start3A_708 = tpu.memref_slice %arg11[%dma_start3A_707] : memref<50000xf32, #tpu.memory_space<vmem_shared>> -> memref<50000xf32, #tpu.memory_space<vmem_shared>>
      tpu.enqueue_indirect_dma source(%dma_start3A_708 : memref<50000xf32, #tpu.memory_space<vmem_shared>>) target(%dma_start3A_703 : memref<128xf32, #tpu.memory_space<vmem>>) offsets(%dma_start3A_706 : memref<128xi32, #tpu.memory_space<vmem>>) semaphore(%arg26 : memref<!tpu.dma_semaphore, #tpu.memory_space<semaphore_mem>>)
      %dma_start3A_709 = arith.constant 0 : i32
      %dma_start3A_710 = arith.constant 1664 : i32
      %dma_start3A_711 = tpu.memref_slice %arg19[%dma_start3A_710] : memref<2048xf32, #tpu.memory_space<vmem>> -> memref<128xf32, #tpu.memory_space<vmem>>
      %dma_start3A_712 = arith.constant 1664 : i32
      %dma_start3A_713 = tpu.memref_slice %arg14[%dma_start3A_709, %dma_start3A_712] : memref<2x2048xi32, #tpu.memory_space<vmem>> -> memref<1x128xi32, #tpu.memory_space<vmem>>
      %dma_start3A_714 = tpu.memref_squeeze %dma_start3A_713 : memref<1x128xi32, #tpu.memory_space<vmem>> -> memref<128xi32, #tpu.memory_space<vmem>>
      %dma_start3A_715 = arith.constant 0 : i32
      %dma_start3A_716 = tpu.memref_slice %arg12[%dma_start3A_715] : memref<50000xf32, #tpu.memory_space<vmem_shared>> -> memref<50000xf32, #tpu.memory_space<vmem_shared>>
      tpu.enqueue_indirect_dma source(%dma_start3A_716 : memref<50000xf32, #tpu.memory_space<vmem_shared>>) target(%dma_start3A_711 : memref<128xf32, #tpu.memory_space<vmem>>) offsets(%dma_start3A_714 : memref<128xi32, #tpu.memory_space<vmem>>) semaphore(%arg26 : memref<!tpu.dma_semaphore, #tpu.memory_space<semaphore_mem>>)
      %dma_start3A_717 = arith.constant 0 : i32
      %dma_start3A_718 = arith.constant 1664 : i32
      %dma_start3A_719 = tpu.memref_slice %arg20[%dma_start3A_718] : memref<2048xf32, #tpu.memory_space<vmem>> -> memref<128xf32, #tpu.memory_space<vmem>>
      %dma_start3A_720 = arith.constant 1664 : i32
      %dma_start3A_721 = tpu.memref_slice %arg14[%dma_start3A_717, %dma_start3A_720] : memref<2x2048xi32, #tpu.memory_space<vmem>> -> memref<1x128xi32, #tpu.memory_space<vmem>>
      %dma_start3A_722 = tpu.memref_squeeze %dma_start3A_721 : memref<1x128xi32, #tpu.memory_space<vmem>> -> memref<128xi32, #tpu.memory_space<vmem>>
      %dma_start3A_723 = arith.constant 0 : i32
      %dma_start3A_724 = tpu.memref_slice %arg13[%dma_start3A_723] : memref<50000xf32, #tpu.memory_space<vmem_shared>> -> memref<50000xf32, #tpu.memory_space<vmem_shared>>
      tpu.enqueue_indirect_dma source(%dma_start3A_724 : memref<50000xf32, #tpu.memory_space<vmem_shared>>) target(%dma_start3A_719 : memref<128xf32, #tpu.memory_space<vmem>>) offsets(%dma_start3A_722 : memref<128xi32, #tpu.memory_space<vmem>>) semaphore(%arg26 : memref<!tpu.dma_semaphore, #tpu.memory_space<semaphore_mem>>)
      %dma_start3A_725 = arith.constant 1 : i32
      %dma_start3A_726 = arith.constant 1664 : i32
      %dma_start3A_727 = tpu.memref_slice %arg21[%dma_start3A_726] : memref<2048xf32, #tpu.memory_space<vmem>> -> memref<128xf32, #tpu.memory_space<vmem>>
      %dma_start3A_728 = arith.constant 1664 : i32
      %dma_start3A_729 = tpu.memref_slice %arg14[%dma_start3A_725, %dma_start3A_728] : memref<2x2048xi32, #tpu.memory_space<vmem>> -> memref<1x128xi32, #tpu.memory_space<vmem>>
      %dma_start3A_730 = tpu.memref_squeeze %dma_start3A_729 : memref<1x128xi32, #tpu.memory_space<vmem>> -> memref<128xi32, #tpu.memory_space<vmem>>
      %dma_start3A_731 = arith.constant 0 : i32
      %dma_start3A_732 = tpu.memref_slice %arg11[%dma_start3A_731] : memref<50000xf32, #tpu.memory_space<vmem_shared>> -> memref<50000xf32, #tpu.memory_space<vmem_shared>>
      tpu.enqueue_indirect_dma source(%dma_start3A_732 : memref<50000xf32, #tpu.memory_space<vmem_shared>>) target(%dma_start3A_727 : memref<128xf32, #tpu.memory_space<vmem>>) offsets(%dma_start3A_730 : memref<128xi32, #tpu.memory_space<vmem>>) semaphore(%arg27 : memref<!tpu.dma_semaphore, #tpu.memory_space<semaphore_mem>>)
      %dma_start3A_733 = arith.constant 1 : i32
      %dma_start3A_734 = arith.constant 1664 : i32
      %dma_start3A_735 = tpu.memref_slice %arg22[%dma_start3A_734] : memref<2048xf32, #tpu.memory_space<vmem>> -> memref<128xf32, #tpu.memory_space<vmem>>
      %dma_start3A_736 = arith.constant 1664 : i32
      %dma_start3A_737 = tpu.memref_slice %arg14[%dma_start3A_733, %dma_start3A_736] : memref<2x2048xi32, #tpu.memory_space<vmem>> -> memref<1x128xi32, #tpu.memory_space<vmem>>
      %dma_start3A_738 = tpu.memref_squeeze %dma_start3A_737 : memref<1x128xi32, #tpu.memory_space<vmem>> -> memref<128xi32, #tpu.memory_space<vmem>>
      %dma_start3A_739 = arith.constant 0 : i32
      %dma_start3A_740 = tpu.memref_slice %arg12[%dma_start3A_739] : memref<50000xf32, #tpu.memory_space<vmem_shared>> -> memref<50000xf32, #tpu.memory_space<vmem_shared>>
      tpu.enqueue_indirect_dma source(%dma_start3A_740 : memref<50000xf32, #tpu.memory_space<vmem_shared>>) target(%dma_start3A_735 : memref<128xf32, #tpu.memory_space<vmem>>) offsets(%dma_start3A_738 : memref<128xi32, #tpu.memory_space<vmem>>) semaphore(%arg27 : memref<!tpu.dma_semaphore, #tpu.memory_space<semaphore_mem>>)
      %dma_start3A_741 = arith.constant 1 : i32
      %dma_start3A_742 = arith.constant 1664 : i32
      %dma_start3A_743 = tpu.memref_slice %arg23[%dma_start3A_742] : memref<2048xf32, #tpu.memory_space<vmem>> -> memref<128xf32, #tpu.memory_space<vmem>>
      %dma_start3A_744 = arith.constant 1664 : i32
      %dma_start3A_745 = tpu.memref_slice %arg14[%dma_start3A_741, %dma_start3A_744] : memref<2x2048xi32, #tpu.memory_space<vmem>> -> memref<1x128xi32, #tpu.memory_space<vmem>>
      %dma_start3A_746 = tpu.memref_squeeze %dma_start3A_745 : memref<1x128xi32, #tpu.memory_space<vmem>> -> memref<128xi32, #tpu.memory_space<vmem>>
      %dma_start3A_747 = arith.constant 0 : i32
      %dma_start3A_748 = tpu.memref_slice %arg13[%dma_start3A_747] : memref<50000xf32, #tpu.memory_space<vmem_shared>> -> memref<50000xf32, #tpu.memory_space<vmem_shared>>
      tpu.enqueue_indirect_dma source(%dma_start3A_748 : memref<50000xf32, #tpu.memory_space<vmem_shared>>) target(%dma_start3A_743 : memref<128xf32, #tpu.memory_space<vmem>>) offsets(%dma_start3A_746 : memref<128xi32, #tpu.memory_space<vmem>>) semaphore(%arg27 : memref<!tpu.dma_semaphore, #tpu.memory_space<semaphore_mem>>)
      %dma_start3A_749 = arith.constant 0 : i32
      %dma_start3A_750 = arith.constant 1792 : i32
      %dma_start3A_751 = tpu.memref_slice %arg18[%dma_start3A_750] : memref<2048xf32, #tpu.memory_space<vmem>> -> memref<128xf32, #tpu.memory_space<vmem>>
      %dma_start3A_752 = arith.constant 1792 : i32
      %dma_start3A_753 = tpu.memref_slice %arg14[%dma_start3A_749, %dma_start3A_752] : memref<2x2048xi32, #tpu.memory_space<vmem>> -> memref<1x128xi32, #tpu.memory_space<vmem>>
      %dma_start3A_754 = tpu.memref_squeeze %dma_start3A_753 : memref<1x128xi32, #tpu.memory_space<vmem>> -> memref<128xi32, #tpu.memory_space<vmem>>
      %dma_start3A_755 = arith.constant 0 : i32
      %dma_start3A_756 = tpu.memref_slice %arg11[%dma_start3A_755] : memref<50000xf32, #tpu.memory_space<vmem_shared>> -> memref<50000xf32, #tpu.memory_space<vmem_shared>>
      tpu.enqueue_indirect_dma source(%dma_start3A_756 : memref<50000xf32, #tpu.memory_space<vmem_shared>>) target(%dma_start3A_751 : memref<128xf32, #tpu.memory_space<vmem>>) offsets(%dma_start3A_754 : memref<128xi32, #tpu.memory_space<vmem>>) semaphore(%arg26 : memref<!tpu.dma_semaphore, #tpu.memory_space<semaphore_mem>>)
      %dma_start3A_757 = arith.constant 0 : i32
      %dma_start3A_758 = arith.constant 1792 : i32
      %dma_start3A_759 = tpu.memref_slice %arg19[%dma_start3A_758] : memref<2048xf32, #tpu.memory_space<vmem>> -> memref<128xf32, #tpu.memory_space<vmem>>
      %dma_start3A_760 = arith.constant 1792 : i32
      %dma_start3A_761 = tpu.memref_slice %arg14[%dma_start3A_757, %dma_start3A_760] : memref<2x2048xi32, #tpu.memory_space<vmem>> -> memref<1x128xi32, #tpu.memory_space<vmem>>
      %dma_start3A_762 = tpu.memref_squeeze %dma_start3A_761 : memref<1x128xi32, #tpu.memory_space<vmem>> -> memref<128xi32, #tpu.memory_space<vmem>>
      %dma_start3A_763 = arith.constant 0 : i32
      %dma_start3A_764 = tpu.memref_slice %arg12[%dma_start3A_763] : memref<50000xf32, #tpu.memory_space<vmem_shared>> -> memref<50000xf32, #tpu.memory_space<vmem_shared>>
      tpu.enqueue_indirect_dma source(%dma_start3A_764 : memref<50000xf32, #tpu.memory_space<vmem_shared>>) target(%dma_start3A_759 : memref<128xf32, #tpu.memory_space<vmem>>) offsets(%dma_start3A_762 : memref<128xi32, #tpu.memory_space<vmem>>) semaphore(%arg26 : memref<!tpu.dma_semaphore, #tpu.memory_space<semaphore_mem>>)
      %dma_start3A_765 = arith.constant 0 : i32
      %dma_start3A_766 = arith.constant 1792 : i32
      %dma_start3A_767 = tpu.memref_slice %arg20[%dma_start3A_766] : memref<2048xf32, #tpu.memory_space<vmem>> -> memref<128xf32, #tpu.memory_space<vmem>>
      %dma_start3A_768 = arith.constant 1792 : i32
      %dma_start3A_769 = tpu.memref_slice %arg14[%dma_start3A_765, %dma_start3A_768] : memref<2x2048xi32, #tpu.memory_space<vmem>> -> memref<1x128xi32, #tpu.memory_space<vmem>>
      %dma_start3A_770 = tpu.memref_squeeze %dma_start3A_769 : memref<1x128xi32, #tpu.memory_space<vmem>> -> memref<128xi32, #tpu.memory_space<vmem>>
      %dma_start3A_771 = arith.constant 0 : i32
      %dma_start3A_772 = tpu.memref_slice %arg13[%dma_start3A_771] : memref<50000xf32, #tpu.memory_space<vmem_shared>> -> memref<50000xf32, #tpu.memory_space<vmem_shared>>
      tpu.enqueue_indirect_dma source(%dma_start3A_772 : memref<50000xf32, #tpu.memory_space<vmem_shared>>) target(%dma_start3A_767 : memref<128xf32, #tpu.memory_space<vmem>>) offsets(%dma_start3A_770 : memref<128xi32, #tpu.memory_space<vmem>>) semaphore(%arg26 : memref<!tpu.dma_semaphore, #tpu.memory_space<semaphore_mem>>)
      %dma_start3A_773 = arith.constant 1 : i32
      %dma_start3A_774 = arith.constant 1792 : i32
      %dma_start3A_775 = tpu.memref_slice %arg21[%dma_start3A_774] : memref<2048xf32, #tpu.memory_space<vmem>> -> memref<128xf32, #tpu.memory_space<vmem>>
      %dma_start3A_776 = arith.constant 1792 : i32
      %dma_start3A_777 = tpu.memref_slice %arg14[%dma_start3A_773, %dma_start3A_776] : memref<2x2048xi32, #tpu.memory_space<vmem>> -> memref<1x128xi32, #tpu.memory_space<vmem>>
      %dma_start3A_778 = tpu.memref_squeeze %dma_start3A_777 : memref<1x128xi32, #tpu.memory_space<vmem>> -> memref<128xi32, #tpu.memory_space<vmem>>
      %dma_start3A_779 = arith.constant 0 : i32
      %dma_start3A_780 = tpu.memref_slice %arg11[%dma_start3A_779] : memref<50000xf32, #tpu.memory_space<vmem_shared>> -> memref<50000xf32, #tpu.memory_space<vmem_shared>>
      tpu.enqueue_indirect_dma source(%dma_start3A_780 : memref<50000xf32, #tpu.memory_space<vmem_shared>>) target(%dma_start3A_775 : memref<128xf32, #tpu.memory_space<vmem>>) offsets(%dma_start3A_778 : memref<128xi32, #tpu.memory_space<vmem>>) semaphore(%arg27 : memref<!tpu.dma_semaphore, #tpu.memory_space<semaphore_mem>>)
      %dma_start3A_781 = arith.constant 1 : i32
      %dma_start3A_782 = arith.constant 1792 : i32
      %dma_start3A_783 = tpu.memref_slice %arg22[%dma_start3A_782] : memref<2048xf32, #tpu.memory_space<vmem>> -> memref<128xf32, #tpu.memory_space<vmem>>
      %dma_start3A_784 = arith.constant 1792 : i32
      %dma_start3A_785 = tpu.memref_slice %arg14[%dma_start3A_781, %dma_start3A_784] : memref<2x2048xi32, #tpu.memory_space<vmem>> -> memref<1x128xi32, #tpu.memory_space<vmem>>
      %dma_start3A_786 = tpu.memref_squeeze %dma_start3A_785 : memref<1x128xi32, #tpu.memory_space<vmem>> -> memref<128xi32, #tpu.memory_space<vmem>>
      %dma_start3A_787 = arith.constant 0 : i32
      %dma_start3A_788 = tpu.memref_slice %arg12[%dma_start3A_787] : memref<50000xf32, #tpu.memory_space<vmem_shared>> -> memref<50000xf32, #tpu.memory_space<vmem_shared>>
      tpu.enqueue_indirect_dma source(%dma_start3A_788 : memref<50000xf32, #tpu.memory_space<vmem_shared>>) target(%dma_start3A_783 : memref<128xf32, #tpu.memory_space<vmem>>) offsets(%dma_start3A_786 : memref<128xi32, #tpu.memory_space<vmem>>) semaphore(%arg27 : memref<!tpu.dma_semaphore, #tpu.memory_space<semaphore_mem>>)
      %dma_start3A_789 = arith.constant 1 : i32
      %dma_start3A_790 = arith.constant 1792 : i32
      %dma_start3A_791 = tpu.memref_slice %arg23[%dma_start3A_790] : memref<2048xf32, #tpu.memory_space<vmem>> -> memref<128xf32, #tpu.memory_space<vmem>>
      %dma_start3A_792 = arith.constant 1792 : i32
      %dma_start3A_793 = tpu.memref_slice %arg14[%dma_start3A_789, %dma_start3A_792] : memref<2x2048xi32, #tpu.memory_space<vmem>> -> memref<1x128xi32, #tpu.memory_space<vmem>>
      %dma_start3A_794 = tpu.memref_squeeze %dma_start3A_793 : memref<1x128xi32, #tpu.memory_space<vmem>> -> memref<128xi32, #tpu.memory_space<vmem>>
      %dma_start3A_795 = arith.constant 0 : i32
      %dma_start3A_796 = tpu.memref_slice %arg13[%dma_start3A_795] : memref<50000xf32, #tpu.memory_space<vmem_shared>> -> memref<50000xf32, #tpu.memory_space<vmem_shared>>
      tpu.enqueue_indirect_dma source(%dma_start3A_796 : memref<50000xf32, #tpu.memory_space<vmem_shared>>) target(%dma_start3A_791 : memref<128xf32, #tpu.memory_space<vmem>>) offsets(%dma_start3A_794 : memref<128xi32, #tpu.memory_space<vmem>>) semaphore(%arg27 : memref<!tpu.dma_semaphore, #tpu.memory_space<semaphore_mem>>)
      %dma_start3A_797 = arith.constant 0 : i32
      %dma_start3A_798 = arith.constant 1920 : i32
      %dma_start3A_799 = tpu.memref_slice %arg18[%dma_start3A_798] : memref<2048xf32, #tpu.memory_space<vmem>> -> memref<128xf32, #tpu.memory_space<vmem>>
      %dma_start3A_800 = arith.constant 1920 : i32
      %dma_start3A_801 = tpu.memref_slice %arg14[%dma_start3A_797, %dma_start3A_800] : memref<2x2048xi32, #tpu.memory_space<vmem>> -> memref<1x128xi32, #tpu.memory_space<vmem>>
      %dma_start3A_802 = tpu.memref_squeeze %dma_start3A_801 : memref<1x128xi32, #tpu.memory_space<vmem>> -> memref<128xi32, #tpu.memory_space<vmem>>
      %dma_start3A_803 = arith.constant 0 : i32
      %dma_start3A_804 = tpu.memref_slice %arg11[%dma_start3A_803] : memref<50000xf32, #tpu.memory_space<vmem_shared>> -> memref<50000xf32, #tpu.memory_space<vmem_shared>>
      tpu.enqueue_indirect_dma source(%dma_start3A_804 : memref<50000xf32, #tpu.memory_space<vmem_shared>>) target(%dma_start3A_799 : memref<128xf32, #tpu.memory_space<vmem>>) offsets(%dma_start3A_802 : memref<128xi32, #tpu.memory_space<vmem>>) semaphore(%arg26 : memref<!tpu.dma_semaphore, #tpu.memory_space<semaphore_mem>>)
      %dma_start3A_805 = arith.constant 0 : i32
      %dma_start3A_806 = arith.constant 1920 : i32
      %dma_start3A_807 = tpu.memref_slice %arg19[%dma_start3A_806] : memref<2048xf32, #tpu.memory_space<vmem>> -> memref<128xf32, #tpu.memory_space<vmem>>
      %dma_start3A_808 = arith.constant 1920 : i32
      %dma_start3A_809 = tpu.memref_slice %arg14[%dma_start3A_805, %dma_start3A_808] : memref<2x2048xi32, #tpu.memory_space<vmem>> -> memref<1x128xi32, #tpu.memory_space<vmem>>
      %dma_start3A_810 = tpu.memref_squeeze %dma_start3A_809 : memref<1x128xi32, #tpu.memory_space<vmem>> -> memref<128xi32, #tpu.memory_space<vmem>>
      %dma_start3A_811 = arith.constant 0 : i32
      %dma_start3A_812 = tpu.memref_slice %arg12[%dma_start3A_811] : memref<50000xf32, #tpu.memory_space<vmem_shared>> -> memref<50000xf32, #tpu.memory_space<vmem_shared>>
      tpu.enqueue_indirect_dma source(%dma_start3A_812 : memref<50000xf32, #tpu.memory_space<vmem_shared>>) target(%dma_start3A_807 : memref<128xf32, #tpu.memory_space<vmem>>) offsets(%dma_start3A_810 : memref<128xi32, #tpu.memory_space<vmem>>) semaphore(%arg26 : memref<!tpu.dma_semaphore, #tpu.memory_space<semaphore_mem>>)
      %dma_start3A_813 = arith.constant 0 : i32
      %dma_start3A_814 = arith.constant 1920 : i32
      %dma_start3A_815 = tpu.memref_slice %arg20[%dma_start3A_814] : memref<2048xf32, #tpu.memory_space<vmem>> -> memref<128xf32, #tpu.memory_space<vmem>>
      %dma_start3A_816 = arith.constant 1920 : i32
      %dma_start3A_817 = tpu.memref_slice %arg14[%dma_start3A_813, %dma_start3A_816] : memref<2x2048xi32, #tpu.memory_space<vmem>> -> memref<1x128xi32, #tpu.memory_space<vmem>>
      %dma_start3A_818 = tpu.memref_squeeze %dma_start3A_817 : memref<1x128xi32, #tpu.memory_space<vmem>> -> memref<128xi32, #tpu.memory_space<vmem>>
      %dma_start3A_819 = arith.constant 0 : i32
      %dma_start3A_820 = tpu.memref_slice %arg13[%dma_start3A_819] : memref<50000xf32, #tpu.memory_space<vmem_shared>> -> memref<50000xf32, #tpu.memory_space<vmem_shared>>
      tpu.enqueue_indirect_dma source(%dma_start3A_820 : memref<50000xf32, #tpu.memory_space<vmem_shared>>) target(%dma_start3A_815 : memref<128xf32, #tpu.memory_space<vmem>>) offsets(%dma_start3A_818 : memref<128xi32, #tpu.memory_space<vmem>>) semaphore(%arg26 : memref<!tpu.dma_semaphore, #tpu.memory_space<semaphore_mem>>)
      %dma_start3A_821 = arith.constant 1 : i32
      %dma_start3A_822 = arith.constant 1920 : i32
      %dma_start3A_823 = tpu.memref_slice %arg21[%dma_start3A_822] : memref<2048xf32, #tpu.memory_space<vmem>> -> memref<128xf32, #tpu.memory_space<vmem>>
      %dma_start3A_824 = arith.constant 1920 : i32
      %dma_start3A_825 = tpu.memref_slice %arg14[%dma_start3A_821, %dma_start3A_824] : memref<2x2048xi32, #tpu.memory_space<vmem>> -> memref<1x128xi32, #tpu.memory_space<vmem>>
      %dma_start3A_826 = tpu.memref_squeeze %dma_start3A_825 : memref<1x128xi32, #tpu.memory_space<vmem>> -> memref<128xi32, #tpu.memory_space<vmem>>
      %dma_start3A_827 = arith.constant 0 : i32
      %dma_start3A_828 = tpu.memref_slice %arg11[%dma_start3A_827] : memref<50000xf32, #tpu.memory_space<vmem_shared>> -> memref<50000xf32, #tpu.memory_space<vmem_shared>>
      tpu.enqueue_indirect_dma source(%dma_start3A_828 : memref<50000xf32, #tpu.memory_space<vmem_shared>>) target(%dma_start3A_823 : memref<128xf32, #tpu.memory_space<vmem>>) offsets(%dma_start3A_826 : memref<128xi32, #tpu.memory_space<vmem>>) semaphore(%arg27 : memref<!tpu.dma_semaphore, #tpu.memory_space<semaphore_mem>>)
      %dma_start3A_829 = arith.constant 1 : i32
      %dma_start3A_830 = arith.constant 1920 : i32
      %dma_start3A_831 = tpu.memref_slice %arg22[%dma_start3A_830] : memref<2048xf32, #tpu.memory_space<vmem>> -> memref<128xf32, #tpu.memory_space<vmem>>
      %dma_start3A_832 = arith.constant 1920 : i32
      %dma_start3A_833 = tpu.memref_slice %arg14[%dma_start3A_829, %dma_start3A_832] : memref<2x2048xi32, #tpu.memory_space<vmem>> -> memref<1x128xi32, #tpu.memory_space<vmem>>
      %dma_start3A_834 = tpu.memref_squeeze %dma_start3A_833 : memref<1x128xi32, #tpu.memory_space<vmem>> -> memref<128xi32, #tpu.memory_space<vmem>>
      %dma_start3A_835 = arith.constant 0 : i32
      %dma_start3A_836 = tpu.memref_slice %arg12[%dma_start3A_835] : memref<50000xf32, #tpu.memory_space<vmem_shared>> -> memref<50000xf32, #tpu.memory_space<vmem_shared>>
      tpu.enqueue_indirect_dma source(%dma_start3A_836 : memref<50000xf32, #tpu.memory_space<vmem_shared>>) target(%dma_start3A_831 : memref<128xf32, #tpu.memory_space<vmem>>) offsets(%dma_start3A_834 : memref<128xi32, #tpu.memory_space<vmem>>) semaphore(%arg27 : memref<!tpu.dma_semaphore, #tpu.memory_space<semaphore_mem>>)
      %dma_start3A_837 = arith.constant 1 : i32
      %dma_start3A_838 = arith.constant 1920 : i32
      %dma_start3A_839 = tpu.memref_slice %arg23[%dma_start3A_838] : memref<2048xf32, #tpu.memory_space<vmem>> -> memref<128xf32, #tpu.memory_space<vmem>>
      %dma_start3A_840 = arith.constant 1920 : i32
      %dma_start3A_841 = tpu.memref_slice %arg14[%dma_start3A_837, %dma_start3A_840] : memref<2x2048xi32, #tpu.memory_space<vmem>> -> memref<1x128xi32, #tpu.memory_space<vmem>>
      %dma_start3A_842 = tpu.memref_squeeze %dma_start3A_841 : memref<1x128xi32, #tpu.memory_space<vmem>> -> memref<128xi32, #tpu.memory_space<vmem>>
      %dma_start3A_843 = arith.constant 0 : i32
      %dma_start3A_844 = tpu.memref_slice %arg13[%dma_start3A_843] : memref<50000xf32, #tpu.memory_space<vmem_shared>> -> memref<50000xf32, #tpu.memory_space<vmem_shared>>
      tpu.enqueue_indirect_dma source(%dma_start3A_844 : memref<50000xf32, #tpu.memory_space<vmem_shared>>) target(%dma_start3A_839 : memref<128xf32, #tpu.memory_space<vmem>>) offsets(%dma_start3A_842 : memref<128xi32, #tpu.memory_space<vmem>>) semaphore(%arg27 : memref<!tpu.dma_semaphore, #tpu.memory_space<semaphore_mem>>)
      %dma_wait3A_845 = tpu.memref_slice %arg6[%multiple_of3A] : memref<1600000xf32, #tpu.memory_space<hbm>> -> memref<2048xf32, #tpu.memory_space<hbm>>
      %dma_wait3A_846 = tpu.memref_slice %arg6[%multiple_of3A] : memref<1600000xf32, #tpu.memory_space<hbm>> -> memref<2048xf32, #tpu.memory_space<hbm>>
      tpu.wait_dma2 semaphore(%arg29 : memref<!tpu.dma_semaphore, #tpu.memory_space<semaphore_mem>>) src(%dma_wait3A_846 : memref<2048xf32, #tpu.memory_space<hbm>>) dst(%arg15 : memref<2048xf32, #tpu.memory_space<vmem>>)
      %dma_wait3A_847 = tpu.memref_slice %arg7[%multiple_of3A] : memref<1600000xf32, #tpu.memory_space<hbm>> -> memref<2048xf32, #tpu.memory_space<hbm>>
      %dma_wait3A_848 = tpu.memref_slice %arg7[%multiple_of3A] : memref<1600000xf32, #tpu.memory_space<hbm>> -> memref<2048xf32, #tpu.memory_space<hbm>>
      tpu.wait_dma2 semaphore(%arg29 : memref<!tpu.dma_semaphore, #tpu.memory_space<semaphore_mem>>) src(%dma_wait3A_848 : memref<2048xf32, #tpu.memory_space<hbm>>) dst(%arg16 : memref<2048xf32, #tpu.memory_space<vmem>>)
      %dma_wait3A_849 = tpu.memref_slice %arg8[%multiple_of3A] : memref<1600000xf32, #tpu.memory_space<hbm>> -> memref<2048xf32, #tpu.memory_space<hbm>>
      %dma_wait3A_850 = tpu.memref_slice %arg8[%multiple_of3A] : memref<1600000xf32, #tpu.memory_space<hbm>> -> memref<2048xf32, #tpu.memory_space<hbm>>
      tpu.wait_dma2 semaphore(%arg29 : memref<!tpu.dma_semaphore, #tpu.memory_space<semaphore_mem>>) src(%dma_wait3A_850 : memref<2048xf32, #tpu.memory_space<hbm>>) dst(%arg17 : memref<2048xf32, #tpu.memory_space<vmem>>)
      %dma_wait3A_851 = arith.constant 0 : i32
      %dma_wait3A_852 = arith.constant 0 : i32
      %dma_wait3A_853 = tpu.memref_slice %arg18[%dma_wait3A_852] : memref<2048xf32, #tpu.memory_space<vmem>> -> memref<128xf32, #tpu.memory_space<vmem>>
      %dma_wait3A_854 = arith.constant 0 : i32
      %dma_wait3A_855 = tpu.memref_slice %arg14[%dma_wait3A_851, %dma_wait3A_854] : memref<2x2048xi32, #tpu.memory_space<vmem>> -> memref<1x128xi32, #tpu.memory_space<vmem>>
      %dma_wait3A_856 = tpu.memref_squeeze %dma_wait3A_855 : memref<1x128xi32, #tpu.memory_space<vmem>> -> memref<128xi32, #tpu.memory_space<vmem>>
      %dma_wait3A_857 = arith.constant 0 : i32
      %dma_wait3A_858 = tpu.memref_slice %arg11[%dma_wait3A_857] : memref<50000xf32, #tpu.memory_space<vmem_shared>> -> memref<50000xf32, #tpu.memory_space<vmem_shared>>
      tpu.wait_indirect_dma semaphore(%arg26 : memref<!tpu.dma_semaphore, #tpu.memory_space<semaphore_mem>>) src(%dma_wait3A_858 : memref<50000xf32, #tpu.memory_space<vmem_shared>>) dst(%dma_wait3A_853 : memref<128xf32, #tpu.memory_space<vmem>>)
      %dma_wait3A_859 = arith.constant 0 : i32
      %dma_wait3A_860 = arith.constant 0 : i32
      %dma_wait3A_861 = tpu.memref_slice %arg19[%dma_wait3A_860] : memref<2048xf32, #tpu.memory_space<vmem>> -> memref<128xf32, #tpu.memory_space<vmem>>
      %dma_wait3A_862 = arith.constant 0 : i32
      %dma_wait3A_863 = tpu.memref_slice %arg14[%dma_wait3A_859, %dma_wait3A_862] : memref<2x2048xi32, #tpu.memory_space<vmem>> -> memref<1x128xi32, #tpu.memory_space<vmem>>
      %dma_wait3A_864 = tpu.memref_squeeze %dma_wait3A_863 : memref<1x128xi32, #tpu.memory_space<vmem>> -> memref<128xi32, #tpu.memory_space<vmem>>
      %dma_wait3A_865 = arith.constant 0 : i32
      %dma_wait3A_866 = tpu.memref_slice %arg12[%dma_wait3A_865] : memref<50000xf32, #tpu.memory_space<vmem_shared>> -> memref<50000xf32, #tpu.memory_space<vmem_shared>>
      tpu.wait_indirect_dma semaphore(%arg26 : memref<!tpu.dma_semaphore, #tpu.memory_space<semaphore_mem>>) src(%dma_wait3A_866 : memref<50000xf32, #tpu.memory_space<vmem_shared>>) dst(%dma_wait3A_861 : memref<128xf32, #tpu.memory_space<vmem>>)
      %dma_wait3A_867 = arith.constant 0 : i32
      %dma_wait3A_868 = arith.constant 0 : i32
      %dma_wait3A_869 = tpu.memref_slice %arg20[%dma_wait3A_868] : memref<2048xf32, #tpu.memory_space<vmem>> -> memref<128xf32, #tpu.memory_space<vmem>>
      %dma_wait3A_870 = arith.constant 0 : i32
      %dma_wait3A_871 = tpu.memref_slice %arg14[%dma_wait3A_867, %dma_wait3A_870] : memref<2x2048xi32, #tpu.memory_space<vmem>> -> memref<1x128xi32, #tpu.memory_space<vmem>>
      %dma_wait3A_872 = tpu.memref_squeeze %dma_wait3A_871 : memref<1x128xi32, #tpu.memory_space<vmem>> -> memref<128xi32, #tpu.memory_space<vmem>>
      %dma_wait3A_873 = arith.constant 0 : i32
      %dma_wait3A_874 = tpu.memref_slice %arg13[%dma_wait3A_873] : memref<50000xf32, #tpu.memory_space<vmem_shared>> -> memref<50000xf32, #tpu.memory_space<vmem_shared>>
      tpu.wait_indirect_dma semaphore(%arg26 : memref<!tpu.dma_semaphore, #tpu.memory_space<semaphore_mem>>) src(%dma_wait3A_874 : memref<50000xf32, #tpu.memory_space<vmem_shared>>) dst(%dma_wait3A_869 : memref<128xf32, #tpu.memory_space<vmem>>)
      %dma_wait3A_875 = arith.constant 1 : i32
      %dma_wait3A_876 = arith.constant 0 : i32
      %dma_wait3A_877 = tpu.memref_slice %arg21[%dma_wait3A_876] : memref<2048xf32, #tpu.memory_space<vmem>> -> memref<128xf32, #tpu.memory_space<vmem>>
      %dma_wait3A_878 = arith.constant 0 : i32
      %dma_wait3A_879 = tpu.memref_slice %arg14[%dma_wait3A_875, %dma_wait3A_878] : memref<2x2048xi32, #tpu.memory_space<vmem>> -> memref<1x128xi32, #tpu.memory_space<vmem>>
      %dma_wait3A_880 = tpu.memref_squeeze %dma_wait3A_879 : memref<1x128xi32, #tpu.memory_space<vmem>> -> memref<128xi32, #tpu.memory_space<vmem>>
      %dma_wait3A_881 = arith.constant 0 : i32
      %dma_wait3A_882 = tpu.memref_slice %arg11[%dma_wait3A_881] : memref<50000xf32, #tpu.memory_space<vmem_shared>> -> memref<50000xf32, #tpu.memory_space<vmem_shared>>
      tpu.wait_indirect_dma semaphore(%arg27 : memref<!tpu.dma_semaphore, #tpu.memory_space<semaphore_mem>>) src(%dma_wait3A_882 : memref<50000xf32, #tpu.memory_space<vmem_shared>>) dst(%dma_wait3A_877 : memref<128xf32, #tpu.memory_space<vmem>>)
      %dma_wait3A_883 = arith.constant 1 : i32
      %dma_wait3A_884 = arith.constant 0 : i32
      %dma_wait3A_885 = tpu.memref_slice %arg22[%dma_wait3A_884] : memref<2048xf32, #tpu.memory_space<vmem>> -> memref<128xf32, #tpu.memory_space<vmem>>
      %dma_wait3A_886 = arith.constant 0 : i32
      %dma_wait3A_887 = tpu.memref_slice %arg14[%dma_wait3A_883, %dma_wait3A_886] : memref<2x2048xi32, #tpu.memory_space<vmem>> -> memref<1x128xi32, #tpu.memory_space<vmem>>
      %dma_wait3A_888 = tpu.memref_squeeze %dma_wait3A_887 : memref<1x128xi32, #tpu.memory_space<vmem>> -> memref<128xi32, #tpu.memory_space<vmem>>
      %dma_wait3A_889 = arith.constant 0 : i32
      %dma_wait3A_890 = tpu.memref_slice %arg12[%dma_wait3A_889] : memref<50000xf32, #tpu.memory_space<vmem_shared>> -> memref<50000xf32, #tpu.memory_space<vmem_shared>>
      tpu.wait_indirect_dma semaphore(%arg27 : memref<!tpu.dma_semaphore, #tpu.memory_space<semaphore_mem>>) src(%dma_wait3A_890 : memref<50000xf32, #tpu.memory_space<vmem_shared>>) dst(%dma_wait3A_885 : memref<128xf32, #tpu.memory_space<vmem>>)
      %dma_wait3A_891 = arith.constant 1 : i32
      %dma_wait3A_892 = arith.constant 0 : i32
      %dma_wait3A_893 = tpu.memref_slice %arg23[%dma_wait3A_892] : memref<2048xf32, #tpu.memory_space<vmem>> -> memref<128xf32, #tpu.memory_space<vmem>>
      %dma_wait3A_894 = arith.constant 0 : i32
      %dma_wait3A_895 = tpu.memref_slice %arg14[%dma_wait3A_891, %dma_wait3A_894] : memref<2x2048xi32, #tpu.memory_space<vmem>> -> memref<1x128xi32, #tpu.memory_space<vmem>>
      %dma_wait3A_896 = tpu.memref_squeeze %dma_wait3A_895 : memref<1x128xi32, #tpu.memory_space<vmem>> -> memref<128xi32, #tpu.memory_space<vmem>>
      %dma_wait3A_897 = arith.constant 0 : i32
      %dma_wait3A_898 = tpu.memref_slice %arg13[%dma_wait3A_897] : memref<50000xf32, #tpu.memory_space<vmem_shared>> -> memref<50000xf32, #tpu.memory_space<vmem_shared>>
      tpu.wait_indirect_dma semaphore(%arg27 : memref<!tpu.dma_semaphore, #tpu.memory_space<semaphore_mem>>) src(%dma_wait3A_898 : memref<50000xf32, #tpu.memory_space<vmem_shared>>) dst(%dma_wait3A_893 : memref<128xf32, #tpu.memory_space<vmem>>)
      %dma_wait3A_899 = arith.constant 0 : i32
      %dma_wait3A_900 = arith.constant 128 : i32
      %dma_wait3A_901 = tpu.memref_slice %arg18[%dma_wait3A_900] : memref<2048xf32, #tpu.memory_space<vmem>> -> memref<128xf32, #tpu.memory_space<vmem>>
      %dma_wait3A_902 = arith.constant 128 : i32
      %dma_wait3A_903 = tpu.memref_slice %arg14[%dma_wait3A_899, %dma_wait3A_902] : memref<2x2048xi32, #tpu.memory_space<vmem>> -> memref<1x128xi32, #tpu.memory_space<vmem>>
      %dma_wait3A_904 = tpu.memref_squeeze %dma_wait3A_903 : memref<1x128xi32, #tpu.memory_space<vmem>> -> memref<128xi32, #tpu.memory_space<vmem>>
      %dma_wait3A_905 = arith.constant 0 : i32
      %dma_wait3A_906 = tpu.memref_slice %arg11[%dma_wait3A_905] : memref<50000xf32, #tpu.memory_space<vmem_shared>> -> memref<50000xf32, #tpu.memory_space<vmem_shared>>
      tpu.wait_indirect_dma semaphore(%arg26 : memref<!tpu.dma_semaphore, #tpu.memory_space<semaphore_mem>>) src(%dma_wait3A_906 : memref<50000xf32, #tpu.memory_space<vmem_shared>>) dst(%dma_wait3A_901 : memref<128xf32, #tpu.memory_space<vmem>>)
      %dma_wait3A_907 = arith.constant 0 : i32
      %dma_wait3A_908 = arith.constant 128 : i32
      %dma_wait3A_909 = tpu.memref_slice %arg19[%dma_wait3A_908] : memref<2048xf32, #tpu.memory_space<vmem>> -> memref<128xf32, #tpu.memory_space<vmem>>
      %dma_wait3A_910 = arith.constant 128 : i32
      %dma_wait3A_911 = tpu.memref_slice %arg14[%dma_wait3A_907, %dma_wait3A_910] : memref<2x2048xi32, #tpu.memory_space<vmem>> -> memref<1x128xi32, #tpu.memory_space<vmem>>
      %dma_wait3A_912 = tpu.memref_squeeze %dma_wait3A_911 : memref<1x128xi32, #tpu.memory_space<vmem>> -> memref<128xi32, #tpu.memory_space<vmem>>
      %dma_wait3A_913 = arith.constant 0 : i32
      %dma_wait3A_914 = tpu.memref_slice %arg12[%dma_wait3A_913] : memref<50000xf32, #tpu.memory_space<vmem_shared>> -> memref<50000xf32, #tpu.memory_space<vmem_shared>>
      tpu.wait_indirect_dma semaphore(%arg26 : memref<!tpu.dma_semaphore, #tpu.memory_space<semaphore_mem>>) src(%dma_wait3A_914 : memref<50000xf32, #tpu.memory_space<vmem_shared>>) dst(%dma_wait3A_909 : memref<128xf32, #tpu.memory_space<vmem>>)
      %dma_wait3A_915 = arith.constant 0 : i32
      %dma_wait3A_916 = arith.constant 128 : i32
      %dma_wait3A_917 = tpu.memref_slice %arg20[%dma_wait3A_916] : memref<2048xf32, #tpu.memory_space<vmem>> -> memref<128xf32, #tpu.memory_space<vmem>>
      %dma_wait3A_918 = arith.constant 128 : i32
      %dma_wait3A_919 = tpu.memref_slice %arg14[%dma_wait3A_915, %dma_wait3A_918] : memref<2x2048xi32, #tpu.memory_space<vmem>> -> memref<1x128xi32, #tpu.memory_space<vmem>>
      %dma_wait3A_920 = tpu.memref_squeeze %dma_wait3A_919 : memref<1x128xi32, #tpu.memory_space<vmem>> -> memref<128xi32, #tpu.memory_space<vmem>>
      %dma_wait3A_921 = arith.constant 0 : i32
      %dma_wait3A_922 = tpu.memref_slice %arg13[%dma_wait3A_921] : memref<50000xf32, #tpu.memory_space<vmem_shared>> -> memref<50000xf32, #tpu.memory_space<vmem_shared>>
      tpu.wait_indirect_dma semaphore(%arg26 : memref<!tpu.dma_semaphore, #tpu.memory_space<semaphore_mem>>) src(%dma_wait3A_922 : memref<50000xf32, #tpu.memory_space<vmem_shared>>) dst(%dma_wait3A_917 : memref<128xf32, #tpu.memory_space<vmem>>)
      %dma_wait3A_923 = arith.constant 1 : i32
      %dma_wait3A_924 = arith.constant 128 : i32
      %dma_wait3A_925 = tpu.memref_slice %arg21[%dma_wait3A_924] : memref<2048xf32, #tpu.memory_space<vmem>> -> memref<128xf32, #tpu.memory_space<vmem>>
      %dma_wait3A_926 = arith.constant 128 : i32
      %dma_wait3A_927 = tpu.memref_slice %arg14[%dma_wait3A_923, %dma_wait3A_926] : memref<2x2048xi32, #tpu.memory_space<vmem>> -> memref<1x128xi32, #tpu.memory_space<vmem>>
      %dma_wait3A_928 = tpu.memref_squeeze %dma_wait3A_927 : memref<1x128xi32, #tpu.memory_space<vmem>> -> memref<128xi32, #tpu.memory_space<vmem>>
      %dma_wait3A_929 = arith.constant 0 : i32
      %dma_wait3A_930 = tpu.memref_slice %arg11[%dma_wait3A_929] : memref<50000xf32, #tpu.memory_space<vmem_shared>> -> memref<50000xf32, #tpu.memory_space<vmem_shared>>
      tpu.wait_indirect_dma semaphore(%arg27 : memref<!tpu.dma_semaphore, #tpu.memory_space<semaphore_mem>>) src(%dma_wait3A_930 : memref<50000xf32, #tpu.memory_space<vmem_shared>>) dst(%dma_wait3A_925 : memref<128xf32, #tpu.memory_space<vmem>>)
      %dma_wait3A_931 = arith.constant 1 : i32
      %dma_wait3A_932 = arith.constant 128 : i32
      %dma_wait3A_933 = tpu.memref_slice %arg22[%dma_wait3A_932] : memref<2048xf32, #tpu.memory_space<vmem>> -> memref<128xf32, #tpu.memory_space<vmem>>
      %dma_wait3A_934 = arith.constant 128 : i32
      %dma_wait3A_935 = tpu.memref_slice %arg14[%dma_wait3A_931, %dma_wait3A_934] : memref<2x2048xi32, #tpu.memory_space<vmem>> -> memref<1x128xi32, #tpu.memory_space<vmem>>
      %dma_wait3A_936 = tpu.memref_squeeze %dma_wait3A_935 : memref<1x128xi32, #tpu.memory_space<vmem>> -> memref<128xi32, #tpu.memory_space<vmem>>
      %dma_wait3A_937 = arith.constant 0 : i32
      %dma_wait3A_938 = tpu.memref_slice %arg12[%dma_wait3A_937] : memref<50000xf32, #tpu.memory_space<vmem_shared>> -> memref<50000xf32, #tpu.memory_space<vmem_shared>>
      tpu.wait_indirect_dma semaphore(%arg27 : memref<!tpu.dma_semaphore, #tpu.memory_space<semaphore_mem>>) src(%dma_wait3A_938 : memref<50000xf32, #tpu.memory_space<vmem_shared>>) dst(%dma_wait3A_933 : memref<128xf32, #tpu.memory_space<vmem>>)
      %dma_wait3A_939 = arith.constant 1 : i32
      %dma_wait3A_940 = arith.constant 128 : i32
      %dma_wait3A_941 = tpu.memref_slice %arg23[%dma_wait3A_940] : memref<2048xf32, #tpu.memory_space<vmem>> -> memref<128xf32, #tpu.memory_space<vmem>>
      %dma_wait3A_942 = arith.constant 128 : i32
      %dma_wait3A_943 = tpu.memref_slice %arg14[%dma_wait3A_939, %dma_wait3A_942] : memref<2x2048xi32, #tpu.memory_space<vmem>> -> memref<1x128xi32, #tpu.memory_space<vmem>>
      %dma_wait3A_944 = tpu.memref_squeeze %dma_wait3A_943 : memref<1x128xi32, #tpu.memory_space<vmem>> -> memref<128xi32, #tpu.memory_space<vmem>>
      %dma_wait3A_945 = arith.constant 0 : i32
      %dma_wait3A_946 = tpu.memref_slice %arg13[%dma_wait3A_945] : memref<50000xf32, #tpu.memory_space<vmem_shared>> -> memref<50000xf32, #tpu.memory_space<vmem_shared>>
      tpu.wait_indirect_dma semaphore(%arg27 : memref<!tpu.dma_semaphore, #tpu.memory_space<semaphore_mem>>) src(%dma_wait3A_946 : memref<50000xf32, #tpu.memory_space<vmem_shared>>) dst(%dma_wait3A_941 : memref<128xf32, #tpu.memory_space<vmem>>)
      %dma_wait3A_947 = arith.constant 0 : i32
      %dma_wait3A_948 = arith.constant 256 : i32
      %dma_wait3A_949 = tpu.memref_slice %arg18[%dma_wait3A_948] : memref<2048xf32, #tpu.memory_space<vmem>> -> memref<128xf32, #tpu.memory_space<vmem>>
      %dma_wait3A_950 = arith.constant 256 : i32
      %dma_wait3A_951 = tpu.memref_slice %arg14[%dma_wait3A_947, %dma_wait3A_950] : memref<2x2048xi32, #tpu.memory_space<vmem>> -> memref<1x128xi32, #tpu.memory_space<vmem>>
      %dma_wait3A_952 = tpu.memref_squeeze %dma_wait3A_951 : memref<1x128xi32, #tpu.memory_space<vmem>> -> memref<128xi32, #tpu.memory_space<vmem>>
      %dma_wait3A_953 = arith.constant 0 : i32
      %dma_wait3A_954 = tpu.memref_slice %arg11[%dma_wait3A_953] : memref<50000xf32, #tpu.memory_space<vmem_shared>> -> memref<50000xf32, #tpu.memory_space<vmem_shared>>
      tpu.wait_indirect_dma semaphore(%arg26 : memref<!tpu.dma_semaphore, #tpu.memory_space<semaphore_mem>>) src(%dma_wait3A_954 : memref<50000xf32, #tpu.memory_space<vmem_shared>>) dst(%dma_wait3A_949 : memref<128xf32, #tpu.memory_space<vmem>>)
      %dma_wait3A_955 = arith.constant 0 : i32
      %dma_wait3A_956 = arith.constant 256 : i32
      %dma_wait3A_957 = tpu.memref_slice %arg19[%dma_wait3A_956] : memref<2048xf32, #tpu.memory_space<vmem>> -> memref<128xf32, #tpu.memory_space<vmem>>
      %dma_wait3A_958 = arith.constant 256 : i32
      %dma_wait3A_959 = tpu.memref_slice %arg14[%dma_wait3A_955, %dma_wait3A_958] : memref<2x2048xi32, #tpu.memory_space<vmem>> -> memref<1x128xi32, #tpu.memory_space<vmem>>
      %dma_wait3A_960 = tpu.memref_squeeze %dma_wait3A_959 : memref<1x128xi32, #tpu.memory_space<vmem>> -> memref<128xi32, #tpu.memory_space<vmem>>
      %dma_wait3A_961 = arith.constant 0 : i32
      %dma_wait3A_962 = tpu.memref_slice %arg12[%dma_wait3A_961] : memref<50000xf32, #tpu.memory_space<vmem_shared>> -> memref<50000xf32, #tpu.memory_space<vmem_shared>>
      tpu.wait_indirect_dma semaphore(%arg26 : memref<!tpu.dma_semaphore, #tpu.memory_space<semaphore_mem>>) src(%dma_wait3A_962 : memref<50000xf32, #tpu.memory_space<vmem_shared>>) dst(%dma_wait3A_957 : memref<128xf32, #tpu.memory_space<vmem>>)
      %dma_wait3A_963 = arith.constant 0 : i32
      %dma_wait3A_964 = arith.constant 256 : i32
      %dma_wait3A_965 = tpu.memref_slice %arg20[%dma_wait3A_964] : memref<2048xf32, #tpu.memory_space<vmem>> -> memref<128xf32, #tpu.memory_space<vmem>>
      %dma_wait3A_966 = arith.constant 256 : i32
      %dma_wait3A_967 = tpu.memref_slice %arg14[%dma_wait3A_963, %dma_wait3A_966] : memref<2x2048xi32, #tpu.memory_space<vmem>> -> memref<1x128xi32, #tpu.memory_space<vmem>>
      %dma_wait3A_968 = tpu.memref_squeeze %dma_wait3A_967 : memref<1x128xi32, #tpu.memory_space<vmem>> -> memref<128xi32, #tpu.memory_space<vmem>>
      %dma_wait3A_969 = arith.constant 0 : i32
      %dma_wait3A_970 = tpu.memref_slice %arg13[%dma_wait3A_969] : memref<50000xf32, #tpu.memory_space<vmem_shared>> -> memref<50000xf32, #tpu.memory_space<vmem_shared>>
      tpu.wait_indirect_dma semaphore(%arg26 : memref<!tpu.dma_semaphore, #tpu.memory_space<semaphore_mem>>) src(%dma_wait3A_970 : memref<50000xf32, #tpu.memory_space<vmem_shared>>) dst(%dma_wait3A_965 : memref<128xf32, #tpu.memory_space<vmem>>)
      %dma_wait3A_971 = arith.constant 1 : i32
      %dma_wait3A_972 = arith.constant 256 : i32
      %dma_wait3A_973 = tpu.memref_slice %arg21[%dma_wait3A_972] : memref<2048xf32, #tpu.memory_space<vmem>> -> memref<128xf32, #tpu.memory_space<vmem>>
      %dma_wait3A_974 = arith.constant 256 : i32
      %dma_wait3A_975 = tpu.memref_slice %arg14[%dma_wait3A_971, %dma_wait3A_974] : memref<2x2048xi32, #tpu.memory_space<vmem>> -> memref<1x128xi32, #tpu.memory_space<vmem>>
      %dma_wait3A_976 = tpu.memref_squeeze %dma_wait3A_975 : memref<1x128xi32, #tpu.memory_space<vmem>> -> memref<128xi32, #tpu.memory_space<vmem>>
      %dma_wait3A_977 = arith.constant 0 : i32
      %dma_wait3A_978 = tpu.memref_slice %arg11[%dma_wait3A_977] : memref<50000xf32, #tpu.memory_space<vmem_shared>> -> memref<50000xf32, #tpu.memory_space<vmem_shared>>
      tpu.wait_indirect_dma semaphore(%arg27 : memref<!tpu.dma_semaphore, #tpu.memory_space<semaphore_mem>>) src(%dma_wait3A_978 : memref<50000xf32, #tpu.memory_space<vmem_shared>>) dst(%dma_wait3A_973 : memref<128xf32, #tpu.memory_space<vmem>>)
      %dma_wait3A_979 = arith.constant 1 : i32
      %dma_wait3A_980 = arith.constant 256 : i32
      %dma_wait3A_981 = tpu.memref_slice %arg22[%dma_wait3A_980] : memref<2048xf32, #tpu.memory_space<vmem>> -> memref<128xf32, #tpu.memory_space<vmem>>
      %dma_wait3A_982 = arith.constant 256 : i32
      %dma_wait3A_983 = tpu.memref_slice %arg14[%dma_wait3A_979, %dma_wait3A_982] : memref<2x2048xi32, #tpu.memory_space<vmem>> -> memref<1x128xi32, #tpu.memory_space<vmem>>
      %dma_wait3A_984 = tpu.memref_squeeze %dma_wait3A_983 : memref<1x128xi32, #tpu.memory_space<vmem>> -> memref<128xi32, #tpu.memory_space<vmem>>
      %dma_wait3A_985 = arith.constant 0 : i32
      %dma_wait3A_986 = tpu.memref_slice %arg12[%dma_wait3A_985] : memref<50000xf32, #tpu.memory_space<vmem_shared>> -> memref<50000xf32, #tpu.memory_space<vmem_shared>>
      tpu.wait_indirect_dma semaphore(%arg27 : memref<!tpu.dma_semaphore, #tpu.memory_space<semaphore_mem>>) src(%dma_wait3A_986 : memref<50000xf32, #tpu.memory_space<vmem_shared>>) dst(%dma_wait3A_981 : memref<128xf32, #tpu.memory_space<vmem>>)
      %dma_wait3A_987 = arith.constant 1 : i32
      %dma_wait3A_988 = arith.constant 256 : i32
      %dma_wait3A_989 = tpu.memref_slice %arg23[%dma_wait3A_988] : memref<2048xf32, #tpu.memory_space<vmem>> -> memref<128xf32, #tpu.memory_space<vmem>>
      %dma_wait3A_990 = arith.constant 256 : i32
      %dma_wait3A_991 = tpu.memref_slice %arg14[%dma_wait3A_987, %dma_wait3A_990] : memref<2x2048xi32, #tpu.memory_space<vmem>> -> memref<1x128xi32, #tpu.memory_space<vmem>>
      %dma_wait3A_992 = tpu.memref_squeeze %dma_wait3A_991 : memref<1x128xi32, #tpu.memory_space<vmem>> -> memref<128xi32, #tpu.memory_space<vmem>>
      %dma_wait3A_993 = arith.constant 0 : i32
      %dma_wait3A_994 = tpu.memref_slice %arg13[%dma_wait3A_993] : memref<50000xf32, #tpu.memory_space<vmem_shared>> -> memref<50000xf32, #tpu.memory_space<vmem_shared>>
      tpu.wait_indirect_dma semaphore(%arg27 : memref<!tpu.dma_semaphore, #tpu.memory_space<semaphore_mem>>) src(%dma_wait3A_994 : memref<50000xf32, #tpu.memory_space<vmem_shared>>) dst(%dma_wait3A_989 : memref<128xf32, #tpu.memory_space<vmem>>)
      %dma_wait3A_995 = arith.constant 0 : i32
      %dma_wait3A_996 = arith.constant 384 : i32
      %dma_wait3A_997 = tpu.memref_slice %arg18[%dma_wait3A_996] : memref<2048xf32, #tpu.memory_space<vmem>> -> memref<128xf32, #tpu.memory_space<vmem>>
      %dma_wait3A_998 = arith.constant 384 : i32
      %dma_wait3A_999 = tpu.memref_slice %arg14[%dma_wait3A_995, %dma_wait3A_998] : memref<2x2048xi32, #tpu.memory_space<vmem>> -> memref<1x128xi32, #tpu.memory_space<vmem>>
      %dma_wait3A_1000 = tpu.memref_squeeze %dma_wait3A_999 : memref<1x128xi32, #tpu.memory_space<vmem>> -> memref<128xi32, #tpu.memory_space<vmem>>
      %dma_wait3A_1001 = arith.constant 0 : i32
      %dma_wait3A_1002 = tpu.memref_slice %arg11[%dma_wait3A_1001] : memref<50000xf32, #tpu.memory_space<vmem_shared>> -> memref<50000xf32, #tpu.memory_space<vmem_shared>>
      tpu.wait_indirect_dma semaphore(%arg26 : memref<!tpu.dma_semaphore, #tpu.memory_space<semaphore_mem>>) src(%dma_wait3A_1002 : memref<50000xf32, #tpu.memory_space<vmem_shared>>) dst(%dma_wait3A_997 : memref<128xf32, #tpu.memory_space<vmem>>)
      %dma_wait3A_1003 = arith.constant 0 : i32
      %dma_wait3A_1004 = arith.constant 384 : i32
      %dma_wait3A_1005 = tpu.memref_slice %arg19[%dma_wait3A_1004] : memref<2048xf32, #tpu.memory_space<vmem>> -> memref<128xf32, #tpu.memory_space<vmem>>
      %dma_wait3A_1006 = arith.constant 384 : i32
      %dma_wait3A_1007 = tpu.memref_slice %arg14[%dma_wait3A_1003, %dma_wait3A_1006] : memref<2x2048xi32, #tpu.memory_space<vmem>> -> memref<1x128xi32, #tpu.memory_space<vmem>>
      %dma_wait3A_1008 = tpu.memref_squeeze %dma_wait3A_1007 : memref<1x128xi32, #tpu.memory_space<vmem>> -> memref<128xi32, #tpu.memory_space<vmem>>
      %dma_wait3A_1009 = arith.constant 0 : i32
      %dma_wait3A_1010 = tpu.memref_slice %arg12[%dma_wait3A_1009] : memref<50000xf32, #tpu.memory_space<vmem_shared>> -> memref<50000xf32, #tpu.memory_space<vmem_shared>>
      tpu.wait_indirect_dma semaphore(%arg26 : memref<!tpu.dma_semaphore, #tpu.memory_space<semaphore_mem>>) src(%dma_wait3A_1010 : memref<50000xf32, #tpu.memory_space<vmem_shared>>) dst(%dma_wait3A_1005 : memref<128xf32, #tpu.memory_space<vmem>>)
      %dma_wait3A_1011 = arith.constant 0 : i32
      %dma_wait3A_1012 = arith.constant 384 : i32
      %dma_wait3A_1013 = tpu.memref_slice %arg20[%dma_wait3A_1012] : memref<2048xf32, #tpu.memory_space<vmem>> -> memref<128xf32, #tpu.memory_space<vmem>>
      %dma_wait3A_1014 = arith.constant 384 : i32
      %dma_wait3A_1015 = tpu.memref_slice %arg14[%dma_wait3A_1011, %dma_wait3A_1014] : memref<2x2048xi32, #tpu.memory_space<vmem>> -> memref<1x128xi32, #tpu.memory_space<vmem>>
      %dma_wait3A_1016 = tpu.memref_squeeze %dma_wait3A_1015 : memref<1x128xi32, #tpu.memory_space<vmem>> -> memref<128xi32, #tpu.memory_space<vmem>>
      %dma_wait3A_1017 = arith.constant 0 : i32
      %dma_wait3A_1018 = tpu.memref_slice %arg13[%dma_wait3A_1017] : memref<50000xf32, #tpu.memory_space<vmem_shared>> -> memref<50000xf32, #tpu.memory_space<vmem_shared>>
      tpu.wait_indirect_dma semaphore(%arg26 : memref<!tpu.dma_semaphore, #tpu.memory_space<semaphore_mem>>) src(%dma_wait3A_1018 : memref<50000xf32, #tpu.memory_space<vmem_shared>>) dst(%dma_wait3A_1013 : memref<128xf32, #tpu.memory_space<vmem>>)
      %dma_wait3A_1019 = arith.constant 1 : i32
      %dma_wait3A_1020 = arith.constant 384 : i32
      %dma_wait3A_1021 = tpu.memref_slice %arg21[%dma_wait3A_1020] : memref<2048xf32, #tpu.memory_space<vmem>> -> memref<128xf32, #tpu.memory_space<vmem>>
      %dma_wait3A_1022 = arith.constant 384 : i32
      %dma_wait3A_1023 = tpu.memref_slice %arg14[%dma_wait3A_1019, %dma_wait3A_1022] : memref<2x2048xi32, #tpu.memory_space<vmem>> -> memref<1x128xi32, #tpu.memory_space<vmem>>
      %dma_wait3A_1024 = tpu.memref_squeeze %dma_wait3A_1023 : memref<1x128xi32, #tpu.memory_space<vmem>> -> memref<128xi32, #tpu.memory_space<vmem>>
      %dma_wait3A_1025 = arith.constant 0 : i32
      %dma_wait3A_1026 = tpu.memref_slice %arg11[%dma_wait3A_1025] : memref<50000xf32, #tpu.memory_space<vmem_shared>> -> memref<50000xf32, #tpu.memory_space<vmem_shared>>
      tpu.wait_indirect_dma semaphore(%arg27 : memref<!tpu.dma_semaphore, #tpu.memory_space<semaphore_mem>>) src(%dma_wait3A_1026 : memref<50000xf32, #tpu.memory_space<vmem_shared>>) dst(%dma_wait3A_1021 : memref<128xf32, #tpu.memory_space<vmem>>)
      %dma_wait3A_1027 = arith.constant 1 : i32
      %dma_wait3A_1028 = arith.constant 384 : i32
      %dma_wait3A_1029 = tpu.memref_slice %arg22[%dma_wait3A_1028] : memref<2048xf32, #tpu.memory_space<vmem>> -> memref<128xf32, #tpu.memory_space<vmem>>
      %dma_wait3A_1030 = arith.constant 384 : i32
      %dma_wait3A_1031 = tpu.memref_slice %arg14[%dma_wait3A_1027, %dma_wait3A_1030] : memref<2x2048xi32, #tpu.memory_space<vmem>> -> memref<1x128xi32, #tpu.memory_space<vmem>>
      %dma_wait3A_1032 = tpu.memref_squeeze %dma_wait3A_1031 : memref<1x128xi32, #tpu.memory_space<vmem>> -> memref<128xi32, #tpu.memory_space<vmem>>
      %dma_wait3A_1033 = arith.constant 0 : i32
      %dma_wait3A_1034 = tpu.memref_slice %arg12[%dma_wait3A_1033] : memref<50000xf32, #tpu.memory_space<vmem_shared>> -> memref<50000xf32, #tpu.memory_space<vmem_shared>>
      tpu.wait_indirect_dma semaphore(%arg27 : memref<!tpu.dma_semaphore, #tpu.memory_space<semaphore_mem>>) src(%dma_wait3A_1034 : memref<50000xf32, #tpu.memory_space<vmem_shared>>) dst(%dma_wait3A_1029 : memref<128xf32, #tpu.memory_space<vmem>>)
      %dma_wait3A_1035 = arith.constant 1 : i32
      %dma_wait3A_1036 = arith.constant 384 : i32
      %dma_wait3A_1037 = tpu.memref_slice %arg23[%dma_wait3A_1036] : memref<2048xf32, #tpu.memory_space<vmem>> -> memref<128xf32, #tpu.memory_space<vmem>>
      %dma_wait3A_1038 = arith.constant 384 : i32
      %dma_wait3A_1039 = tpu.memref_slice %arg14[%dma_wait3A_1035, %dma_wait3A_1038] : memref<2x2048xi32, #tpu.memory_space<vmem>> -> memref<1x128xi32, #tpu.memory_space<vmem>>
      %dma_wait3A_1040 = tpu.memref_squeeze %dma_wait3A_1039 : memref<1x128xi32, #tpu.memory_space<vmem>> -> memref<128xi32, #tpu.memory_space<vmem>>
      %dma_wait3A_1041 = arith.constant 0 : i32
      %dma_wait3A_1042 = tpu.memref_slice %arg13[%dma_wait3A_1041] : memref<50000xf32, #tpu.memory_space<vmem_shared>> -> memref<50000xf32, #tpu.memory_space<vmem_shared>>
      tpu.wait_indirect_dma semaphore(%arg27 : memref<!tpu.dma_semaphore, #tpu.memory_space<semaphore_mem>>) src(%dma_wait3A_1042 : memref<50000xf32, #tpu.memory_space<vmem_shared>>) dst(%dma_wait3A_1037 : memref<128xf32, #tpu.memory_space<vmem>>)
      %dma_wait3A_1043 = arith.constant 0 : i32
      %dma_wait3A_1044 = arith.constant 512 : i32
      %dma_wait3A_1045 = tpu.memref_slice %arg18[%dma_wait3A_1044] : memref<2048xf32, #tpu.memory_space<vmem>> -> memref<128xf32, #tpu.memory_space<vmem>>
      %dma_wait3A_1046 = arith.constant 512 : i32
      %dma_wait3A_1047 = tpu.memref_slice %arg14[%dma_wait3A_1043, %dma_wait3A_1046] : memref<2x2048xi32, #tpu.memory_space<vmem>> -> memref<1x128xi32, #tpu.memory_space<vmem>>
      %dma_wait3A_1048 = tpu.memref_squeeze %dma_wait3A_1047 : memref<1x128xi32, #tpu.memory_space<vmem>> -> memref<128xi32, #tpu.memory_space<vmem>>
      %dma_wait3A_1049 = arith.constant 0 : i32
      %dma_wait3A_1050 = tpu.memref_slice %arg11[%dma_wait3A_1049] : memref<50000xf32, #tpu.memory_space<vmem_shared>> -> memref<50000xf32, #tpu.memory_space<vmem_shared>>
      tpu.wait_indirect_dma semaphore(%arg26 : memref<!tpu.dma_semaphore, #tpu.memory_space<semaphore_mem>>) src(%dma_wait3A_1050 : memref<50000xf32, #tpu.memory_space<vmem_shared>>) dst(%dma_wait3A_1045 : memref<128xf32, #tpu.memory_space<vmem>>)
      %dma_wait3A_1051 = arith.constant 0 : i32
      %dma_wait3A_1052 = arith.constant 512 : i32
      %dma_wait3A_1053 = tpu.memref_slice %arg19[%dma_wait3A_1052] : memref<2048xf32, #tpu.memory_space<vmem>> -> memref<128xf32, #tpu.memory_space<vmem>>
      %dma_wait3A_1054 = arith.constant 512 : i32
      %dma_wait3A_1055 = tpu.memref_slice %arg14[%dma_wait3A_1051, %dma_wait3A_1054] : memref<2x2048xi32, #tpu.memory_space<vmem>> -> memref<1x128xi32, #tpu.memory_space<vmem>>
      %dma_wait3A_1056 = tpu.memref_squeeze %dma_wait3A_1055 : memref<1x128xi32, #tpu.memory_space<vmem>> -> memref<128xi32, #tpu.memory_space<vmem>>
      %dma_wait3A_1057 = arith.constant 0 : i32
      %dma_wait3A_1058 = tpu.memref_slice %arg12[%dma_wait3A_1057] : memref<50000xf32, #tpu.memory_space<vmem_shared>> -> memref<50000xf32, #tpu.memory_space<vmem_shared>>
      tpu.wait_indirect_dma semaphore(%arg26 : memref<!tpu.dma_semaphore, #tpu.memory_space<semaphore_mem>>) src(%dma_wait3A_1058 : memref<50000xf32, #tpu.memory_space<vmem_shared>>) dst(%dma_wait3A_1053 : memref<128xf32, #tpu.memory_space<vmem>>)
      %dma_wait3A_1059 = arith.constant 0 : i32
      %dma_wait3A_1060 = arith.constant 512 : i32
      %dma_wait3A_1061 = tpu.memref_slice %arg20[%dma_wait3A_1060] : memref<2048xf32, #tpu.memory_space<vmem>> -> memref<128xf32, #tpu.memory_space<vmem>>
      %dma_wait3A_1062 = arith.constant 512 : i32
      %dma_wait3A_1063 = tpu.memref_slice %arg14[%dma_wait3A_1059, %dma_wait3A_1062] : memref<2x2048xi32, #tpu.memory_space<vmem>> -> memref<1x128xi32, #tpu.memory_space<vmem>>
      %dma_wait3A_1064 = tpu.memref_squeeze %dma_wait3A_1063 : memref<1x128xi32, #tpu.memory_space<vmem>> -> memref<128xi32, #tpu.memory_space<vmem>>
      %dma_wait3A_1065 = arith.constant 0 : i32
      %dma_wait3A_1066 = tpu.memref_slice %arg13[%dma_wait3A_1065] : memref<50000xf32, #tpu.memory_space<vmem_shared>> -> memref<50000xf32, #tpu.memory_space<vmem_shared>>
      tpu.wait_indirect_dma semaphore(%arg26 : memref<!tpu.dma_semaphore, #tpu.memory_space<semaphore_mem>>) src(%dma_wait3A_1066 : memref<50000xf32, #tpu.memory_space<vmem_shared>>) dst(%dma_wait3A_1061 : memref<128xf32, #tpu.memory_space<vmem>>)
      %dma_wait3A_1067 = arith.constant 1 : i32
      %dma_wait3A_1068 = arith.constant 512 : i32
      %dma_wait3A_1069 = tpu.memref_slice %arg21[%dma_wait3A_1068] : memref<2048xf32, #tpu.memory_space<vmem>> -> memref<128xf32, #tpu.memory_space<vmem>>
      %dma_wait3A_1070 = arith.constant 512 : i32
      %dma_wait3A_1071 = tpu.memref_slice %arg14[%dma_wait3A_1067, %dma_wait3A_1070] : memref<2x2048xi32, #tpu.memory_space<vmem>> -> memref<1x128xi32, #tpu.memory_space<vmem>>
      %dma_wait3A_1072 = tpu.memref_squeeze %dma_wait3A_1071 : memref<1x128xi32, #tpu.memory_space<vmem>> -> memref<128xi32, #tpu.memory_space<vmem>>
      %dma_wait3A_1073 = arith.constant 0 : i32
      %dma_wait3A_1074 = tpu.memref_slice %arg11[%dma_wait3A_1073] : memref<50000xf32, #tpu.memory_space<vmem_shared>> -> memref<50000xf32, #tpu.memory_space<vmem_shared>>
      tpu.wait_indirect_dma semaphore(%arg27 : memref<!tpu.dma_semaphore, #tpu.memory_space<semaphore_mem>>) src(%dma_wait3A_1074 : memref<50000xf32, #tpu.memory_space<vmem_shared>>) dst(%dma_wait3A_1069 : memref<128xf32, #tpu.memory_space<vmem>>)
      %dma_wait3A_1075 = arith.constant 1 : i32
      %dma_wait3A_1076 = arith.constant 512 : i32
      %dma_wait3A_1077 = tpu.memref_slice %arg22[%dma_wait3A_1076] : memref<2048xf32, #tpu.memory_space<vmem>> -> memref<128xf32, #tpu.memory_space<vmem>>
      %dma_wait3A_1078 = arith.constant 512 : i32
      %dma_wait3A_1079 = tpu.memref_slice %arg14[%dma_wait3A_1075, %dma_wait3A_1078] : memref<2x2048xi32, #tpu.memory_space<vmem>> -> memref<1x128xi32, #tpu.memory_space<vmem>>
      %dma_wait3A_1080 = tpu.memref_squeeze %dma_wait3A_1079 : memref<1x128xi32, #tpu.memory_space<vmem>> -> memref<128xi32, #tpu.memory_space<vmem>>
      %dma_wait3A_1081 = arith.constant 0 : i32
      %dma_wait3A_1082 = tpu.memref_slice %arg12[%dma_wait3A_1081] : memref<50000xf32, #tpu.memory_space<vmem_shared>> -> memref<50000xf32, #tpu.memory_space<vmem_shared>>
      tpu.wait_indirect_dma semaphore(%arg27 : memref<!tpu.dma_semaphore, #tpu.memory_space<semaphore_mem>>) src(%dma_wait3A_1082 : memref<50000xf32, #tpu.memory_space<vmem_shared>>) dst(%dma_wait3A_1077 : memref<128xf32, #tpu.memory_space<vmem>>)
      %dma_wait3A_1083 = arith.constant 1 : i32
      %dma_wait3A_1084 = arith.constant 512 : i32
      %dma_wait3A_1085 = tpu.memref_slice %arg23[%dma_wait3A_1084] : memref<2048xf32, #tpu.memory_space<vmem>> -> memref<128xf32, #tpu.memory_space<vmem>>
      %dma_wait3A_1086 = arith.constant 512 : i32
      %dma_wait3A_1087 = tpu.memref_slice %arg14[%dma_wait3A_1083, %dma_wait3A_1086] : memref<2x2048xi32, #tpu.memory_space<vmem>> -> memref<1x128xi32, #tpu.memory_space<vmem>>
      %dma_wait3A_1088 = tpu.memref_squeeze %dma_wait3A_1087 : memref<1x128xi32, #tpu.memory_space<vmem>> -> memref<128xi32, #tpu.memory_space<vmem>>
      %dma_wait3A_1089 = arith.constant 0 : i32
      %dma_wait3A_1090 = tpu.memref_slice %arg13[%dma_wait3A_1089] : memref<50000xf32, #tpu.memory_space<vmem_shared>> -> memref<50000xf32, #tpu.memory_space<vmem_shared>>
      tpu.wait_indirect_dma semaphore(%arg27 : memref<!tpu.dma_semaphore, #tpu.memory_space<semaphore_mem>>) src(%dma_wait3A_1090 : memref<50000xf32, #tpu.memory_space<vmem_shared>>) dst(%dma_wait3A_1085 : memref<128xf32, #tpu.memory_space<vmem>>)
      %dma_wait3A_1091 = arith.constant 0 : i32
      %dma_wait3A_1092 = arith.constant 640 : i32
      %dma_wait3A_1093 = tpu.memref_slice %arg18[%dma_wait3A_1092] : memref<2048xf32, #tpu.memory_space<vmem>> -> memref<128xf32, #tpu.memory_space<vmem>>
      %dma_wait3A_1094 = arith.constant 640 : i32
      %dma_wait3A_1095 = tpu.memref_slice %arg14[%dma_wait3A_1091, %dma_wait3A_1094] : memref<2x2048xi32, #tpu.memory_space<vmem>> -> memref<1x128xi32, #tpu.memory_space<vmem>>
      %dma_wait3A_1096 = tpu.memref_squeeze %dma_wait3A_1095 : memref<1x128xi32, #tpu.memory_space<vmem>> -> memref<128xi32, #tpu.memory_space<vmem>>
      %dma_wait3A_1097 = arith.constant 0 : i32
      %dma_wait3A_1098 = tpu.memref_slice %arg11[%dma_wait3A_1097] : memref<50000xf32, #tpu.memory_space<vmem_shared>> -> memref<50000xf32, #tpu.memory_space<vmem_shared>>
      tpu.wait_indirect_dma semaphore(%arg26 : memref<!tpu.dma_semaphore, #tpu.memory_space<semaphore_mem>>) src(%dma_wait3A_1098 : memref<50000xf32, #tpu.memory_space<vmem_shared>>) dst(%dma_wait3A_1093 : memref<128xf32, #tpu.memory_space<vmem>>)
      %dma_wait3A_1099 = arith.constant 0 : i32
      %dma_wait3A_1100 = arith.constant 640 : i32
      %dma_wait3A_1101 = tpu.memref_slice %arg19[%dma_wait3A_1100] : memref<2048xf32, #tpu.memory_space<vmem>> -> memref<128xf32, #tpu.memory_space<vmem>>
      %dma_wait3A_1102 = arith.constant 640 : i32
      %dma_wait3A_1103 = tpu.memref_slice %arg14[%dma_wait3A_1099, %dma_wait3A_1102] : memref<2x2048xi32, #tpu.memory_space<vmem>> -> memref<1x128xi32, #tpu.memory_space<vmem>>
      %dma_wait3A_1104 = tpu.memref_squeeze %dma_wait3A_1103 : memref<1x128xi32, #tpu.memory_space<vmem>> -> memref<128xi32, #tpu.memory_space<vmem>>
      %dma_wait3A_1105 = arith.constant 0 : i32
      %dma_wait3A_1106 = tpu.memref_slice %arg12[%dma_wait3A_1105] : memref<50000xf32, #tpu.memory_space<vmem_shared>> -> memref<50000xf32, #tpu.memory_space<vmem_shared>>
      tpu.wait_indirect_dma semaphore(%arg26 : memref<!tpu.dma_semaphore, #tpu.memory_space<semaphore_mem>>) src(%dma_wait3A_1106 : memref<50000xf32, #tpu.memory_space<vmem_shared>>) dst(%dma_wait3A_1101 : memref<128xf32, #tpu.memory_space<vmem>>)
      %dma_wait3A_1107 = arith.constant 0 : i32
      %dma_wait3A_1108 = arith.constant 640 : i32
      %dma_wait3A_1109 = tpu.memref_slice %arg20[%dma_wait3A_1108] : memref<2048xf32, #tpu.memory_space<vmem>> -> memref<128xf32, #tpu.memory_space<vmem>>
      %dma_wait3A_1110 = arith.constant 640 : i32
      %dma_wait3A_1111 = tpu.memref_slice %arg14[%dma_wait3A_1107, %dma_wait3A_1110] : memref<2x2048xi32, #tpu.memory_space<vmem>> -> memref<1x128xi32, #tpu.memory_space<vmem>>
      %dma_wait3A_1112 = tpu.memref_squeeze %dma_wait3A_1111 : memref<1x128xi32, #tpu.memory_space<vmem>> -> memref<128xi32, #tpu.memory_space<vmem>>
      %dma_wait3A_1113 = arith.constant 0 : i32
      %dma_wait3A_1114 = tpu.memref_slice %arg13[%dma_wait3A_1113] : memref<50000xf32, #tpu.memory_space<vmem_shared>> -> memref<50000xf32, #tpu.memory_space<vmem_shared>>
      tpu.wait_indirect_dma semaphore(%arg26 : memref<!tpu.dma_semaphore, #tpu.memory_space<semaphore_mem>>) src(%dma_wait3A_1114 : memref<50000xf32, #tpu.memory_space<vmem_shared>>) dst(%dma_wait3A_1109 : memref<128xf32, #tpu.memory_space<vmem>>)
      %dma_wait3A_1115 = arith.constant 1 : i32
      %dma_wait3A_1116 = arith.constant 640 : i32
      %dma_wait3A_1117 = tpu.memref_slice %arg21[%dma_wait3A_1116] : memref<2048xf32, #tpu.memory_space<vmem>> -> memref<128xf32, #tpu.memory_space<vmem>>
      %dma_wait3A_1118 = arith.constant 640 : i32
      %dma_wait3A_1119 = tpu.memref_slice %arg14[%dma_wait3A_1115, %dma_wait3A_1118] : memref<2x2048xi32, #tpu.memory_space<vmem>> -> memref<1x128xi32, #tpu.memory_space<vmem>>
      %dma_wait3A_1120 = tpu.memref_squeeze %dma_wait3A_1119 : memref<1x128xi32, #tpu.memory_space<vmem>> -> memref<128xi32, #tpu.memory_space<vmem>>
      %dma_wait3A_1121 = arith.constant 0 : i32
      %dma_wait3A_1122 = tpu.memref_slice %arg11[%dma_wait3A_1121] : memref<50000xf32, #tpu.memory_space<vmem_shared>> -> memref<50000xf32, #tpu.memory_space<vmem_shared>>
      tpu.wait_indirect_dma semaphore(%arg27 : memref<!tpu.dma_semaphore, #tpu.memory_space<semaphore_mem>>) src(%dma_wait3A_1122 : memref<50000xf32, #tpu.memory_space<vmem_shared>>) dst(%dma_wait3A_1117 : memref<128xf32, #tpu.memory_space<vmem>>)
      %dma_wait3A_1123 = arith.constant 1 : i32
      %dma_wait3A_1124 = arith.constant 640 : i32
      %dma_wait3A_1125 = tpu.memref_slice %arg22[%dma_wait3A_1124] : memref<2048xf32, #tpu.memory_space<vmem>> -> memref<128xf32, #tpu.memory_space<vmem>>
      %dma_wait3A_1126 = arith.constant 640 : i32
      %dma_wait3A_1127 = tpu.memref_slice %arg14[%dma_wait3A_1123, %dma_wait3A_1126] : memref<2x2048xi32, #tpu.memory_space<vmem>> -> memref<1x128xi32, #tpu.memory_space<vmem>>
      %dma_wait3A_1128 = tpu.memref_squeeze %dma_wait3A_1127 : memref<1x128xi32, #tpu.memory_space<vmem>> -> memref<128xi32, #tpu.memory_space<vmem>>
      %dma_wait3A_1129 = arith.constant 0 : i32
      %dma_wait3A_1130 = tpu.memref_slice %arg12[%dma_wait3A_1129] : memref<50000xf32, #tpu.memory_space<vmem_shared>> -> memref<50000xf32, #tpu.memory_space<vmem_shared>>
      tpu.wait_indirect_dma semaphore(%arg27 : memref<!tpu.dma_semaphore, #tpu.memory_space<semaphore_mem>>) src(%dma_wait3A_1130 : memref<50000xf32, #tpu.memory_space<vmem_shared>>) dst(%dma_wait3A_1125 : memref<128xf32, #tpu.memory_space<vmem>>)
      %dma_wait3A_1131 = arith.constant 1 : i32
      %dma_wait3A_1132 = arith.constant 640 : i32
      %dma_wait3A_1133 = tpu.memref_slice %arg23[%dma_wait3A_1132] : memref<2048xf32, #tpu.memory_space<vmem>> -> memref<128xf32, #tpu.memory_space<vmem>>
      %dma_wait3A_1134 = arith.constant 640 : i32
      %dma_wait3A_1135 = tpu.memref_slice %arg14[%dma_wait3A_1131, %dma_wait3A_1134] : memref<2x2048xi32, #tpu.memory_space<vmem>> -> memref<1x128xi32, #tpu.memory_space<vmem>>
      %dma_wait3A_1136 = tpu.memref_squeeze %dma_wait3A_1135 : memref<1x128xi32, #tpu.memory_space<vmem>> -> memref<128xi32, #tpu.memory_space<vmem>>
      %dma_wait3A_1137 = arith.constant 0 : i32
      %dma_wait3A_1138 = tpu.memref_slice %arg13[%dma_wait3A_1137] : memref<50000xf32, #tpu.memory_space<vmem_shared>> -> memref<50000xf32, #tpu.memory_space<vmem_shared>>
      tpu.wait_indirect_dma semaphore(%arg27 : memref<!tpu.dma_semaphore, #tpu.memory_space<semaphore_mem>>) src(%dma_wait3A_1138 : memref<50000xf32, #tpu.memory_space<vmem_shared>>) dst(%dma_wait3A_1133 : memref<128xf32, #tpu.memory_space<vmem>>)
      %dma_wait3A_1139 = arith.constant 0 : i32
      %dma_wait3A_1140 = arith.constant 768 : i32
      %dma_wait3A_1141 = tpu.memref_slice %arg18[%dma_wait3A_1140] : memref<2048xf32, #tpu.memory_space<vmem>> -> memref<128xf32, #tpu.memory_space<vmem>>
      %dma_wait3A_1142 = arith.constant 768 : i32
      %dma_wait3A_1143 = tpu.memref_slice %arg14[%dma_wait3A_1139, %dma_wait3A_1142] : memref<2x2048xi32, #tpu.memory_space<vmem>> -> memref<1x128xi32, #tpu.memory_space<vmem>>
      %dma_wait3A_1144 = tpu.memref_squeeze %dma_wait3A_1143 : memref<1x128xi32, #tpu.memory_space<vmem>> -> memref<128xi32, #tpu.memory_space<vmem>>
      %dma_wait3A_1145 = arith.constant 0 : i32
      %dma_wait3A_1146 = tpu.memref_slice %arg11[%dma_wait3A_1145] : memref<50000xf32, #tpu.memory_space<vmem_shared>> -> memref<50000xf32, #tpu.memory_space<vmem_shared>>
      tpu.wait_indirect_dma semaphore(%arg26 : memref<!tpu.dma_semaphore, #tpu.memory_space<semaphore_mem>>) src(%dma_wait3A_1146 : memref<50000xf32, #tpu.memory_space<vmem_shared>>) dst(%dma_wait3A_1141 : memref<128xf32, #tpu.memory_space<vmem>>)
      %dma_wait3A_1147 = arith.constant 0 : i32
      %dma_wait3A_1148 = arith.constant 768 : i32
      %dma_wait3A_1149 = tpu.memref_slice %arg19[%dma_wait3A_1148] : memref<2048xf32, #tpu.memory_space<vmem>> -> memref<128xf32, #tpu.memory_space<vmem>>
      %dma_wait3A_1150 = arith.constant 768 : i32
      %dma_wait3A_1151 = tpu.memref_slice %arg14[%dma_wait3A_1147, %dma_wait3A_1150] : memref<2x2048xi32, #tpu.memory_space<vmem>> -> memref<1x128xi32, #tpu.memory_space<vmem>>
      %dma_wait3A_1152 = tpu.memref_squeeze %dma_wait3A_1151 : memref<1x128xi32, #tpu.memory_space<vmem>> -> memref<128xi32, #tpu.memory_space<vmem>>
      %dma_wait3A_1153 = arith.constant 0 : i32
      %dma_wait3A_1154 = tpu.memref_slice %arg12[%dma_wait3A_1153] : memref<50000xf32, #tpu.memory_space<vmem_shared>> -> memref<50000xf32, #tpu.memory_space<vmem_shared>>
      tpu.wait_indirect_dma semaphore(%arg26 : memref<!tpu.dma_semaphore, #tpu.memory_space<semaphore_mem>>) src(%dma_wait3A_1154 : memref<50000xf32, #tpu.memory_space<vmem_shared>>) dst(%dma_wait3A_1149 : memref<128xf32, #tpu.memory_space<vmem>>)
      %dma_wait3A_1155 = arith.constant 0 : i32
      %dma_wait3A_1156 = arith.constant 768 : i32
      %dma_wait3A_1157 = tpu.memref_slice %arg20[%dma_wait3A_1156] : memref<2048xf32, #tpu.memory_space<vmem>> -> memref<128xf32, #tpu.memory_space<vmem>>
      %dma_wait3A_1158 = arith.constant 768 : i32
      %dma_wait3A_1159 = tpu.memref_slice %arg14[%dma_wait3A_1155, %dma_wait3A_1158] : memref<2x2048xi32, #tpu.memory_space<vmem>> -> memref<1x128xi32, #tpu.memory_space<vmem>>
      %dma_wait3A_1160 = tpu.memref_squeeze %dma_wait3A_1159 : memref<1x128xi32, #tpu.memory_space<vmem>> -> memref<128xi32, #tpu.memory_space<vmem>>
      %dma_wait3A_1161 = arith.constant 0 : i32
      %dma_wait3A_1162 = tpu.memref_slice %arg13[%dma_wait3A_1161] : memref<50000xf32, #tpu.memory_space<vmem_shared>> -> memref<50000xf32, #tpu.memory_space<vmem_shared>>
      tpu.wait_indirect_dma semaphore(%arg26 : memref<!tpu.dma_semaphore, #tpu.memory_space<semaphore_mem>>) src(%dma_wait3A_1162 : memref<50000xf32, #tpu.memory_space<vmem_shared>>) dst(%dma_wait3A_1157 : memref<128xf32, #tpu.memory_space<vmem>>)
      %dma_wait3A_1163 = arith.constant 1 : i32
      %dma_wait3A_1164 = arith.constant 768 : i32
      %dma_wait3A_1165 = tpu.memref_slice %arg21[%dma_wait3A_1164] : memref<2048xf32, #tpu.memory_space<vmem>> -> memref<128xf32, #tpu.memory_space<vmem>>
      %dma_wait3A_1166 = arith.constant 768 : i32
      %dma_wait3A_1167 = tpu.memref_slice %arg14[%dma_wait3A_1163, %dma_wait3A_1166] : memref<2x2048xi32, #tpu.memory_space<vmem>> -> memref<1x128xi32, #tpu.memory_space<vmem>>
      %dma_wait3A_1168 = tpu.memref_squeeze %dma_wait3A_1167 : memref<1x128xi32, #tpu.memory_space<vmem>> -> memref<128xi32, #tpu.memory_space<vmem>>
      %dma_wait3A_1169 = arith.constant 0 : i32
      %dma_wait3A_1170 = tpu.memref_slice %arg11[%dma_wait3A_1169] : memref<50000xf32, #tpu.memory_space<vmem_shared>> -> memref<50000xf32, #tpu.memory_space<vmem_shared>>
      tpu.wait_indirect_dma semaphore(%arg27 : memref<!tpu.dma_semaphore, #tpu.memory_space<semaphore_mem>>) src(%dma_wait3A_1170 : memref<50000xf32, #tpu.memory_space<vmem_shared>>) dst(%dma_wait3A_1165 : memref<128xf32, #tpu.memory_space<vmem>>)
      %dma_wait3A_1171 = arith.constant 1 : i32
      %dma_wait3A_1172 = arith.constant 768 : i32
      %dma_wait3A_1173 = tpu.memref_slice %arg22[%dma_wait3A_1172] : memref<2048xf32, #tpu.memory_space<vmem>> -> memref<128xf32, #tpu.memory_space<vmem>>
      %dma_wait3A_1174 = arith.constant 768 : i32
      %dma_wait3A_1175 = tpu.memref_slice %arg14[%dma_wait3A_1171, %dma_wait3A_1174] : memref<2x2048xi32, #tpu.memory_space<vmem>> -> memref<1x128xi32, #tpu.memory_space<vmem>>
      %dma_wait3A_1176 = tpu.memref_squeeze %dma_wait3A_1175 : memref<1x128xi32, #tpu.memory_space<vmem>> -> memref<128xi32, #tpu.memory_space<vmem>>
      %dma_wait3A_1177 = arith.constant 0 : i32
      %dma_wait3A_1178 = tpu.memref_slice %arg12[%dma_wait3A_1177] : memref<50000xf32, #tpu.memory_space<vmem_shared>> -> memref<50000xf32, #tpu.memory_space<vmem_shared>>
      tpu.wait_indirect_dma semaphore(%arg27 : memref<!tpu.dma_semaphore, #tpu.memory_space<semaphore_mem>>) src(%dma_wait3A_1178 : memref<50000xf32, #tpu.memory_space<vmem_shared>>) dst(%dma_wait3A_1173 : memref<128xf32, #tpu.memory_space<vmem>>)
      %dma_wait3A_1179 = arith.constant 1 : i32
      %dma_wait3A_1180 = arith.constant 768 : i32
      %dma_wait3A_1181 = tpu.memref_slice %arg23[%dma_wait3A_1180] : memref<2048xf32, #tpu.memory_space<vmem>> -> memref<128xf32, #tpu.memory_space<vmem>>
      %dma_wait3A_1182 = arith.constant 768 : i32
      %dma_wait3A_1183 = tpu.memref_slice %arg14[%dma_wait3A_1179, %dma_wait3A_1182] : memref<2x2048xi32, #tpu.memory_space<vmem>> -> memref<1x128xi32, #tpu.memory_space<vmem>>
      %dma_wait3A_1184 = tpu.memref_squeeze %dma_wait3A_1183 : memref<1x128xi32, #tpu.memory_space<vmem>> -> memref<128xi32, #tpu.memory_space<vmem>>
      %dma_wait3A_1185 = arith.constant 0 : i32
      %dma_wait3A_1186 = tpu.memref_slice %arg13[%dma_wait3A_1185] : memref<50000xf32, #tpu.memory_space<vmem_shared>> -> memref<50000xf32, #tpu.memory_space<vmem_shared>>
      tpu.wait_indirect_dma semaphore(%arg27 : memref<!tpu.dma_semaphore, #tpu.memory_space<semaphore_mem>>) src(%dma_wait3A_1186 : memref<50000xf32, #tpu.memory_space<vmem_shared>>) dst(%dma_wait3A_1181 : memref<128xf32, #tpu.memory_space<vmem>>)
      %dma_wait3A_1187 = arith.constant 0 : i32
      %dma_wait3A_1188 = arith.constant 896 : i32
      %dma_wait3A_1189 = tpu.memref_slice %arg18[%dma_wait3A_1188] : memref<2048xf32, #tpu.memory_space<vmem>> -> memref<128xf32, #tpu.memory_space<vmem>>
      %dma_wait3A_1190 = arith.constant 896 : i32
      %dma_wait3A_1191 = tpu.memref_slice %arg14[%dma_wait3A_1187, %dma_wait3A_1190] : memref<2x2048xi32, #tpu.memory_space<vmem>> -> memref<1x128xi32, #tpu.memory_space<vmem>>
      %dma_wait3A_1192 = tpu.memref_squeeze %dma_wait3A_1191 : memref<1x128xi32, #tpu.memory_space<vmem>> -> memref<128xi32, #tpu.memory_space<vmem>>
      %dma_wait3A_1193 = arith.constant 0 : i32
      %dma_wait3A_1194 = tpu.memref_slice %arg11[%dma_wait3A_1193] : memref<50000xf32, #tpu.memory_space<vmem_shared>> -> memref<50000xf32, #tpu.memory_space<vmem_shared>>
      tpu.wait_indirect_dma semaphore(%arg26 : memref<!tpu.dma_semaphore, #tpu.memory_space<semaphore_mem>>) src(%dma_wait3A_1194 : memref<50000xf32, #tpu.memory_space<vmem_shared>>) dst(%dma_wait3A_1189 : memref<128xf32, #tpu.memory_space<vmem>>)
      %dma_wait3A_1195 = arith.constant 0 : i32
      %dma_wait3A_1196 = arith.constant 896 : i32
      %dma_wait3A_1197 = tpu.memref_slice %arg19[%dma_wait3A_1196] : memref<2048xf32, #tpu.memory_space<vmem>> -> memref<128xf32, #tpu.memory_space<vmem>>
      %dma_wait3A_1198 = arith.constant 896 : i32
      %dma_wait3A_1199 = tpu.memref_slice %arg14[%dma_wait3A_1195, %dma_wait3A_1198] : memref<2x2048xi32, #tpu.memory_space<vmem>> -> memref<1x128xi32, #tpu.memory_space<vmem>>
      %dma_wait3A_1200 = tpu.memref_squeeze %dma_wait3A_1199 : memref<1x128xi32, #tpu.memory_space<vmem>> -> memref<128xi32, #tpu.memory_space<vmem>>
      %dma_wait3A_1201 = arith.constant 0 : i32
      %dma_wait3A_1202 = tpu.memref_slice %arg12[%dma_wait3A_1201] : memref<50000xf32, #tpu.memory_space<vmem_shared>> -> memref<50000xf32, #tpu.memory_space<vmem_shared>>
      tpu.wait_indirect_dma semaphore(%arg26 : memref<!tpu.dma_semaphore, #tpu.memory_space<semaphore_mem>>) src(%dma_wait3A_1202 : memref<50000xf32, #tpu.memory_space<vmem_shared>>) dst(%dma_wait3A_1197 : memref<128xf32, #tpu.memory_space<vmem>>)
      %dma_wait3A_1203 = arith.constant 0 : i32
      %dma_wait3A_1204 = arith.constant 896 : i32
      %dma_wait3A_1205 = tpu.memref_slice %arg20[%dma_wait3A_1204] : memref<2048xf32, #tpu.memory_space<vmem>> -> memref<128xf32, #tpu.memory_space<vmem>>
      %dma_wait3A_1206 = arith.constant 896 : i32
      %dma_wait3A_1207 = tpu.memref_slice %arg14[%dma_wait3A_1203, %dma_wait3A_1206] : memref<2x2048xi32, #tpu.memory_space<vmem>> -> memref<1x128xi32, #tpu.memory_space<vmem>>
      %dma_wait3A_1208 = tpu.memref_squeeze %dma_wait3A_1207 : memref<1x128xi32, #tpu.memory_space<vmem>> -> memref<128xi32, #tpu.memory_space<vmem>>
      %dma_wait3A_1209 = arith.constant 0 : i32
      %dma_wait3A_1210 = tpu.memref_slice %arg13[%dma_wait3A_1209] : memref<50000xf32, #tpu.memory_space<vmem_shared>> -> memref<50000xf32, #tpu.memory_space<vmem_shared>>
      tpu.wait_indirect_dma semaphore(%arg26 : memref<!tpu.dma_semaphore, #tpu.memory_space<semaphore_mem>>) src(%dma_wait3A_1210 : memref<50000xf32, #tpu.memory_space<vmem_shared>>) dst(%dma_wait3A_1205 : memref<128xf32, #tpu.memory_space<vmem>>)
      %dma_wait3A_1211 = arith.constant 1 : i32
      %dma_wait3A_1212 = arith.constant 896 : i32
      %dma_wait3A_1213 = tpu.memref_slice %arg21[%dma_wait3A_1212] : memref<2048xf32, #tpu.memory_space<vmem>> -> memref<128xf32, #tpu.memory_space<vmem>>
      %dma_wait3A_1214 = arith.constant 896 : i32
      %dma_wait3A_1215 = tpu.memref_slice %arg14[%dma_wait3A_1211, %dma_wait3A_1214] : memref<2x2048xi32, #tpu.memory_space<vmem>> -> memref<1x128xi32, #tpu.memory_space<vmem>>
      %dma_wait3A_1216 = tpu.memref_squeeze %dma_wait3A_1215 : memref<1x128xi32, #tpu.memory_space<vmem>> -> memref<128xi32, #tpu.memory_space<vmem>>
      %dma_wait3A_1217 = arith.constant 0 : i32
      %dma_wait3A_1218 = tpu.memref_slice %arg11[%dma_wait3A_1217] : memref<50000xf32, #tpu.memory_space<vmem_shared>> -> memref<50000xf32, #tpu.memory_space<vmem_shared>>
      tpu.wait_indirect_dma semaphore(%arg27 : memref<!tpu.dma_semaphore, #tpu.memory_space<semaphore_mem>>) src(%dma_wait3A_1218 : memref<50000xf32, #tpu.memory_space<vmem_shared>>) dst(%dma_wait3A_1213 : memref<128xf32, #tpu.memory_space<vmem>>)
      %dma_wait3A_1219 = arith.constant 1 : i32
      %dma_wait3A_1220 = arith.constant 896 : i32
      %dma_wait3A_1221 = tpu.memref_slice %arg22[%dma_wait3A_1220] : memref<2048xf32, #tpu.memory_space<vmem>> -> memref<128xf32, #tpu.memory_space<vmem>>
      %dma_wait3A_1222 = arith.constant 896 : i32
      %dma_wait3A_1223 = tpu.memref_slice %arg14[%dma_wait3A_1219, %dma_wait3A_1222] : memref<2x2048xi32, #tpu.memory_space<vmem>> -> memref<1x128xi32, #tpu.memory_space<vmem>>
      %dma_wait3A_1224 = tpu.memref_squeeze %dma_wait3A_1223 : memref<1x128xi32, #tpu.memory_space<vmem>> -> memref<128xi32, #tpu.memory_space<vmem>>
      %dma_wait3A_1225 = arith.constant 0 : i32
      %dma_wait3A_1226 = tpu.memref_slice %arg12[%dma_wait3A_1225] : memref<50000xf32, #tpu.memory_space<vmem_shared>> -> memref<50000xf32, #tpu.memory_space<vmem_shared>>
      tpu.wait_indirect_dma semaphore(%arg27 : memref<!tpu.dma_semaphore, #tpu.memory_space<semaphore_mem>>) src(%dma_wait3A_1226 : memref<50000xf32, #tpu.memory_space<vmem_shared>>) dst(%dma_wait3A_1221 : memref<128xf32, #tpu.memory_space<vmem>>)
      %dma_wait3A_1227 = arith.constant 1 : i32
      %dma_wait3A_1228 = arith.constant 896 : i32
      %dma_wait3A_1229 = tpu.memref_slice %arg23[%dma_wait3A_1228] : memref<2048xf32, #tpu.memory_space<vmem>> -> memref<128xf32, #tpu.memory_space<vmem>>
      %dma_wait3A_1230 = arith.constant 896 : i32
      %dma_wait3A_1231 = tpu.memref_slice %arg14[%dma_wait3A_1227, %dma_wait3A_1230] : memref<2x2048xi32, #tpu.memory_space<vmem>> -> memref<1x128xi32, #tpu.memory_space<vmem>>
      %dma_wait3A_1232 = tpu.memref_squeeze %dma_wait3A_1231 : memref<1x128xi32, #tpu.memory_space<vmem>> -> memref<128xi32, #tpu.memory_space<vmem>>
      %dma_wait3A_1233 = arith.constant 0 : i32
      %dma_wait3A_1234 = tpu.memref_slice %arg13[%dma_wait3A_1233] : memref<50000xf32, #tpu.memory_space<vmem_shared>> -> memref<50000xf32, #tpu.memory_space<vmem_shared>>
      tpu.wait_indirect_dma semaphore(%arg27 : memref<!tpu.dma_semaphore, #tpu.memory_space<semaphore_mem>>) src(%dma_wait3A_1234 : memref<50000xf32, #tpu.memory_space<vmem_shared>>) dst(%dma_wait3A_1229 : memref<128xf32, #tpu.memory_space<vmem>>)
      %dma_wait3A_1235 = arith.constant 0 : i32
      %dma_wait3A_1236 = arith.constant 1024 : i32
      %dma_wait3A_1237 = tpu.memref_slice %arg18[%dma_wait3A_1236] : memref<2048xf32, #tpu.memory_space<vmem>> -> memref<128xf32, #tpu.memory_space<vmem>>
      %dma_wait3A_1238 = arith.constant 1024 : i32
      %dma_wait3A_1239 = tpu.memref_slice %arg14[%dma_wait3A_1235, %dma_wait3A_1238] : memref<2x2048xi32, #tpu.memory_space<vmem>> -> memref<1x128xi32, #tpu.memory_space<vmem>>
      %dma_wait3A_1240 = tpu.memref_squeeze %dma_wait3A_1239 : memref<1x128xi32, #tpu.memory_space<vmem>> -> memref<128xi32, #tpu.memory_space<vmem>>
      %dma_wait3A_1241 = arith.constant 0 : i32
      %dma_wait3A_1242 = tpu.memref_slice %arg11[%dma_wait3A_1241] : memref<50000xf32, #tpu.memory_space<vmem_shared>> -> memref<50000xf32, #tpu.memory_space<vmem_shared>>
      tpu.wait_indirect_dma semaphore(%arg26 : memref<!tpu.dma_semaphore, #tpu.memory_space<semaphore_mem>>) src(%dma_wait3A_1242 : memref<50000xf32, #tpu.memory_space<vmem_shared>>) dst(%dma_wait3A_1237 : memref<128xf32, #tpu.memory_space<vmem>>)
      %dma_wait3A_1243 = arith.constant 0 : i32
      %dma_wait3A_1244 = arith.constant 1024 : i32
      %dma_wait3A_1245 = tpu.memref_slice %arg19[%dma_wait3A_1244] : memref<2048xf32, #tpu.memory_space<vmem>> -> memref<128xf32, #tpu.memory_space<vmem>>
      %dma_wait3A_1246 = arith.constant 1024 : i32
      %dma_wait3A_1247 = tpu.memref_slice %arg14[%dma_wait3A_1243, %dma_wait3A_1246] : memref<2x2048xi32, #tpu.memory_space<vmem>> -> memref<1x128xi32, #tpu.memory_space<vmem>>
      %dma_wait3A_1248 = tpu.memref_squeeze %dma_wait3A_1247 : memref<1x128xi32, #tpu.memory_space<vmem>> -> memref<128xi32, #tpu.memory_space<vmem>>
      %dma_wait3A_1249 = arith.constant 0 : i32
      %dma_wait3A_1250 = tpu.memref_slice %arg12[%dma_wait3A_1249] : memref<50000xf32, #tpu.memory_space<vmem_shared>> -> memref<50000xf32, #tpu.memory_space<vmem_shared>>
      tpu.wait_indirect_dma semaphore(%arg26 : memref<!tpu.dma_semaphore, #tpu.memory_space<semaphore_mem>>) src(%dma_wait3A_1250 : memref<50000xf32, #tpu.memory_space<vmem_shared>>) dst(%dma_wait3A_1245 : memref<128xf32, #tpu.memory_space<vmem>>)
      %dma_wait3A_1251 = arith.constant 0 : i32
      %dma_wait3A_1252 = arith.constant 1024 : i32
      %dma_wait3A_1253 = tpu.memref_slice %arg20[%dma_wait3A_1252] : memref<2048xf32, #tpu.memory_space<vmem>> -> memref<128xf32, #tpu.memory_space<vmem>>
      %dma_wait3A_1254 = arith.constant 1024 : i32
      %dma_wait3A_1255 = tpu.memref_slice %arg14[%dma_wait3A_1251, %dma_wait3A_1254] : memref<2x2048xi32, #tpu.memory_space<vmem>> -> memref<1x128xi32, #tpu.memory_space<vmem>>
      %dma_wait3A_1256 = tpu.memref_squeeze %dma_wait3A_1255 : memref<1x128xi32, #tpu.memory_space<vmem>> -> memref<128xi32, #tpu.memory_space<vmem>>
      %dma_wait3A_1257 = arith.constant 0 : i32
      %dma_wait3A_1258 = tpu.memref_slice %arg13[%dma_wait3A_1257] : memref<50000xf32, #tpu.memory_space<vmem_shared>> -> memref<50000xf32, #tpu.memory_space<vmem_shared>>
      tpu.wait_indirect_dma semaphore(%arg26 : memref<!tpu.dma_semaphore, #tpu.memory_space<semaphore_mem>>) src(%dma_wait3A_1258 : memref<50000xf32, #tpu.memory_space<vmem_shared>>) dst(%dma_wait3A_1253 : memref<128xf32, #tpu.memory_space<vmem>>)
      %dma_wait3A_1259 = arith.constant 1 : i32
      %dma_wait3A_1260 = arith.constant 1024 : i32
      %dma_wait3A_1261 = tpu.memref_slice %arg21[%dma_wait3A_1260] : memref<2048xf32, #tpu.memory_space<vmem>> -> memref<128xf32, #tpu.memory_space<vmem>>
      %dma_wait3A_1262 = arith.constant 1024 : i32
      %dma_wait3A_1263 = tpu.memref_slice %arg14[%dma_wait3A_1259, %dma_wait3A_1262] : memref<2x2048xi32, #tpu.memory_space<vmem>> -> memref<1x128xi32, #tpu.memory_space<vmem>>
      %dma_wait3A_1264 = tpu.memref_squeeze %dma_wait3A_1263 : memref<1x128xi32, #tpu.memory_space<vmem>> -> memref<128xi32, #tpu.memory_space<vmem>>
      %dma_wait3A_1265 = arith.constant 0 : i32
      %dma_wait3A_1266 = tpu.memref_slice %arg11[%dma_wait3A_1265] : memref<50000xf32, #tpu.memory_space<vmem_shared>> -> memref<50000xf32, #tpu.memory_space<vmem_shared>>
      tpu.wait_indirect_dma semaphore(%arg27 : memref<!tpu.dma_semaphore, #tpu.memory_space<semaphore_mem>>) src(%dma_wait3A_1266 : memref<50000xf32, #tpu.memory_space<vmem_shared>>) dst(%dma_wait3A_1261 : memref<128xf32, #tpu.memory_space<vmem>>)
      %dma_wait3A_1267 = arith.constant 1 : i32
      %dma_wait3A_1268 = arith.constant 1024 : i32
      %dma_wait3A_1269 = tpu.memref_slice %arg22[%dma_wait3A_1268] : memref<2048xf32, #tpu.memory_space<vmem>> -> memref<128xf32, #tpu.memory_space<vmem>>
      %dma_wait3A_1270 = arith.constant 1024 : i32
      %dma_wait3A_1271 = tpu.memref_slice %arg14[%dma_wait3A_1267, %dma_wait3A_1270] : memref<2x2048xi32, #tpu.memory_space<vmem>> -> memref<1x128xi32, #tpu.memory_space<vmem>>
      %dma_wait3A_1272 = tpu.memref_squeeze %dma_wait3A_1271 : memref<1x128xi32, #tpu.memory_space<vmem>> -> memref<128xi32, #tpu.memory_space<vmem>>
      %dma_wait3A_1273 = arith.constant 0 : i32
      %dma_wait3A_1274 = tpu.memref_slice %arg12[%dma_wait3A_1273] : memref<50000xf32, #tpu.memory_space<vmem_shared>> -> memref<50000xf32, #tpu.memory_space<vmem_shared>>
      tpu.wait_indirect_dma semaphore(%arg27 : memref<!tpu.dma_semaphore, #tpu.memory_space<semaphore_mem>>) src(%dma_wait3A_1274 : memref<50000xf32, #tpu.memory_space<vmem_shared>>) dst(%dma_wait3A_1269 : memref<128xf32, #tpu.memory_space<vmem>>)
      %dma_wait3A_1275 = arith.constant 1 : i32
      %dma_wait3A_1276 = arith.constant 1024 : i32
      %dma_wait3A_1277 = tpu.memref_slice %arg23[%dma_wait3A_1276] : memref<2048xf32, #tpu.memory_space<vmem>> -> memref<128xf32, #tpu.memory_space<vmem>>
      %dma_wait3A_1278 = arith.constant 1024 : i32
      %dma_wait3A_1279 = tpu.memref_slice %arg14[%dma_wait3A_1275, %dma_wait3A_1278] : memref<2x2048xi32, #tpu.memory_space<vmem>> -> memref<1x128xi32, #tpu.memory_space<vmem>>
      %dma_wait3A_1280 = tpu.memref_squeeze %dma_wait3A_1279 : memref<1x128xi32, #tpu.memory_space<vmem>> -> memref<128xi32, #tpu.memory_space<vmem>>
      %dma_wait3A_1281 = arith.constant 0 : i32
      %dma_wait3A_1282 = tpu.memref_slice %arg13[%dma_wait3A_1281] : memref<50000xf32, #tpu.memory_space<vmem_shared>> -> memref<50000xf32, #tpu.memory_space<vmem_shared>>
      tpu.wait_indirect_dma semaphore(%arg27 : memref<!tpu.dma_semaphore, #tpu.memory_space<semaphore_mem>>) src(%dma_wait3A_1282 : memref<50000xf32, #tpu.memory_space<vmem_shared>>) dst(%dma_wait3A_1277 : memref<128xf32, #tpu.memory_space<vmem>>)
      %dma_wait3A_1283 = arith.constant 0 : i32
      %dma_wait3A_1284 = arith.constant 1152 : i32
      %dma_wait3A_1285 = tpu.memref_slice %arg18[%dma_wait3A_1284] : memref<2048xf32, #tpu.memory_space<vmem>> -> memref<128xf32, #tpu.memory_space<vmem>>
      %dma_wait3A_1286 = arith.constant 1152 : i32
      %dma_wait3A_1287 = tpu.memref_slice %arg14[%dma_wait3A_1283, %dma_wait3A_1286] : memref<2x2048xi32, #tpu.memory_space<vmem>> -> memref<1x128xi32, #tpu.memory_space<vmem>>
      %dma_wait3A_1288 = tpu.memref_squeeze %dma_wait3A_1287 : memref<1x128xi32, #tpu.memory_space<vmem>> -> memref<128xi32, #tpu.memory_space<vmem>>
      %dma_wait3A_1289 = arith.constant 0 : i32
      %dma_wait3A_1290 = tpu.memref_slice %arg11[%dma_wait3A_1289] : memref<50000xf32, #tpu.memory_space<vmem_shared>> -> memref<50000xf32, #tpu.memory_space<vmem_shared>>
      tpu.wait_indirect_dma semaphore(%arg26 : memref<!tpu.dma_semaphore, #tpu.memory_space<semaphore_mem>>) src(%dma_wait3A_1290 : memref<50000xf32, #tpu.memory_space<vmem_shared>>) dst(%dma_wait3A_1285 : memref<128xf32, #tpu.memory_space<vmem>>)
      %dma_wait3A_1291 = arith.constant 0 : i32
      %dma_wait3A_1292 = arith.constant 1152 : i32
      %dma_wait3A_1293 = tpu.memref_slice %arg19[%dma_wait3A_1292] : memref<2048xf32, #tpu.memory_space<vmem>> -> memref<128xf32, #tpu.memory_space<vmem>>
      %dma_wait3A_1294 = arith.constant 1152 : i32
      %dma_wait3A_1295 = tpu.memref_slice %arg14[%dma_wait3A_1291, %dma_wait3A_1294] : memref<2x2048xi32, #tpu.memory_space<vmem>> -> memref<1x128xi32, #tpu.memory_space<vmem>>
      %dma_wait3A_1296 = tpu.memref_squeeze %dma_wait3A_1295 : memref<1x128xi32, #tpu.memory_space<vmem>> -> memref<128xi32, #tpu.memory_space<vmem>>
      %dma_wait3A_1297 = arith.constant 0 : i32
      %dma_wait3A_1298 = tpu.memref_slice %arg12[%dma_wait3A_1297] : memref<50000xf32, #tpu.memory_space<vmem_shared>> -> memref<50000xf32, #tpu.memory_space<vmem_shared>>
      tpu.wait_indirect_dma semaphore(%arg26 : memref<!tpu.dma_semaphore, #tpu.memory_space<semaphore_mem>>) src(%dma_wait3A_1298 : memref<50000xf32, #tpu.memory_space<vmem_shared>>) dst(%dma_wait3A_1293 : memref<128xf32, #tpu.memory_space<vmem>>)
      %dma_wait3A_1299 = arith.constant 0 : i32
      %dma_wait3A_1300 = arith.constant 1152 : i32
      %dma_wait3A_1301 = tpu.memref_slice %arg20[%dma_wait3A_1300] : memref<2048xf32, #tpu.memory_space<vmem>> -> memref<128xf32, #tpu.memory_space<vmem>>
      %dma_wait3A_1302 = arith.constant 1152 : i32
      %dma_wait3A_1303 = tpu.memref_slice %arg14[%dma_wait3A_1299, %dma_wait3A_1302] : memref<2x2048xi32, #tpu.memory_space<vmem>> -> memref<1x128xi32, #tpu.memory_space<vmem>>
      %dma_wait3A_1304 = tpu.memref_squeeze %dma_wait3A_1303 : memref<1x128xi32, #tpu.memory_space<vmem>> -> memref<128xi32, #tpu.memory_space<vmem>>
      %dma_wait3A_1305 = arith.constant 0 : i32
      %dma_wait3A_1306 = tpu.memref_slice %arg13[%dma_wait3A_1305] : memref<50000xf32, #tpu.memory_space<vmem_shared>> -> memref<50000xf32, #tpu.memory_space<vmem_shared>>
      tpu.wait_indirect_dma semaphore(%arg26 : memref<!tpu.dma_semaphore, #tpu.memory_space<semaphore_mem>>) src(%dma_wait3A_1306 : memref<50000xf32, #tpu.memory_space<vmem_shared>>) dst(%dma_wait3A_1301 : memref<128xf32, #tpu.memory_space<vmem>>)
      %dma_wait3A_1307 = arith.constant 1 : i32
      %dma_wait3A_1308 = arith.constant 1152 : i32
      %dma_wait3A_1309 = tpu.memref_slice %arg21[%dma_wait3A_1308] : memref<2048xf32, #tpu.memory_space<vmem>> -> memref<128xf32, #tpu.memory_space<vmem>>
      %dma_wait3A_1310 = arith.constant 1152 : i32
      %dma_wait3A_1311 = tpu.memref_slice %arg14[%dma_wait3A_1307, %dma_wait3A_1310] : memref<2x2048xi32, #tpu.memory_space<vmem>> -> memref<1x128xi32, #tpu.memory_space<vmem>>
      %dma_wait3A_1312 = tpu.memref_squeeze %dma_wait3A_1311 : memref<1x128xi32, #tpu.memory_space<vmem>> -> memref<128xi32, #tpu.memory_space<vmem>>
      %dma_wait3A_1313 = arith.constant 0 : i32
      %dma_wait3A_1314 = tpu.memref_slice %arg11[%dma_wait3A_1313] : memref<50000xf32, #tpu.memory_space<vmem_shared>> -> memref<50000xf32, #tpu.memory_space<vmem_shared>>
      tpu.wait_indirect_dma semaphore(%arg27 : memref<!tpu.dma_semaphore, #tpu.memory_space<semaphore_mem>>) src(%dma_wait3A_1314 : memref<50000xf32, #tpu.memory_space<vmem_shared>>) dst(%dma_wait3A_1309 : memref<128xf32, #tpu.memory_space<vmem>>)
      %dma_wait3A_1315 = arith.constant 1 : i32
      %dma_wait3A_1316 = arith.constant 1152 : i32
      %dma_wait3A_1317 = tpu.memref_slice %arg22[%dma_wait3A_1316] : memref<2048xf32, #tpu.memory_space<vmem>> -> memref<128xf32, #tpu.memory_space<vmem>>
      %dma_wait3A_1318 = arith.constant 1152 : i32
      %dma_wait3A_1319 = tpu.memref_slice %arg14[%dma_wait3A_1315, %dma_wait3A_1318] : memref<2x2048xi32, #tpu.memory_space<vmem>> -> memref<1x128xi32, #tpu.memory_space<vmem>>
      %dma_wait3A_1320 = tpu.memref_squeeze %dma_wait3A_1319 : memref<1x128xi32, #tpu.memory_space<vmem>> -> memref<128xi32, #tpu.memory_space<vmem>>
      %dma_wait3A_1321 = arith.constant 0 : i32
      %dma_wait3A_1322 = tpu.memref_slice %arg12[%dma_wait3A_1321] : memref<50000xf32, #tpu.memory_space<vmem_shared>> -> memref<50000xf32, #tpu.memory_space<vmem_shared>>
      tpu.wait_indirect_dma semaphore(%arg27 : memref<!tpu.dma_semaphore, #tpu.memory_space<semaphore_mem>>) src(%dma_wait3A_1322 : memref<50000xf32, #tpu.memory_space<vmem_shared>>) dst(%dma_wait3A_1317 : memref<128xf32, #tpu.memory_space<vmem>>)
      %dma_wait3A_1323 = arith.constant 1 : i32
      %dma_wait3A_1324 = arith.constant 1152 : i32
      %dma_wait3A_1325 = tpu.memref_slice %arg23[%dma_wait3A_1324] : memref<2048xf32, #tpu.memory_space<vmem>> -> memref<128xf32, #tpu.memory_space<vmem>>
      %dma_wait3A_1326 = arith.constant 1152 : i32
      %dma_wait3A_1327 = tpu.memref_slice %arg14[%dma_wait3A_1323, %dma_wait3A_1326] : memref<2x2048xi32, #tpu.memory_space<vmem>> -> memref<1x128xi32, #tpu.memory_space<vmem>>
      %dma_wait3A_1328 = tpu.memref_squeeze %dma_wait3A_1327 : memref<1x128xi32, #tpu.memory_space<vmem>> -> memref<128xi32, #tpu.memory_space<vmem>>
      %dma_wait3A_1329 = arith.constant 0 : i32
      %dma_wait3A_1330 = tpu.memref_slice %arg13[%dma_wait3A_1329] : memref<50000xf32, #tpu.memory_space<vmem_shared>> -> memref<50000xf32, #tpu.memory_space<vmem_shared>>
      tpu.wait_indirect_dma semaphore(%arg27 : memref<!tpu.dma_semaphore, #tpu.memory_space<semaphore_mem>>) src(%dma_wait3A_1330 : memref<50000xf32, #tpu.memory_space<vmem_shared>>) dst(%dma_wait3A_1325 : memref<128xf32, #tpu.memory_space<vmem>>)
      %dma_wait3A_1331 = arith.constant 0 : i32
      %dma_wait3A_1332 = arith.constant 1280 : i32
      %dma_wait3A_1333 = tpu.memref_slice %arg18[%dma_wait3A_1332] : memref<2048xf32, #tpu.memory_space<vmem>> -> memref<128xf32, #tpu.memory_space<vmem>>
      %dma_wait3A_1334 = arith.constant 1280 : i32
      %dma_wait3A_1335 = tpu.memref_slice %arg14[%dma_wait3A_1331, %dma_wait3A_1334] : memref<2x2048xi32, #tpu.memory_space<vmem>> -> memref<1x128xi32, #tpu.memory_space<vmem>>
      %dma_wait3A_1336 = tpu.memref_squeeze %dma_wait3A_1335 : memref<1x128xi32, #tpu.memory_space<vmem>> -> memref<128xi32, #tpu.memory_space<vmem>>
      %dma_wait3A_1337 = arith.constant 0 : i32
      %dma_wait3A_1338 = tpu.memref_slice %arg11[%dma_wait3A_1337] : memref<50000xf32, #tpu.memory_space<vmem_shared>> -> memref<50000xf32, #tpu.memory_space<vmem_shared>>
      tpu.wait_indirect_dma semaphore(%arg26 : memref<!tpu.dma_semaphore, #tpu.memory_space<semaphore_mem>>) src(%dma_wait3A_1338 : memref<50000xf32, #tpu.memory_space<vmem_shared>>) dst(%dma_wait3A_1333 : memref<128xf32, #tpu.memory_space<vmem>>)
      %dma_wait3A_1339 = arith.constant 0 : i32
      %dma_wait3A_1340 = arith.constant 1280 : i32
      %dma_wait3A_1341 = tpu.memref_slice %arg19[%dma_wait3A_1340] : memref<2048xf32, #tpu.memory_space<vmem>> -> memref<128xf32, #tpu.memory_space<vmem>>
      %dma_wait3A_1342 = arith.constant 1280 : i32
      %dma_wait3A_1343 = tpu.memref_slice %arg14[%dma_wait3A_1339, %dma_wait3A_1342] : memref<2x2048xi32, #tpu.memory_space<vmem>> -> memref<1x128xi32, #tpu.memory_space<vmem>>
      %dma_wait3A_1344 = tpu.memref_squeeze %dma_wait3A_1343 : memref<1x128xi32, #tpu.memory_space<vmem>> -> memref<128xi32, #tpu.memory_space<vmem>>
      %dma_wait3A_1345 = arith.constant 0 : i32
      %dma_wait3A_1346 = tpu.memref_slice %arg12[%dma_wait3A_1345] : memref<50000xf32, #tpu.memory_space<vmem_shared>> -> memref<50000xf32, #tpu.memory_space<vmem_shared>>
      tpu.wait_indirect_dma semaphore(%arg26 : memref<!tpu.dma_semaphore, #tpu.memory_space<semaphore_mem>>) src(%dma_wait3A_1346 : memref<50000xf32, #tpu.memory_space<vmem_shared>>) dst(%dma_wait3A_1341 : memref<128xf32, #tpu.memory_space<vmem>>)
      %dma_wait3A_1347 = arith.constant 0 : i32
      %dma_wait3A_1348 = arith.constant 1280 : i32
      %dma_wait3A_1349 = tpu.memref_slice %arg20[%dma_wait3A_1348] : memref<2048xf32, #tpu.memory_space<vmem>> -> memref<128xf32, #tpu.memory_space<vmem>>
      %dma_wait3A_1350 = arith.constant 1280 : i32
      %dma_wait3A_1351 = tpu.memref_slice %arg14[%dma_wait3A_1347, %dma_wait3A_1350] : memref<2x2048xi32, #tpu.memory_space<vmem>> -> memref<1x128xi32, #tpu.memory_space<vmem>>
      %dma_wait3A_1352 = tpu.memref_squeeze %dma_wait3A_1351 : memref<1x128xi32, #tpu.memory_space<vmem>> -> memref<128xi32, #tpu.memory_space<vmem>>
      %dma_wait3A_1353 = arith.constant 0 : i32
      %dma_wait3A_1354 = tpu.memref_slice %arg13[%dma_wait3A_1353] : memref<50000xf32, #tpu.memory_space<vmem_shared>> -> memref<50000xf32, #tpu.memory_space<vmem_shared>>
      tpu.wait_indirect_dma semaphore(%arg26 : memref<!tpu.dma_semaphore, #tpu.memory_space<semaphore_mem>>) src(%dma_wait3A_1354 : memref<50000xf32, #tpu.memory_space<vmem_shared>>) dst(%dma_wait3A_1349 : memref<128xf32, #tpu.memory_space<vmem>>)
      %dma_wait3A_1355 = arith.constant 1 : i32
      %dma_wait3A_1356 = arith.constant 1280 : i32
      %dma_wait3A_1357 = tpu.memref_slice %arg21[%dma_wait3A_1356] : memref<2048xf32, #tpu.memory_space<vmem>> -> memref<128xf32, #tpu.memory_space<vmem>>
      %dma_wait3A_1358 = arith.constant 1280 : i32
      %dma_wait3A_1359 = tpu.memref_slice %arg14[%dma_wait3A_1355, %dma_wait3A_1358] : memref<2x2048xi32, #tpu.memory_space<vmem>> -> memref<1x128xi32, #tpu.memory_space<vmem>>
      %dma_wait3A_1360 = tpu.memref_squeeze %dma_wait3A_1359 : memref<1x128xi32, #tpu.memory_space<vmem>> -> memref<128xi32, #tpu.memory_space<vmem>>
      %dma_wait3A_1361 = arith.constant 0 : i32
      %dma_wait3A_1362 = tpu.memref_slice %arg11[%dma_wait3A_1361] : memref<50000xf32, #tpu.memory_space<vmem_shared>> -> memref<50000xf32, #tpu.memory_space<vmem_shared>>
      tpu.wait_indirect_dma semaphore(%arg27 : memref<!tpu.dma_semaphore, #tpu.memory_space<semaphore_mem>>) src(%dma_wait3A_1362 : memref<50000xf32, #tpu.memory_space<vmem_shared>>) dst(%dma_wait3A_1357 : memref<128xf32, #tpu.memory_space<vmem>>)
      %dma_wait3A_1363 = arith.constant 1 : i32
      %dma_wait3A_1364 = arith.constant 1280 : i32
      %dma_wait3A_1365 = tpu.memref_slice %arg22[%dma_wait3A_1364] : memref<2048xf32, #tpu.memory_space<vmem>> -> memref<128xf32, #tpu.memory_space<vmem>>
      %dma_wait3A_1366 = arith.constant 1280 : i32
      %dma_wait3A_1367 = tpu.memref_slice %arg14[%dma_wait3A_1363, %dma_wait3A_1366] : memref<2x2048xi32, #tpu.memory_space<vmem>> -> memref<1x128xi32, #tpu.memory_space<vmem>>
      %dma_wait3A_1368 = tpu.memref_squeeze %dma_wait3A_1367 : memref<1x128xi32, #tpu.memory_space<vmem>> -> memref<128xi32, #tpu.memory_space<vmem>>
      %dma_wait3A_1369 = arith.constant 0 : i32
      %dma_wait3A_1370 = tpu.memref_slice %arg12[%dma_wait3A_1369] : memref<50000xf32, #tpu.memory_space<vmem_shared>> -> memref<50000xf32, #tpu.memory_space<vmem_shared>>
      tpu.wait_indirect_dma semaphore(%arg27 : memref<!tpu.dma_semaphore, #tpu.memory_space<semaphore_mem>>) src(%dma_wait3A_1370 : memref<50000xf32, #tpu.memory_space<vmem_shared>>) dst(%dma_wait3A_1365 : memref<128xf32, #tpu.memory_space<vmem>>)
      %dma_wait3A_1371 = arith.constant 1 : i32
      %dma_wait3A_1372 = arith.constant 1280 : i32
      %dma_wait3A_1373 = tpu.memref_slice %arg23[%dma_wait3A_1372] : memref<2048xf32, #tpu.memory_space<vmem>> -> memref<128xf32, #tpu.memory_space<vmem>>
      %dma_wait3A_1374 = arith.constant 1280 : i32
      %dma_wait3A_1375 = tpu.memref_slice %arg14[%dma_wait3A_1371, %dma_wait3A_1374] : memref<2x2048xi32, #tpu.memory_space<vmem>> -> memref<1x128xi32, #tpu.memory_space<vmem>>
      %dma_wait3A_1376 = tpu.memref_squeeze %dma_wait3A_1375 : memref<1x128xi32, #tpu.memory_space<vmem>> -> memref<128xi32, #tpu.memory_space<vmem>>
      %dma_wait3A_1377 = arith.constant 0 : i32
      %dma_wait3A_1378 = tpu.memref_slice %arg13[%dma_wait3A_1377] : memref<50000xf32, #tpu.memory_space<vmem_shared>> -> memref<50000xf32, #tpu.memory_space<vmem_shared>>
      tpu.wait_indirect_dma semaphore(%arg27 : memref<!tpu.dma_semaphore, #tpu.memory_space<semaphore_mem>>) src(%dma_wait3A_1378 : memref<50000xf32, #tpu.memory_space<vmem_shared>>) dst(%dma_wait3A_1373 : memref<128xf32, #tpu.memory_space<vmem>>)
      %dma_wait3A_1379 = arith.constant 0 : i32
      %dma_wait3A_1380 = arith.constant 1408 : i32
      %dma_wait3A_1381 = tpu.memref_slice %arg18[%dma_wait3A_1380] : memref<2048xf32, #tpu.memory_space<vmem>> -> memref<128xf32, #tpu.memory_space<vmem>>
      %dma_wait3A_1382 = arith.constant 1408 : i32
      %dma_wait3A_1383 = tpu.memref_slice %arg14[%dma_wait3A_1379, %dma_wait3A_1382] : memref<2x2048xi32, #tpu.memory_space<vmem>> -> memref<1x128xi32, #tpu.memory_space<vmem>>
      %dma_wait3A_1384 = tpu.memref_squeeze %dma_wait3A_1383 : memref<1x128xi32, #tpu.memory_space<vmem>> -> memref<128xi32, #tpu.memory_space<vmem>>
      %dma_wait3A_1385 = arith.constant 0 : i32
      %dma_wait3A_1386 = tpu.memref_slice %arg11[%dma_wait3A_1385] : memref<50000xf32, #tpu.memory_space<vmem_shared>> -> memref<50000xf32, #tpu.memory_space<vmem_shared>>
      tpu.wait_indirect_dma semaphore(%arg26 : memref<!tpu.dma_semaphore, #tpu.memory_space<semaphore_mem>>) src(%dma_wait3A_1386 : memref<50000xf32, #tpu.memory_space<vmem_shared>>) dst(%dma_wait3A_1381 : memref<128xf32, #tpu.memory_space<vmem>>)
      %dma_wait3A_1387 = arith.constant 0 : i32
      %dma_wait3A_1388 = arith.constant 1408 : i32
      %dma_wait3A_1389 = tpu.memref_slice %arg19[%dma_wait3A_1388] : memref<2048xf32, #tpu.memory_space<vmem>> -> memref<128xf32, #tpu.memory_space<vmem>>
      %dma_wait3A_1390 = arith.constant 1408 : i32
      %dma_wait3A_1391 = tpu.memref_slice %arg14[%dma_wait3A_1387, %dma_wait3A_1390] : memref<2x2048xi32, #tpu.memory_space<vmem>> -> memref<1x128xi32, #tpu.memory_space<vmem>>
      %dma_wait3A_1392 = tpu.memref_squeeze %dma_wait3A_1391 : memref<1x128xi32, #tpu.memory_space<vmem>> -> memref<128xi32, #tpu.memory_space<vmem>>
      %dma_wait3A_1393 = arith.constant 0 : i32
      %dma_wait3A_1394 = tpu.memref_slice %arg12[%dma_wait3A_1393] : memref<50000xf32, #tpu.memory_space<vmem_shared>> -> memref<50000xf32, #tpu.memory_space<vmem_shared>>
      tpu.wait_indirect_dma semaphore(%arg26 : memref<!tpu.dma_semaphore, #tpu.memory_space<semaphore_mem>>) src(%dma_wait3A_1394 : memref<50000xf32, #tpu.memory_space<vmem_shared>>) dst(%dma_wait3A_1389 : memref<128xf32, #tpu.memory_space<vmem>>)
      %dma_wait3A_1395 = arith.constant 0 : i32
      %dma_wait3A_1396 = arith.constant 1408 : i32
      %dma_wait3A_1397 = tpu.memref_slice %arg20[%dma_wait3A_1396] : memref<2048xf32, #tpu.memory_space<vmem>> -> memref<128xf32, #tpu.memory_space<vmem>>
      %dma_wait3A_1398 = arith.constant 1408 : i32
      %dma_wait3A_1399 = tpu.memref_slice %arg14[%dma_wait3A_1395, %dma_wait3A_1398] : memref<2x2048xi32, #tpu.memory_space<vmem>> -> memref<1x128xi32, #tpu.memory_space<vmem>>
      %dma_wait3A_1400 = tpu.memref_squeeze %dma_wait3A_1399 : memref<1x128xi32, #tpu.memory_space<vmem>> -> memref<128xi32, #tpu.memory_space<vmem>>
      %dma_wait3A_1401 = arith.constant 0 : i32
      %dma_wait3A_1402 = tpu.memref_slice %arg13[%dma_wait3A_1401] : memref<50000xf32, #tpu.memory_space<vmem_shared>> -> memref<50000xf32, #tpu.memory_space<vmem_shared>>
      tpu.wait_indirect_dma semaphore(%arg26 : memref<!tpu.dma_semaphore, #tpu.memory_space<semaphore_mem>>) src(%dma_wait3A_1402 : memref<50000xf32, #tpu.memory_space<vmem_shared>>) dst(%dma_wait3A_1397 : memref<128xf32, #tpu.memory_space<vmem>>)
      %dma_wait3A_1403 = arith.constant 1 : i32
      %dma_wait3A_1404 = arith.constant 1408 : i32
      %dma_wait3A_1405 = tpu.memref_slice %arg21[%dma_wait3A_1404] : memref<2048xf32, #tpu.memory_space<vmem>> -> memref<128xf32, #tpu.memory_space<vmem>>
      %dma_wait3A_1406 = arith.constant 1408 : i32
      %dma_wait3A_1407 = tpu.memref_slice %arg14[%dma_wait3A_1403, %dma_wait3A_1406] : memref<2x2048xi32, #tpu.memory_space<vmem>> -> memref<1x128xi32, #tpu.memory_space<vmem>>
      %dma_wait3A_1408 = tpu.memref_squeeze %dma_wait3A_1407 : memref<1x128xi32, #tpu.memory_space<vmem>> -> memref<128xi32, #tpu.memory_space<vmem>>
      %dma_wait3A_1409 = arith.constant 0 : i32
      %dma_wait3A_1410 = tpu.memref_slice %arg11[%dma_wait3A_1409] : memref<50000xf32, #tpu.memory_space<vmem_shared>> -> memref<50000xf32, #tpu.memory_space<vmem_shared>>
      tpu.wait_indirect_dma semaphore(%arg27 : memref<!tpu.dma_semaphore, #tpu.memory_space<semaphore_mem>>) src(%dma_wait3A_1410 : memref<50000xf32, #tpu.memory_space<vmem_shared>>) dst(%dma_wait3A_1405 : memref<128xf32, #tpu.memory_space<vmem>>)
      %dma_wait3A_1411 = arith.constant 1 : i32
      %dma_wait3A_1412 = arith.constant 1408 : i32
      %dma_wait3A_1413 = tpu.memref_slice %arg22[%dma_wait3A_1412] : memref<2048xf32, #tpu.memory_space<vmem>> -> memref<128xf32, #tpu.memory_space<vmem>>
      %dma_wait3A_1414 = arith.constant 1408 : i32
      %dma_wait3A_1415 = tpu.memref_slice %arg14[%dma_wait3A_1411, %dma_wait3A_1414] : memref<2x2048xi32, #tpu.memory_space<vmem>> -> memref<1x128xi32, #tpu.memory_space<vmem>>
      %dma_wait3A_1416 = tpu.memref_squeeze %dma_wait3A_1415 : memref<1x128xi32, #tpu.memory_space<vmem>> -> memref<128xi32, #tpu.memory_space<vmem>>
      %dma_wait3A_1417 = arith.constant 0 : i32
      %dma_wait3A_1418 = tpu.memref_slice %arg12[%dma_wait3A_1417] : memref<50000xf32, #tpu.memory_space<vmem_shared>> -> memref<50000xf32, #tpu.memory_space<vmem_shared>>
      tpu.wait_indirect_dma semaphore(%arg27 : memref<!tpu.dma_semaphore, #tpu.memory_space<semaphore_mem>>) src(%dma_wait3A_1418 : memref<50000xf32, #tpu.memory_space<vmem_shared>>) dst(%dma_wait3A_1413 : memref<128xf32, #tpu.memory_space<vmem>>)
      %dma_wait3A_1419 = arith.constant 1 : i32
      %dma_wait3A_1420 = arith.constant 1408 : i32
      %dma_wait3A_1421 = tpu.memref_slice %arg23[%dma_wait3A_1420] : memref<2048xf32, #tpu.memory_space<vmem>> -> memref<128xf32, #tpu.memory_space<vmem>>
      %dma_wait3A_1422 = arith.constant 1408 : i32
      %dma_wait3A_1423 = tpu.memref_slice %arg14[%dma_wait3A_1419, %dma_wait3A_1422] : memref<2x2048xi32, #tpu.memory_space<vmem>> -> memref<1x128xi32, #tpu.memory_space<vmem>>
      %dma_wait3A_1424 = tpu.memref_squeeze %dma_wait3A_1423 : memref<1x128xi32, #tpu.memory_space<vmem>> -> memref<128xi32, #tpu.memory_space<vmem>>
      %dma_wait3A_1425 = arith.constant 0 : i32
      %dma_wait3A_1426 = tpu.memref_slice %arg13[%dma_wait3A_1425] : memref<50000xf32, #tpu.memory_space<vmem_shared>> -> memref<50000xf32, #tpu.memory_space<vmem_shared>>
      tpu.wait_indirect_dma semaphore(%arg27 : memref<!tpu.dma_semaphore, #tpu.memory_space<semaphore_mem>>) src(%dma_wait3A_1426 : memref<50000xf32, #tpu.memory_space<vmem_shared>>) dst(%dma_wait3A_1421 : memref<128xf32, #tpu.memory_space<vmem>>)
      %dma_wait3A_1427 = arith.constant 0 : i32
      %dma_wait3A_1428 = arith.constant 1536 : i32
      %dma_wait3A_1429 = tpu.memref_slice %arg18[%dma_wait3A_1428] : memref<2048xf32, #tpu.memory_space<vmem>> -> memref<128xf32, #tpu.memory_space<vmem>>
      %dma_wait3A_1430 = arith.constant 1536 : i32
      %dma_wait3A_1431 = tpu.memref_slice %arg14[%dma_wait3A_1427, %dma_wait3A_1430] : memref<2x2048xi32, #tpu.memory_space<vmem>> -> memref<1x128xi32, #tpu.memory_space<vmem>>
      %dma_wait3A_1432 = tpu.memref_squeeze %dma_wait3A_1431 : memref<1x128xi32, #tpu.memory_space<vmem>> -> memref<128xi32, #tpu.memory_space<vmem>>
      %dma_wait3A_1433 = arith.constant 0 : i32
      %dma_wait3A_1434 = tpu.memref_slice %arg11[%dma_wait3A_1433] : memref<50000xf32, #tpu.memory_space<vmem_shared>> -> memref<50000xf32, #tpu.memory_space<vmem_shared>>
      tpu.wait_indirect_dma semaphore(%arg26 : memref<!tpu.dma_semaphore, #tpu.memory_space<semaphore_mem>>) src(%dma_wait3A_1434 : memref<50000xf32, #tpu.memory_space<vmem_shared>>) dst(%dma_wait3A_1429 : memref<128xf32, #tpu.memory_space<vmem>>)
      %dma_wait3A_1435 = arith.constant 0 : i32
      %dma_wait3A_1436 = arith.constant 1536 : i32
      %dma_wait3A_1437 = tpu.memref_slice %arg19[%dma_wait3A_1436] : memref<2048xf32, #tpu.memory_space<vmem>> -> memref<128xf32, #tpu.memory_space<vmem>>
      %dma_wait3A_1438 = arith.constant 1536 : i32
      %dma_wait3A_1439 = tpu.memref_slice %arg14[%dma_wait3A_1435, %dma_wait3A_1438] : memref<2x2048xi32, #tpu.memory_space<vmem>> -> memref<1x128xi32, #tpu.memory_space<vmem>>
      %dma_wait3A_1440 = tpu.memref_squeeze %dma_wait3A_1439 : memref<1x128xi32, #tpu.memory_space<vmem>> -> memref<128xi32, #tpu.memory_space<vmem>>
      %dma_wait3A_1441 = arith.constant 0 : i32
      %dma_wait3A_1442 = tpu.memref_slice %arg12[%dma_wait3A_1441] : memref<50000xf32, #tpu.memory_space<vmem_shared>> -> memref<50000xf32, #tpu.memory_space<vmem_shared>>
      tpu.wait_indirect_dma semaphore(%arg26 : memref<!tpu.dma_semaphore, #tpu.memory_space<semaphore_mem>>) src(%dma_wait3A_1442 : memref<50000xf32, #tpu.memory_space<vmem_shared>>) dst(%dma_wait3A_1437 : memref<128xf32, #tpu.memory_space<vmem>>)
      %dma_wait3A_1443 = arith.constant 0 : i32
      %dma_wait3A_1444 = arith.constant 1536 : i32
      %dma_wait3A_1445 = tpu.memref_slice %arg20[%dma_wait3A_1444] : memref<2048xf32, #tpu.memory_space<vmem>> -> memref<128xf32, #tpu.memory_space<vmem>>
      %dma_wait3A_1446 = arith.constant 1536 : i32
      %dma_wait3A_1447 = tpu.memref_slice %arg14[%dma_wait3A_1443, %dma_wait3A_1446] : memref<2x2048xi32, #tpu.memory_space<vmem>> -> memref<1x128xi32, #tpu.memory_space<vmem>>
      %dma_wait3A_1448 = tpu.memref_squeeze %dma_wait3A_1447 : memref<1x128xi32, #tpu.memory_space<vmem>> -> memref<128xi32, #tpu.memory_space<vmem>>
      %dma_wait3A_1449 = arith.constant 0 : i32
      %dma_wait3A_1450 = tpu.memref_slice %arg13[%dma_wait3A_1449] : memref<50000xf32, #tpu.memory_space<vmem_shared>> -> memref<50000xf32, #tpu.memory_space<vmem_shared>>
      tpu.wait_indirect_dma semaphore(%arg26 : memref<!tpu.dma_semaphore, #tpu.memory_space<semaphore_mem>>) src(%dma_wait3A_1450 : memref<50000xf32, #tpu.memory_space<vmem_shared>>) dst(%dma_wait3A_1445 : memref<128xf32, #tpu.memory_space<vmem>>)
      %dma_wait3A_1451 = arith.constant 1 : i32
      %dma_wait3A_1452 = arith.constant 1536 : i32
      %dma_wait3A_1453 = tpu.memref_slice %arg21[%dma_wait3A_1452] : memref<2048xf32, #tpu.memory_space<vmem>> -> memref<128xf32, #tpu.memory_space<vmem>>
      %dma_wait3A_1454 = arith.constant 1536 : i32
      %dma_wait3A_1455 = tpu.memref_slice %arg14[%dma_wait3A_1451, %dma_wait3A_1454] : memref<2x2048xi32, #tpu.memory_space<vmem>> -> memref<1x128xi32, #tpu.memory_space<vmem>>
      %dma_wait3A_1456 = tpu.memref_squeeze %dma_wait3A_1455 : memref<1x128xi32, #tpu.memory_space<vmem>> -> memref<128xi32, #tpu.memory_space<vmem>>
      %dma_wait3A_1457 = arith.constant 0 : i32
      %dma_wait3A_1458 = tpu.memref_slice %arg11[%dma_wait3A_1457] : memref<50000xf32, #tpu.memory_space<vmem_shared>> -> memref<50000xf32, #tpu.memory_space<vmem_shared>>
      tpu.wait_indirect_dma semaphore(%arg27 : memref<!tpu.dma_semaphore, #tpu.memory_space<semaphore_mem>>) src(%dma_wait3A_1458 : memref<50000xf32, #tpu.memory_space<vmem_shared>>) dst(%dma_wait3A_1453 : memref<128xf32, #tpu.memory_space<vmem>>)
      %dma_wait3A_1459 = arith.constant 1 : i32
      %dma_wait3A_1460 = arith.constant 1536 : i32
      %dma_wait3A_1461 = tpu.memref_slice %arg22[%dma_wait3A_1460] : memref<2048xf32, #tpu.memory_space<vmem>> -> memref<128xf32, #tpu.memory_space<vmem>>
      %dma_wait3A_1462 = arith.constant 1536 : i32
      %dma_wait3A_1463 = tpu.memref_slice %arg14[%dma_wait3A_1459, %dma_wait3A_1462] : memref<2x2048xi32, #tpu.memory_space<vmem>> -> memref<1x128xi32, #tpu.memory_space<vmem>>
      %dma_wait3A_1464 = tpu.memref_squeeze %dma_wait3A_1463 : memref<1x128xi32, #tpu.memory_space<vmem>> -> memref<128xi32, #tpu.memory_space<vmem>>
      %dma_wait3A_1465 = arith.constant 0 : i32
      %dma_wait3A_1466 = tpu.memref_slice %arg12[%dma_wait3A_1465] : memref<50000xf32, #tpu.memory_space<vmem_shared>> -> memref<50000xf32, #tpu.memory_space<vmem_shared>>
      tpu.wait_indirect_dma semaphore(%arg27 : memref<!tpu.dma_semaphore, #tpu.memory_space<semaphore_mem>>) src(%dma_wait3A_1466 : memref<50000xf32, #tpu.memory_space<vmem_shared>>) dst(%dma_wait3A_1461 : memref<128xf32, #tpu.memory_space<vmem>>)
      %dma_wait3A_1467 = arith.constant 1 : i32
      %dma_wait3A_1468 = arith.constant 1536 : i32
      %dma_wait3A_1469 = tpu.memref_slice %arg23[%dma_wait3A_1468] : memref<2048xf32, #tpu.memory_space<vmem>> -> memref<128xf32, #tpu.memory_space<vmem>>
      %dma_wait3A_1470 = arith.constant 1536 : i32
      %dma_wait3A_1471 = tpu.memref_slice %arg14[%dma_wait3A_1467, %dma_wait3A_1470] : memref<2x2048xi32, #tpu.memory_space<vmem>> -> memref<1x128xi32, #tpu.memory_space<vmem>>
      %dma_wait3A_1472 = tpu.memref_squeeze %dma_wait3A_1471 : memref<1x128xi32, #tpu.memory_space<vmem>> -> memref<128xi32, #tpu.memory_space<vmem>>
      %dma_wait3A_1473 = arith.constant 0 : i32
      %dma_wait3A_1474 = tpu.memref_slice %arg13[%dma_wait3A_1473] : memref<50000xf32, #tpu.memory_space<vmem_shared>> -> memref<50000xf32, #tpu.memory_space<vmem_shared>>
      tpu.wait_indirect_dma semaphore(%arg27 : memref<!tpu.dma_semaphore, #tpu.memory_space<semaphore_mem>>) src(%dma_wait3A_1474 : memref<50000xf32, #tpu.memory_space<vmem_shared>>) dst(%dma_wait3A_1469 : memref<128xf32, #tpu.memory_space<vmem>>)
      %dma_wait3A_1475 = arith.constant 0 : i32
      %dma_wait3A_1476 = arith.constant 1664 : i32
      %dma_wait3A_1477 = tpu.memref_slice %arg18[%dma_wait3A_1476] : memref<2048xf32, #tpu.memory_space<vmem>> -> memref<128xf32, #tpu.memory_space<vmem>>
      %dma_wait3A_1478 = arith.constant 1664 : i32
      %dma_wait3A_1479 = tpu.memref_slice %arg14[%dma_wait3A_1475, %dma_wait3A_1478] : memref<2x2048xi32, #tpu.memory_space<vmem>> -> memref<1x128xi32, #tpu.memory_space<vmem>>
      %dma_wait3A_1480 = tpu.memref_squeeze %dma_wait3A_1479 : memref<1x128xi32, #tpu.memory_space<vmem>> -> memref<128xi32, #tpu.memory_space<vmem>>
      %dma_wait3A_1481 = arith.constant 0 : i32
      %dma_wait3A_1482 = tpu.memref_slice %arg11[%dma_wait3A_1481] : memref<50000xf32, #tpu.memory_space<vmem_shared>> -> memref<50000xf32, #tpu.memory_space<vmem_shared>>
      tpu.wait_indirect_dma semaphore(%arg26 : memref<!tpu.dma_semaphore, #tpu.memory_space<semaphore_mem>>) src(%dma_wait3A_1482 : memref<50000xf32, #tpu.memory_space<vmem_shared>>) dst(%dma_wait3A_1477 : memref<128xf32, #tpu.memory_space<vmem>>)
      %dma_wait3A_1483 = arith.constant 0 : i32
      %dma_wait3A_1484 = arith.constant 1664 : i32
      %dma_wait3A_1485 = tpu.memref_slice %arg19[%dma_wait3A_1484] : memref<2048xf32, #tpu.memory_space<vmem>> -> memref<128xf32, #tpu.memory_space<vmem>>
      %dma_wait3A_1486 = arith.constant 1664 : i32
      %dma_wait3A_1487 = tpu.memref_slice %arg14[%dma_wait3A_1483, %dma_wait3A_1486] : memref<2x2048xi32, #tpu.memory_space<vmem>> -> memref<1x128xi32, #tpu.memory_space<vmem>>
      %dma_wait3A_1488 = tpu.memref_squeeze %dma_wait3A_1487 : memref<1x128xi32, #tpu.memory_space<vmem>> -> memref<128xi32, #tpu.memory_space<vmem>>
      %dma_wait3A_1489 = arith.constant 0 : i32
      %dma_wait3A_1490 = tpu.memref_slice %arg12[%dma_wait3A_1489] : memref<50000xf32, #tpu.memory_space<vmem_shared>> -> memref<50000xf32, #tpu.memory_space<vmem_shared>>
      tpu.wait_indirect_dma semaphore(%arg26 : memref<!tpu.dma_semaphore, #tpu.memory_space<semaphore_mem>>) src(%dma_wait3A_1490 : memref<50000xf32, #tpu.memory_space<vmem_shared>>) dst(%dma_wait3A_1485 : memref<128xf32, #tpu.memory_space<vmem>>)
      %dma_wait3A_1491 = arith.constant 0 : i32
      %dma_wait3A_1492 = arith.constant 1664 : i32
      %dma_wait3A_1493 = tpu.memref_slice %arg20[%dma_wait3A_1492] : memref<2048xf32, #tpu.memory_space<vmem>> -> memref<128xf32, #tpu.memory_space<vmem>>
      %dma_wait3A_1494 = arith.constant 1664 : i32
      %dma_wait3A_1495 = tpu.memref_slice %arg14[%dma_wait3A_1491, %dma_wait3A_1494] : memref<2x2048xi32, #tpu.memory_space<vmem>> -> memref<1x128xi32, #tpu.memory_space<vmem>>
      %dma_wait3A_1496 = tpu.memref_squeeze %dma_wait3A_1495 : memref<1x128xi32, #tpu.memory_space<vmem>> -> memref<128xi32, #tpu.memory_space<vmem>>
      %dma_wait3A_1497 = arith.constant 0 : i32
      %dma_wait3A_1498 = tpu.memref_slice %arg13[%dma_wait3A_1497] : memref<50000xf32, #tpu.memory_space<vmem_shared>> -> memref<50000xf32, #tpu.memory_space<vmem_shared>>
      tpu.wait_indirect_dma semaphore(%arg26 : memref<!tpu.dma_semaphore, #tpu.memory_space<semaphore_mem>>) src(%dma_wait3A_1498 : memref<50000xf32, #tpu.memory_space<vmem_shared>>) dst(%dma_wait3A_1493 : memref<128xf32, #tpu.memory_space<vmem>>)
      %dma_wait3A_1499 = arith.constant 1 : i32
      %dma_wait3A_1500 = arith.constant 1664 : i32
      %dma_wait3A_1501 = tpu.memref_slice %arg21[%dma_wait3A_1500] : memref<2048xf32, #tpu.memory_space<vmem>> -> memref<128xf32, #tpu.memory_space<vmem>>
      %dma_wait3A_1502 = arith.constant 1664 : i32
      %dma_wait3A_1503 = tpu.memref_slice %arg14[%dma_wait3A_1499, %dma_wait3A_1502] : memref<2x2048xi32, #tpu.memory_space<vmem>> -> memref<1x128xi32, #tpu.memory_space<vmem>>
      %dma_wait3A_1504 = tpu.memref_squeeze %dma_wait3A_1503 : memref<1x128xi32, #tpu.memory_space<vmem>> -> memref<128xi32, #tpu.memory_space<vmem>>
      %dma_wait3A_1505 = arith.constant 0 : i32
      %dma_wait3A_1506 = tpu.memref_slice %arg11[%dma_wait3A_1505] : memref<50000xf32, #tpu.memory_space<vmem_shared>> -> memref<50000xf32, #tpu.memory_space<vmem_shared>>
      tpu.wait_indirect_dma semaphore(%arg27 : memref<!tpu.dma_semaphore, #tpu.memory_space<semaphore_mem>>) src(%dma_wait3A_1506 : memref<50000xf32, #tpu.memory_space<vmem_shared>>) dst(%dma_wait3A_1501 : memref<128xf32, #tpu.memory_space<vmem>>)
      %dma_wait3A_1507 = arith.constant 1 : i32
      %dma_wait3A_1508 = arith.constant 1664 : i32
      %dma_wait3A_1509 = tpu.memref_slice %arg22[%dma_wait3A_1508] : memref<2048xf32, #tpu.memory_space<vmem>> -> memref<128xf32, #tpu.memory_space<vmem>>
      %dma_wait3A_1510 = arith.constant 1664 : i32
      %dma_wait3A_1511 = tpu.memref_slice %arg14[%dma_wait3A_1507, %dma_wait3A_1510] : memref<2x2048xi32, #tpu.memory_space<vmem>> -> memref<1x128xi32, #tpu.memory_space<vmem>>
      %dma_wait3A_1512 = tpu.memref_squeeze %dma_wait3A_1511 : memref<1x128xi32, #tpu.memory_space<vmem>> -> memref<128xi32, #tpu.memory_space<vmem>>
      %dma_wait3A_1513 = arith.constant 0 : i32
      %dma_wait3A_1514 = tpu.memref_slice %arg12[%dma_wait3A_1513] : memref<50000xf32, #tpu.memory_space<vmem_shared>> -> memref<50000xf32, #tpu.memory_space<vmem_shared>>
      tpu.wait_indirect_dma semaphore(%arg27 : memref<!tpu.dma_semaphore, #tpu.memory_space<semaphore_mem>>) src(%dma_wait3A_1514 : memref<50000xf32, #tpu.memory_space<vmem_shared>>) dst(%dma_wait3A_1509 : memref<128xf32, #tpu.memory_space<vmem>>)
      %dma_wait3A_1515 = arith.constant 1 : i32
      %dma_wait3A_1516 = arith.constant 1664 : i32
      %dma_wait3A_1517 = tpu.memref_slice %arg23[%dma_wait3A_1516] : memref<2048xf32, #tpu.memory_space<vmem>> -> memref<128xf32, #tpu.memory_space<vmem>>
      %dma_wait3A_1518 = arith.constant 1664 : i32
      %dma_wait3A_1519 = tpu.memref_slice %arg14[%dma_wait3A_1515, %dma_wait3A_1518] : memref<2x2048xi32, #tpu.memory_space<vmem>> -> memref<1x128xi32, #tpu.memory_space<vmem>>
      %dma_wait3A_1520 = tpu.memref_squeeze %dma_wait3A_1519 : memref<1x128xi32, #tpu.memory_space<vmem>> -> memref<128xi32, #tpu.memory_space<vmem>>
      %dma_wait3A_1521 = arith.constant 0 : i32
      %dma_wait3A_1522 = tpu.memref_slice %arg13[%dma_wait3A_1521] : memref<50000xf32, #tpu.memory_space<vmem_shared>> -> memref<50000xf32, #tpu.memory_space<vmem_shared>>
      tpu.wait_indirect_dma semaphore(%arg27 : memref<!tpu.dma_semaphore, #tpu.memory_space<semaphore_mem>>) src(%dma_wait3A_1522 : memref<50000xf32, #tpu.memory_space<vmem_shared>>) dst(%dma_wait3A_1517 : memref<128xf32, #tpu.memory_space<vmem>>)
      %dma_wait3A_1523 = arith.constant 0 : i32
      %dma_wait3A_1524 = arith.constant 1792 : i32
      %dma_wait3A_1525 = tpu.memref_slice %arg18[%dma_wait3A_1524] : memref<2048xf32, #tpu.memory_space<vmem>> -> memref<128xf32, #tpu.memory_space<vmem>>
      %dma_wait3A_1526 = arith.constant 1792 : i32
      %dma_wait3A_1527 = tpu.memref_slice %arg14[%dma_wait3A_1523, %dma_wait3A_1526] : memref<2x2048xi32, #tpu.memory_space<vmem>> -> memref<1x128xi32, #tpu.memory_space<vmem>>
      %dma_wait3A_1528 = tpu.memref_squeeze %dma_wait3A_1527 : memref<1x128xi32, #tpu.memory_space<vmem>> -> memref<128xi32, #tpu.memory_space<vmem>>
      %dma_wait3A_1529 = arith.constant 0 : i32
      %dma_wait3A_1530 = tpu.memref_slice %arg11[%dma_wait3A_1529] : memref<50000xf32, #tpu.memory_space<vmem_shared>> -> memref<50000xf32, #tpu.memory_space<vmem_shared>>
      tpu.wait_indirect_dma semaphore(%arg26 : memref<!tpu.dma_semaphore, #tpu.memory_space<semaphore_mem>>) src(%dma_wait3A_1530 : memref<50000xf32, #tpu.memory_space<vmem_shared>>) dst(%dma_wait3A_1525 : memref<128xf32, #tpu.memory_space<vmem>>)
      %dma_wait3A_1531 = arith.constant 0 : i32
      %dma_wait3A_1532 = arith.constant 1792 : i32
      %dma_wait3A_1533 = tpu.memref_slice %arg19[%dma_wait3A_1532] : memref<2048xf32, #tpu.memory_space<vmem>> -> memref<128xf32, #tpu.memory_space<vmem>>
      %dma_wait3A_1534 = arith.constant 1792 : i32
      %dma_wait3A_1535 = tpu.memref_slice %arg14[%dma_wait3A_1531, %dma_wait3A_1534] : memref<2x2048xi32, #tpu.memory_space<vmem>> -> memref<1x128xi32, #tpu.memory_space<vmem>>
      %dma_wait3A_1536 = tpu.memref_squeeze %dma_wait3A_1535 : memref<1x128xi32, #tpu.memory_space<vmem>> -> memref<128xi32, #tpu.memory_space<vmem>>
      %dma_wait3A_1537 = arith.constant 0 : i32
      %dma_wait3A_1538 = tpu.memref_slice %arg12[%dma_wait3A_1537] : memref<50000xf32, #tpu.memory_space<vmem_shared>> -> memref<50000xf32, #tpu.memory_space<vmem_shared>>
      tpu.wait_indirect_dma semaphore(%arg26 : memref<!tpu.dma_semaphore, #tpu.memory_space<semaphore_mem>>) src(%dma_wait3A_1538 : memref<50000xf32, #tpu.memory_space<vmem_shared>>) dst(%dma_wait3A_1533 : memref<128xf32, #tpu.memory_space<vmem>>)
      %dma_wait3A_1539 = arith.constant 0 : i32
      %dma_wait3A_1540 = arith.constant 1792 : i32
      %dma_wait3A_1541 = tpu.memref_slice %arg20[%dma_wait3A_1540] : memref<2048xf32, #tpu.memory_space<vmem>> -> memref<128xf32, #tpu.memory_space<vmem>>
      %dma_wait3A_1542 = arith.constant 1792 : i32
      %dma_wait3A_1543 = tpu.memref_slice %arg14[%dma_wait3A_1539, %dma_wait3A_1542] : memref<2x2048xi32, #tpu.memory_space<vmem>> -> memref<1x128xi32, #tpu.memory_space<vmem>>
      %dma_wait3A_1544 = tpu.memref_squeeze %dma_wait3A_1543 : memref<1x128xi32, #tpu.memory_space<vmem>> -> memref<128xi32, #tpu.memory_space<vmem>>
      %dma_wait3A_1545 = arith.constant 0 : i32
      %dma_wait3A_1546 = tpu.memref_slice %arg13[%dma_wait3A_1545] : memref<50000xf32, #tpu.memory_space<vmem_shared>> -> memref<50000xf32, #tpu.memory_space<vmem_shared>>
      tpu.wait_indirect_dma semaphore(%arg26 : memref<!tpu.dma_semaphore, #tpu.memory_space<semaphore_mem>>) src(%dma_wait3A_1546 : memref<50000xf32, #tpu.memory_space<vmem_shared>>) dst(%dma_wait3A_1541 : memref<128xf32, #tpu.memory_space<vmem>>)
      %dma_wait3A_1547 = arith.constant 1 : i32
      %dma_wait3A_1548 = arith.constant 1792 : i32
      %dma_wait3A_1549 = tpu.memref_slice %arg21[%dma_wait3A_1548] : memref<2048xf32, #tpu.memory_space<vmem>> -> memref<128xf32, #tpu.memory_space<vmem>>
      %dma_wait3A_1550 = arith.constant 1792 : i32
      %dma_wait3A_1551 = tpu.memref_slice %arg14[%dma_wait3A_1547, %dma_wait3A_1550] : memref<2x2048xi32, #tpu.memory_space<vmem>> -> memref<1x128xi32, #tpu.memory_space<vmem>>
      %dma_wait3A_1552 = tpu.memref_squeeze %dma_wait3A_1551 : memref<1x128xi32, #tpu.memory_space<vmem>> -> memref<128xi32, #tpu.memory_space<vmem>>
      %dma_wait3A_1553 = arith.constant 0 : i32
      %dma_wait3A_1554 = tpu.memref_slice %arg11[%dma_wait3A_1553] : memref<50000xf32, #tpu.memory_space<vmem_shared>> -> memref<50000xf32, #tpu.memory_space<vmem_shared>>
      tpu.wait_indirect_dma semaphore(%arg27 : memref<!tpu.dma_semaphore, #tpu.memory_space<semaphore_mem>>) src(%dma_wait3A_1554 : memref<50000xf32, #tpu.memory_space<vmem_shared>>) dst(%dma_wait3A_1549 : memref<128xf32, #tpu.memory_space<vmem>>)
      %dma_wait3A_1555 = arith.constant 1 : i32
      %dma_wait3A_1556 = arith.constant 1792 : i32
      %dma_wait3A_1557 = tpu.memref_slice %arg22[%dma_wait3A_1556] : memref<2048xf32, #tpu.memory_space<vmem>> -> memref<128xf32, #tpu.memory_space<vmem>>
      %dma_wait3A_1558 = arith.constant 1792 : i32
      %dma_wait3A_1559 = tpu.memref_slice %arg14[%dma_wait3A_1555, %dma_wait3A_1558] : memref<2x2048xi32, #tpu.memory_space<vmem>> -> memref<1x128xi32, #tpu.memory_space<vmem>>
      %dma_wait3A_1560 = tpu.memref_squeeze %dma_wait3A_1559 : memref<1x128xi32, #tpu.memory_space<vmem>> -> memref<128xi32, #tpu.memory_space<vmem>>
      %dma_wait3A_1561 = arith.constant 0 : i32
      %dma_wait3A_1562 = tpu.memref_slice %arg12[%dma_wait3A_1561] : memref<50000xf32, #tpu.memory_space<vmem_shared>> -> memref<50000xf32, #tpu.memory_space<vmem_shared>>
      tpu.wait_indirect_dma semaphore(%arg27 : memref<!tpu.dma_semaphore, #tpu.memory_space<semaphore_mem>>) src(%dma_wait3A_1562 : memref<50000xf32, #tpu.memory_space<vmem_shared>>) dst(%dma_wait3A_1557 : memref<128xf32, #tpu.memory_space<vmem>>)
      %dma_wait3A_1563 = arith.constant 1 : i32
      %dma_wait3A_1564 = arith.constant 1792 : i32
      %dma_wait3A_1565 = tpu.memref_slice %arg23[%dma_wait3A_1564] : memref<2048xf32, #tpu.memory_space<vmem>> -> memref<128xf32, #tpu.memory_space<vmem>>
      %dma_wait3A_1566 = arith.constant 1792 : i32
      %dma_wait3A_1567 = tpu.memref_slice %arg14[%dma_wait3A_1563, %dma_wait3A_1566] : memref<2x2048xi32, #tpu.memory_space<vmem>> -> memref<1x128xi32, #tpu.memory_space<vmem>>
      %dma_wait3A_1568 = tpu.memref_squeeze %dma_wait3A_1567 : memref<1x128xi32, #tpu.memory_space<vmem>> -> memref<128xi32, #tpu.memory_space<vmem>>
      %dma_wait3A_1569 = arith.constant 0 : i32
      %dma_wait3A_1570 = tpu.memref_slice %arg13[%dma_wait3A_1569] : memref<50000xf32, #tpu.memory_space<vmem_shared>> -> memref<50000xf32, #tpu.memory_space<vmem_shared>>
      tpu.wait_indirect_dma semaphore(%arg27 : memref<!tpu.dma_semaphore, #tpu.memory_space<semaphore_mem>>) src(%dma_wait3A_1570 : memref<50000xf32, #tpu.memory_space<vmem_shared>>) dst(%dma_wait3A_1565 : memref<128xf32, #tpu.memory_space<vmem>>)
      %dma_wait3A_1571 = arith.constant 0 : i32
      %dma_wait3A_1572 = arith.constant 1920 : i32
      %dma_wait3A_1573 = tpu.memref_slice %arg18[%dma_wait3A_1572] : memref<2048xf32, #tpu.memory_space<vmem>> -> memref<128xf32, #tpu.memory_space<vmem>>
      %dma_wait3A_1574 = arith.constant 1920 : i32
      %dma_wait3A_1575 = tpu.memref_slice %arg14[%dma_wait3A_1571, %dma_wait3A_1574] : memref<2x2048xi32, #tpu.memory_space<vmem>> -> memref<1x128xi32, #tpu.memory_space<vmem>>
      %dma_wait3A_1576 = tpu.memref_squeeze %dma_wait3A_1575 : memref<1x128xi32, #tpu.memory_space<vmem>> -> memref<128xi32, #tpu.memory_space<vmem>>
      %dma_wait3A_1577 = arith.constant 0 : i32
      %dma_wait3A_1578 = tpu.memref_slice %arg11[%dma_wait3A_1577] : memref<50000xf32, #tpu.memory_space<vmem_shared>> -> memref<50000xf32, #tpu.memory_space<vmem_shared>>
      tpu.wait_indirect_dma semaphore(%arg26 : memref<!tpu.dma_semaphore, #tpu.memory_space<semaphore_mem>>) src(%dma_wait3A_1578 : memref<50000xf32, #tpu.memory_space<vmem_shared>>) dst(%dma_wait3A_1573 : memref<128xf32, #tpu.memory_space<vmem>>)
      %dma_wait3A_1579 = arith.constant 0 : i32
      %dma_wait3A_1580 = arith.constant 1920 : i32
      %dma_wait3A_1581 = tpu.memref_slice %arg19[%dma_wait3A_1580] : memref<2048xf32, #tpu.memory_space<vmem>> -> memref<128xf32, #tpu.memory_space<vmem>>
      %dma_wait3A_1582 = arith.constant 1920 : i32
      %dma_wait3A_1583 = tpu.memref_slice %arg14[%dma_wait3A_1579, %dma_wait3A_1582] : memref<2x2048xi32, #tpu.memory_space<vmem>> -> memref<1x128xi32, #tpu.memory_space<vmem>>
      %dma_wait3A_1584 = tpu.memref_squeeze %dma_wait3A_1583 : memref<1x128xi32, #tpu.memory_space<vmem>> -> memref<128xi32, #tpu.memory_space<vmem>>
      %dma_wait3A_1585 = arith.constant 0 : i32
      %dma_wait3A_1586 = tpu.memref_slice %arg12[%dma_wait3A_1585] : memref<50000xf32, #tpu.memory_space<vmem_shared>> -> memref<50000xf32, #tpu.memory_space<vmem_shared>>
      tpu.wait_indirect_dma semaphore(%arg26 : memref<!tpu.dma_semaphore, #tpu.memory_space<semaphore_mem>>) src(%dma_wait3A_1586 : memref<50000xf32, #tpu.memory_space<vmem_shared>>) dst(%dma_wait3A_1581 : memref<128xf32, #tpu.memory_space<vmem>>)
      %dma_wait3A_1587 = arith.constant 0 : i32
      %dma_wait3A_1588 = arith.constant 1920 : i32
      %dma_wait3A_1589 = tpu.memref_slice %arg20[%dma_wait3A_1588] : memref<2048xf32, #tpu.memory_space<vmem>> -> memref<128xf32, #tpu.memory_space<vmem>>
      %dma_wait3A_1590 = arith.constant 1920 : i32
      %dma_wait3A_1591 = tpu.memref_slice %arg14[%dma_wait3A_1587, %dma_wait3A_1590] : memref<2x2048xi32, #tpu.memory_space<vmem>> -> memref<1x128xi32, #tpu.memory_space<vmem>>
      %dma_wait3A_1592 = tpu.memref_squeeze %dma_wait3A_1591 : memref<1x128xi32, #tpu.memory_space<vmem>> -> memref<128xi32, #tpu.memory_space<vmem>>
      %dma_wait3A_1593 = arith.constant 0 : i32
      %dma_wait3A_1594 = tpu.memref_slice %arg13[%dma_wait3A_1593] : memref<50000xf32, #tpu.memory_space<vmem_shared>> -> memref<50000xf32, #tpu.memory_space<vmem_shared>>
      tpu.wait_indirect_dma semaphore(%arg26 : memref<!tpu.dma_semaphore, #tpu.memory_space<semaphore_mem>>) src(%dma_wait3A_1594 : memref<50000xf32, #tpu.memory_space<vmem_shared>>) dst(%dma_wait3A_1589 : memref<128xf32, #tpu.memory_space<vmem>>)
      %dma_wait3A_1595 = arith.constant 1 : i32
      %dma_wait3A_1596 = arith.constant 1920 : i32
      %dma_wait3A_1597 = tpu.memref_slice %arg21[%dma_wait3A_1596] : memref<2048xf32, #tpu.memory_space<vmem>> -> memref<128xf32, #tpu.memory_space<vmem>>
      %dma_wait3A_1598 = arith.constant 1920 : i32
      %dma_wait3A_1599 = tpu.memref_slice %arg14[%dma_wait3A_1595, %dma_wait3A_1598] : memref<2x2048xi32, #tpu.memory_space<vmem>> -> memref<1x128xi32, #tpu.memory_space<vmem>>
      %dma_wait3A_1600 = tpu.memref_squeeze %dma_wait3A_1599 : memref<1x128xi32, #tpu.memory_space<vmem>> -> memref<128xi32, #tpu.memory_space<vmem>>
      %dma_wait3A_1601 = arith.constant 0 : i32
      %dma_wait3A_1602 = tpu.memref_slice %arg11[%dma_wait3A_1601] : memref<50000xf32, #tpu.memory_space<vmem_shared>> -> memref<50000xf32, #tpu.memory_space<vmem_shared>>
      tpu.wait_indirect_dma semaphore(%arg27 : memref<!tpu.dma_semaphore, #tpu.memory_space<semaphore_mem>>) src(%dma_wait3A_1602 : memref<50000xf32, #tpu.memory_space<vmem_shared>>) dst(%dma_wait3A_1597 : memref<128xf32, #tpu.memory_space<vmem>>)
      %dma_wait3A_1603 = arith.constant 1 : i32
      %dma_wait3A_1604 = arith.constant 1920 : i32
      %dma_wait3A_1605 = tpu.memref_slice %arg22[%dma_wait3A_1604] : memref<2048xf32, #tpu.memory_space<vmem>> -> memref<128xf32, #tpu.memory_space<vmem>>
      %dma_wait3A_1606 = arith.constant 1920 : i32
      %dma_wait3A_1607 = tpu.memref_slice %arg14[%dma_wait3A_1603, %dma_wait3A_1606] : memref<2x2048xi32, #tpu.memory_space<vmem>> -> memref<1x128xi32, #tpu.memory_space<vmem>>
      %dma_wait3A_1608 = tpu.memref_squeeze %dma_wait3A_1607 : memref<1x128xi32, #tpu.memory_space<vmem>> -> memref<128xi32, #tpu.memory_space<vmem>>
      %dma_wait3A_1609 = arith.constant 0 : i32
      %dma_wait3A_1610 = tpu.memref_slice %arg12[%dma_wait3A_1609] : memref<50000xf32, #tpu.memory_space<vmem_shared>> -> memref<50000xf32, #tpu.memory_space<vmem_shared>>
      tpu.wait_indirect_dma semaphore(%arg27 : memref<!tpu.dma_semaphore, #tpu.memory_space<semaphore_mem>>) src(%dma_wait3A_1610 : memref<50000xf32, #tpu.memory_space<vmem_shared>>) dst(%dma_wait3A_1605 : memref<128xf32, #tpu.memory_space<vmem>>)
      %dma_wait3A_1611 = arith.constant 1 : i32
      %dma_wait3A_1612 = arith.constant 1920 : i32
      %dma_wait3A_1613 = tpu.memref_slice %arg23[%dma_wait3A_1612] : memref<2048xf32, #tpu.memory_space<vmem>> -> memref<128xf32, #tpu.memory_space<vmem>>
      %dma_wait3A_1614 = arith.constant 1920 : i32
      %dma_wait3A_1615 = tpu.memref_slice %arg14[%dma_wait3A_1611, %dma_wait3A_1614] : memref<2x2048xi32, #tpu.memory_space<vmem>> -> memref<1x128xi32, #tpu.memory_space<vmem>>
      %dma_wait3A_1616 = tpu.memref_squeeze %dma_wait3A_1615 : memref<1x128xi32, #tpu.memory_space<vmem>> -> memref<128xi32, #tpu.memory_space<vmem>>
      %dma_wait3A_1617 = arith.constant 0 : i32
      %dma_wait3A_1618 = tpu.memref_slice %arg13[%dma_wait3A_1617] : memref<50000xf32, #tpu.memory_space<vmem_shared>> -> memref<50000xf32, #tpu.memory_space<vmem_shared>>
      tpu.wait_indirect_dma semaphore(%arg27 : memref<!tpu.dma_semaphore, #tpu.memory_space<semaphore_mem>>) src(%dma_wait3A_1618 : memref<50000xf32, #tpu.memory_space<vmem_shared>>) dst(%dma_wait3A_1613 : memref<128xf32, #tpu.memory_space<vmem>>)
      %scan3A_1619 = arith.constant 0 : i32
      %scan3A_1620 = arith.constant 128 : i32
      %scan3A_1621 = arith.addi %scan3A_1619, %scan3A_1620 : i32
      %scan3A_1622 = arith.constant 1 : i32
      %scan3A_1623 = scf.for %scan3A_1625 = %scan3A_1619 to %scan3A_1621 step %scan3A_1622 iter_args(%scan3A_1626 = %scan3A_59) -> (vector<16xf32>)  : i32 {
        %mul3A_1627 = arith.constant 16 : i32
        %mul3A_1628 = arith.muli %scan3A_1625, %mul3A_1627 : i32
        %get3A_1629 = arith.index_cast %mul3A_1628 : i32 to index
        %get3A_1630 = tpu.vector_load %arg21[%get3A_1629] {strides = array<i32>} : memref<2048xf32, #tpu.memory_space<vmem>>, vector<16xf32>,
        %get3A_1631 = arith.index_cast %mul3A_1628 : i32 to index
        %get3A_1632 = tpu.vector_load %arg18[%get3A_1631] {strides = array<i32>} : memref<2048xf32, #tpu.memory_space<vmem>>, vector<16xf32>,
        %sub3A = arith.subf %get3A_1630, %get3A_1632 : vector<16xf32>
        %get3A_1633 = arith.index_cast %mul3A_1628 : i32 to index
        %get3A_1634 = tpu.vector_load %arg15[%get3A_1633] {strides = array<i32>} : memref<2048xf32, #tpu.memory_space<vmem>>, vector<16xf32>,
        %add3A_1635 = arith.addf %sub3A, %get3A_1634 : vector<16xf32>
        %get3A_1636 = arith.index_cast %mul3A_1628 : i32 to index
        %get3A_1637 = tpu.vector_load %arg22[%get3A_1636] {strides = array<i32>} : memref<2048xf32, #tpu.memory_space<vmem>>, vector<16xf32>,
        %get3A_1638 = arith.index_cast %mul3A_1628 : i32 to index
        %get3A_1639 = tpu.vector_load %arg19[%get3A_1638] {strides = array<i32>} : memref<2048xf32, #tpu.memory_space<vmem>>, vector<16xf32>,
        %sub3A_1640 = arith.subf %get3A_1637, %get3A_1639 : vector<16xf32>
        %get3A_1641 = arith.index_cast %mul3A_1628 : i32 to index
        %get3A_1642 = tpu.vector_load %arg16[%get3A_1641] {strides = array<i32>} : memref<2048xf32, #tpu.memory_space<vmem>>, vector<16xf32>,
        %add3A_1643 = arith.addf %sub3A_1640, %get3A_1642 : vector<16xf32>
        %get3A_1644 = arith.index_cast %mul3A_1628 : i32 to index
        %get3A_1645 = tpu.vector_load %arg23[%get3A_1644] {strides = array<i32>} : memref<2048xf32, #tpu.memory_space<vmem>>, vector<16xf32>,
        %get3A_1646 = arith.index_cast %mul3A_1628 : i32 to index
        %get3A_1647 = tpu.vector_load %arg20[%get3A_1646] {strides = array<i32>} : memref<2048xf32, #tpu.memory_space<vmem>>, vector<16xf32>,
        %sub3A_1648 = arith.subf %get3A_1645, %get3A_1647 : vector<16xf32>
        %get3A_1649 = arith.index_cast %mul3A_1628 : i32 to index
        %get3A_1650 = tpu.vector_load %arg17[%get3A_1649] {strides = array<i32>} : memref<2048xf32, #tpu.memory_space<vmem>>, vector<16xf32>,
        %add3A_1651 = arith.addf %sub3A_1648, %get3A_1650 : vector<16xf32>
        %mul3A_1652 = arith.mulf %add3A_1635, %add3A_1635 : vector<16xf32>
        %mul3A_1653 = arith.mulf %add3A_1643, %add3A_1643 : vector<16xf32>
        %add3A_1654 = arith.addf %mul3A_1652, %mul3A_1653 : vector<16xf32>
        %mul3A_1655 = arith.mulf %add3A_1651, %add3A_1651 : vector<16xf32>
        %add3A_1656 = arith.addf %add3A_1654, %mul3A_1655 : vector<16xf32>
        %broadcast_in_dim3A_1657 = arith.constant 1.000000e-30 : f32
        %broadcast_in_dim3A_1658 = vector.broadcast %broadcast_in_dim3A_1657 : f32 to vector<16xf32>
        %max3A = arith.maximumf %add3A_1656, %broadcast_in_dim3A_1658 : vector<16xf32>
        %bitcast3A = vector.bitcast %max3A : vector<16xf32> to vector<16xi32>
        %shift_right_arithmetic3A = arith.constant 1 : i32
        %shift_right_arithmetic3A_1659 = vector.broadcast %shift_right_arithmetic3A : i32 to vector<16xi32>
        %shift_right_arithmetic3A_1660 = arith.shrsi %bitcast3A, %shift_right_arithmetic3A_1659 : vector<16xi32>
        %sub3A_1661 = arith.subi %broadcast_in_dim3A_30, %shift_right_arithmetic3A_1660 : vector<16xi32>
        %bitcast3A_1662 = vector.bitcast %sub3A_1661 : vector<16xi32> to vector<16xf32>
        %mul3A_1663 = arith.mulf %broadcast_in_dim3A_22, %max3A : vector<16xf32>
        %mul3A_1664 = arith.mulf %mul3A_1663, %bitcast3A_1662 : vector<16xf32>
        %mul3A_1665 = arith.mulf %mul3A_1664, %bitcast3A_1662 : vector<16xf32>
        %sub3A_1666 = arith.subf %broadcast_in_dim3A_24, %mul3A_1665 : vector<16xf32>
        %mul3A_1667 = arith.mulf %bitcast3A_1662, %sub3A_1666 : vector<16xf32>
        %mul3A_1668 = arith.mulf %mul3A_1663, %mul3A_1667 : vector<16xf32>
        %mul3A_1669 = arith.mulf %mul3A_1668, %mul3A_1667 : vector<16xf32>
        %sub3A_1670 = arith.subf %broadcast_in_dim3A_24, %mul3A_1669 : vector<16xf32>
        %mul3A_1671 = arith.mulf %mul3A_1667, %sub3A_1670 : vector<16xf32>
        %mul3A_1672 = arith.mulf %mul3A_1663, %mul3A_1671 : vector<16xf32>
        %mul3A_1673 = arith.mulf %mul3A_1672, %mul3A_1671 : vector<16xf32>
        %sub3A_1674 = arith.subf %broadcast_in_dim3A_24, %mul3A_1673 : vector<16xf32>
        %mul3A_1675 = arith.mulf %mul3A_1671, %sub3A_1674 : vector<16xf32>
        %mul3A_1676 = arith.mulf %max3A, %mul3A_1675 : vector<16xf32>
        %mul3A_1677 = arith.mulf %get3A_9, %mul3A_1676 : vector<16xf32>
        %sub3A_1678 = arith.subf %get3A_5, %mul3A_1677 : vector<16xf32>
        %exp3A = math.exp %sub3A_1678 : vector<16xf32>
        %mul3A_1679 = arith.mulf %get3A_17, %mul3A_1676 : vector<16xf32>
        %sub3A_1680 = arith.subf %get3A_13, %mul3A_1679 : vector<16xf32>
        %mul3A_1681 = arith.mulf %sub3A_1680, %sub3A_1680 : vector<16xf32>
        %mul3A_1682 = arith.mulf %mul3A_1681, %sub3A_1680 : vector<16xf32>
        %broadcast_in_dim3A_1683 = arith.constant 6.000000e+00 : f32
        %broadcast_in_dim3A_1684 = vector.broadcast %broadcast_in_dim3A_1683 : f32 to vector<16xf32>
        %mul3A_1685 = arith.mulf %broadcast_in_dim3A_1684, %sub3A_1680 : vector<16xf32>
        %broadcast_in_dim3A_1686 = arith.constant 1.500000e+01 : f32
        %broadcast_in_dim3A_1687 = vector.broadcast %broadcast_in_dim3A_1686 : f32 to vector<16xf32>
        %sub3A_1688 = arith.subf %mul3A_1685, %broadcast_in_dim3A_1687 : vector<16xf32>
        %mul3A_1689 = arith.mulf %sub3A_1688, %sub3A_1680 : vector<16xf32>
        %broadcast_in_dim3A_1690 = arith.constant 1.000000e+01 : f32
        %broadcast_in_dim3A_1691 = vector.broadcast %broadcast_in_dim3A_1690 : f32 to vector<16xf32>
        %add3A_1692 = arith.addf %mul3A_1689, %broadcast_in_dim3A_1691 : vector<16xf32>
        %mul3A_1693 = arith.mulf %add3A_1692, %mul3A_1682 : vector<16xf32>
        %ge3A = arith.cmpf oge, %sub3A_1680, %broadcast_in_dim3A_26 : vector<16xf32>
        %max3A_1694 = arith.maximumf %mul3A_1693, %broadcast_in_dim3A_28 : vector<16xf32>
        %select_n3A_1695 = arith.select %ge3A, %broadcast_in_dim3A_26, %max3A_1694 : vector<16xi1>, vector<16xf32>
        %broadcast_in_dim3A_1696 = arith.constant 2.000000e+00 : f32
        %broadcast_in_dim3A_1697 = vector.broadcast %broadcast_in_dim3A_1696 : f32 to vector<16xf32>
        %sub3A_1698 = arith.subf %exp3A, %broadcast_in_dim3A_1697 : vector<16xf32>
        %mul3A_1699 = arith.mulf %exp3A, %sub3A_1698 : vector<16xf32>
        %mul3A_1700 = arith.mulf %mul3A_1699, %select_n3A_1695 : vector<16xf32>
        %add3A_1701 = arith.addf %scan3A_1626, %mul3A_1700 : vector<16xf32>
        scf.yield %add3A_1701 : vector<16xf32>
      }
      %scan3A_1624 = arith.constant 128 : i32
      scf.yield %scan3A_1623 : vector<16xf32>
    }
    %scan3A_45 = arith.constant 24 : i32
    %while3A = arith.constant 0 : i32
    %while3A_46 = arith.subi %add3A_38, %while3A : i32
    %while3A_47 = arith.addi %while3A, %while3A_46 : i32
    %while3A_48 = arith.constant 1 : i32
    %while3A_49 = arith.divsi %while3A_46, %while3A_48 : i32
    %while3A_50 = arith.muli %while3A_49, %while3A_48 : i32
    %while3A_51 = arith.addi %while3A, %while3A_50 : i32
    %while3A_52 = arith.constant 1 : i32
    %while3A_53 = scf.for %while3A_58 = %while3A to %while3A_51 step %while3A_52 iter_args(%while3A_59 = %scan3A_44) -> (vector<16xf32>)  : i32 {
      %add3A_60 = arith.constant 384 : i32
      %add3A_61 = arith.addi %add3A_34, %add3A_60 : i32
      %add3A_62 = arith.addi %add3A_61, %while3A_58 : i32
      %mul3A_63 = arith.constant 128 : i32
      %mul3A_64 = arith.muli %add3A_62, %mul3A_63 : i32
      %multiple_of3A = tpu.assume_multiple %mul3A_64, 128 : i32
      %dma_start3A = arith.constant 0 : i32
      %dma_start3A_65 = arith.constant 0 : i32
      %dma_start3A_66 = tpu.memref_slice %arg14[%dma_start3A, %dma_start3A_65] : memref<2x2048xi32, #tpu.memory_space<vmem>> -> memref<2x128xi32, #tpu.memory_space<vmem>>
      %dma_start3A_67 = arith.constant 0 : i32
      %dma_start3A_68 = tpu.memref_slice %arg5[%dma_start3A_67, %multiple_of3A] : memref<2x1600000xi32, #tpu.memory_space<hbm>> -> memref<2x128xi32, #tpu.memory_space<hbm>>
      %dma_start3A_69 = arith.constant 0 : i32
      %dma_start3A_70 = arith.constant 0 : i32
      %dma_start3A_71 = tpu.memref_slice %arg14[%dma_start3A_69, %dma_start3A_70] : memref<2x2048xi32, #tpu.memory_space<vmem>> -> memref<2x128xi32, #tpu.memory_space<vmem>>
      %dma_start3A_72 = arith.constant 0 : i32
      %dma_start3A_73 = tpu.memref_slice %arg5[%dma_start3A_72, %multiple_of3A] : memref<2x1600000xi32, #tpu.memory_space<hbm>> -> memref<2x128xi32, #tpu.memory_space<hbm>>
      tpu.enqueue_dma source(%dma_start3A_73 : memref<2x128xi32, #tpu.memory_space<hbm>>) target(%dma_start3A_71 : memref<2x128xi32, #tpu.memory_space<vmem>>) target_semaphore(%arg28 : memref<!tpu.dma_semaphore, #tpu.memory_space<semaphore_mem>>)
      %dma_start3A_74 = arith.constant 0 : i32
      %dma_start3A_75 = tpu.memref_slice %arg15[%dma_start3A_74] : memref<2048xf32, #tpu.memory_space<vmem>> -> memref<128xf32, #tpu.memory_space<vmem>>
      %dma_start3A_76 = tpu.memref_slice %arg6[%multiple_of3A] : memref<1600000xf32, #tpu.memory_space<hbm>> -> memref<128xf32, #tpu.memory_space<hbm>>
      %dma_start3A_77 = arith.constant 0 : i32
      %dma_start3A_78 = tpu.memref_slice %arg15[%dma_start3A_77] : memref<2048xf32, #tpu.memory_space<vmem>> -> memref<128xf32, #tpu.memory_space<vmem>>
      %dma_start3A_79 = tpu.memref_slice %arg6[%multiple_of3A] : memref<1600000xf32, #tpu.memory_space<hbm>> -> memref<128xf32, #tpu.memory_space<hbm>>
      tpu.enqueue_dma source(%dma_start3A_79 : memref<128xf32, #tpu.memory_space<hbm>>) target(%dma_start3A_78 : memref<128xf32, #tpu.memory_space<vmem>>) target_semaphore(%arg29 : memref<!tpu.dma_semaphore, #tpu.memory_space<semaphore_mem>>)
      %dma_start3A_80 = arith.constant 0 : i32
      %dma_start3A_81 = tpu.memref_slice %arg16[%dma_start3A_80] : memref<2048xf32, #tpu.memory_space<vmem>> -> memref<128xf32, #tpu.memory_space<vmem>>
      %dma_start3A_82 = tpu.memref_slice %arg7[%multiple_of3A] : memref<1600000xf32, #tpu.memory_space<hbm>> -> memref<128xf32, #tpu.memory_space<hbm>>
      %dma_start3A_83 = arith.constant 0 : i32
      %dma_start3A_84 = tpu.memref_slice %arg16[%dma_start3A_83] : memref<2048xf32, #tpu.memory_space<vmem>> -> memref<128xf32, #tpu.memory_space<vmem>>
      %dma_start3A_85 = tpu.memref_slice %arg7[%multiple_of3A] : memref<1600000xf32, #tpu.memory_space<hbm>> -> memref<128xf32, #tpu.memory_space<hbm>>
      tpu.enqueue_dma source(%dma_start3A_85 : memref<128xf32, #tpu.memory_space<hbm>>) target(%dma_start3A_84 : memref<128xf32, #tpu.memory_space<vmem>>) target_semaphore(%arg29 : memref<!tpu.dma_semaphore, #tpu.memory_space<semaphore_mem>>)
      %dma_start3A_86 = arith.constant 0 : i32
      %dma_start3A_87 = tpu.memref_slice %arg17[%dma_start3A_86] : memref<2048xf32, #tpu.memory_space<vmem>> -> memref<128xf32, #tpu.memory_space<vmem>>
      %dma_start3A_88 = tpu.memref_slice %arg8[%multiple_of3A] : memref<1600000xf32, #tpu.memory_space<hbm>> -> memref<128xf32, #tpu.memory_space<hbm>>
      %dma_start3A_89 = arith.constant 0 : i32
      %dma_start3A_90 = tpu.memref_slice %arg17[%dma_start3A_89] : memref<2048xf32, #tpu.memory_space<vmem>> -> memref<128xf32, #tpu.memory_space<vmem>>
      %dma_start3A_91 = tpu.memref_slice %arg8[%multiple_of3A] : memref<1600000xf32, #tpu.memory_space<hbm>> -> memref<128xf32, #tpu.memory_space<hbm>>
      tpu.enqueue_dma source(%dma_start3A_91 : memref<128xf32, #tpu.memory_space<hbm>>) target(%dma_start3A_90 : memref<128xf32, #tpu.memory_space<vmem>>) target_semaphore(%arg29 : memref<!tpu.dma_semaphore, #tpu.memory_space<semaphore_mem>>)
      %dma_wait3A = arith.constant 0 : i32
      %dma_wait3A_92 = arith.constant 0 : i32
      %dma_wait3A_93 = tpu.memref_slice %arg14[%dma_wait3A, %dma_wait3A_92] : memref<2x2048xi32, #tpu.memory_space<vmem>> -> memref<2x128xi32, #tpu.memory_space<vmem>>
      %dma_wait3A_94 = arith.constant 0 : i32
      %dma_wait3A_95 = tpu.memref_slice %arg5[%dma_wait3A_94, %multiple_of3A] : memref<2x1600000xi32, #tpu.memory_space<hbm>> -> memref<2x128xi32, #tpu.memory_space<hbm>>
      %dma_wait3A_96 = arith.constant 0 : i32
      %dma_wait3A_97 = arith.constant 0 : i32
      %dma_wait3A_98 = tpu.memref_slice %arg14[%dma_wait3A_96, %dma_wait3A_97] : memref<2x2048xi32, #tpu.memory_space<vmem>> -> memref<2x128xi32, #tpu.memory_space<vmem>>
      %dma_wait3A_99 = arith.constant 0 : i32
      %dma_wait3A_100 = tpu.memref_slice %arg5[%dma_wait3A_99, %multiple_of3A] : memref<2x1600000xi32, #tpu.memory_space<hbm>> -> memref<2x128xi32, #tpu.memory_space<hbm>>
      tpu.wait_dma2 semaphore(%arg28 : memref<!tpu.dma_semaphore, #tpu.memory_space<semaphore_mem>>) src(%dma_wait3A_100 : memref<2x128xi32, #tpu.memory_space<hbm>>) dst(%dma_wait3A_98 : memref<2x128xi32, #tpu.memory_space<vmem>>)
      %dma_start3A_101 = arith.constant 0 : i32
      %dma_start3A_102 = arith.constant 0 : i32
      %dma_start3A_103 = tpu.memref_slice %arg18[%dma_start3A_102] : memref<2048xf32, #tpu.memory_space<vmem>> -> memref<128xf32, #tpu.memory_space<vmem>>
      %dma_start3A_104 = arith.constant 0 : i32
      %dma_start3A_105 = tpu.memref_slice %arg14[%dma_start3A_101, %dma_start3A_104] : memref<2x2048xi32, #tpu.memory_space<vmem>> -> memref<1x128xi32, #tpu.memory_space<vmem>>
      %dma_start3A_106 = tpu.memref_squeeze %dma_start3A_105 : memref<1x128xi32, #tpu.memory_space<vmem>> -> memref<128xi32, #tpu.memory_space<vmem>>
      %dma_start3A_107 = arith.constant 0 : i32
      %dma_start3A_108 = tpu.memref_slice %arg11[%dma_start3A_107] : memref<50000xf32, #tpu.memory_space<vmem_shared>> -> memref<50000xf32, #tpu.memory_space<vmem_shared>>
      tpu.enqueue_indirect_dma source(%dma_start3A_108 : memref<50000xf32, #tpu.memory_space<vmem_shared>>) target(%dma_start3A_103 : memref<128xf32, #tpu.memory_space<vmem>>) offsets(%dma_start3A_106 : memref<128xi32, #tpu.memory_space<vmem>>) semaphore(%arg26 : memref<!tpu.dma_semaphore, #tpu.memory_space<semaphore_mem>>)
      %dma_start3A_109 = arith.constant 0 : i32
      %dma_start3A_110 = arith.constant 0 : i32
      %dma_start3A_111 = tpu.memref_slice %arg19[%dma_start3A_110] : memref<2048xf32, #tpu.memory_space<vmem>> -> memref<128xf32, #tpu.memory_space<vmem>>
      %dma_start3A_112 = arith.constant 0 : i32
      %dma_start3A_113 = tpu.memref_slice %arg14[%dma_start3A_109, %dma_start3A_112] : memref<2x2048xi32, #tpu.memory_space<vmem>> -> memref<1x128xi32, #tpu.memory_space<vmem>>
      %dma_start3A_114 = tpu.memref_squeeze %dma_start3A_113 : memref<1x128xi32, #tpu.memory_space<vmem>> -> memref<128xi32, #tpu.memory_space<vmem>>
      %dma_start3A_115 = arith.constant 0 : i32
      %dma_start3A_116 = tpu.memref_slice %arg12[%dma_start3A_115] : memref<50000xf32, #tpu.memory_space<vmem_shared>> -> memref<50000xf32, #tpu.memory_space<vmem_shared>>
      tpu.enqueue_indirect_dma source(%dma_start3A_116 : memref<50000xf32, #tpu.memory_space<vmem_shared>>) target(%dma_start3A_111 : memref<128xf32, #tpu.memory_space<vmem>>) offsets(%dma_start3A_114 : memref<128xi32, #tpu.memory_space<vmem>>) semaphore(%arg26 : memref<!tpu.dma_semaphore, #tpu.memory_space<semaphore_mem>>)
      %dma_start3A_117 = arith.constant 0 : i32
      %dma_start3A_118 = arith.constant 0 : i32
      %dma_start3A_119 = tpu.memref_slice %arg20[%dma_start3A_118] : memref<2048xf32, #tpu.memory_space<vmem>> -> memref<128xf32, #tpu.memory_space<vmem>>
      %dma_start3A_120 = arith.constant 0 : i32
      %dma_start3A_121 = tpu.memref_slice %arg14[%dma_start3A_117, %dma_start3A_120] : memref<2x2048xi32, #tpu.memory_space<vmem>> -> memref<1x128xi32, #tpu.memory_space<vmem>>
      %dma_start3A_122 = tpu.memref_squeeze %dma_start3A_121 : memref<1x128xi32, #tpu.memory_space<vmem>> -> memref<128xi32, #tpu.memory_space<vmem>>
      %dma_start3A_123 = arith.constant 0 : i32
      %dma_start3A_124 = tpu.memref_slice %arg13[%dma_start3A_123] : memref<50000xf32, #tpu.memory_space<vmem_shared>> -> memref<50000xf32, #tpu.memory_space<vmem_shared>>
      tpu.enqueue_indirect_dma source(%dma_start3A_124 : memref<50000xf32, #tpu.memory_space<vmem_shared>>) target(%dma_start3A_119 : memref<128xf32, #tpu.memory_space<vmem>>) offsets(%dma_start3A_122 : memref<128xi32, #tpu.memory_space<vmem>>) semaphore(%arg26 : memref<!tpu.dma_semaphore, #tpu.memory_space<semaphore_mem>>)
      %dma_start3A_125 = arith.constant 1 : i32
      %dma_start3A_126 = arith.constant 0 : i32
      %dma_start3A_127 = tpu.memref_slice %arg21[%dma_start3A_126] : memref<2048xf32, #tpu.memory_space<vmem>> -> memref<128xf32, #tpu.memory_space<vmem>>
      %dma_start3A_128 = arith.constant 0 : i32
      %dma_start3A_129 = tpu.memref_slice %arg14[%dma_start3A_125, %dma_start3A_128] : memref<2x2048xi32, #tpu.memory_space<vmem>> -> memref<1x128xi32, #tpu.memory_space<vmem>>
      %dma_start3A_130 = tpu.memref_squeeze %dma_start3A_129 : memref<1x128xi32, #tpu.memory_space<vmem>> -> memref<128xi32, #tpu.memory_space<vmem>>
      %dma_start3A_131 = arith.constant 0 : i32
      %dma_start3A_132 = tpu.memref_slice %arg11[%dma_start3A_131] : memref<50000xf32, #tpu.memory_space<vmem_shared>> -> memref<50000xf32, #tpu.memory_space<vmem_shared>>
      tpu.enqueue_indirect_dma source(%dma_start3A_132 : memref<50000xf32, #tpu.memory_space<vmem_shared>>) target(%dma_start3A_127 : memref<128xf32, #tpu.memory_space<vmem>>) offsets(%dma_start3A_130 : memref<128xi32, #tpu.memory_space<vmem>>) semaphore(%arg27 : memref<!tpu.dma_semaphore, #tpu.memory_space<semaphore_mem>>)
      %dma_start3A_133 = arith.constant 1 : i32
      %dma_start3A_134 = arith.constant 0 : i32
      %dma_start3A_135 = tpu.memref_slice %arg22[%dma_start3A_134] : memref<2048xf32, #tpu.memory_space<vmem>> -> memref<128xf32, #tpu.memory_space<vmem>>
      %dma_start3A_136 = arith.constant 0 : i32
      %dma_start3A_137 = tpu.memref_slice %arg14[%dma_start3A_133, %dma_start3A_136] : memref<2x2048xi32, #tpu.memory_space<vmem>> -> memref<1x128xi32, #tpu.memory_space<vmem>>
      %dma_start3A_138 = tpu.memref_squeeze %dma_start3A_137 : memref<1x128xi32, #tpu.memory_space<vmem>> -> memref<128xi32, #tpu.memory_space<vmem>>
      %dma_start3A_139 = arith.constant 0 : i32
      %dma_start3A_140 = tpu.memref_slice %arg12[%dma_start3A_139] : memref<50000xf32, #tpu.memory_space<vmem_shared>> -> memref<50000xf32, #tpu.memory_space<vmem_shared>>
      tpu.enqueue_indirect_dma source(%dma_start3A_140 : memref<50000xf32, #tpu.memory_space<vmem_shared>>) target(%dma_start3A_135 : memref<128xf32, #tpu.memory_space<vmem>>) offsets(%dma_start3A_138 : memref<128xi32, #tpu.memory_space<vmem>>) semaphore(%arg27 : memref<!tpu.dma_semaphore, #tpu.memory_space<semaphore_mem>>)
      %dma_start3A_141 = arith.constant 1 : i32
      %dma_start3A_142 = arith.constant 0 : i32
      %dma_start3A_143 = tpu.memref_slice %arg23[%dma_start3A_142] : memref<2048xf32, #tpu.memory_space<vmem>> -> memref<128xf32, #tpu.memory_space<vmem>>
      %dma_start3A_144 = arith.constant 0 : i32
      %dma_start3A_145 = tpu.memref_slice %arg14[%dma_start3A_141, %dma_start3A_144] : memref<2x2048xi32, #tpu.memory_space<vmem>> -> memref<1x128xi32, #tpu.memory_space<vmem>>
      %dma_start3A_146 = tpu.memref_squeeze %dma_start3A_145 : memref<1x128xi32, #tpu.memory_space<vmem>> -> memref<128xi32, #tpu.memory_space<vmem>>
      %dma_start3A_147 = arith.constant 0 : i32
      %dma_start3A_148 = tpu.memref_slice %arg13[%dma_start3A_147] : memref<50000xf32, #tpu.memory_space<vmem_shared>> -> memref<50000xf32, #tpu.memory_space<vmem_shared>>
      tpu.enqueue_indirect_dma source(%dma_start3A_148 : memref<50000xf32, #tpu.memory_space<vmem_shared>>) target(%dma_start3A_143 : memref<128xf32, #tpu.memory_space<vmem>>) offsets(%dma_start3A_146 : memref<128xi32, #tpu.memory_space<vmem>>) semaphore(%arg27 : memref<!tpu.dma_semaphore, #tpu.memory_space<semaphore_mem>>)
      %dma_wait3A_149 = arith.constant 0 : i32
      %dma_wait3A_150 = tpu.memref_slice %arg15[%dma_wait3A_149] : memref<2048xf32, #tpu.memory_space<vmem>> -> memref<128xf32, #tpu.memory_space<vmem>>
      %dma_wait3A_151 = tpu.memref_slice %arg6[%multiple_of3A] : memref<1600000xf32, #tpu.memory_space<hbm>> -> memref<128xf32, #tpu.memory_space<hbm>>
      %dma_wait3A_152 = arith.constant 0 : i32
      %dma_wait3A_153 = tpu.memref_slice %arg15[%dma_wait3A_152] : memref<2048xf32, #tpu.memory_space<vmem>> -> memref<128xf32, #tpu.memory_space<vmem>>
      %dma_wait3A_154 = tpu.memref_slice %arg6[%multiple_of3A] : memref<1600000xf32, #tpu.memory_space<hbm>> -> memref<128xf32, #tpu.memory_space<hbm>>
      tpu.wait_dma2 semaphore(%arg29 : memref<!tpu.dma_semaphore, #tpu.memory_space<semaphore_mem>>) src(%dma_wait3A_154 : memref<128xf32, #tpu.memory_space<hbm>>) dst(%dma_wait3A_153 : memref<128xf32, #tpu.memory_space<vmem>>)
      %dma_wait3A_155 = arith.constant 0 : i32
      %dma_wait3A_156 = tpu.memref_slice %arg16[%dma_wait3A_155] : memref<2048xf32, #tpu.memory_space<vmem>> -> memref<128xf32, #tpu.memory_space<vmem>>
      %dma_wait3A_157 = tpu.memref_slice %arg7[%multiple_of3A] : memref<1600000xf32, #tpu.memory_space<hbm>> -> memref<128xf32, #tpu.memory_space<hbm>>
      %dma_wait3A_158 = arith.constant 0 : i32
      %dma_wait3A_159 = tpu.memref_slice %arg16[%dma_wait3A_158] : memref<2048xf32, #tpu.memory_space<vmem>> -> memref<128xf32, #tpu.memory_space<vmem>>
      %dma_wait3A_160 = tpu.memref_slice %arg7[%multiple_of3A] : memref<1600000xf32, #tpu.memory_space<hbm>> -> memref<128xf32, #tpu.memory_space<hbm>>
      tpu.wait_dma2 semaphore(%arg29 : memref<!tpu.dma_semaphore, #tpu.memory_space<semaphore_mem>>) src(%dma_wait3A_160 : memref<128xf32, #tpu.memory_space<hbm>>) dst(%dma_wait3A_159 : memref<128xf32, #tpu.memory_space<vmem>>)
      %dma_wait3A_161 = arith.constant 0 : i32
      %dma_wait3A_162 = tpu.memref_slice %arg17[%dma_wait3A_161] : memref<2048xf32, #tpu.memory_space<vmem>> -> memref<128xf32, #tpu.memory_space<vmem>>
      %dma_wait3A_163 = tpu.memref_slice %arg8[%multiple_of3A] : memref<1600000xf32, #tpu.memory_space<hbm>> -> memref<128xf32, #tpu.memory_space<hbm>>
      %dma_wait3A_164 = arith.constant 0 : i32
      %dma_wait3A_165 = tpu.memref_slice %arg17[%dma_wait3A_164] : memref<2048xf32, #tpu.memory_space<vmem>> -> memref<128xf32, #tpu.memory_space<vmem>>
      %dma_wait3A_166 = tpu.memref_slice %arg8[%multiple_of3A] : memref<1600000xf32, #tpu.memory_space<hbm>> -> memref<128xf32, #tpu.memory_space<hbm>>
      tpu.wait_dma2 semaphore(%arg29 : memref<!tpu.dma_semaphore, #tpu.memory_space<semaphore_mem>>) src(%dma_wait3A_166 : memref<128xf32, #tpu.memory_space<hbm>>) dst(%dma_wait3A_165 : memref<128xf32, #tpu.memory_space<vmem>>)
      %dma_wait3A_167 = arith.constant 0 : i32
      %dma_wait3A_168 = arith.constant 0 : i32
      %dma_wait3A_169 = tpu.memref_slice %arg18[%dma_wait3A_168] : memref<2048xf32, #tpu.memory_space<vmem>> -> memref<128xf32, #tpu.memory_space<vmem>>
      %dma_wait3A_170 = arith.constant 0 : i32
      %dma_wait3A_171 = tpu.memref_slice %arg14[%dma_wait3A_167, %dma_wait3A_170] : memref<2x2048xi32, #tpu.memory_space<vmem>> -> memref<1x128xi32, #tpu.memory_space<vmem>>
      %dma_wait3A_172 = tpu.memref_squeeze %dma_wait3A_171 : memref<1x128xi32, #tpu.memory_space<vmem>> -> memref<128xi32, #tpu.memory_space<vmem>>
      %dma_wait3A_173 = arith.constant 0 : i32
      %dma_wait3A_174 = tpu.memref_slice %arg11[%dma_wait3A_173] : memref<50000xf32, #tpu.memory_space<vmem_shared>> -> memref<50000xf32, #tpu.memory_space<vmem_shared>>
      tpu.wait_indirect_dma semaphore(%arg26 : memref<!tpu.dma_semaphore, #tpu.memory_space<semaphore_mem>>) src(%dma_wait3A_174 : memref<50000xf32, #tpu.memory_space<vmem_shared>>) dst(%dma_wait3A_169 : memref<128xf32, #tpu.memory_space<vmem>>)
      %dma_wait3A_175 = arith.constant 0 : i32
      %dma_wait3A_176 = arith.constant 0 : i32
      %dma_wait3A_177 = tpu.memref_slice %arg19[%dma_wait3A_176] : memref<2048xf32, #tpu.memory_space<vmem>> -> memref<128xf32, #tpu.memory_space<vmem>>
      %dma_wait3A_178 = arith.constant 0 : i32
      %dma_wait3A_179 = tpu.memref_slice %arg14[%dma_wait3A_175, %dma_wait3A_178] : memref<2x2048xi32, #tpu.memory_space<vmem>> -> memref<1x128xi32, #tpu.memory_space<vmem>>
      %dma_wait3A_180 = tpu.memref_squeeze %dma_wait3A_179 : memref<1x128xi32, #tpu.memory_space<vmem>> -> memref<128xi32, #tpu.memory_space<vmem>>
      %dma_wait3A_181 = arith.constant 0 : i32
      %dma_wait3A_182 = tpu.memref_slice %arg12[%dma_wait3A_181] : memref<50000xf32, #tpu.memory_space<vmem_shared>> -> memref<50000xf32, #tpu.memory_space<vmem_shared>>
      tpu.wait_indirect_dma semaphore(%arg26 : memref<!tpu.dma_semaphore, #tpu.memory_space<semaphore_mem>>) src(%dma_wait3A_182 : memref<50000xf32, #tpu.memory_space<vmem_shared>>) dst(%dma_wait3A_177 : memref<128xf32, #tpu.memory_space<vmem>>)
      %dma_wait3A_183 = arith.constant 0 : i32
      %dma_wait3A_184 = arith.constant 0 : i32
      %dma_wait3A_185 = tpu.memref_slice %arg20[%dma_wait3A_184] : memref<2048xf32, #tpu.memory_space<vmem>> -> memref<128xf32, #tpu.memory_space<vmem>>
      %dma_wait3A_186 = arith.constant 0 : i32
      %dma_wait3A_187 = tpu.memref_slice %arg14[%dma_wait3A_183, %dma_wait3A_186] : memref<2x2048xi32, #tpu.memory_space<vmem>> -> memref<1x128xi32, #tpu.memory_space<vmem>>
      %dma_wait3A_188 = tpu.memref_squeeze %dma_wait3A_187 : memref<1x128xi32, #tpu.memory_space<vmem>> -> memref<128xi32, #tpu.memory_space<vmem>>
      %dma_wait3A_189 = arith.constant 0 : i32
      %dma_wait3A_190 = tpu.memref_slice %arg13[%dma_wait3A_189] : memref<50000xf32, #tpu.memory_space<vmem_shared>> -> memref<50000xf32, #tpu.memory_space<vmem_shared>>
      tpu.wait_indirect_dma semaphore(%arg26 : memref<!tpu.dma_semaphore, #tpu.memory_space<semaphore_mem>>) src(%dma_wait3A_190 : memref<50000xf32, #tpu.memory_space<vmem_shared>>) dst(%dma_wait3A_185 : memref<128xf32, #tpu.memory_space<vmem>>)
      %dma_wait3A_191 = arith.constant 1 : i32
      %dma_wait3A_192 = arith.constant 0 : i32
      %dma_wait3A_193 = tpu.memref_slice %arg21[%dma_wait3A_192] : memref<2048xf32, #tpu.memory_space<vmem>> -> memref<128xf32, #tpu.memory_space<vmem>>
      %dma_wait3A_194 = arith.constant 0 : i32
      %dma_wait3A_195 = tpu.memref_slice %arg14[%dma_wait3A_191, %dma_wait3A_194] : memref<2x2048xi32, #tpu.memory_space<vmem>> -> memref<1x128xi32, #tpu.memory_space<vmem>>
      %dma_wait3A_196 = tpu.memref_squeeze %dma_wait3A_195 : memref<1x128xi32, #tpu.memory_space<vmem>> -> memref<128xi32, #tpu.memory_space<vmem>>
      %dma_wait3A_197 = arith.constant 0 : i32
      %dma_wait3A_198 = tpu.memref_slice %arg11[%dma_wait3A_197] : memref<50000xf32, #tpu.memory_space<vmem_shared>> -> memref<50000xf32, #tpu.memory_space<vmem_shared>>
      tpu.wait_indirect_dma semaphore(%arg27 : memref<!tpu.dma_semaphore, #tpu.memory_space<semaphore_mem>>) src(%dma_wait3A_198 : memref<50000xf32, #tpu.memory_space<vmem_shared>>) dst(%dma_wait3A_193 : memref<128xf32, #tpu.memory_space<vmem>>)
      %dma_wait3A_199 = arith.constant 1 : i32
      %dma_wait3A_200 = arith.constant 0 : i32
      %dma_wait3A_201 = tpu.memref_slice %arg22[%dma_wait3A_200] : memref<2048xf32, #tpu.memory_space<vmem>> -> memref<128xf32, #tpu.memory_space<vmem>>
      %dma_wait3A_202 = arith.constant 0 : i32
      %dma_wait3A_203 = tpu.memref_slice %arg14[%dma_wait3A_199, %dma_wait3A_202] : memref<2x2048xi32, #tpu.memory_space<vmem>> -> memref<1x128xi32, #tpu.memory_space<vmem>>
      %dma_wait3A_204 = tpu.memref_squeeze %dma_wait3A_203 : memref<1x128xi32, #tpu.memory_space<vmem>> -> memref<128xi32, #tpu.memory_space<vmem>>
      %dma_wait3A_205 = arith.constant 0 : i32
      %dma_wait3A_206 = tpu.memref_slice %arg12[%dma_wait3A_205] : memref<50000xf32, #tpu.memory_space<vmem_shared>> -> memref<50000xf32, #tpu.memory_space<vmem_shared>>
      tpu.wait_indirect_dma semaphore(%arg27 : memref<!tpu.dma_semaphore, #tpu.memory_space<semaphore_mem>>) src(%dma_wait3A_206 : memref<50000xf32, #tpu.memory_space<vmem_shared>>) dst(%dma_wait3A_201 : memref<128xf32, #tpu.memory_space<vmem>>)
      %dma_wait3A_207 = arith.constant 1 : i32
      %dma_wait3A_208 = arith.constant 0 : i32
      %dma_wait3A_209 = tpu.memref_slice %arg23[%dma_wait3A_208] : memref<2048xf32, #tpu.memory_space<vmem>> -> memref<128xf32, #tpu.memory_space<vmem>>
      %dma_wait3A_210 = arith.constant 0 : i32
      %dma_wait3A_211 = tpu.memref_slice %arg14[%dma_wait3A_207, %dma_wait3A_210] : memref<2x2048xi32, #tpu.memory_space<vmem>> -> memref<1x128xi32, #tpu.memory_space<vmem>>
      %dma_wait3A_212 = tpu.memref_squeeze %dma_wait3A_211 : memref<1x128xi32, #tpu.memory_space<vmem>> -> memref<128xi32, #tpu.memory_space<vmem>>
      %dma_wait3A_213 = arith.constant 0 : i32
      %dma_wait3A_214 = tpu.memref_slice %arg13[%dma_wait3A_213] : memref<50000xf32, #tpu.memory_space<vmem_shared>> -> memref<50000xf32, #tpu.memory_space<vmem_shared>>
      tpu.wait_indirect_dma semaphore(%arg27 : memref<!tpu.dma_semaphore, #tpu.memory_space<semaphore_mem>>) src(%dma_wait3A_214 : memref<50000xf32, #tpu.memory_space<vmem_shared>>) dst(%dma_wait3A_209 : memref<128xf32, #tpu.memory_space<vmem>>)
      %scan3A_215 = arith.constant 0 : i32
      %scan3A_216 = arith.constant 8 : i32
      %scan3A_217 = arith.addi %scan3A_215, %scan3A_216 : i32
      %scan3A_218 = arith.constant 1 : i32
      %scan3A_219 = scf.for %scan3A_221 = %scan3A_215 to %scan3A_217 step %scan3A_218 iter_args(%scan3A_222 = %while3A_59) -> (vector<16xf32>)  : i32 {
        %mul3A_223 = arith.constant 16 : i32
        %mul3A_224 = arith.muli %scan3A_221, %mul3A_223 : i32
        %get3A_225 = arith.index_cast %mul3A_224 : i32 to index
        %get3A_226 = tpu.vector_load %arg21[%get3A_225] {strides = array<i32>} : memref<2048xf32, #tpu.memory_space<vmem>>, vector<16xf32>,
        %get3A_227 = arith.index_cast %mul3A_224 : i32 to index
        %get3A_228 = tpu.vector_load %arg18[%get3A_227] {strides = array<i32>} : memref<2048xf32, #tpu.memory_space<vmem>>, vector<16xf32>,
        %sub3A = arith.subf %get3A_226, %get3A_228 : vector<16xf32>
        %get3A_229 = arith.index_cast %mul3A_224 : i32 to index
        %get3A_230 = tpu.vector_load %arg15[%get3A_229] {strides = array<i32>} : memref<2048xf32, #tpu.memory_space<vmem>>, vector<16xf32>,
        %add3A_231 = arith.addf %sub3A, %get3A_230 : vector<16xf32>
        %get3A_232 = arith.index_cast %mul3A_224 : i32 to index
        %get3A_233 = tpu.vector_load %arg22[%get3A_232] {strides = array<i32>} : memref<2048xf32, #tpu.memory_space<vmem>>, vector<16xf32>,
        %get3A_234 = arith.index_cast %mul3A_224 : i32 to index
        %get3A_235 = tpu.vector_load %arg19[%get3A_234] {strides = array<i32>} : memref<2048xf32, #tpu.memory_space<vmem>>, vector<16xf32>,
        %sub3A_236 = arith.subf %get3A_233, %get3A_235 : vector<16xf32>
        %get3A_237 = arith.index_cast %mul3A_224 : i32 to index
        %get3A_238 = tpu.vector_load %arg16[%get3A_237] {strides = array<i32>} : memref<2048xf32, #tpu.memory_space<vmem>>, vector<16xf32>,
        %add3A_239 = arith.addf %sub3A_236, %get3A_238 : vector<16xf32>
        %get3A_240 = arith.index_cast %mul3A_224 : i32 to index
        %get3A_241 = tpu.vector_load %arg23[%get3A_240] {strides = array<i32>} : memref<2048xf32, #tpu.memory_space<vmem>>, vector<16xf32>,
        %get3A_242 = arith.index_cast %mul3A_224 : i32 to index
        %get3A_243 = tpu.vector_load %arg20[%get3A_242] {strides = array<i32>} : memref<2048xf32, #tpu.memory_space<vmem>>, vector<16xf32>,
        %sub3A_244 = arith.subf %get3A_241, %get3A_243 : vector<16xf32>
        %get3A_245 = arith.index_cast %mul3A_224 : i32 to index
        %get3A_246 = tpu.vector_load %arg17[%get3A_245] {strides = array<i32>} : memref<2048xf32, #tpu.memory_space<vmem>>, vector<16xf32>,
        %add3A_247 = arith.addf %sub3A_244, %get3A_246 : vector<16xf32>
        %mul3A_248 = arith.mulf %add3A_231, %add3A_231 : vector<16xf32>
        %mul3A_249 = arith.mulf %add3A_239, %add3A_239 : vector<16xf32>
        %add3A_250 = arith.addf %mul3A_248, %mul3A_249 : vector<16xf32>
        %mul3A_251 = arith.mulf %add3A_247, %add3A_247 : vector<16xf32>
        %add3A_252 = arith.addf %add3A_250, %mul3A_251 : vector<16xf32>
        %broadcast_in_dim3A_253 = arith.constant 1.000000e-30 : f32
        %broadcast_in_dim3A_254 = vector.broadcast %broadcast_in_dim3A_253 : f32 to vector<16xf32>
        %max3A = arith.maximumf %add3A_252, %broadcast_in_dim3A_254 : vector<16xf32>
        %bitcast3A = vector.bitcast %max3A : vector<16xf32> to vector<16xi32>
        %shift_right_arithmetic3A = arith.constant 1 : i32
        %shift_right_arithmetic3A_255 = vector.broadcast %shift_right_arithmetic3A : i32 to vector<16xi32>
        %shift_right_arithmetic3A_256 = arith.shrsi %bitcast3A, %shift_right_arithmetic3A_255 : vector<16xi32>
        %sub3A_257 = arith.subi %broadcast_in_dim3A_30, %shift_right_arithmetic3A_256 : vector<16xi32>
        %bitcast3A_258 = vector.bitcast %sub3A_257 : vector<16xi32> to vector<16xf32>
        %mul3A_259 = arith.mulf %broadcast_in_dim3A_22, %max3A : vector<16xf32>
        %mul3A_260 = arith.mulf %mul3A_259, %bitcast3A_258 : vector<16xf32>
        %mul3A_261 = arith.mulf %mul3A_260, %bitcast3A_258 : vector<16xf32>
        %sub3A_262 = arith.subf %broadcast_in_dim3A_24, %mul3A_261 : vector<16xf32>
        %mul3A_263 = arith.mulf %bitcast3A_258, %sub3A_262 : vector<16xf32>
        %mul3A_264 = arith.mulf %mul3A_259, %mul3A_263 : vector<16xf32>
        %mul3A_265 = arith.mulf %mul3A_264, %mul3A_263 : vector<16xf32>
        %sub3A_266 = arith.subf %broadcast_in_dim3A_24, %mul3A_265 : vector<16xf32>
        %mul3A_267 = arith.mulf %mul3A_263, %sub3A_266 : vector<16xf32>
        %mul3A_268 = arith.mulf %mul3A_259, %mul3A_267 : vector<16xf32>
        %mul3A_269 = arith.mulf %mul3A_268, %mul3A_267 : vector<16xf32>
        %sub3A_270 = arith.subf %broadcast_in_dim3A_24, %mul3A_269 : vector<16xf32>
        %mul3A_271 = arith.mulf %mul3A_267, %sub3A_270 : vector<16xf32>
        %mul3A_272 = arith.mulf %max3A, %mul3A_271 : vector<16xf32>
        %mul3A_273 = arith.mulf %get3A_9, %mul3A_272 : vector<16xf32>
        %sub3A_274 = arith.subf %get3A_5, %mul3A_273 : vector<16xf32>
        %exp3A = math.exp %sub3A_274 : vector<16xf32>
        %mul3A_275 = arith.mulf %get3A_17, %mul3A_272 : vector<16xf32>
        %sub3A_276 = arith.subf %get3A_13, %mul3A_275 : vector<16xf32>
        %mul3A_277 = arith.mulf %sub3A_276, %sub3A_276 : vector<16xf32>
        %mul3A_278 = arith.mulf %mul3A_277, %sub3A_276 : vector<16xf32>
        %broadcast_in_dim3A_279 = arith.constant 6.000000e+00 : f32
        %broadcast_in_dim3A_280 = vector.broadcast %broadcast_in_dim3A_279 : f32 to vector<16xf32>
        %mul3A_281 = arith.mulf %broadcast_in_dim3A_280, %sub3A_276 : vector<16xf32>
        %broadcast_in_dim3A_282 = arith.constant 1.500000e+01 : f32
        %broadcast_in_dim3A_283 = vector.broadcast %broadcast_in_dim3A_282 : f32 to vector<16xf32>
        %sub3A_284 = arith.subf %mul3A_281, %broadcast_in_dim3A_283 : vector<16xf32>
        %mul3A_285 = arith.mulf %sub3A_284, %sub3A_276 : vector<16xf32>
        %broadcast_in_dim3A_286 = arith.constant 1.000000e+01 : f32
        %broadcast_in_dim3A_287 = vector.broadcast %broadcast_in_dim3A_286 : f32 to vector<16xf32>
        %add3A_288 = arith.addf %mul3A_285, %broadcast_in_dim3A_287 : vector<16xf32>
        %mul3A_289 = arith.mulf %add3A_288, %mul3A_278 : vector<16xf32>
        %ge3A = arith.cmpf oge, %sub3A_276, %broadcast_in_dim3A_26 : vector<16xf32>
        %max3A_290 = arith.maximumf %mul3A_289, %broadcast_in_dim3A_28 : vector<16xf32>
        %select_n3A_291 = arith.select %ge3A, %broadcast_in_dim3A_26, %max3A_290 : vector<16xi1>, vector<16xf32>
        %broadcast_in_dim3A_292 = arith.constant 2.000000e+00 : f32
        %broadcast_in_dim3A_293 = vector.broadcast %broadcast_in_dim3A_292 : f32 to vector<16xf32>
        %sub3A_294 = arith.subf %exp3A, %broadcast_in_dim3A_293 : vector<16xf32>
        %mul3A_295 = arith.mulf %exp3A, %sub3A_294 : vector<16xf32>
        %mul3A_296 = arith.mulf %mul3A_295, %select_n3A_291 : vector<16xf32>
        %add3A_297 = arith.addf %scan3A_222, %mul3A_296 : vector<16xf32>
        scf.yield %add3A_297 : vector<16xf32>
      }
      %scan3A_220 = arith.constant 8 : i32
      scf.yield %scan3A_219 : vector<16xf32>
    }
    %while3A_54 = arith.constant 1 : i32
    %while3A_55 = scf.for %while3A_58 = %while3A_51 to %while3A_47 step %while3A_54 iter_args(%while3A_59 = %while3A_53) -> (vector<16xf32>)  : i32 {
      %add3A_60 = arith.constant 384 : i32
      %add3A_61 = arith.addi %add3A_34, %add3A_60 : i32
      %add3A_62 = arith.addi %add3A_61, %while3A_58 : i32
      %mul3A_63 = arith.constant 128 : i32
      %mul3A_64 = arith.muli %add3A_62, %mul3A_63 : i32
      %multiple_of3A = tpu.assume_multiple %mul3A_64, 128 : i32
      %dma_start3A = arith.constant 0 : i32
      %dma_start3A_65 = arith.constant 0 : i32
      %dma_start3A_66 = tpu.memref_slice %arg14[%dma_start3A, %dma_start3A_65] : memref<2x2048xi32, #tpu.memory_space<vmem>> -> memref<2x128xi32, #tpu.memory_space<vmem>>
      %dma_start3A_67 = arith.constant 0 : i32
      %dma_start3A_68 = tpu.memref_slice %arg5[%dma_start3A_67, %multiple_of3A] : memref<2x1600000xi32, #tpu.memory_space<hbm>> -> memref<2x128xi32, #tpu.memory_space<hbm>>
      %dma_start3A_69 = arith.constant 0 : i32
      %dma_start3A_70 = arith.constant 0 : i32
      %dma_start3A_71 = tpu.memref_slice %arg14[%dma_start3A_69, %dma_start3A_70] : memref<2x2048xi32, #tpu.memory_space<vmem>> -> memref<2x128xi32, #tpu.memory_space<vmem>>
      %dma_start3A_72 = arith.constant 0 : i32
      %dma_start3A_73 = tpu.memref_slice %arg5[%dma_start3A_72, %multiple_of3A] : memref<2x1600000xi32, #tpu.memory_space<hbm>> -> memref<2x128xi32, #tpu.memory_space<hbm>>
      tpu.enqueue_dma source(%dma_start3A_73 : memref<2x128xi32, #tpu.memory_space<hbm>>) target(%dma_start3A_71 : memref<2x128xi32, #tpu.memory_space<vmem>>) target_semaphore(%arg28 : memref<!tpu.dma_semaphore, #tpu.memory_space<semaphore_mem>>)
      %dma_start3A_74 = arith.constant 0 : i32
      %dma_start3A_75 = tpu.memref_slice %arg15[%dma_start3A_74] : memref<2048xf32, #tpu.memory_space<vmem>> -> memref<128xf32, #tpu.memory_space<vmem>>
      %dma_start3A_76 = tpu.memref_slice %arg6[%multiple_of3A] : memref<1600000xf32, #tpu.memory_space<hbm>> -> memref<128xf32, #tpu.memory_space<hbm>>
      %dma_start3A_77 = arith.constant 0 : i32
      %dma_start3A_78 = tpu.memref_slice %arg15[%dma_start3A_77] : memref<2048xf32, #tpu.memory_space<vmem>> -> memref<128xf32, #tpu.memory_space<vmem>>
      %dma_start3A_79 = tpu.memref_slice %arg6[%multiple_of3A] : memref<1600000xf32, #tpu.memory_space<hbm>> -> memref<128xf32, #tpu.memory_space<hbm>>
      tpu.enqueue_dma source(%dma_start3A_79 : memref<128xf32, #tpu.memory_space<hbm>>) target(%dma_start3A_78 : memref<128xf32, #tpu.memory_space<vmem>>) target_semaphore(%arg29 : memref<!tpu.dma_semaphore, #tpu.memory_space<semaphore_mem>>)
      %dma_start3A_80 = arith.constant 0 : i32
      %dma_start3A_81 = tpu.memref_slice %arg16[%dma_start3A_80] : memref<2048xf32, #tpu.memory_space<vmem>> -> memref<128xf32, #tpu.memory_space<vmem>>
      %dma_start3A_82 = tpu.memref_slice %arg7[%multiple_of3A] : memref<1600000xf32, #tpu.memory_space<hbm>> -> memref<128xf32, #tpu.memory_space<hbm>>
      %dma_start3A_83 = arith.constant 0 : i32
      %dma_start3A_84 = tpu.memref_slice %arg16[%dma_start3A_83] : memref<2048xf32, #tpu.memory_space<vmem>> -> memref<128xf32, #tpu.memory_space<vmem>>
      %dma_start3A_85 = tpu.memref_slice %arg7[%multiple_of3A] : memref<1600000xf32, #tpu.memory_space<hbm>> -> memref<128xf32, #tpu.memory_space<hbm>>
      tpu.enqueue_dma source(%dma_start3A_85 : memref<128xf32, #tpu.memory_space<hbm>>) target(%dma_start3A_84 : memref<128xf32, #tpu.memory_space<vmem>>) target_semaphore(%arg29 : memref<!tpu.dma_semaphore, #tpu.memory_space<semaphore_mem>>)
      %dma_start3A_86 = arith.constant 0 : i32
      %dma_start3A_87 = tpu.memref_slice %arg17[%dma_start3A_86] : memref<2048xf32, #tpu.memory_space<vmem>> -> memref<128xf32, #tpu.memory_space<vmem>>
      %dma_start3A_88 = tpu.memref_slice %arg8[%multiple_of3A] : memref<1600000xf32, #tpu.memory_space<hbm>> -> memref<128xf32, #tpu.memory_space<hbm>>
      %dma_start3A_89 = arith.constant 0 : i32
      %dma_start3A_90 = tpu.memref_slice %arg17[%dma_start3A_89] : memref<2048xf32, #tpu.memory_space<vmem>> -> memref<128xf32, #tpu.memory_space<vmem>>
      %dma_start3A_91 = tpu.memref_slice %arg8[%multiple_of3A] : memref<1600000xf32, #tpu.memory_space<hbm>> -> memref<128xf32, #tpu.memory_space<hbm>>
      tpu.enqueue_dma source(%dma_start3A_91 : memref<128xf32, #tpu.memory_space<hbm>>) target(%dma_start3A_90 : memref<128xf32, #tpu.memory_space<vmem>>) target_semaphore(%arg29 : memref<!tpu.dma_semaphore, #tpu.memory_space<semaphore_mem>>)
      %dma_wait3A = arith.constant 0 : i32
      %dma_wait3A_92 = arith.constant 0 : i32
      %dma_wait3A_93 = tpu.memref_slice %arg14[%dma_wait3A, %dma_wait3A_92] : memref<2x2048xi32, #tpu.memory_space<vmem>> -> memref<2x128xi32, #tpu.memory_space<vmem>>
      %dma_wait3A_94 = arith.constant 0 : i32
      %dma_wait3A_95 = tpu.memref_slice %arg5[%dma_wait3A_94, %multiple_of3A] : memref<2x1600000xi32, #tpu.memory_space<hbm>> -> memref<2x128xi32, #tpu.memory_space<hbm>>
      %dma_wait3A_96 = arith.constant 0 : i32
      %dma_wait3A_97 = arith.constant 0 : i32
      %dma_wait3A_98 = tpu.memref_slice %arg14[%dma_wait3A_96, %dma_wait3A_97] : memref<2x2048xi32, #tpu.memory_space<vmem>> -> memref<2x128xi32, #tpu.memory_space<vmem>>
      %dma_wait3A_99 = arith.constant 0 : i32
      %dma_wait3A_100 = tpu.memref_slice %arg5[%dma_wait3A_99, %multiple_of3A] : memref<2x1600000xi32, #tpu.memory_space<hbm>> -> memref<2x128xi32, #tpu.memory_space<hbm>>
      tpu.wait_dma2 semaphore(%arg28 : memref<!tpu.dma_semaphore, #tpu.memory_space<semaphore_mem>>) src(%dma_wait3A_100 : memref<2x128xi32, #tpu.memory_space<hbm>>) dst(%dma_wait3A_98 : memref<2x128xi32, #tpu.memory_space<vmem>>)
      %dma_start3A_101 = arith.constant 0 : i32
      %dma_start3A_102 = arith.constant 0 : i32
      %dma_start3A_103 = tpu.memref_slice %arg18[%dma_start3A_102] : memref<2048xf32, #tpu.memory_space<vmem>> -> memref<128xf32, #tpu.memory_space<vmem>>
      %dma_start3A_104 = arith.constant 0 : i32
      %dma_start3A_105 = tpu.memref_slice %arg14[%dma_start3A_101, %dma_start3A_104] : memref<2x2048xi32, #tpu.memory_space<vmem>> -> memref<1x128xi32, #tpu.memory_space<vmem>>
      %dma_start3A_106 = tpu.memref_squeeze %dma_start3A_105 : memref<1x128xi32, #tpu.memory_space<vmem>> -> memref<128xi32, #tpu.memory_space<vmem>>
      %dma_start3A_107 = arith.constant 0 : i32
      %dma_start3A_108 = tpu.memref_slice %arg11[%dma_start3A_107] : memref<50000xf32, #tpu.memory_space<vmem_shared>> -> memref<50000xf32, #tpu.memory_space<vmem_shared>>
      tpu.enqueue_indirect_dma source(%dma_start3A_108 : memref<50000xf32, #tpu.memory_space<vmem_shared>>) target(%dma_start3A_103 : memref<128xf32, #tpu.memory_space<vmem>>) offsets(%dma_start3A_106 : memref<128xi32, #tpu.memory_space<vmem>>) semaphore(%arg26 : memref<!tpu.dma_semaphore, #tpu.memory_space<semaphore_mem>>)
      %dma_start3A_109 = arith.constant 0 : i32
      %dma_start3A_110 = arith.constant 0 : i32
      %dma_start3A_111 = tpu.memref_slice %arg19[%dma_start3A_110] : memref<2048xf32, #tpu.memory_space<vmem>> -> memref<128xf32, #tpu.memory_space<vmem>>
      %dma_start3A_112 = arith.constant 0 : i32
      %dma_start3A_113 = tpu.memref_slice %arg14[%dma_start3A_109, %dma_start3A_112] : memref<2x2048xi32, #tpu.memory_space<vmem>> -> memref<1x128xi32, #tpu.memory_space<vmem>>
      %dma_start3A_114 = tpu.memref_squeeze %dma_start3A_113 : memref<1x128xi32, #tpu.memory_space<vmem>> -> memref<128xi32, #tpu.memory_space<vmem>>
      %dma_start3A_115 = arith.constant 0 : i32
      %dma_start3A_116 = tpu.memref_slice %arg12[%dma_start3A_115] : memref<50000xf32, #tpu.memory_space<vmem_shared>> -> memref<50000xf32, #tpu.memory_space<vmem_shared>>
      tpu.enqueue_indirect_dma source(%dma_start3A_116 : memref<50000xf32, #tpu.memory_space<vmem_shared>>) target(%dma_start3A_111 : memref<128xf32, #tpu.memory_space<vmem>>) offsets(%dma_start3A_114 : memref<128xi32, #tpu.memory_space<vmem>>) semaphore(%arg26 : memref<!tpu.dma_semaphore, #tpu.memory_space<semaphore_mem>>)
      %dma_start3A_117 = arith.constant 0 : i32
      %dma_start3A_118 = arith.constant 0 : i32
      %dma_start3A_119 = tpu.memref_slice %arg20[%dma_start3A_118] : memref<2048xf32, #tpu.memory_space<vmem>> -> memref<128xf32, #tpu.memory_space<vmem>>
      %dma_start3A_120 = arith.constant 0 : i32
      %dma_start3A_121 = tpu.memref_slice %arg14[%dma_start3A_117, %dma_start3A_120] : memref<2x2048xi32, #tpu.memory_space<vmem>> -> memref<1x128xi32, #tpu.memory_space<vmem>>
      %dma_start3A_122 = tpu.memref_squeeze %dma_start3A_121 : memref<1x128xi32, #tpu.memory_space<vmem>> -> memref<128xi32, #tpu.memory_space<vmem>>
      %dma_start3A_123 = arith.constant 0 : i32
      %dma_start3A_124 = tpu.memref_slice %arg13[%dma_start3A_123] : memref<50000xf32, #tpu.memory_space<vmem_shared>> -> memref<50000xf32, #tpu.memory_space<vmem_shared>>
      tpu.enqueue_indirect_dma source(%dma_start3A_124 : memref<50000xf32, #tpu.memory_space<vmem_shared>>) target(%dma_start3A_119 : memref<128xf32, #tpu.memory_space<vmem>>) offsets(%dma_start3A_122 : memref<128xi32, #tpu.memory_space<vmem>>) semaphore(%arg26 : memref<!tpu.dma_semaphore, #tpu.memory_space<semaphore_mem>>)
      %dma_start3A_125 = arith.constant 1 : i32
      %dma_start3A_126 = arith.constant 0 : i32
      %dma_start3A_127 = tpu.memref_slice %arg21[%dma_start3A_126] : memref<2048xf32, #tpu.memory_space<vmem>> -> memref<128xf32, #tpu.memory_space<vmem>>
      %dma_start3A_128 = arith.constant 0 : i32
      %dma_start3A_129 = tpu.memref_slice %arg14[%dma_start3A_125, %dma_start3A_128] : memref<2x2048xi32, #tpu.memory_space<vmem>> -> memref<1x128xi32, #tpu.memory_space<vmem>>
      %dma_start3A_130 = tpu.memref_squeeze %dma_start3A_129 : memref<1x128xi32, #tpu.memory_space<vmem>> -> memref<128xi32, #tpu.memory_space<vmem>>
      %dma_start3A_131 = arith.constant 0 : i32
      %dma_start3A_132 = tpu.memref_slice %arg11[%dma_start3A_131] : memref<50000xf32, #tpu.memory_space<vmem_shared>> -> memref<50000xf32, #tpu.memory_space<vmem_shared>>
      tpu.enqueue_indirect_dma source(%dma_start3A_132 : memref<50000xf32, #tpu.memory_space<vmem_shared>>) target(%dma_start3A_127 : memref<128xf32, #tpu.memory_space<vmem>>) offsets(%dma_start3A_130 : memref<128xi32, #tpu.memory_space<vmem>>) semaphore(%arg27 : memref<!tpu.dma_semaphore, #tpu.memory_space<semaphore_mem>>)
      %dma_start3A_133 = arith.constant 1 : i32
      %dma_start3A_134 = arith.constant 0 : i32
      %dma_start3A_135 = tpu.memref_slice %arg22[%dma_start3A_134] : memref<2048xf32, #tpu.memory_space<vmem>> -> memref<128xf32, #tpu.memory_space<vmem>>
      %dma_start3A_136 = arith.constant 0 : i32
      %dma_start3A_137 = tpu.memref_slice %arg14[%dma_start3A_133, %dma_start3A_136] : memref<2x2048xi32, #tpu.memory_space<vmem>> -> memref<1x128xi32, #tpu.memory_space<vmem>>
      %dma_start3A_138 = tpu.memref_squeeze %dma_start3A_137 : memref<1x128xi32, #tpu.memory_space<vmem>> -> memref<128xi32, #tpu.memory_space<vmem>>
      %dma_start3A_139 = arith.constant 0 : i32
      %dma_start3A_140 = tpu.memref_slice %arg12[%dma_start3A_139] : memref<50000xf32, #tpu.memory_space<vmem_shared>> -> memref<50000xf32, #tpu.memory_space<vmem_shared>>
      tpu.enqueue_indirect_dma source(%dma_start3A_140 : memref<50000xf32, #tpu.memory_space<vmem_shared>>) target(%dma_start3A_135 : memref<128xf32, #tpu.memory_space<vmem>>) offsets(%dma_start3A_138 : memref<128xi32, #tpu.memory_space<vmem>>) semaphore(%arg27 : memref<!tpu.dma_semaphore, #tpu.memory_space<semaphore_mem>>)
      %dma_start3A_141 = arith.constant 1 : i32
      %dma_start3A_142 = arith.constant 0 : i32
      %dma_start3A_143 = tpu.memref_slice %arg23[%dma_start3A_142] : memref<2048xf32, #tpu.memory_space<vmem>> -> memref<128xf32, #tpu.memory_space<vmem>>
      %dma_start3A_144 = arith.constant 0 : i32
      %dma_start3A_145 = tpu.memref_slice %arg14[%dma_start3A_141, %dma_start3A_144] : memref<2x2048xi32, #tpu.memory_space<vmem>> -> memref<1x128xi32, #tpu.memory_space<vmem>>
      %dma_start3A_146 = tpu.memref_squeeze %dma_start3A_145 : memref<1x128xi32, #tpu.memory_space<vmem>> -> memref<128xi32, #tpu.memory_space<vmem>>
      %dma_start3A_147 = arith.constant 0 : i32
      %dma_start3A_148 = tpu.memref_slice %arg13[%dma_start3A_147] : memref<50000xf32, #tpu.memory_space<vmem_shared>> -> memref<50000xf32, #tpu.memory_space<vmem_shared>>
      tpu.enqueue_indirect_dma source(%dma_start3A_148 : memref<50000xf32, #tpu.memory_space<vmem_shared>>) target(%dma_start3A_143 : memref<128xf32, #tpu.memory_space<vmem>>) offsets(%dma_start3A_146 : memref<128xi32, #tpu.memory_space<vmem>>) semaphore(%arg27 : memref<!tpu.dma_semaphore, #tpu.memory_space<semaphore_mem>>)
      %dma_wait3A_149 = arith.constant 0 : i32
      %dma_wait3A_150 = tpu.memref_slice %arg15[%dma_wait3A_149] : memref<2048xf32, #tpu.memory_space<vmem>> -> memref<128xf32, #tpu.memory_space<vmem>>
      %dma_wait3A_151 = tpu.memref_slice %arg6[%multiple_of3A] : memref<1600000xf32, #tpu.memory_space<hbm>> -> memref<128xf32, #tpu.memory_space<hbm>>
      %dma_wait3A_152 = arith.constant 0 : i32
      %dma_wait3A_153 = tpu.memref_slice %arg15[%dma_wait3A_152] : memref<2048xf32, #tpu.memory_space<vmem>> -> memref<128xf32, #tpu.memory_space<vmem>>
      %dma_wait3A_154 = tpu.memref_slice %arg6[%multiple_of3A] : memref<1600000xf32, #tpu.memory_space<hbm>> -> memref<128xf32, #tpu.memory_space<hbm>>
      tpu.wait_dma2 semaphore(%arg29 : memref<!tpu.dma_semaphore, #tpu.memory_space<semaphore_mem>>) src(%dma_wait3A_154 : memref<128xf32, #tpu.memory_space<hbm>>) dst(%dma_wait3A_153 : memref<128xf32, #tpu.memory_space<vmem>>)
      %dma_wait3A_155 = arith.constant 0 : i32
      %dma_wait3A_156 = tpu.memref_slice %arg16[%dma_wait3A_155] : memref<2048xf32, #tpu.memory_space<vmem>> -> memref<128xf32, #tpu.memory_space<vmem>>
      %dma_wait3A_157 = tpu.memref_slice %arg7[%multiple_of3A] : memref<1600000xf32, #tpu.memory_space<hbm>> -> memref<128xf32, #tpu.memory_space<hbm>>
      %dma_wait3A_158 = arith.constant 0 : i32
      %dma_wait3A_159 = tpu.memref_slice %arg16[%dma_wait3A_158] : memref<2048xf32, #tpu.memory_space<vmem>> -> memref<128xf32, #tpu.memory_space<vmem>>
      %dma_wait3A_160 = tpu.memref_slice %arg7[%multiple_of3A] : memref<1600000xf32, #tpu.memory_space<hbm>> -> memref<128xf32, #tpu.memory_space<hbm>>
      tpu.wait_dma2 semaphore(%arg29 : memref<!tpu.dma_semaphore, #tpu.memory_space<semaphore_mem>>) src(%dma_wait3A_160 : memref<128xf32, #tpu.memory_space<hbm>>) dst(%dma_wait3A_159 : memref<128xf32, #tpu.memory_space<vmem>>)
      %dma_wait3A_161 = arith.constant 0 : i32
      %dma_wait3A_162 = tpu.memref_slice %arg17[%dma_wait3A_161] : memref<2048xf32, #tpu.memory_space<vmem>> -> memref<128xf32, #tpu.memory_space<vmem>>
      %dma_wait3A_163 = tpu.memref_slice %arg8[%multiple_of3A] : memref<1600000xf32, #tpu.memory_space<hbm>> -> memref<128xf32, #tpu.memory_space<hbm>>
      %dma_wait3A_164 = arith.constant 0 : i32
      %dma_wait3A_165 = tpu.memref_slice %arg17[%dma_wait3A_164] : memref<2048xf32, #tpu.memory_space<vmem>> -> memref<128xf32, #tpu.memory_space<vmem>>
      %dma_wait3A_166 = tpu.memref_slice %arg8[%multiple_of3A] : memref<1600000xf32, #tpu.memory_space<hbm>> -> memref<128xf32, #tpu.memory_space<hbm>>
      tpu.wait_dma2 semaphore(%arg29 : memref<!tpu.dma_semaphore, #tpu.memory_space<semaphore_mem>>) src(%dma_wait3A_166 : memref<128xf32, #tpu.memory_space<hbm>>) dst(%dma_wait3A_165 : memref<128xf32, #tpu.memory_space<vmem>>)
      %dma_wait3A_167 = arith.constant 0 : i32
      %dma_wait3A_168 = arith.constant 0 : i32
      %dma_wait3A_169 = tpu.memref_slice %arg18[%dma_wait3A_168] : memref<2048xf32, #tpu.memory_space<vmem>> -> memref<128xf32, #tpu.memory_space<vmem>>
      %dma_wait3A_170 = arith.constant 0 : i32
      %dma_wait3A_171 = tpu.memref_slice %arg14[%dma_wait3A_167, %dma_wait3A_170] : memref<2x2048xi32, #tpu.memory_space<vmem>> -> memref<1x128xi32, #tpu.memory_space<vmem>>
      %dma_wait3A_172 = tpu.memref_squeeze %dma_wait3A_171 : memref<1x128xi32, #tpu.memory_space<vmem>> -> memref<128xi32, #tpu.memory_space<vmem>>
      %dma_wait3A_173 = arith.constant 0 : i32
      %dma_wait3A_174 = tpu.memref_slice %arg11[%dma_wait3A_173] : memref<50000xf32, #tpu.memory_space<vmem_shared>> -> memref<50000xf32, #tpu.memory_space<vmem_shared>>
      tpu.wait_indirect_dma semaphore(%arg26 : memref<!tpu.dma_semaphore, #tpu.memory_space<semaphore_mem>>) src(%dma_wait3A_174 : memref<50000xf32, #tpu.memory_space<vmem_shared>>) dst(%dma_wait3A_169 : memref<128xf32, #tpu.memory_space<vmem>>)
      %dma_wait3A_175 = arith.constant 0 : i32
      %dma_wait3A_176 = arith.constant 0 : i32
      %dma_wait3A_177 = tpu.memref_slice %arg19[%dma_wait3A_176] : memref<2048xf32, #tpu.memory_space<vmem>> -> memref<128xf32, #tpu.memory_space<vmem>>
      %dma_wait3A_178 = arith.constant 0 : i32
      %dma_wait3A_179 = tpu.memref_slice %arg14[%dma_wait3A_175, %dma_wait3A_178] : memref<2x2048xi32, #tpu.memory_space<vmem>> -> memref<1x128xi32, #tpu.memory_space<vmem>>
      %dma_wait3A_180 = tpu.memref_squeeze %dma_wait3A_179 : memref<1x128xi32, #tpu.memory_space<vmem>> -> memref<128xi32, #tpu.memory_space<vmem>>
      %dma_wait3A_181 = arith.constant 0 : i32
      %dma_wait3A_182 = tpu.memref_slice %arg12[%dma_wait3A_181] : memref<50000xf32, #tpu.memory_space<vmem_shared>> -> memref<50000xf32, #tpu.memory_space<vmem_shared>>
      tpu.wait_indirect_dma semaphore(%arg26 : memref<!tpu.dma_semaphore, #tpu.memory_space<semaphore_mem>>) src(%dma_wait3A_182 : memref<50000xf32, #tpu.memory_space<vmem_shared>>) dst(%dma_wait3A_177 : memref<128xf32, #tpu.memory_space<vmem>>)
      %dma_wait3A_183 = arith.constant 0 : i32
      %dma_wait3A_184 = arith.constant 0 : i32
      %dma_wait3A_185 = tpu.memref_slice %arg20[%dma_wait3A_184] : memref<2048xf32, #tpu.memory_space<vmem>> -> memref<128xf32, #tpu.memory_space<vmem>>
      %dma_wait3A_186 = arith.constant 0 : i32
      %dma_wait3A_187 = tpu.memref_slice %arg14[%dma_wait3A_183, %dma_wait3A_186] : memref<2x2048xi32, #tpu.memory_space<vmem>> -> memref<1x128xi32, #tpu.memory_space<vmem>>
      %dma_wait3A_188 = tpu.memref_squeeze %dma_wait3A_187 : memref<1x128xi32, #tpu.memory_space<vmem>> -> memref<128xi32, #tpu.memory_space<vmem>>
      %dma_wait3A_189 = arith.constant 0 : i32
      %dma_wait3A_190 = tpu.memref_slice %arg13[%dma_wait3A_189] : memref<50000xf32, #tpu.memory_space<vmem_shared>> -> memref<50000xf32, #tpu.memory_space<vmem_shared>>
      tpu.wait_indirect_dma semaphore(%arg26 : memref<!tpu.dma_semaphore, #tpu.memory_space<semaphore_mem>>) src(%dma_wait3A_190 : memref<50000xf32, #tpu.memory_space<vmem_shared>>) dst(%dma_wait3A_185 : memref<128xf32, #tpu.memory_space<vmem>>)
      %dma_wait3A_191 = arith.constant 1 : i32
      %dma_wait3A_192 = arith.constant 0 : i32
      %dma_wait3A_193 = tpu.memref_slice %arg21[%dma_wait3A_192] : memref<2048xf32, #tpu.memory_space<vmem>> -> memref<128xf32, #tpu.memory_space<vmem>>
      %dma_wait3A_194 = arith.constant 0 : i32
      %dma_wait3A_195 = tpu.memref_slice %arg14[%dma_wait3A_191, %dma_wait3A_194] : memref<2x2048xi32, #tpu.memory_space<vmem>> -> memref<1x128xi32, #tpu.memory_space<vmem>>
      %dma_wait3A_196 = tpu.memref_squeeze %dma_wait3A_195 : memref<1x128xi32, #tpu.memory_space<vmem>> -> memref<128xi32, #tpu.memory_space<vmem>>
      %dma_wait3A_197 = arith.constant 0 : i32
      %dma_wait3A_198 = tpu.memref_slice %arg11[%dma_wait3A_197] : memref<50000xf32, #tpu.memory_space<vmem_shared>> -> memref<50000xf32, #tpu.memory_space<vmem_shared>>
      tpu.wait_indirect_dma semaphore(%arg27 : memref<!tpu.dma_semaphore, #tpu.memory_space<semaphore_mem>>) src(%dma_wait3A_198 : memref<50000xf32, #tpu.memory_space<vmem_shared>>) dst(%dma_wait3A_193 : memref<128xf32, #tpu.memory_space<vmem>>)
      %dma_wait3A_199 = arith.constant 1 : i32
      %dma_wait3A_200 = arith.constant 0 : i32
      %dma_wait3A_201 = tpu.memref_slice %arg22[%dma_wait3A_200] : memref<2048xf32, #tpu.memory_space<vmem>> -> memref<128xf32, #tpu.memory_space<vmem>>
      %dma_wait3A_202 = arith.constant 0 : i32
      %dma_wait3A_203 = tpu.memref_slice %arg14[%dma_wait3A_199, %dma_wait3A_202] : memref<2x2048xi32, #tpu.memory_space<vmem>> -> memref<1x128xi32, #tpu.memory_space<vmem>>
      %dma_wait3A_204 = tpu.memref_squeeze %dma_wait3A_203 : memref<1x128xi32, #tpu.memory_space<vmem>> -> memref<128xi32, #tpu.memory_space<vmem>>
      %dma_wait3A_205 = arith.constant 0 : i32
      %dma_wait3A_206 = tpu.memref_slice %arg12[%dma_wait3A_205] : memref<50000xf32, #tpu.memory_space<vmem_shared>> -> memref<50000xf32, #tpu.memory_space<vmem_shared>>
      tpu.wait_indirect_dma semaphore(%arg27 : memref<!tpu.dma_semaphore, #tpu.memory_space<semaphore_mem>>) src(%dma_wait3A_206 : memref<50000xf32, #tpu.memory_space<vmem_shared>>) dst(%dma_wait3A_201 : memref<128xf32, #tpu.memory_space<vmem>>)
      %dma_wait3A_207 = arith.constant 1 : i32
      %dma_wait3A_208 = arith.constant 0 : i32
      %dma_wait3A_209 = tpu.memref_slice %arg23[%dma_wait3A_208] : memref<2048xf32, #tpu.memory_space<vmem>> -> memref<128xf32, #tpu.memory_space<vmem>>
      %dma_wait3A_210 = arith.constant 0 : i32
      %dma_wait3A_211 = tpu.memref_slice %arg14[%dma_wait3A_207, %dma_wait3A_210] : memref<2x2048xi32, #tpu.memory_space<vmem>> -> memref<1x128xi32, #tpu.memory_space<vmem>>
      %dma_wait3A_212 = tpu.memref_squeeze %dma_wait3A_211 : memref<1x128xi32, #tpu.memory_space<vmem>> -> memref<128xi32, #tpu.memory_space<vmem>>
      %dma_wait3A_213 = arith.constant 0 : i32
      %dma_wait3A_214 = tpu.memref_slice %arg13[%dma_wait3A_213] : memref<50000xf32, #tpu.memory_space<vmem_shared>> -> memref<50000xf32, #tpu.memory_space<vmem_shared>>
      tpu.wait_indirect_dma semaphore(%arg27 : memref<!tpu.dma_semaphore, #tpu.memory_space<semaphore_mem>>) src(%dma_wait3A_214 : memref<50000xf32, #tpu.memory_space<vmem_shared>>) dst(%dma_wait3A_209 : memref<128xf32, #tpu.memory_space<vmem>>)
      %scan3A_215 = arith.constant 0 : i32
      %scan3A_216 = arith.constant 8 : i32
      %scan3A_217 = arith.addi %scan3A_215, %scan3A_216 : i32
      %scan3A_218 = arith.constant 1 : i32
      %scan3A_219 = scf.for %scan3A_221 = %scan3A_215 to %scan3A_217 step %scan3A_218 iter_args(%scan3A_222 = %while3A_59) -> (vector<16xf32>)  : i32 {
        %mul3A_223 = arith.constant 16 : i32
        %mul3A_224 = arith.muli %scan3A_221, %mul3A_223 : i32
        %get3A_225 = arith.index_cast %mul3A_224 : i32 to index
        %get3A_226 = tpu.vector_load %arg21[%get3A_225] {strides = array<i32>} : memref<2048xf32, #tpu.memory_space<vmem>>, vector<16xf32>,
        %get3A_227 = arith.index_cast %mul3A_224 : i32 to index
        %get3A_228 = tpu.vector_load %arg18[%get3A_227] {strides = array<i32>} : memref<2048xf32, #tpu.memory_space<vmem>>, vector<16xf32>,
        %sub3A = arith.subf %get3A_226, %get3A_228 : vector<16xf32>
        %get3A_229 = arith.index_cast %mul3A_224 : i32 to index
        %get3A_230 = tpu.vector_load %arg15[%get3A_229] {strides = array<i32>} : memref<2048xf32, #tpu.memory_space<vmem>>, vector<16xf32>,
        %add3A_231 = arith.addf %sub3A, %get3A_230 : vector<16xf32>
        %get3A_232 = arith.index_cast %mul3A_224 : i32 to index
        %get3A_233 = tpu.vector_load %arg22[%get3A_232] {strides = array<i32>} : memref<2048xf32, #tpu.memory_space<vmem>>, vector<16xf32>,
        %get3A_234 = arith.index_cast %mul3A_224 : i32 to index
        %get3A_235 = tpu.vector_load %arg19[%get3A_234] {strides = array<i32>} : memref<2048xf32, #tpu.memory_space<vmem>>, vector<16xf32>,
        %sub3A_236 = arith.subf %get3A_233, %get3A_235 : vector<16xf32>
        %get3A_237 = arith.index_cast %mul3A_224 : i32 to index
        %get3A_238 = tpu.vector_load %arg16[%get3A_237] {strides = array<i32>} : memref<2048xf32, #tpu.memory_space<vmem>>, vector<16xf32>,
        %add3A_239 = arith.addf %sub3A_236, %get3A_238 : vector<16xf32>
        %get3A_240 = arith.index_cast %mul3A_224 : i32 to index
        %get3A_241 = tpu.vector_load %arg23[%get3A_240] {strides = array<i32>} : memref<2048xf32, #tpu.memory_space<vmem>>, vector<16xf32>,
        %get3A_242 = arith.index_cast %mul3A_224 : i32 to index
        %get3A_243 = tpu.vector_load %arg20[%get3A_242] {strides = array<i32>} : memref<2048xf32, #tpu.memory_space<vmem>>, vector<16xf32>,
        %sub3A_244 = arith.subf %get3A_241, %get3A_243 : vector<16xf32>
        %get3A_245 = arith.index_cast %mul3A_224 : i32 to index
        %get3A_246 = tpu.vector_load %arg17[%get3A_245] {strides = array<i32>} : memref<2048xf32, #tpu.memory_space<vmem>>, vector<16xf32>,
        %add3A_247 = arith.addf %sub3A_244, %get3A_246 : vector<16xf32>
        %mul3A_248 = arith.mulf %add3A_231, %add3A_231 : vector<16xf32>
        %mul3A_249 = arith.mulf %add3A_239, %add3A_239 : vector<16xf32>
        %add3A_250 = arith.addf %mul3A_248, %mul3A_249 : vector<16xf32>
        %mul3A_251 = arith.mulf %add3A_247, %add3A_247 : vector<16xf32>
        %add3A_252 = arith.addf %add3A_250, %mul3A_251 : vector<16xf32>
        %broadcast_in_dim3A_253 = arith.constant 1.000000e-30 : f32
        %broadcast_in_dim3A_254 = vector.broadcast %broadcast_in_dim3A_253 : f32 to vector<16xf32>
        %max3A = arith.maximumf %add3A_252, %broadcast_in_dim3A_254 : vector<16xf32>
        %bitcast3A = vector.bitcast %max3A : vector<16xf32> to vector<16xi32>
        %shift_right_arithmetic3A = arith.constant 1 : i32
        %shift_right_arithmetic3A_255 = vector.broadcast %shift_right_arithmetic3A : i32 to vector<16xi32>
        %shift_right_arithmetic3A_256 = arith.shrsi %bitcast3A, %shift_right_arithmetic3A_255 : vector<16xi32>
        %sub3A_257 = arith.subi %broadcast_in_dim3A_30, %shift_right_arithmetic3A_256 : vector<16xi32>
        %bitcast3A_258 = vector.bitcast %sub3A_257 : vector<16xi32> to vector<16xf32>
        %mul3A_259 = arith.mulf %broadcast_in_dim3A_22, %max3A : vector<16xf32>
        %mul3A_260 = arith.mulf %mul3A_259, %bitcast3A_258 : vector<16xf32>
        %mul3A_261 = arith.mulf %mul3A_260, %bitcast3A_258 : vector<16xf32>
        %sub3A_262 = arith.subf %broadcast_in_dim3A_24, %mul3A_261 : vector<16xf32>
        %mul3A_263 = arith.mulf %bitcast3A_258, %sub3A_262 : vector<16xf32>
        %mul3A_264 = arith.mulf %mul3A_259, %mul3A_263 : vector<16xf32>
        %mul3A_265 = arith.mulf %mul3A_264, %mul3A_263 : vector<16xf32>
        %sub3A_266 = arith.subf %broadcast_in_dim3A_24, %mul3A_265 : vector<16xf32>
        %mul3A_267 = arith.mulf %mul3A_263, %sub3A_266 : vector<16xf32>
        %mul3A_268 = arith.mulf %mul3A_259, %mul3A_267 : vector<16xf32>
        %mul3A_269 = arith.mulf %mul3A_268, %mul3A_267 : vector<16xf32>
        %sub3A_270 = arith.subf %broadcast_in_dim3A_24, %mul3A_269 : vector<16xf32>
        %mul3A_271 = arith.mulf %mul3A_267, %sub3A_270 : vector<16xf32>
        %mul3A_272 = arith.mulf %max3A, %mul3A_271 : vector<16xf32>
        %mul3A_273 = arith.mulf %get3A_9, %mul3A_272 : vector<16xf32>
        %sub3A_274 = arith.subf %get3A_5, %mul3A_273 : vector<16xf32>
        %exp3A = math.exp %sub3A_274 : vector<16xf32>
        %mul3A_275 = arith.mulf %get3A_17, %mul3A_272 : vector<16xf32>
        %sub3A_276 = arith.subf %get3A_13, %mul3A_275 : vector<16xf32>
        %mul3A_277 = arith.mulf %sub3A_276, %sub3A_276 : vector<16xf32>
        %mul3A_278 = arith.mulf %mul3A_277, %sub3A_276 : vector<16xf32>
        %broadcast_in_dim3A_279 = arith.constant 6.000000e+00 : f32
        %broadcast_in_dim3A_280 = vector.broadcast %broadcast_in_dim3A_279 : f32 to vector<16xf32>
        %mul3A_281 = arith.mulf %broadcast_in_dim3A_280, %sub3A_276 : vector<16xf32>
        %broadcast_in_dim3A_282 = arith.constant 1.500000e+01 : f32
        %broadcast_in_dim3A_283 = vector.broadcast %broadcast_in_dim3A_282 : f32 to vector<16xf32>
        %sub3A_284 = arith.subf %mul3A_281, %broadcast_in_dim3A_283 : vector<16xf32>
        %mul3A_285 = arith.mulf %sub3A_284, %sub3A_276 : vector<16xf32>
        %broadcast_in_dim3A_286 = arith.constant 1.000000e+01 : f32
        %broadcast_in_dim3A_287 = vector.broadcast %broadcast_in_dim3A_286 : f32 to vector<16xf32>
        %add3A_288 = arith.addf %mul3A_285, %broadcast_in_dim3A_287 : vector<16xf32>
        %mul3A_289 = arith.mulf %add3A_288, %mul3A_278 : vector<16xf32>
        %ge3A = arith.cmpf oge, %sub3A_276, %broadcast_in_dim3A_26 : vector<16xf32>
        %max3A_290 = arith.maximumf %mul3A_289, %broadcast_in_dim3A_28 : vector<16xf32>
        %select_n3A_291 = arith.select %ge3A, %broadcast_in_dim3A_26, %max3A_290 : vector<16xi1>, vector<16xf32>
        %broadcast_in_dim3A_292 = arith.constant 2.000000e+00 : f32
        %broadcast_in_dim3A_293 = vector.broadcast %broadcast_in_dim3A_292 : f32 to vector<16xf32>
        %sub3A_294 = arith.subf %exp3A, %broadcast_in_dim3A_293 : vector<16xf32>
        %mul3A_295 = arith.mulf %exp3A, %sub3A_294 : vector<16xf32>
        %mul3A_296 = arith.mulf %mul3A_295, %select_n3A_291 : vector<16xf32>
        %add3A_297 = arith.addf %scan3A_222, %mul3A_296 : vector<16xf32>
        scf.yield %add3A_297 : vector<16xf32>
      }
      %scan3A_220 = arith.constant 8 : i32
      scf.yield %scan3A_219 : vector<16xf32>
    }
    %mul3A_56 = arith.mulf %while3A_55, %get3A_21 : vector<16xf32>
    %swap3A = arith.constant 0 : index
    %swap3A_57 = tpu.vector_load %arg25[%swap3A] {strides = array<i32>} : memref<16xf32, #tpu.memory_space<vmem>>, vector<16xf32>,
    tpu.vector_store %arg25[%swap3A], %mul3A_56 {strides = array<i32>} : memref<16xf32, #tpu.memory_space<vmem>>, vector<16xf32>,
    "tpu.region"() ({
      %run_scoped3A = tpu.sem_alloc : memref<!tpu.dma_semaphore, #tpu.memory_space<semaphore_mem>>
      %dma_start3A = arith.constant 0 : i32
      %dma_start3A_58 = tpu.memref_slice %arg10[%add3A, %dma_start3A] : memref<32x16xf32, #tpu.memory_space<hbm>> -> memref<1x16xf32, #tpu.memory_space<hbm>>
      %dma_start3A_59 = tpu.memref_squeeze %dma_start3A_58 : memref<1x16xf32, #tpu.memory_space<hbm>> -> memref<16xf32, #tpu.memory_space<hbm>>
      %dma_start3A_60 = arith.constant 0 : i32
      %dma_start3A_61 = tpu.memref_slice %arg10[%add3A, %dma_start3A_60] : memref<32x16xf32, #tpu.memory_space<hbm>> -> memref<1x16xf32, #tpu.memory_space<hbm>>
      %dma_start3A_62 = tpu.memref_squeeze %dma_start3A_61 : memref<1x16xf32, #tpu.memory_space<hbm>> -> memref<16xf32, #tpu.memory_space<hbm>>
      tpu.enqueue_dma source(%arg25 : memref<16xf32, #tpu.memory_space<vmem>>) target(%dma_start3A_62 : memref<16xf32, #tpu.memory_space<hbm>>) target_semaphore(%run_scoped3A : memref<!tpu.dma_semaphore, #tpu.memory_space<semaphore_mem>>)
      %dma_wait3A = arith.constant 0 : i32
      %dma_wait3A_63 = tpu.memref_slice %arg10[%add3A, %dma_wait3A] : memref<32x16xf32, #tpu.memory_space<hbm>> -> memref<1x16xf32, #tpu.memory_space<hbm>>
      %dma_wait3A_64 = tpu.memref_squeeze %dma_wait3A_63 : memref<1x16xf32, #tpu.memory_space<hbm>> -> memref<16xf32, #tpu.memory_space<hbm>>
      %dma_wait3A_65 = arith.constant 0 : i32
      %dma_wait3A_66 = tpu.memref_slice %arg10[%add3A, %dma_wait3A_65] : memref<32x16xf32, #tpu.memory_space<hbm>> -> memref<1x16xf32, #tpu.memory_space<hbm>>
      %dma_wait3A_67 = tpu.memref_squeeze %dma_wait3A_66 : memref<1x16xf32, #tpu.memory_space<hbm>> -> memref<16xf32, #tpu.memory_space<hbm>>
      tpu.wait_dma2 semaphore(%run_scoped3A : memref<!tpu.dma_semaphore, #tpu.memory_space<semaphore_mem>>) src(%arg25 : memref<16xf32, #tpu.memory_space<vmem>>) dst(%dma_wait3A_67 : memref<16xf32, #tpu.memory_space<hbm>>)
      tpu.yield
    }) : () -> ()
    return
  }
}

</mosaic_0001>

<sc_bundles>
// kernel: _run.3.cloned.1.call-start
scs
__scs_entry_jumppad:
0x0: {  	(pc) =	sbr.rel $0x88, $3  }
0x1: {  	(tag) =	ssettag $0x0;
	lr =	simm.s32 $0x1  }
0x2: {  	[smem:$0x3F99] =	sst lr;
	_ =	strace $0xD0000000  }
0x3: {  	_ = 	snop  }
0x4: {  	_ = 	snop  }
0x5: {  	_ = 	snop  }
0x6: {  	_ = 	snop  }
0x7: {  	_ = 	snop  }
__scs_overlays_trampoline_lowered:
0x8: {  	[smem:$0x3FA8] =	sst s0  }
0x9: {  	[smem:$0x3FA9] =	sst s1  }
0xa: {  	[smem:$0x3FAA] =	sst s2  }
0xb: {  	[smem:$0x3FAB] =	sst s3  }
0xc: {  	[smem:$0x3FAC] =	sst s4  }
0xd: {  	[smem:$0x3FAD] =	sst s5  }
0xe: {  	[smem:$0x3FAE] =	sst s6  }
0xf: {  	[smem:$0x3FAF] =	sst s7  }
0x10: {  	[smem:$0x3FB0] =	sst s8  }
0x11: {  	[smem:$0x3FB1] =	sst s9;
	s0 =	simm.s32 @!p0 $0x0  }
0x12: {  	s1 =	sld [smem:$0x3F97];
	s0 =	simm.s32 @p0 $0x1  }
0x13: {  	[smem:$0x3FB2] =	sst s0;
	s0 =	simm.s32 @!p1 $0x0  }
0x14: {  	s2 =	sld [smem:$0x3F96];
	s0 =	simm.s32 @p1 $0x1  }
0x15: {  	[smem:$0x3FB3] =	sst s0;
	s0 =	simm.s32 @!p2 $0x0  }
0x16: {  	s3 =	sld [smem:$0x3FDB];
	s0 =	simm.s32 @p2 $0x1  }
0x17: {  	s4 =	simm.s32 $0x1BF5;
	[smem:$0x3FB5] =	sst s0  }
0x18: {  	s0 =	sld [smem:$0x3F98];
	_ =	swait.ge [sflag:s4], $0x0  }
0x19: {  	s7 =	sld [smem:$0x3F99]  }
0x1a: {  	s8 =	sadd.s32 $0xFFFFE003, lr  }
0x1b: {  	s9 =	sadd.s32 $0xFFFFFEF7, lr;
	s5 =	simm.s32 $0xFFFFFFFF;
	p2 =	slt.u32 s8, $0xFFFFF086  }
0x1c: {  	p1 =	slt.u32 s9, $0xF7A;
	s5 =	simm.s32 @!p2 $0x0  }
0x1d: {  	s5 =	simm.s32 @p1 $0x1;
	p0 =	seq.s32 s7, s2  }
0x1e: {  	s7 =	smul.u32 @!p0 $0xF7A, s2;
	p2 =	seq.s32 @!p0 s5, $0x0  }
0x1f: {  	s9 =	smul.u32 $0xF7A, s1;
	s8 =	simm.s32 @!p0 $0x1BF5;
	p2 =	por !p2, p0  }
0x20: {  	[sflag:s8] =	ssyncset.s32 @!p0 $0xFFFFF086;
	s6 =	sadd.s32 @!p0 s3, s7;
	s7 =	simm.s32 @!p0 $0x108  }
0x21: {  	s3 =	sadd.s32 s3, s9;
	s6 =	sadd.s32 @!p0 $0x88, s6;
	s7 =	simm.s32 @p2 $0x1082  }
0x22: {  	[simem:s7], [sflag:s8] =	dma.local @!p0 [hbm:s6], $0xF7A  }
0x23: {  	s9 =	sor.u32 $0xD0000000, s2;
	s6 =	simm.s32 $0x108;
	_ =	swait.ge @!p0 [sflag:s8], $0x0  }
0x24: {  	s3 =	sadd.s32 $0x88, s3;
	s6 =	simm.s32 @!p1 $0x1082;
	[sflag:s4] =	ssyncset.s32 $0xFFFFF086  }
0x25: {  	[simem:s6], [sflag:s4] =	dma.local [hbm:s3], $0xF7A  }
0x26: {  	[smem:$0x3F99] =	sst s1;
	(tag) =	ssettag s2;
	_ =	strace s9  }
0x27: {  	s1 =	sld [smem:$0x3FA9]  }
0x28: {  	s2 =	sld [smem:$0x3FAA]  }
0x29: {  	s4 =	sld [smem:$0x3FAC]  }
0x2a: {  	p0 =	seq.s32 s5, $0x0;
	s5 =	sld [smem:$0x3FAD]  }
0x2b: {  	s6 =	sld [smem:$0x3FAE]  }
0x2c: {  	s7 =	sld [smem:$0x3FAF]  }
0x2d: {  	s3 =	simm.s32 $0x108;
	s8 =	sld [smem:$0x3FB0]  }
0x2e: {  	s3 =	simm.s32 @!p0 $0x1082;
	s9 =	sld [smem:$0x3FB1]  }
0x2f: {  	lr =	sadd.s32 s0, s3;
	s0 =	sld [smem:$0x3FA8]  }
0x30: {  	s3 =	sld [smem:$0x3FAB]  }
0x31: {  	[smem:$0x3FB4] =	sst s10  }
0x32: {  	s10 =	sld [smem:$0x3FB2];
	_ =	sdelay $0x3  }
0x33: {  	p0 =	seq.s32 s10, $0x1;
	s10 =	sld [smem:$0x3FB4];
	_ =	sdelay $0x3  }
0x34: {  	[smem:$0x3FB4] =	sst s10  }
0x35: {  	s10 =	sld [smem:$0x3FB3];
	_ =	sdelay $0x3  }
0x36: {  	p1 =	seq.s32 s10, $0x1;
	s10 =	sld [smem:$0x3FB4];
	_ =	sdelay $0x3  }
0x37: {  	[smem:$0x3FB4] =	sst s10  }
0x38: {  	s10 =	sld [smem:$0x3FB5]  }
0x39: {  	_ = 	snop;
	(pc) =	sbr.ind lr, $3  }
0x3a: {  	_ = 	snop  }
0x3b: {  	_ = 	snop  }
0x3c: {  	p2 =	seq.s32 s10, $0x1;
	s10 =	sld [smem:$0x3FB4]  }
0x3d: {  	_ =	shalt  }
0x3e: {  	_ =	shalt  }
0x3f: {  	_ =	shalt  }
0x40: {  	_ =	shalt  }
0x41: {  	_ =	shalt  }
0x42: {  	_ =	shalt  }
0x43: {  	_ =	shalt  }
0x44: {  	_ =	shalt  }
0x45: {  	_ =	shalt  }
0x46: {  	_ =	shalt  }
0x47: {  	_ =	shalt  }
0x48: {  	_ =	shalt  }
0x49: {  	_ =	shalt  }
0x4a: {  	_ =	shalt  }
0x4b: {  	_ =	shalt  }
0x4c: {  	_ =	shalt  }
0x4d: {  	_ =	shalt  }
0x4e: {  	_ =	shalt  }
0x4f: {  	_ =	shalt  }
0x50: {  	_ =	shalt  }
0x51: {  	_ =	shalt  }
0x52: {  	_ =	shalt  }
0x53: {  	_ =	shalt  }
0x54: {  	_ =	shalt  }
0x55: {  	_ =	shalt  }
0x56: {  	_ =	shalt  }
0x57: {  	_ =	shalt  }
0x58: {  	_ =	shalt  }
0x59: {  	_ =	shalt  }
0x5a: {  	_ =	shalt  }
0x5b: {  	_ =	shalt  }
0x5c: {  	_ =	shalt  }
0x5d: {  	_ =	shalt  }
0x5e: {  	_ =	shalt  }
0x5f: {  	_ =	shalt  }
0x60: {  	_ =	shalt  }
0x61: {  	_ =	shalt  }
0x62: {  	_ =	shalt  }
0x63: {  	_ =	shalt  }
0x64: {  	_ =	shalt  }
0x65: {  	_ =	shalt  }
0x66: {  	_ =	shalt  }
0x67: {  	_ =	shalt  }
0x68: {  	_ =	shalt  }
0x69: {  	_ =	shalt  }
0x6a: {  	_ =	shalt  }
0x6b: {  	_ =	shalt  }
0x6c: {  	_ =	shalt  }
0x6d: {  	_ =	shalt  }
0x6e: {  	_ =	shalt  }
0x6f: {  	_ =	shalt  }
0x70: {  	_ =	shalt  }
0x71: {  	_ =	shalt  }
0x72: {  	_ =	shalt  }
0x73: {  	_ =	shalt  }
0x74: {  	_ =	shalt  }
0x75: {  	_ =	shalt  }
0x76: {  	_ =	shalt  }
0x77: {  	_ =	shalt  }
0x78: {  	_ =	shalt  }
0x79: {  	_ =	shalt  }
0x7a: {  	_ =	shalt  }
0x7b: {  	_ =	shalt  }
0x7c: {  	_ =	shalt  }
0x7d: {  	_ =	shalt  }
0x7e: {  	_ =	shalt  }
0x7f: {  	_ =	shalt  }
0x80: {  	_ =	shalt  }
0x81: {  	_ =	shalt  }
0x82: {  	_ =	shalt  }
0x83: {  	_ =	shalt  }
0x84: {  	_ =	shalt  }
0x85: {  	_ =	shalt  }
0x86: {  	_ =	shalt  }
0x87: {  	_ =	shalt  }
.Lfunc_end0:
.L_simem_size_0:
called_computation_lowered:
.L_overlay_start_0:
0x88: {  	s2 =	sld [smem:$0x3FD9]  }
0x89: {  	s3 =	sld [smem:$0x3FFE];
	_ =	sdelay $0x1  }
0x8a: {  	s1 =	srdreg.scid  }
0x8b: {  	s0 =	sand.u32 $0x1, s1  }
0x8c: {  	s17 =	sshll.u32 s0, $0xA;
	s2 =	sadd.s32 s3, s2  }
0x8d: {  	s2 =	sadd.s32 s2, s17  }
0x8e: {  	[smem:$0x3FC0] =	sst s2  }
0x8f: {  	_ = 	snop  }
0x90: {  	s2 =	sld [smem:$0x3FC9]  }
0x91: {  	s18 =	sld [smem:$0x3FC8]  }
0x92: {  	s4 =	sld [smem:$0x3FC7]  }
0x93: {  	s5 =	sld [smem:$0x3FC6]  }
0x94: {  	s6 =	sld [smem:$0x3FC5]  }
0x95: {  	s7 =	sld [smem:$0x3FC4]  }
0x96: {  	s8 =	sld [smem:$0x3FC3]  }
0x97: {  	s9 =	sld [smem:$0x3FC2];
	(tm) =	ssettm $0x1  }
0x98: {  	s10 =	sld [smem:$0x3FFB];
	_ =	sdelay $0x3  }
0x99: {  	_ =	strace s10  }
0x9a: {  	s10 =	sld [smem:$0x3FFC];
	_ =	sdelay $0x3  }
0x9b: {  	_ =	strace s10  }
0x9c: {  	s10 =	sld [smem:$0x3FFD];
	_ =	sdelay $0x3  }
0x9d: {  	_ =	strace s10  }
0x9e: {  	_ =	strace $0x8FFFFFFF  }
0x9f: {  	s19 =	sld [smem:$0x3FDB];
	_ =	sdelay $0x1  }
0xa0: {  	s11 =	simm.s32 $_scs_section_size  }
0xa1: {  	s12 =	simm.s32 $_size__tile_overlayer_lowered;
	s13 =	simm.s32 $_tile_overlayer_lowered  }
0xa2: {  	s22 =	simm.s32 $0x1BFF;
	s21 =	sshll.u32 s13, $0x1;
	s10 =	sadd.s32 s11, s19  }
0xa3: {  	s14 =	simm.s32 $0x0;
	s20 =	sshll.u32 s12, $0x1;
	s12 =	sadd.s32 s21, s10  }
0xa4: {  	[timem:s14], [sflag:s22] =	dma.local [hbm:s12], s20  }
0xa5: {  	_ =	swait.ge [sflag:s22], s20  }
0xa6: {  	s11 =	ssub.s32 $0x0, s20;
	[sflag:s22] =	ssyncset.done $0x0  }
0xa7: {  	[sflag:s22] =	ssyncadd.s32 s11;
	_ =	sdelay $0x1  }
0xa8: {  	s23 =	simm.s32 $0x1B8B  }
0xa9: {  	_ =	swait.ge [sflag:s23], $0x1  }
0xaa: {  	[sflag:s23] =	ssyncset.done $0x0  }
0xab: {  	s25 =	simm.s32 $0x1B8E;
	s24 =	sld [smem:$0x3FFE];
	[sflag:s23] =	ssyncadd.s32 $0xFFFFFFFF  }
0xac: {  	s26 =	simm.s32 $execute0_lowered;
	[smem:$0x3FD2] =	sst s25  }
0xad: {  	s12 =	sshll.u32 s26, $0x1;
	_ =	strace $0x80000046;
	[dreg:$0x1] =	wrdreg $0xFFFFFFFF  }
0xae: {  	s28 =	simm.s32 $_size_execute0_lowered;
	s10 =	sadd.s32 s10, s12;
	[dreg:$0x0] =	wrdreg $0x0  }
0xaf: {  	s12 =	sshll.u32 s28, $0x1;
	[dreg:$0x2] =	wrdreg s10  }
0xb0: {  	[dreg:$0x3] =	wrdreg s12  }
0xb1: {  	[dreg:$0x4] =	wrdreg $0xC0  }
0xb2: {  	_ =	task [dreg:s14], $0x5FFFF  }
0xb3: {  	[dreg:$0x1] =	wrdreg $0xFFFFFFFF  }
0xb4: {  	[dreg:$0x0] =	wrdreg $0x60  }
0xb5: {  	[dreg:$0x2] =	wrdreg s2  }
0xb6: {  	[dreg:$0x3] =	wrdreg s18  }
0xb7: {  	[dreg:$0x4] =	wrdreg s4  }
0xb8: {  	[dreg:$0x5] =	wrdreg s5  }
0xb9: {  	[dreg:$0x6] =	wrdreg s6  }
0xba: {  	[dreg:$0x7] =	wrdreg s7  }
0xbb: {  	[dreg:$0x8] =	wrdreg s8  }
0xbc: {  	[dreg:$0x9] =	wrdreg s9  }
0xbd: {  	[dreg:$0xa] =	wrdreg s24  }
0xbe: {  	[dreg:$0xb] =	wrdreg $0x0  }
0xbf: {  	[dreg:$0xc] =	wrdreg $0xC380  }
0xc0: {  	[dreg:$0xd] =	wrdreg $0x18700  }
0xc1: {  	[dreg:$0xe] =	wrdreg $0x9  }
0xc2: {  	_ =	task.clear_ibuf [dreg:s14], $0xFFFFF;
	_ =	strace $0x90000046  }
0xc3: {  	s29 =	simm.s32 $0x9;
	_ =	strace $0x80000048  }
0xc4: {  	_ =	swait.ge [sflag:s29], $0x1  }
0xc5: {  	[sflag:s29] =	ssyncadd.s32 $0xFFFFFFFF  }
0xc6: {  	_ =	strace $0x90000048  }
0xc7: {  	_ =	sfence  }
0xc8: {  	s30 =	sld [smem:$0x0];
	_ =	sdelay $0x2  }
0xc9: {  	s31 =	sshll.u32 s1, $0xD;
	s1 =	sshrl.u32 s1, $0x2  }
0xca: {  	s3 =	sand.u32 $0x4000, s31;
	s1 =	sadd.s32 s1, s30  }
0xcb: {  	s0 =	sor.u32 s3, s0;
	s1 =	sshll.u32 s1, $0x11  }
0xcc: {  	s0 =	sor.u32 s1, s0  }
0xcd: {  	s0 =	sadd.s32 $0x8F2B, s0  }
0xce: {  	[sflag:s0] =	ssyncadd.remote.s32 $0x1  }
0xcf: {  	_ =	sfence.sel $0xFFFF  }
0xd0: {  	[dreg:$0x0] =	wrdreg $0xFFFFFFFF;
	(pc) =	sbr.abs _section_cstart, $3  }
0xd1: {  	[dreg:$0x1] =	wrdreg $0xFFFFFFFF  }
0xd2: {  	_ =	task.clear_ibuf [dreg:s14], $0x2FFFF;
	_ =	strace $0x9FFFFFFF  }
0xd3: {  	(tm) =	ssettm $0x7FFFFFFF  }
tec
execute0_lowered:
.L_overlay_start_1:
0x0: {  	(tag) =	ssettag $0x1  }
0x1: {  	s0 =	rddreg [dreg:$0x8]  }
0x2: {  	s9 =	rddreg [dreg:$0x9]  }
0x3: {  	s10 =	rddreg [dreg:$0xa]  }
0x4: {  	s11 =	rddreg [dreg:$0xb];
	s1 =	srdreg.scid  }
0x5: {  	s2 =	stileid.u32;
	s4 =	simm.s32 $0x0;
	s6 =	simm.s32 $0x7  }
0x6: {  	s23 =	simm.s32 $0x24A8;
	s28 =	simm.s32 $0x3;
	s29 =	simm.s32 $0x80  }
0x7: {  	s15 =	simm.s32 $0x2CA8;
	s30 =	simm.s32 $0x2EA8;
	s31 =	simm.s32 $0x2F28  }
0x8: {  	s7 =	simm.s32 $0x2FA8;
	s8 =	simm.s32 $0x3128;
	s21 =	simm.s32 $0x31A8  }
0x9: {  	s18 =	simm.s32 $0x3228;
	s12 =	simm.s32 $0x32A8;
	s20 =	simm.s32 $0x3328  }
0xa: {  	s19 =	simm.s32 $0x33A8;
	s22 =	simm.s32 $0x3428;
	s17 =	simm.s32 $0x4  }
0xb: {  	s16 =	simm.s32 $0x1;
	s1 =	sand.u32 $0x1, s1;
	s3 =	sshll.u32 s2, $0x1  }
0xc: {  	[smem:$0x7FF] =	sst s4;
	p0 =	slt.u32 s2, $0xA;
	s3 =	sor.u32 s1, s3  }
0xd: {  	_ =	strace $0x80000047;
	s1 =	ssub.s32 $0x2, s1;
	s6 =	simm.s32 @!p0 $0x6  }
0xe: {  	p0 =	sne.s32 s2, $0x0;
	s2 =	simm.s32 $0x30A8;
	s5 =	smul.u32 $0x186, s3  }
0xf: {  	s24 =	sshll.u32 s3, $0x4;
	s25 =	sshrl.u32 s1, $0x1;
	s3 =	smin.u32 s3, $0x14  }
0x10: {  	[dreg:$0xd] =	wrdreg s6;
	s0 =	sadd.s32 s24, s0;
	s3 =	sadd.s32 s3, s5  }
0x11: {  	s1 =	ssub.s32 s1, s25;
	s0 =	sadd.s32 $0x400, s0;
	[dreg:$0xe] =	wrdreg s3  }
0x12: {  	s6 =	simm.s32 $0x0;
	s26 =	smax.u32 s1, $0x1;
	[dreg:$0x10] =	wrdreg s0  }
0x13: {  	s24 =	simm.s32 $0x2D28;
	s3 =	sadd.s32 $0x180, s3;
	[dreg:$0x11] =	wrdreg s26  }
0x14: {  	s25 =	simm.s32 $0x2DA8;
	s0 =	sshrl.u32 @!p0 s9, $0x3;
	[dreg:$0xf] =	wrdreg s3  }
0x15: {  	s1 =	simm.s32 $0x3028;
	[dreg:$0x12] =	wrdreg s0;
	s0 =	sshrl.u32 @!p0 s10, $0x3  }
0x16: {  	s26 =	simm.s32 $0x2E28;
	[dreg:$0x13] =	wrdreg s0;
	s0 =	sshrl.u32 @!p0 s11, $0x3  }
0x17: {  	s3 =	simm.s32 $0x2;
	[dreg:$0x14] =	wrdreg s0;
	s0 =	simm.s32 $0x2528  }
.LBB2_1:
0x18: {  	[dreg:$0x15] =	wrdreg s6  }
0x19: {  	s5 =	rddreg [dreg:$0x0]  }
0x1a: {  	s4 =	simm.s32 @!p0 $0x1C05;
	s6 =	rddreg [dreg:$0x12]  }
0x1b: {  	[spmem:s6], [sflag:s4] =	dma.local @!p0 [hbm:s5], $0x1870  }
0x1c: {  	s5 =	simm.s32 @!p0 $0x5  }
0x1d: {  	_ =	swait.ge @!p0 [sflag:s5], $0x1870  }
0x1e: {  	[sflag:s5] =	ssyncset.done @!p0 $0x0  }
0x1f: {  	s13 =	rddreg [dreg:$0x13];
	[sflag:s5] =	ssyncadd.s32 @!p0 $0xFFFFE790  }
0x20: {  	s6 =	rddreg [dreg:$0x1]  }
0x21: {  	[spmem:s13], [sflag:s4] =	dma.local @!p0 [hbm:s6], $0x1870  }
0x22: {  	_ =	swait.ge @!p0 [sflag:s5], $0x1870  }
0x23: {  	[sflag:s5] =	ssyncset.done @!p0 $0x0  }
0x24: {  	s13 =	rddreg [dreg:$0x14];
	[sflag:s5] =	ssyncadd.s32 @!p0 $0xFFFFE790  }
0x25: {  	s6 =	rddreg [dreg:$0x2]  }
0x26: {  	[spmem:s13], [sflag:s4] =	dma.local @!p0 [hbm:s6], $0x1870  }
0x27: {  	_ =	swait.ge @!p0 [sflag:s5], $0x1870  }
0x28: {  	[sflag:s5] =	ssyncset.done @!p0 $0x0  }
0x29: {  	s14 =	simm.s32 $0x5;
	[sflag:s5] =	ssyncadd.s32 @!p0 $0xFFFFE790  }
0x2a: {  	s6 =	simm.s32 $0x7CA8;
	s13 =	simm.s32 $0x0;
	s5 =	rddreg [dreg:$0x7]  }
0x2b: {  	[tilespmem:s6], [sflag:$0x5] =	stream.linear.gather [hbm4b:s5+s13], $0x400, $0x38;
	[tilespmem:$0x8128] =	vst v63  }
0x2c: {  	_ =	swait.ge [sflag:s14], $0x400  }
0x2d: {  	[sflag:s14] =	ssyncset.done $0x0  }
0x2e: {  	[sflag:s14] =	ssyncadd.s32 $0xFFFFFC00  }
0x2f: {  	[bflag:$0x0] =	sbarrier.arrive $0xFFFF  }
0x30: {  	v0 =	vld [tilespmem:$0x7CA8]  }
0x31: {  	v3 =	vld [tilespmem:$0x7E28]  }
0x32: {  	v1 =	vld [tilespmem:$0x7D28]  }
0x33: {  	v2 =	vld [tilespmem:$0x7DA8]  }
0x34: {  	v5 =	vimm.f32 $0.0e+00;
	s4 =	simm.s32 $0x0;
	v4 =	vld [tilespmem:$0x7EA8]  }
.LBB2_2:
0x35: {  	s5 =	sshll.u32 s4, $0x4;
	s6 =	rddreg [dreg:$0xe]  }
0x36: {  	s5 =	sadd.s32 s6, s5  }
0x37: {  	s13 =	rddreg [dreg:$0x3];
	s6 =	sshll.u32 s5, $0x5  }
0x38: {  	s14 =	rddreg [dreg:$0x4];
	s5 =	sand.u32 $0x1FFFFFF, s5;
	s6 =	sand.u32 $0x1FFFFFE0, s6  }
0x39: {  	s5 =	sshll.u32 s5, $0x4;
	s6 =	sadd.s32 s13, s6;
	s13 =	simm.s32 $0x0  }
0x3a: {  	[tilespmem:s23], [sflag:$0x3] =	stream.linear.gather [hbm4b:s6+s13], $0x1000, $0x38;
	[tilespmem:$0x8128] =	vst v63  }
0x3b: {  	s6 =	sadd.s32 s14, s5;
	s14 =	simm.s32 $0x34A8  }
0x3c: {  	[tilespmem:s14], [sflag:$0x4] =	stream.linear.gather [hbm4b:s6+s13], $0x800, $0x38;
	[tilespmem:$0x8128] =	vst v63  }
0x3d: {  	s14 =	rddreg [dreg:$0x5]  }
0x3e: {  	s6 =	sadd.s32 s14, s5;
	s14 =	simm.s32 $0x3CA8  }
0x3f: {  	[tilespmem:s14], [sflag:$0x4] =	stream.linear.gather [hbm4b:s6+s13], $0x800, $0x38;
	[tilespmem:$0x8128] =	vst v63  }
0x40: {  	s14 =	rddreg [dreg:$0x6]  }
0x41: {  	s5 =	sadd.s32 s14, s5;
	s14 =	simm.s32 $0x44A8  }
0x42: {  	[tilespmem:s14], [sflag:$0x4] =	stream.linear.gather [hbm4b:s5+s13], $0x800, $0x38;
	[tilespmem:$0x8128] =	vst v63  }
0x43: {  	_ =	swait.ge [sflag:s28], $0x1000  }
0x44: {  	[sflag:s28] =	ssyncset.done $0x0  }
0x45: {  	s14 =	simm.s32 $0x4CA8;
	[sflag:s28] =	ssyncadd.s32 $0xFFFFF000  }
0x46: {  	[tilespmem:s14], [sflag:$0x1] =	stream.indirect.gather [spmem:s9], $0x1, s23, s29, $0xb8;
	[tilespmem:$0x8128] =	vst v63  }
0x47: {  	s6 =	simm.s32 $0x54A8  }
0x48: {  	[tilespmem:s6], [sflag:$0x1] =	stream.indirect.gather [spmem:s10], $0x1, s23, s29, $0xb8;
	[tilespmem:$0x8128] =	vst v63  }
0x49: {  	s13 =	simm.s32 $0x5CA8  }
0x4a: {  	[tilespmem:s13], [sflag:$0x1] =	stream.indirect.gather [spmem:s11], $0x1, s23, s29, $0xb8;
	[tilespmem:$0x8128] =	vst v63  }
0x4b: {  	s14 =	simm.s32 $0x64A8  }
0x4c: {  	[tilespmem:s14], [sflag:$0x2] =	stream.indirect.gather [spmem:s9], $0x1, s0, s29, $0xb8;
	[tilespmem:$0x8128] =	vst v63  }
0x4d: {  	s6 =	simm.s32 $0x6CA8  }
0x4e: {  	[tilespmem:s6], [sflag:$0x2] =	stream.indirect.gather [spmem:s10], $0x1, s0, s29, $0xb8;
	[tilespmem:$0x8128] =	vst v63  }
0x4f: {  	s13 =	simm.s32 $0x74A8  }
0x50: {  	[tilespmem:s13], [sflag:$0x2] =	stream.indirect.gather [spmem:s11], $0x1, s0, s29, $0xb8;
	[tilespmem:$0x8128] =	vst v63  }
0x51: {  	s5 =	simm.s32 $0x25A8;
	s14 =	simm.s32 $0x4D28  }
0x52: {  	[tilespmem:s14], [sflag:$0x1] =	stream.indirect.gather [spmem:s9], $0x1, s5, s29, $0xb8;
	[tilespmem:$0x8128] =	vst v63  }
0x53: {  	s13 =	simm.s32 $0x5528  }
0x54: {  	[tilespmem:s13], [sflag:$0x1] =	stream.indirect.gather [spmem:s10], $0x1, s5, s29, $0xb8;
	[tilespmem:$0x8128] =	vst v63  }
0x55: {  	s14 =	simm.s32 $0x5D28  }
0x56: {  	[tilespmem:s14], [sflag:$0x1] =	stream.indirect.gather [spmem:s11], $0x1, s5, s29, $0xb8;
	[tilespmem:$0x8128] =	vst v63  }
0x57: {  	s13 =	simm.s32 $0x6528;
	s5 =	simm.s32 $0x2628  }
0x58: {  	[tilespmem:s13], [sflag:$0x2] =	stream.indirect.gather [spmem:s9], $0x1, s5, s29, $0xb8;
	[tilespmem:$0x8128] =	vst v63  }
0x59: {  	s14 =	simm.s32 $0x6D28  }
0x5a: {  	[tilespmem:s14], [sflag:$0x2] =	stream.indirect.gather [spmem:s10], $0x1, s5, s29, $0xb8;
	[tilespmem:$0x8128] =	vst v63  }
0x5b: {  	s13 =	simm.s32 $0x7528  }
0x5c: {  	[tilespmem:s13], [sflag:$0x2] =	stream.indirect.gather [spmem:s11], $0x1, s5, s29, $0xb8;
	[tilespmem:$0x8128] =	vst v63  }
0x5d: {  	s14 =	simm.s32 $0x4DA8;
	s5 =	simm.s32 $0x26A8  }
0x5e: {  	[tilespmem:s14], [sflag:$0x1] =	stream.indirect.gather [spmem:s9], $0x1, s5, s29, $0xb8;
	[tilespmem:$0x8128] =	vst v63  }
0x5f: {  	s13 =	simm.s32 $0x55A8  }
0x60: {  	[tilespmem:s13], [sflag:$0x1] =	stream.indirect.gather [spmem:s10], $0x1, s5, s29, $0xb8;
	[tilespmem:$0x8128] =	vst v63  }
0x61: {  	s14 =	simm.s32 $0x5DA8  }
0x62: {  	[tilespmem:s14], [sflag:$0x1] =	stream.indirect.gather [spmem:s11], $0x1, s5, s29, $0xb8;
	[tilespmem:$0x8128] =	vst v63  }
0x63: {  	s13 =	simm.s32 $0x65A8;
	s5 =	simm.s32 $0x2728  }
0x64: {  	[tilespmem:s13], [sflag:$0x2] =	stream.indirect.gather [spmem:s9], $0x1, s5, s29, $0xb8;
	[tilespmem:$0x8128] =	vst v63  }
0x65: {  	s14 =	simm.s32 $0x6DA8  }
0x66: {  	[tilespmem:s14], [sflag:$0x2] =	stream.indirect.gather [spmem:s10], $0x1, s5, s29, $0xb8;
	[tilespmem:$0x8128] =	vst v63  }
0x67: {  	s13 =	simm.s32 $0x75A8  }
0x68: {  	[tilespmem:s13], [sflag:$0x2] =	stream.indirect.gather [spmem:s11], $0x1, s5, s29, $0xb8;
	[tilespmem:$0x8128] =	vst v63  }
0x69: {  	s14 =	simm.s32 $0x4E28;
	s5 =	simm.s32 $0x27A8  }
0x6a: {  	[tilespmem:s14], [sflag:$0x1] =	stream.indirect.gather [spmem:s9], $0x1, s5, s29, $0xb8;
	[tilespmem:$0x8128] =	vst v63  }
0x6b: {  	s13 =	simm.s32 $0x5628  }
0x6c: {  	[tilespmem:s13], [sflag:$0x1] =	stream.indirect.gather [spmem:s10], $0x1, s5, s29, $0xb8;
	[tilespmem:$0x8128] =	vst v63  }
0x6d: {  	s14 =	simm.s32 $0x5E28  }
0x6e: {  	[tilespmem:s14], [sflag:$0x1] =	stream.indirect.gather [spmem:s11], $0x1, s5, s29, $0xb8;
	[tilespmem:$0x8128] =	vst v63  }
0x6f: {  	s13 =	simm.s32 $0x6628;
	s5 =	simm.s32 $0x2828  }
0x70: {  	[tilespmem:s13], [sflag:$0x2] =	stream.indirect.gather [spmem:s9], $0x1, s5, s29, $0xb8;
	[tilespmem:$0x8128] =	vst v63  }
0x71: {  	s14 =	simm.s32 $0x6E28  }
0x72: {  	[tilespmem:s14], [sflag:$0x2] =	stream.indirect.gather [spmem:s10], $0x1, s5, s29, $0xb8;
	[tilespmem:$0x8128] =	vst v63  }
0x73: {  	s13 =	simm.s32 $0x7628  }
0x74: {  	[tilespmem:s13], [sflag:$0x2] =	stream.indirect.gather [spmem:s11], $0x1, s5, s29, $0xb8;
	[tilespmem:$0x8128] =	vst v63  }
0x75: {  	s14 =	simm.s32 $0x4EA8;
	s5 =	simm.s32 $0x28A8  }
0x76: {  	[tilespmem:s14], [sflag:$0x1] =	stream.indirect.gather [spmem:s9], $0x1, s5, s29, $0xb8;
	[tilespmem:$0x8128] =	vst v63  }
0x77: {  	s13 =	simm.s32 $0x56A8  }
0x78: {  	[tilespmem:s13], [sflag:$0x1] =	stream.indirect.gather [spmem:s10], $0x1, s5, s29, $0xb8;
	[tilespmem:$0x8128] =	vst v63  }
0x79: {  	s14 =	simm.s32 $0x5EA8  }
0x7a: {  	[tilespmem:s14], [sflag:$0x1] =	stream.indirect.gather [spmem:s11], $0x1, s5, s29, $0xb8;
	[tilespmem:$0x8128] =	vst v63  }
0x7b: {  	s13 =	simm.s32 $0x66A8;
	s5 =	simm.s32 $0x2928  }
0x7c: {  	[tilespmem:s13], [sflag:$0x2] =	stream.indirect.gather [spmem:s9], $0x1, s5, s29, $0xb8;
	[tilespmem:$0x8128] =	vst v63  }
0x7d: {  	s14 =	simm.s32 $0x6EA8  }
0x7e: {  	[tilespmem:s14], [sflag:$0x2] =	stream.indirect.gather [spmem:s10], $0x1, s5, s29, $0xb8;
	[tilespmem:$0x8128] =	vst v63  }
0x7f: {  	s13 =	simm.s32 $0x76A8  }
0x80: {  	[tilespmem:s13], [sflag:$0x2] =	stream.indirect.gather [spmem:s11], $0x1, s5, s29, $0xb8;
	[tilespmem:$0x8128] =	vst v63  }
0x81: {  	s14 =	simm.s32 $0x4F28;
	s5 =	simm.s32 $0x29A8  }
0x82: {  	[tilespmem:s14], [sflag:$0x1] =	stream.indirect.gather [spmem:s9], $0x1, s5, s29, $0xb8;
	[tilespmem:$0x8128] =	vst v63  }
0x83: {  	s13 =	simm.s32 $0x5728  }
0x84: {  	[tilespmem:s13], [sflag:$0x1] =	stream.indirect.gather [spmem:s10], $0x1, s5, s29, $0xb8;
	[tilespmem:$0x8128] =	vst v63  }
0x85: {  	s14 =	simm.s32 $0x5F28  }
0x86: {  	[tilespmem:s14], [sflag:$0x1] =	stream.indirect.gather [spmem:s11], $0x1, s5, s29, $0xb8;
	[tilespmem:$0x8128] =	vst v63  }
0x87: {  	s13 =	simm.s32 $0x6728;
	s5 =	simm.s32 $0x2A28  }
0x88: {  	[tilespmem:s13], [sflag:$0x2] =	stream.indirect.gather [spmem:s9], $0x1, s5, s29, $0xb8;
	[tilespmem:$0x8128] =	vst v63  }
0x89: {  	s14 =	simm.s32 $0x6F28  }
0x8a: {  	[tilespmem:s14], [sflag:$0x2] =	stream.indirect.gather [spmem:s10], $0x1, s5, s29, $0xb8;
	[tilespmem:$0x8128] =	vst v63  }
0x8b: {  	s13 =	simm.s32 $0x7728  }
0x8c: {  	[tilespmem:s13], [sflag:$0x2] =	stream.indirect.gather [spmem:s11], $0x1, s5, s29, $0xb8;
	[tilespmem:$0x8128] =	vst v63  }
0x8d: {  	s14 =	simm.s32 $0x4FA8;
	s5 =	simm.s32 $0x2AA8  }
0x8e: {  	[tilespmem:s14], [sflag:$0x1] =	stream.indirect.gather [spmem:s9], $0x1, s5, s29, $0xb8;
	[tilespmem:$0x8128] =	vst v63  }
0x8f: {  	s13 =	simm.s32 $0x57A8  }
0x90: {  	[tilespmem:s13], [sflag:$0x1] =	stream.indirect.gather [spmem:s10], $0x1, s5, s29, $0xb8;
	[tilespmem:$0x8128] =	vst v63  }
0x91: {  	s14 =	simm.s32 $0x5FA8  }
0x92: {  	[tilespmem:s14], [sflag:$0x1] =	stream.indirect.gather [spmem:s11], $0x1, s5, s29, $0xb8;
	[tilespmem:$0x8128] =	vst v63  }
0x93: {  	s13 =	simm.s32 $0x67A8;
	s5 =	simm.s32 $0x2B28  }
0x94: {  	[tilespmem:s13], [sflag:$0x2] =	stream.indirect.gather [spmem:s9], $0x1, s5, s29, $0xb8;
	[tilespmem:$0x8128] =	vst v63  }
0x95: {  	s14 =	simm.s32 $0x6FA8  }
0x96: {  	[tilespmem:s14], [sflag:$0x2] =	stream.indirect.gather [spmem:s10], $0x1, s5, s29, $0xb8;
	[tilespmem:$0x8128] =	vst v63  }
0x97: {  	s13 =	simm.s32 $0x77A8  }
0x98: {  	[tilespmem:s13], [sflag:$0x2] =	stream.indirect.gather [spmem:s11], $0x1, s5, s29, $0xb8;
	[tilespmem:$0x8128] =	vst v63  }
0x99: {  	s14 =	simm.s32 $0x5028;
	s5 =	simm.s32 $0x2BA8  }
0x9a: {  	[tilespmem:s14], [sflag:$0x1] =	stream.indirect.gather [spmem:s9], $0x1, s5, s29, $0xb8;
	[tilespmem:$0x8128] =	vst v63  }
0x9b: {  	s13 =	simm.s32 $0x5828  }
0x9c: {  	[tilespmem:s13], [sflag:$0x1] =	stream.indirect.gather [spmem:s10], $0x1, s5, s29, $0xb8;
	[tilespmem:$0x8128] =	vst v63  }
0x9d: {  	s14 =	simm.s32 $0x6028  }
0x9e: {  	[tilespmem:s14], [sflag:$0x1] =	stream.indirect.gather [spmem:s11], $0x1, s5, s29, $0xb8;
	[tilespmem:$0x8128] =	vst v63  }
0x9f: {  	s13 =	simm.s32 $0x6828;
	s5 =	simm.s32 $0x2C28  }
0xa0: {  	[tilespmem:s13], [sflag:$0x2] =	stream.indirect.gather [spmem:s9], $0x1, s5, s29, $0xb8;
	[tilespmem:$0x8128] =	vst v63  }
0xa1: {  	s14 =	simm.s32 $0x7028  }
0xa2: {  	[tilespmem:s14], [sflag:$0x2] =	stream.indirect.gather [spmem:s10], $0x1, s5, s29, $0xb8;
	[tilespmem:$0x8128] =	vst v63  }
0xa3: {  	s13 =	simm.s32 $0x7828  }
0xa4: {  	[tilespmem:s13], [sflag:$0x2] =	stream.indirect.gather [spmem:s11], $0x1, s5, s29, $0xb8;
	[tilespmem:$0x8128] =	vst v63  }
0xa5: {  	s14 =	simm.s32 $0x50A8  }
0xa6: {  	[tilespmem:s14], [sflag:$0x1] =	stream.indirect.gather [spmem:s9], $0x1, s15, s29, $0xb8;
	[tilespmem:$0x8128] =	vst v63  }
0xa7: {  	s6 =	simm.s32 $0x58A8  }
0xa8: {  	[tilespmem:s6], [sflag:$0x1] =	stream.indirect.gather [spmem:s10], $0x1, s15, s29, $0xb8;
	[tilespmem:$0x8128] =	vst v63  }
0xa9: {  	s13 =	simm.s32 $0x60A8  }
0xaa: {  	[tilespmem:s13], [sflag:$0x1] =	stream.indirect.gather [spmem:s11], $0x1, s15, s29, $0xb8;
	[tilespmem:$0x8128] =	vst v63  }
0xab: {  	s14 =	simm.s32 $0x68A8  }
0xac: {  	[tilespmem:s14], [sflag:$0x2] =	stream.indirect.gather [spmem:s9], $0x1, s24, s29, $0xb8;
	[tilespmem:$0x8128] =	vst v63  }
0xad: {  	s6 =	simm.s32 $0x70A8  }
0xae: {  	[tilespmem:s6], [sflag:$0x2] =	stream.indirect.gather [spmem:s10], $0x1, s24, s29, $0xb8;
	[tilespmem:$0x8128] =	vst v63  }
0xaf: {  	s13 =	simm.s32 $0x78A8  }
0xb0: {  	[tilespmem:s13], [sflag:$0x2] =	stream.indirect.gather [spmem:s11], $0x1, s24, s29, $0xb8;
	[tilespmem:$0x8128] =	vst v63  }
0xb1: {  	s14 =	simm.s32 $0x5128  }
0xb2: {  	[tilespmem:s14], [sflag:$0x1] =	stream.indirect.gather [spmem:s9], $0x1, s25, s29, $0xb8;
	[tilespmem:$0x8128] =	vst v63  }
0xb3: {  	s6 =	simm.s32 $0x5928  }
0xb4: {  	[tilespmem:s6], [sflag:$0x1] =	stream.indirect.gather [spmem:s10], $0x1, s25, s29, $0xb8;
	[tilespmem:$0x8128] =	vst v63  }
0xb5: {  	s13 =	simm.s32 $0x6128  }
0xb6: {  	[tilespmem:s13], [sflag:$0x1] =	stream.indirect.gather [spmem:s11], $0x1, s25, s29, $0xb8;
	[tilespmem:$0x8128] =	vst v63  }
0xb7: {  	s14 =	simm.s32 $0x6928  }
0xb8: {  	[tilespmem:s14], [sflag:$0x2] =	stream.indirect.gather [spmem:s9], $0x1, s26, s29, $0xb8;
	[tilespmem:$0x8128] =	vst v63  }
0xb9: {  	s6 =	simm.s32 $0x7128  }
0xba: {  	[tilespmem:s6], [sflag:$0x2] =	stream.indirect.gather [spmem:s10], $0x1, s26, s29, $0xb8;
	[tilespmem:$0x8128] =	vst v63  }
0xbb: {  	s13 =	simm.s32 $0x7928  }
0xbc: {  	[tilespmem:s13], [sflag:$0x2] =	stream.indirect.gather [spmem:s11], $0x1, s26, s29, $0xb8;
	[tilespmem:$0x8128] =	vst v63  }
0xbd: {  	s14 =	simm.s32 $0x51A8  }
0xbe: {  	[tilespmem:s14], [sflag:$0x1] =	stream.indirect.gather [spmem:s9], $0x1, s30, s29, $0xb8;
	[tilespmem:$0x8128] =	vst v63  }
0xbf: {  	s6 =	simm.s32 $0x59A8  }
0xc0: {  	[tilespmem:s6], [sflag:$0x1] =	stream.indirect.gather [spmem:s10], $0x1, s30, s29, $0xb8;
	[tilespmem:$0x8128] =	vst v63  }
0xc1: {  	s13 =	simm.s32 $0x61A8  }
0xc2: {  	[tilespmem:s13], [sflag:$0x1] =	stream.indirect.gather [spmem:s11], $0x1, s30, s29, $0xb8;
	[tilespmem:$0x8128] =	vst v63  }
0xc3: {  	s14 =	simm.s32 $0x69A8  }
0xc4: {  	[tilespmem:s14], [sflag:$0x2] =	stream.indirect.gather [spmem:s9], $0x1, s31, s29, $0xb8;
	[tilespmem:$0x8128] =	vst v63  }
0xc5: {  	s6 =	simm.s32 $0x71A8  }
0xc6: {  	[tilespmem:s6], [sflag:$0x2] =	stream.indirect.gather [spmem:s10], $0x1, s31, s29, $0xb8;
	[tilespmem:$0x8128] =	vst v63  }
0xc7: {  	s13 =	simm.s32 $0x79A8  }
0xc8: {  	[tilespmem:s13], [sflag:$0x2] =	stream.indirect.gather [spmem:s11], $0x1, s31, s29, $0xb8;
	[tilespmem:$0x8128] =	vst v63  }
0xc9: {  	s14 =	simm.s32 $0x5228  }
0xca: {  	[tilespmem:s14], [sflag:$0x1] =	stream.indirect.gather [spmem:s9], $0x1, s7, s29, $0xb8;
	[tilespmem:$0x8128] =	vst v63  }
0xcb: {  	s6 =	simm.s32 $0x5A28  }
0xcc: {  	[tilespmem:s6], [sflag:$0x1] =	stream.indirect.gather [spmem:s10], $0x1, s7, s29, $0xb8;
	[tilespmem:$0x8128] =	vst v63  }
0xcd: {  	s13 =	simm.s32 $0x6228  }
0xce: {  	[tilespmem:s13], [sflag:$0x1] =	stream.indirect.gather [spmem:s11], $0x1, s7, s29, $0xb8;
	[tilespmem:$0x8128] =	vst v63  }
0xcf: {  	s14 =	simm.s32 $0x6A28  }
0xd0: {  	[tilespmem:s14], [sflag:$0x2] =	stream.indirect.gather [spmem:s9], $0x1, s1, s29, $0xb8;
	[tilespmem:$0x8128] =	vst v63  }
0xd1: {  	s6 =	simm.s32 $0x7228  }
0xd2: {  	[tilespmem:s6], [sflag:$0x2] =	stream.indirect.gather [spmem:s10], $0x1, s1, s29, $0xb8;
	[tilespmem:$0x8128] =	vst v63  }
0xd3: {  	s13 =	simm.s32 $0x7A28  }
0xd4: {  	[tilespmem:s13], [sflag:$0x2] =	stream.indirect.gather [spmem:s11], $0x1, s1, s29, $0xb8;
	[tilespmem:$0x8128] =	vst v63  }
0xd5: {  	s14 =	simm.s32 $0x52A8  }
0xd6: {  	[tilespmem:s14], [sflag:$0x1] =	stream.indirect.gather [spmem:s9], $0x1, s2, s29, $0xb8;
	[tilespmem:$0x8128] =	vst v63  }
0xd7: {  	s6 =	simm.s32 $0x5AA8  }
0xd8: {  	[tilespmem:s6], [sflag:$0x1] =	stream.indirect.gather [spmem:s10], $0x1, s2, s29, $0xb8;
	[tilespmem:$0x8128] =	vst v63  }
0xd9: {  	s13 =	simm.s32 $0x62A8  }
0xda: {  	[tilespmem:s13], [sflag:$0x1] =	stream.indirect.gather [spmem:s11], $0x1, s2, s29, $0xb8;
	[tilespmem:$0x8128] =	vst v63  }
0xdb: {  	s14 =	simm.s32 $0x6AA8  }
0xdc: {  	[tilespmem:s14], [sflag:$0x2] =	stream.indirect.gather [spmem:s9], $0x1, s8, s29, $0xb8;
	[tilespmem:$0x8128] =	vst v63  }
0xdd: {  	s6 =	simm.s32 $0x72A8  }
0xde: {  	[tilespmem:s6], [sflag:$0x2] =	stream.indirect.gather [spmem:s10], $0x1, s8, s29, $0xb8;
	[tilespmem:$0x8128] =	vst v63  }
0xdf: {  	s13 =	simm.s32 $0x7AA8  }
0xe0: {  	[tilespmem:s13], [sflag:$0x2] =	stream.indirect.gather [spmem:s11], $0x1, s8, s29, $0xb8;
	[tilespmem:$0x8128] =	vst v63  }
0xe1: {  	s14 =	simm.s32 $0x5328  }
0xe2: {  	[tilespmem:s14], [sflag:$0x1] =	stream.indirect.gather [spmem:s9], $0x1, s21, s29, $0xb8;
	[tilespmem:$0x8128] =	vst v63  }
0xe3: {  	s6 =	simm.s32 $0x5B28  }
0xe4: {  	[tilespmem:s6], [sflag:$0x1] =	stream.indirect.gather [spmem:s10], $0x1, s21, s29, $0xb8;
	[tilespmem:$0x8128] =	vst v63  }
0xe5: {  	s13 =	simm.s32 $0x6328  }
0xe6: {  	[tilespmem:s13], [sflag:$0x1] =	stream.indirect.gather [spmem:s11], $0x1, s21, s29, $0xb8;
	[tilespmem:$0x8128] =	vst v63  }
0xe7: {  	s14 =	simm.s32 $0x6B28  }
0xe8: {  	[tilespmem:s14], [sflag:$0x2] =	stream.indirect.gather [spmem:s9], $0x1, s18, s29, $0xb8;
	[tilespmem:$0x8128] =	vst v63  }
0xe9: {  	s6 =	simm.s32 $0x7328  }
0xea: {  	[tilespmem:s6], [sflag:$0x2] =	stream.indirect.gather [spmem:s10], $0x1, s18, s29, $0xb8;
	[tilespmem:$0x8128] =	vst v63  }
0xeb: {  	s13 =	simm.s32 $0x7B28  }
0xec: {  	[tilespmem:s13], [sflag:$0x2] =	stream.indirect.gather [spmem:s11], $0x1, s18, s29, $0xb8;
	[tilespmem:$0x8128] =	vst v63  }
0xed: {  	s14 =	simm.s32 $0x53A8  }
0xee: {  	[tilespmem:s14], [sflag:$0x1] =	stream.indirect.gather [spmem:s9], $0x1, s12, s29, $0xb8;
	[tilespmem:$0x8128] =	vst v63  }
0xef: {  	s6 =	simm.s32 $0x5BA8  }
0xf0: {  	[tilespmem:s6], [sflag:$0x1] =	stream.indirect.gather [spmem:s10], $0x1, s12, s29, $0xb8;
	[tilespmem:$0x8128] =	vst v63  }
0xf1: {  	s13 =	simm.s32 $0x63A8  }
0xf2: {  	[tilespmem:s13], [sflag:$0x1] =	stream.indirect.gather [spmem:s11], $0x1, s12, s29, $0xb8;
	[tilespmem:$0x8128] =	vst v63  }
0xf3: {  	s14 =	simm.s32 $0x6BA8  }
0xf4: {  	[tilespmem:s14], [sflag:$0x2] =	stream.indirect.gather [spmem:s9], $0x1, s20, s29, $0xb8;
	[tilespmem:$0x8128] =	vst v63  }
0xf5: {  	s6 =	simm.s32 $0x73A8  }
0xf6: {  	[tilespmem:s6], [sflag:$0x2] =	stream.indirect.gather [spmem:s10], $0x1, s20, s29, $0xb8;
	[tilespmem:$0x8128] =	vst v63  }
0xf7: {  	s13 =	simm.s32 $0x7BA8  }
0xf8: {  	[tilespmem:s13], [sflag:$0x2] =	stream.indirect.gather [spmem:s11], $0x1, s20, s29, $0xb8;
	[tilespmem:$0x8128] =	vst v63  }
0xf9: {  	s14 =	simm.s32 $0x5428  }
0xfa: {  	[tilespmem:s14], [sflag:$0x1] =	stream.indirect.gather [spmem:s9], $0x1, s19, s29, $0xb8;
	[tilespmem:$0x8128] =	vst v63  }
0xfb: {  	s6 =	simm.s32 $0x5C28  }
0xfc: {  	[tilespmem:s6], [sflag:$0x1] =	stream.indirect.gather [spmem:s10], $0x1, s19, s29, $0xb8;
	[tilespmem:$0x8128] =	vst v63  }
0xfd: {  	s13 =	simm.s32 $0x6428  }
0xfe: {  	[tilespmem:s13], [sflag:$0x1] =	stream.indirect.gather [spmem:s11], $0x1, s19, s29, $0xb8;
	[tilespmem:$0x8128] =	vst v63  }
0xff: {  	s14 =	simm.s32 $0x6C28  }
0x100: {  	[tilespmem:s14], [sflag:$0x2] =	stream.indirect.gather [spmem:s9], $0x1, s22, s29, $0xb8;
	[tilespmem:$0x8128] =	vst v63  }
0x101: {  	s6 =	simm.s32 $0x7428  }
0x102: {  	[tilespmem:s6], [sflag:$0x2] =	stream.indirect.gather [spmem:s10], $0x1, s22, s29, $0xb8;
	[tilespmem:$0x8128] =	vst v63  }
0x103: {  	s13 =	simm.s32 $0x7C28  }
0x104: {  	[tilespmem:s13], [sflag:$0x2] =	stream.indirect.gather [spmem:s11], $0x1, s22, s29, $0xb8;
	[tilespmem:$0x8128] =	vst v63  }
0x105: {  	_ =	swait.ge [sflag:s17], $0x800  }
0x106: {  	[sflag:s17] =	ssyncset.done $0x0  }
0x107: {  	[sflag:s17] =	ssyncadd.s32 $0xFFFFF800  }
0x108: {  	_ =	swait.ge [sflag:s17], $0x800  }
0x109: {  	[sflag:s17] =	ssyncset.done $0x0  }
0x10a: {  	[sflag:s17] =	ssyncadd.s32 $0xFFFFF800  }
0x10b: {  	_ =	swait.ge [sflag:s17], $0x800  }
0x10c: {  	[sflag:s17] =	ssyncset.done $0x0  }
0x10d: {  	[sflag:s17] =	ssyncadd.s32 $0xFFFFF800  }
0x10e: {  	_ =	swait.ge [sflag:s16], $0x80  }
0x10f: {  	[sflag:s16] =	ssyncset.done $0x0  }
0x110: {  	[sflag:s16] =	ssyncadd.s32 $0xFFFFFF80  }
0x111: {  	_ =	swait.ge [sflag:s16], $0x80  }
0x112: {  	[sflag:s16] =	ssyncset.done $0x0  }
0x113: {  	[sflag:s16] =	ssyncadd.s32 $0xFFFFFF80  }
0x114: {  	_ =	swait.ge [sflag:s16], $0x80  }
0x115: {  	[sflag:s16] =	ssyncset.done $0x0  }
0x116: {  	[sflag:s16] =	ssyncadd.s32 $0xFFFFFF80  }
0x117: {  	_ =	swait.ge [sflag:s3], $0x80  }
0x118: {  	[sflag:s3] =	ssyncset.done $0x0  }
0x119: {  	[sflag:s3] =	ssyncadd.s32 $0xFFFFFF80  }
0x11a: {  	_ =	swait.ge [sflag:s3], $0x80  }
0x11b: {  	[sflag:s3] =	ssyncset.done $0x0  }
0x11c: {  	[sflag:s3] =	ssyncadd.s32 $0xFFFFFF80  }
0x11d: {  	_ =	swait.ge [sflag:s3], $0x80  }
0x11e: {  	[sflag:s3] =	ssyncset.done $0x0  }
0x11f: {  	[sflag:s3] =	ssyncadd.s32 $0xFFFFFF80  }
0x120: {  	_ =	swait.ge [sflag:s16], $0x80  }
0x121: {  	[sflag:s16] =	ssyncset.done $0x0  }
0x122: {  	[sflag:s16] =	ssyncadd.s32 $0xFFFFFF80  }
0x123: {  	_ =	swait.ge [sflag:s16], $0x80  }
0x124: {  	[sflag:s16] =	ssyncset.done $0x0  }
0x125: {  	[sflag:s16] =	ssyncadd.s32 $0xFFFFFF80  }
0x126: {  	_ =	swait.ge [sflag:s16], $0x80  }
0x127: {  	[sflag:s16] =	ssyncset.done $0x0  }
0x128: {  	[sflag:s16] =	ssyncadd.s32 $0xFFFFFF80  }
0x129: {  	_ =	swait.ge [sflag:s3], $0x80  }
0x12a: {  	[sflag:s3] =	ssyncset.done $0x0  }
0x12b: {  	[sflag:s3] =	ssyncadd.s32 $0xFFFFFF80  }
0x12c: {  	_ =	swait.ge [sflag:s3], $0x80  }
0x12d: {  	[sflag:s3] =	ssyncset.done $0x0  }
0x12e: {  	[sflag:s3] =	ssyncadd.s32 $0xFFFFFF80  }
0x12f: {  	_ =	swait.ge [sflag:s3], $0x80  }
0x130: {  	[sflag:s3] =	ssyncset.done $0x0  }
0x131: {  	[sflag:s3] =	ssyncadd.s32 $0xFFFFFF80  }
0x132: {  	_ =	swait.ge [sflag:s16], $0x80  }
0x133: {  	[sflag:s16] =	ssyncset.done $0x0  }
0x134: {  	[sflag:s16] =	ssyncadd.s32 $0xFFFFFF80  }
0x135: {  	_ =	swait.ge [sflag:s16], $0x80  }
0x136: {  	[sflag:s16] =	ssyncset.done $0x0  }
0x137: {  	[sflag:s16] =	ssyncadd.s32 $0xFFFFFF80  }
0x138: {  	_ =	swait.ge [sflag:s16], $0x80  }
0x139: {  	[sflag:s16] =	ssyncset.done $0x0  }
0x13a: {  	[sflag:s16] =	ssyncadd.s32 $0xFFFFFF80  }
0x13b: {  	_ =	swait.ge [sflag:s3], $0x80  }
0x13c: {  	[sflag:s3] =	ssyncset.done $0x0  }
0x13d: {  	[sflag:s3] =	ssyncadd.s32 $0xFFFFFF80  }
0x13e: {  	_ =	swait.ge [sflag:s3], $0x80  }
0x13f: {  	[sflag:s3] =	ssyncset.done $0x0  }
0x140: {  	[sflag:s3] =	ssyncadd.s32 $0xFFFFFF80  }
0x141: {  	_ =	swait.ge [sflag:s3], $0x80  }
0x142: {  	[sflag:s3] =	ssyncset.done $0x0  }
0x143: {  	[sflag:s3] =	ssyncadd.s32 $0xFFFFFF80  }
0x144: {  	_ =	swait.ge [sflag:s16], $0x80  }
0x145: {  	[sflag:s16] =	ssyncset.done $0x0  }
0x146: {  	[sflag:s16] =	ssyncadd.s32 $0xFFFFFF80  }
0x147: {  	_ =	swait.ge [sflag:s16], $0x80  }
0x148: {  	[sflag:s16] =	ssyncset.done $0x0  }
0x149: {  	[sflag:s16] =	ssyncadd.s32 $0xFFFFFF80  }
0x14a: {  	_ =	swait.ge [sflag:s16], $0x80  }
0x14b: {  	[sflag:s16] =	ssyncset.done $0x0  }
0x14c: {  	[sflag:s16] =	ssyncadd.s32 $0xFFFFFF80  }
0x14d: {  	_ =	swait.ge [sflag:s3], $0x80  }
0x14e: {  	[sflag:s3] =	ssyncset.done $0x0  }
0x14f: {  	[sflag:s3] =	ssyncadd.s32 $0xFFFFFF80  }
0x150: {  	_ =	swait.ge [sflag:s3], $0x80  }
0x151: {  	[sflag:s3] =	ssyncset.done $0x0  }
0x152: {  	[sflag:s3] =	ssyncadd.s32 $0xFFFFFF80  }
0x153: {  	_ =	swait.ge [sflag:s3], $0x80  }
0x154: {  	[sflag:s3] =	ssyncset.done $0x0  }
0x155: {  	[sflag:s3] =	ssyncadd.s32 $0xFFFFFF80  }
0x156: {  	_ =	swait.ge [sflag:s16], $0x80  }
0x157: {  	[sflag:s16] =	ssyncset.done $0x0  }
0x158: {  	[sflag:s16] =	ssyncadd.s32 $0xFFFFFF80  }
0x159: {  	_ =	swait.ge [sflag:s16], $0x80  }
0x15a: {  	[sflag:s16] =	ssyncset.done $0x0  }
0x15b: {  	[sflag:s16] =	ssyncadd.s32 $0xFFFFFF80  }
0x15c: {  	_ =	swait.ge [sflag:s16], $0x80  }
0x15d: {  	[sflag:s16] =	ssyncset.done $0x0  }
0x15e: {  	[sflag:s16] =	ssyncadd.s32 $0xFFFFFF80  }
0x15f: {  	_ =	swait.ge [sflag:s3], $0x80  }
0x160: {  	[sflag:s3] =	ssyncset.done $0x0  }
0x161: {  	[sflag:s3] =	ssyncadd.s32 $0xFFFFFF80  }
0x162: {  	_ =	swait.ge [sflag:s3], $0x80  }
0x163: {  	[sflag:s3] =	ssyncset.done $0x0  }
0x164: {  	[sflag:s3] =	ssyncadd.s32 $0xFFFFFF80  }
0x165: {  	_ =	swait.ge [sflag:s3], $0x80  }
0x166: {  	[sflag:s3] =	ssyncset.done $0x0  }
0x167: {  	[sflag:s3] =	ssyncadd.s32 $0xFFFFFF80  }
0x168: {  	_ =	swait.ge [sflag:s16], $0x80  }
0x169: {  	[sflag:s16] =	ssyncset.done $0x0  }
0x16a: {  	[sflag:s16] =	ssyncadd.s32 $0xFFFFFF80  }
0x16b: {  	_ =	swait.ge [sflag:s16], $0x80  }
0x16c: {  	[sflag:s16] =	ssyncset.done $0x0  }
0x16d: {  	[sflag:s16] =	ssyncadd.s32 $0xFFFFFF80  }
0x16e: {  	_ =	swait.ge [sflag:s16], $0x80  }
0x16f: {  	[sflag:s16] =	ssyncset.done $0x0  }
0x170: {  	[sflag:s16] =	ssyncadd.s32 $0xFFFFFF80  }
0x171: {  	_ =	swait.ge [sflag:s3], $0x80  }
0x172: {  	[sflag:s3] =	ssyncset.done $0x0  }
0x173: {  	[sflag:s3] =	ssyncadd.s32 $0xFFFFFF80  }
0x174: {  	_ =	swait.ge [sflag:s3], $0x80  }
0x175: {  	[sflag:s3] =	ssyncset.done $0x0  }
0x176: {  	[sflag:s3] =	ssyncadd.s32 $0xFFFFFF80  }
0x177: {  	_ =	swait.ge [sflag:s3], $0x80  }
0x178: {  	[sflag:s3] =	ssyncset.done $0x0  }
0x179: {  	[sflag:s3] =	ssyncadd.s32 $0xFFFFFF80  }
0x17a: {  	_ =	swait.ge [sflag:s16], $0x80  }
0x17b: {  	[sflag:s16] =	ssyncset.done $0x0  }
0x17c: {  	[sflag:s16] =	ssyncadd.s32 $0xFFFFFF80  }
0x17d: {  	_ =	swait.ge [sflag:s16], $0x80  }
0x17e: {  	[sflag:s16] =	ssyncset.done $0x0  }
0x17f: {  	[sflag:s16] =	ssyncadd.s32 $0xFFFFFF80  }
0x180: {  	_ =	swait.ge [sflag:s16], $0x80  }
0x181: {  	[sflag:s16] =	ssyncset.done $0x0  }
0x182: {  	[sflag:s16] =	ssyncadd.s32 $0xFFFFFF80  }
0x183: {  	_ =	swait.ge [sflag:s3], $0x80  }
0x184: {  	[sflag:s3] =	ssyncset.done $0x0  }
0x185: {  	[sflag:s3] =	ssyncadd.s32 $0xFFFFFF80  }
0x186: {  	_ =	swait.ge [sflag:s3], $0x80  }
0x187: {  	[sflag:s3] =	ssyncset.done $0x0  }
0x188: {  	[sflag:s3] =	ssyncadd.s32 $0xFFFFFF80  }
0x189: {  	_ =	swait.ge [sflag:s3], $0x80  }
0x18a: {  	[sflag:s3] =	ssyncset.done $0x0  }
0x18b: {  	[sflag:s3] =	ssyncadd.s32 $0xFFFFFF80  }
0x18c: {  	_ =	swait.ge [sflag:s16], $0x80  }
0x18d: {  	[sflag:s16] =	ssyncset.done $0x0  }
0x18e: {  	[sflag:s16] =	ssyncadd.s32 $0xFFFFFF80  }
0x18f: {  	_ =	swait.ge [sflag:s16], $0x80  }
0x190: {  	[sflag:s16] =	ssyncset.done $0x0  }
0x191: {  	[sflag:s16] =	ssyncadd.s32 $0xFFFFFF80  }
0x192: {  	_ =	swait.ge [sflag:s16], $0x80  }
0x193: {  	[sflag:s16] =	ssyncset.done $0x0  }
0x194: {  	[sflag:s16] =	ssyncadd.s32 $0xFFFFFF80  }
0x195: {  	_ =	swait.ge [sflag:s3], $0x80  }
0x196: {  	[sflag:s3] =	ssyncset.done $0x0  }
0x197: {  	[sflag:s3] =	ssyncadd.s32 $0xFFFFFF80  }
0x198: {  	_ =	swait.ge [sflag:s3], $0x80  }
0x199: {  	[sflag:s3] =	ssyncset.done $0x0  }
0x19a: {  	[sflag:s3] =	ssyncadd.s32 $0xFFFFFF80  }
0x19b: {  	_ =	swait.ge [sflag:s3], $0x80  }
0x19c: {  	[sflag:s3] =	ssyncset.done $0x0  }
0x19d: {  	[sflag:s3] =	ssyncadd.s32 $0xFFFFFF80  }
0x19e: {  	_ =	swait.ge [sflag:s16], $0x80  }
0x19f: {  	[sflag:s16] =	ssyncset.done $0x0  }
0x1a0: {  	[sflag:s16] =	ssyncadd.s32 $0xFFFFFF80  }
0x1a1: {  	_ =	swait.ge [sflag:s16], $0x80  }
0x1a2: {  	[sflag:s16] =	ssyncset.done $0x0  }
0x1a3: {  	[sflag:s16] =	ssyncadd.s32 $0xFFFFFF80  }
0x1a4: {  	_ =	swait.ge [sflag:s16], $0x80  }
0x1a5: {  	[sflag:s16] =	ssyncset.done $0x0  }
0x1a6: {  	[sflag:s16] =	ssyncadd.s32 $0xFFFFFF80  }
0x1a7: {  	_ =	swait.ge [sflag:s3], $0x80  }
0x1a8: {  	[sflag:s3] =	ssyncset.done $0x0  }
0x1a9: {  	[sflag:s3] =	ssyncadd.s32 $0xFFFFFF80  }
0x1aa: {  	_ =	swait.ge [sflag:s3], $0x80  }
0x1ab: {  	[sflag:s3] =	ssyncset.done $0x0  }
0x1ac: {  	[sflag:s3] =	ssyncadd.s32 $0xFFFFFF80  }
0x1ad: {  	_ =	swait.ge [sflag:s3], $0x80  }
0x1ae: {  	[sflag:s3] =	ssyncset.done $0x0  }
0x1af: {  	[sflag:s3] =	ssyncadd.s32 $0xFFFFFF80  }
0x1b0: {  	_ =	swait.ge [sflag:s16], $0x80  }
0x1b1: {  	[sflag:s16] =	ssyncset.done $0x0  }
0x1b2: {  	[sflag:s16] =	ssyncadd.s32 $0xFFFFFF80  }
0x1b3: {  	_ =	swait.ge [sflag:s16], $0x80  }
0x1b4: {  	[sflag:s16] =	ssyncset.done $0x0  }
0x1b5: {  	[sflag:s16] =	ssyncadd.s32 $0xFFFFFF80  }
0x1b6: {  	_ =	swait.ge [sflag:s16], $0x80  }
0x1b7: {  	[sflag:s16] =	ssyncset.done $0x0  }
0x1b8: {  	[sflag:s16] =	ssyncadd.s32 $0xFFFFFF80  }
0x1b9: {  	_ =	swait.ge [sflag:s3], $0x80  }
0x1ba: {  	[sflag:s3] =	ssyncset.done $0x0  }
0x1bb: {  	[sflag:s3] =	ssyncadd.s32 $0xFFFFFF80  }
0x1bc: {  	_ =	swait.ge [sflag:s3], $0x80  }
0x1bd: {  	[sflag:s3] =	ssyncset.done $0x0  }
0x1be: {  	[sflag:s3] =	ssyncadd.s32 $0xFFFFFF80  }
0x1bf: {  	_ =	swait.ge [sflag:s3], $0x80  }
0x1c0: {  	[sflag:s3] =	ssyncset.done $0x0  }
0x1c1: {  	[sflag:s3] =	ssyncadd.s32 $0xFFFFFF80  }
0x1c2: {  	_ =	swait.ge [sflag:s16], $0x80  }
0x1c3: {  	[sflag:s16] =	ssyncset.done $0x0  }
0x1c4: {  	[sflag:s16] =	ssyncadd.s32 $0xFFFFFF80  }
0x1c5: {  	_ =	swait.ge [sflag:s16], $0x80  }
0x1c6: {  	[sflag:s16] =	ssyncset.done $0x0  }
0x1c7: {  	[sflag:s16] =	ssyncadd.s32 $0xFFFFFF80  }
0x1c8: {  	_ =	swait.ge [sflag:s16], $0x80  }
0x1c9: {  	[sflag:s16] =	ssyncset.done $0x0  }
0x1ca: {  	[sflag:s16] =	ssyncadd.s32 $0xFFFFFF80  }
0x1cb: {  	_ =	swait.ge [sflag:s3], $0x80  }
0x1cc: {  	[sflag:s3] =	ssyncset.done $0x0  }
0x1cd: {  	[sflag:s3] =	ssyncadd.s32 $0xFFFFFF80  }
0x1ce: {  	_ =	swait.ge [sflag:s3], $0x80  }
0x1cf: {  	[sflag:s3] =	ssyncset.done $0x0  }
0x1d0: {  	[sflag:s3] =	ssyncadd.s32 $0xFFFFFF80  }
0x1d1: {  	_ =	swait.ge [sflag:s3], $0x80  }
0x1d2: {  	[sflag:s3] =	ssyncset.done $0x0  }
0x1d3: {  	[sflag:s3] =	ssyncadd.s32 $0xFFFFFF80  }
0x1d4: {  	_ =	swait.ge [sflag:s16], $0x80  }
0x1d5: {  	[sflag:s16] =	ssyncset.done $0x0  }
0x1d6: {  	[sflag:s16] =	ssyncadd.s32 $0xFFFFFF80  }
0x1d7: {  	_ =	swait.ge [sflag:s16], $0x80  }
0x1d8: {  	[sflag:s16] =	ssyncset.done $0x0  }
0x1d9: {  	[sflag:s16] =	ssyncadd.s32 $0xFFFFFF80  }
0x1da: {  	_ =	swait.ge [sflag:s16], $0x80  }
0x1db: {  	[sflag:s16] =	ssyncset.done $0x0  }
0x1dc: {  	[sflag:s16] =	ssyncadd.s32 $0xFFFFFF80  }
0x1dd: {  	_ =	swait.ge [sflag:s3], $0x80  }
0x1de: {  	[sflag:s3] =	ssyncset.done $0x0  }
0x1df: {  	[sflag:s3] =	ssyncadd.s32 $0xFFFFFF80  }
0x1e0: {  	_ =	swait.ge [sflag:s3], $0x80  }
0x1e1: {  	[sflag:s3] =	ssyncset.done $0x0  }
0x1e2: {  	[sflag:s3] =	ssyncadd.s32 $0xFFFFFF80  }
0x1e3: {  	_ =	swait.ge [sflag:s3], $0x80  }
0x1e4: {  	[sflag:s3] =	ssyncset.done $0x0  }
0x1e5: {  	[sflag:s3] =	ssyncadd.s32 $0xFFFFFF80  }
0x1e6: {  	_ =	swait.ge [sflag:s16], $0x80  }
0x1e7: {  	[sflag:s16] =	ssyncset.done $0x0  }
0x1e8: {  	[sflag:s16] =	ssyncadd.s32 $0xFFFFFF80  }
0x1e9: {  	_ =	swait.ge [sflag:s16], $0x80  }
0x1ea: {  	[sflag:s16] =	ssyncset.done $0x0  }
0x1eb: {  	[sflag:s16] =	ssyncadd.s32 $0xFFFFFF80  }
0x1ec: {  	_ =	swait.ge [sflag:s16], $0x80  }
0x1ed: {  	[sflag:s16] =	ssyncset.done $0x0  }
0x1ee: {  	[sflag:s16] =	ssyncadd.s32 $0xFFFFFF80  }
0x1ef: {  	_ =	swait.ge [sflag:s3], $0x80  }
0x1f0: {  	[sflag:s3] =	ssyncset.done $0x0  }
0x1f1: {  	[sflag:s3] =	ssyncadd.s32 $0xFFFFFF80  }
0x1f2: {  	_ =	swait.ge [sflag:s3], $0x80  }
0x1f3: {  	[sflag:s3] =	ssyncset.done $0x0  }
0x1f4: {  	[sflag:s3] =	ssyncadd.s32 $0xFFFFFF80  }
0x1f5: {  	_ =	swait.ge [sflag:s3], $0x80  }
0x1f6: {  	[sflag:s3] =	ssyncset.done $0x0  }
0x1f7: {  	[sflag:s3] =	ssyncadd.s32 $0xFFFFFF80  }
0x1f8: {  	_ =	swait.ge [sflag:s16], $0x80  }
0x1f9: {  	[sflag:s16] =	ssyncset.done $0x0  }
0x1fa: {  	[sflag:s16] =	ssyncadd.s32 $0xFFFFFF80  }
0x1fb: {  	_ =	swait.ge [sflag:s16], $0x80  }
0x1fc: {  	[sflag:s16] =	ssyncset.done $0x0  }
0x1fd: {  	[sflag:s16] =	ssyncadd.s32 $0xFFFFFF80  }
0x1fe: {  	_ =	swait.ge [sflag:s16], $0x80  }
0x1ff: {  	[sflag:s16] =	ssyncset.done $0x0  }
0x200: {  	[sflag:s16] =	ssyncadd.s32 $0xFFFFFF80  }
0x201: {  	_ =	swait.ge [sflag:s3], $0x80  }
0x202: {  	[sflag:s3] =	ssyncset.done $0x0  }
0x203: {  	[sflag:s3] =	ssyncadd.s32 $0xFFFFFF80  }
0x204: {  	_ =	swait.ge [sflag:s3], $0x80  }
0x205: {  	[sflag:s3] =	ssyncset.done $0x0  }
0x206: {  	[sflag:s3] =	ssyncadd.s32 $0xFFFFFF80  }
0x207: {  	_ =	swait.ge [sflag:s3], $0x80  }
0x208: {  	[sflag:s3] =	ssyncset.done $0x0  }
0x209: {  	[sflag:s3] =	ssyncadd.s32 $0xFFFFFF80  }
0x20a: {  	_ =	swait.ge [sflag:s16], $0x80  }
0x20b: {  	[sflag:s16] =	ssyncset.done $0x0  }
0x20c: {  	[sflag:s16] =	ssyncadd.s32 $0xFFFFFF80  }
0x20d: {  	_ =	swait.ge [sflag:s16], $0x80  }
0x20e: {  	[sflag:s16] =	ssyncset.done $0x0  }
0x20f: {  	[sflag:s16] =	ssyncadd.s32 $0xFFFFFF80  }
0x210: {  	_ =	swait.ge [sflag:s16], $0x80  }
0x211: {  	[sflag:s16] =	ssyncset.done $0x0  }
0x212: {  	[sflag:s16] =	ssyncadd.s32 $0xFFFFFF80  }
0x213: {  	_ =	swait.ge [sflag:s3], $0x80  }
0x214: {  	[sflag:s3] =	ssyncset.done $0x0  }
0x215: {  	[sflag:s3] =	ssyncadd.s32 $0xFFFFFF80  }
0x216: {  	_ =	swait.ge [sflag:s3], $0x80  }
0x217: {  	[sflag:s3] =	ssyncset.done $0x0  }
0x218: {  	[sflag:s3] =	ssyncadd.s32 $0xFFFFFF80  }
0x219: {  	_ =	swait.ge [sflag:s3], $0x80  }
0x21a: {  	[sflag:s3] =	ssyncset.done $0x0  }
0x21b: {  	[sflag:s3] =	ssyncadd.s32 $0xFFFFFF80  }
0x21c: {  	_ =	swait.ge [sflag:s16], $0x80  }
0x21d: {  	[sflag:s16] =	ssyncset.done $0x0  }
0x21e: {  	[sflag:s16] =	ssyncadd.s32 $0xFFFFFF80  }
0x21f: {  	_ =	swait.ge [sflag:s16], $0x80  }
0x220: {  	[sflag:s16] =	ssyncset.done $0x0  }
0x221: {  	[sflag:s16] =	ssyncadd.s32 $0xFFFFFF80  }
0x222: {  	_ =	swait.ge [sflag:s16], $0x80  }
0x223: {  	[sflag:s16] =	ssyncset.done $0x0  }
0x224: {  	[sflag:s16] =	ssyncadd.s32 $0xFFFFFF80  }
0x225: {  	_ =	swait.ge [sflag:s3], $0x80  }
0x226: {  	[sflag:s3] =	ssyncset.done $0x0  }
0x227: {  	[sflag:s3] =	ssyncadd.s32 $0xFFFFFF80  }
0x228: {  	_ =	swait.ge [sflag:s3], $0x80  }
0x229: {  	[sflag:s3] =	ssyncset.done $0x0  }
0x22a: {  	[sflag:s3] =	ssyncadd.s32 $0xFFFFFF80  }
0x22b: {  	_ =	swait.ge [sflag:s3], $0x80  }
0x22c: {  	[sflag:s3] =	ssyncset.done $0x0  }
0x22d: {  	s14 =	simm.s32 $0x0;
	[sflag:s3] =	ssyncadd.s32 $0xFFFFFF80  }
0x22e: {  	v6 =	vld [tilespmem:s14+$0x34A8]  }
0x22f: {  	v7 =	vld [tilespmem:s14+$0x5CA8]  }
0x230: {  	v8 =	vld [tilespmem:s14+$0x54A8]  }
0x231: {  	v9 =	vld [tilespmem:s14+$0x64A8]  }
0x232: {  	v10 =	vld [tilespmem:s14+$0x4CA8]  }
0x233: {  	v11 =	vld [tilespmem:s14+$0x6CA8]  }
0x234: {  	v12 =	vld [tilespmem:s14+$0x74A8]  }
0x235: {  	v13 =	vld [tilespmem:s14+$0x3CA8];
	_ =	sdelay $0x1  }
0x236: {  	v14 =	vld [tilespmem:s14+$0x44A8]  }
0x237: {  	s6 =	simm.s32 $0x10;
	v8 =	vsub.f32 v11, v8;
	v9 =	vsub.f32 v9, v10  }
0x238: {  	v7 =	vsub.f32 v12, v7;
	v10 =	vld [tilespmem:s6+$0x34A8]  }
0x239: {  	v11 =	vld [tilespmem:s6+$0x54A8];
	v8 =	vadd.f32 v13, v8;
	v6 =	vadd.f32 v6, v9  }
0x23a: {  	v12 =	vld [tilespmem:s6+$0x64A8]  }
0x23b: {  	v9 =	vld [tilespmem:s6+$0x5CA8];
	v7 =	vadd.f32 v14, v7;
	v6 =	vmul.f32 v6, v6;
	v8 =	vmul.f32 v8, v8  }
0x23c: {  	v13 =	vld [tilespmem:s6+$0x4CA8]  }
0x23d: {  	v7 =	vmul.f32 v7, v7;
	v6 =	vadd.f32 v8, v6;
	v8 =	vld [tilespmem:s6+$0x6CA8]  }
0x23e: {  	v14 =	vld [tilespmem:s6+$0x74A8]  }
0x23f: {  	v6 =	vadd.f32 v7, v6;
	v7 =	vld [tilespmem:s6+$0x3CA8];
	_ =	sdelay $0x1  }
0x240: {  	s13 =	simm.s32 $0x20;
	v15 =	vld [tilespmem:s6+$0x44A8]  }
0x241: {  	v18 =	vld [tilespmem:s13+$0x64A8];
	v12 =	vsub.f32 v12, v13;
	v6 =	vmax.f32 v6, $1.000000000e-30;
	v8 =	vsub.f32 v8, v11  }
0x242: {  	v19 =	vld [tilespmem:s13+$0x6CA8];
	v9 =	vsub.f32 v14, v9;
	v16 =	vshra.s32 v6, $0x1;
	v17 =	vmul.f32 $5.000000000e-01, v6  }
0x243: {  	v14 =	vld [tilespmem:s13+$0x5CA8];
	v10 =	vadd.f32 v10, v12;
	v13 =	vsub.s32 $0x5F3759DF, v16;
	v7 =	vadd.f32 v7, v8  }
0x244: {  	v12 =	vld [tilespmem:s13+$0x74A8];
	v16 =	vmul.f32 v13, v17  }
0x245: {  	v9 =	vadd.f32 v15, v9;
	v15 =	vld [tilespmem:s13+$0x4CA8];
	v10 =	vmul.f32 v10, v10;
	v7 =	vmul.f32 v7, v7  }
0x246: {  	v8 =	vld [tilespmem:s13+$0x54A8];
	v16 =	vmul.f32 v13, v16  }
0x247: {  	v11 =	vld [tilespmem:s13+$0x34A8];
	v9 =	vmul.f32 v9, v9;
	v7 =	vadd.f32 v7, v10  }
0x248: {  	v16 =	vsub.f32 $1.500000000e+00, v16;
	v10 =	vld [tilespmem:s13+$0x3CA8]  }
0x249: {  	s14 =	simm.s32 $0x30;
	v20 =	vld [tilespmem:s13+$0x44A8];
	v7 =	vadd.f32 v9, v7  }
0x24a: {  	v22 =	vld [tilespmem:s14+$0x54A8];
	v15 =	vsub.f32 v18, v15;
	v13 =	vmul.f32 v13, v16  }
0x24b: {  	v25 =	vld [tilespmem:s14+$0x74A8];
	v12 =	vsub.f32 v12, v14;
	v8 =	vsub.f32 v19, v8;
	v7 =	vmax.f32 v7, $1.000000000e-30  }
0x24c: {  	v18 =	vld [tilespmem:s14+$0x64A8];
	v21 =	vmul.f32 v13, v17;
	v23 =	vshra.s32 v7, $0x1;
	v24 =	vmul.f32 $5.000000000e-01, v7  }
0x24d: {  	v14 =	vld [tilespmem:s14+$0x4CA8];
	v11 =	vadd.f32 v11, v15;
	v8 =	vadd.f32 v10, v8;
	v23 =	vsub.s32 $0x5F3759DF, v23  }
0x24e: {  	v10 =	vld [tilespmem:s14+$0x6CA8];
	v21 =	vmul.f32 v21, v13;
	v19 =	vmul.f32 v23, v24  }
0x24f: {  	v12 =	vadd.f32 v20, v12;
	v11 =	vmul.f32 v11, v11;
	v16 =	vld [tilespmem:s14+$0x5CA8];
	v8 =	vmul.f32 v8, v8  }
0x250: {  	v20 =	vld [tilespmem:s14+$0x44A8];
	v21 =	vsub.f32 $1.500000000e+00, v21;
	v15 =	vmul.f32 v23, v19  }
0x251: {  	v12 =	vmul.f32 v12, v12;
	v9 =	vld [tilespmem:s14+$0x34A8];
	v8 =	vadd.f32 v8, v11  }
0x252: {  	s13 =	simm.s32 $0x40;
	v19 =	vld [tilespmem:s14+$0x3CA8];
	v13 =	vmul.f32 v21, v13;
	v15 =	vsub.f32 $1.500000000e+00, v15  }
0x253: {  	v10 =	vsub.f32 v10, v22;
	v22 =	vld [tilespmem:s13+$0x4CA8];
	v8 =	vadd.f32 v12, v8  }
0x254: {  	v12 =	vsub.f32 v25, v16;
	v16 =	vld [tilespmem:s13+$0x64A8];
	v17 =	vmul.f32 v13, v17;
	v15 =	vmul.f32 v23, v15  }
0x255: {  	v11 =	vld [tilespmem:s13+$0x54A8];
	v56 =	vmax.f32 v8, $1.000000000e-30;
	v8 =	vsub.f32 v18, v14  }
0x256: {  	v14 =	vld [tilespmem:s13+$0x6CA8];
	v12 =	vadd.f32 v20, v12;
	v17 =	vmul.f32 v17, v13;
	v27 =	vmul.f32 v15, v24  }
0x257: {  	v21 =	vld [tilespmem:s13+$0x34A8];
	v18 =	vshra.s32 v56, $0x1;
	v28 =	vmul.f32 $5.000000000e-01, v56;
	v10 =	vadd.f32 v19, v10  }
0x258: {  	v26 =	vld [tilespmem:s13+$0x5CA8];
	v18 =	vsub.s32 $0x5F3759DF, v18;
	v17 =	vsub.f32 $1.500000000e+00, v17;
	v55 =	vmul.f32 v27, v15  }
0x259: {  	v23 =	vld [tilespmem:s13+$0x74A8];
	v8 =	vadd.f32 v9, v8;
	v20 =	vmul.f32 v18, v28;
	v16 =	vsub.f32 v16, v22  }
0x25a: {  	v29 =	vld [tilespmem:s13+$0x3CA8];
	v10 =	vmul.f32 v10, v10;
	v13 =	vmul.f32 v17, v13;
	v17 =	vsub.f32 $1.500000000e+00, v55  }
0x25b: {  	s14 =	simm.s32 $0x50;
	v19 =	vld [tilespmem:s13+$0x44A8];
	v8 =	vmul.f32 v8, v8;
	v20 =	vmul.f32 v18, v20;
	v11 =	vsub.f32 v14, v11  }
0x25c: {  	v22 =	vld [tilespmem:s14+$0x6CA8];
	v16 =	vadd.f32 v21, v16;
	v6 =	vmul.f32 v13, v6;
	v9 =	vmul.f32 v17, v15  }
0x25d: {  	v12 =	vmul.f32 v12, v12;
	v8 =	vadd.f32 v10, v8;
	v20 =	vsub.f32 $1.500000000e+00, v20;
	v17 =	vld [tilespmem:s14+$0x54A8]  }
0x25e: {  	v57 =	vld [tilespmem:s14+$0x74A8];
	v15 =	vsub.f32 v23, v26;
	v23 =	vmul.f32 v6, v1;
	v14 =	vmul.f32 v9, v24  }
0x25f: {  	v58 =	vadd.f32 v29, v11;
	v11 =	vld [tilespmem:s14+$0x3CA8];
	v16 =	vmul.f32 v16, v16;
	v18 =	vmul.f32 v18, v20  }
0x260: {  	v13 =	vld [tilespmem:s14+$0x5CA8];
	v12 =	vadd.f32 v12, v8;
	v23 =	vsub.f32 v0, v23;
	v14 =	vmul.f32 v14, v9  }
0x261: {  	v6 =	vmul.f32 v6, v3;
	v15 =	vadd.f32 v19, v15;
	v10 =	vmul.f32 v18, v28  }
0x262: {  	v20 =	vmul.f32 $1.442695020e+00, v23;
	v17 =	vsub.f32 v22, v17;
	v14 =	vsub.f32 $1.500000000e+00, v14  }
0x263: {  	v19 =	vsub.f32 v2, v6;
	v6 =	vmax.f32 v12, $1.000000000e-30;
	v10 =	vmul.f32 v10, v18  }
0x264: {  	(erf) = vpow2.f32 v20;
	v8 =	vadd.f32 v11, v17;
	v11 =	vld [tilespmem:s14+$0x4CA8];
	v9 =	vmul.f32 v14, v9  }
0x265: {  	v13 =	vsub.f32 v57, v13;
	v15 =	vmul.f32 v15, v15;
	v10 =	vsub.f32 $1.500000000e+00, v10;
	v14 =	vld [tilespmem:s14+$0x64A8]  }
0x266: {  	v17 =	vshra.s32 v6, $0x1;
	v7 =	vmul.f32 v9, v7;
	v9 =	vmul.f32 $5.000000000e-01, v6  }
0x267: {  	v12 =	vmul.f32 $6.000000000e+00, v19;
	v17 =	vsub.s32 $0x5F3759DF, v17;
	v21 =	vmul.f32 v10, v18;
	v10 =	vld [tilespmem:s14+$0x44A8]  }
0x268: {  	s5 =	simm.s32 $0x60;
	v23 =	vmul.f32 v19, v19;
	vm0 =	vge.f32 v19, $1.000000000e+00;
	v20 =	vld [tilespmem:s14+$0x34A8];
	v18 =	vmul.f32 v17, v9  }
0x269: {  	v59 =	vld [tilespmem:s5+$0x5CA8];
	v12 =	vadd.f32 $-1.500000000e+01, v12;
	v22 =	vmul.f32 v7, v3;
	v7 =	vmul.f32 v7, v1  }
0x26a: {  	v61 =	vld [tilespmem:s5+$0x74A8];
	v60 =	vmul.f32 v21, v28;
	v11 =	vsub.f32 v14, v11;
	v14 =	vmul.f32 v17, v18  }
0x26b: {  	v23 =	vmul.f32 v23, v19;
	v7 =	vsub.f32 v0, v7;
	v18 =	vmul.f32 v12, v19  }
0x26c: {  	v31 =	vld [tilespmem:s5+$0x6CA8];
	v26 =	vmul.f32 v60, v21;
	v10 =	vadd.f32 v10, v13;
	v14 =	vsub.f32 $1.500000000e+00, v14  }
0x26d: {  	v19 =	vld [tilespmem:s5+$0x54A8];
	v12 =	vadd.f32 v20, v11;
	v62 =	vpop (erf);
	v7 =	vmul.f32 $1.442695020e+00, v7;
	v20 =	vadd.f32 $1.000000000e+01, v18  }
0x26e: {  	v10 =	vmul.f32 v10, v10;
	v30 =	vadd.f32 $-2.000000000e+00, v62;
	v18 =	vmul.f32 v17, v14  }
0x26f: {  	v11 =	vsub.f32 v61, v59;
	v17 =	vld [tilespmem:s5+$0x3CA8];
	v14 =	vmul.f32 v58, v58;
	v20 =	vmul.f32 v20, v23  }
0x270: {  	v23 =	vsub.f32 $1.500000000e+00, v26;
	(erf) = vpow2.f32 v7;
	v13 =	vmul.f32 v30, v62  }
0x271: {  	v7 =	vadd.f32 v14, v16;
	v16 =	vmul.f32 v18, v9;
	v14 =	vmax.f32 v20, $0.0e+00  }
0x272: {  	v20 =	vsub.f32 v31, v19;
	v21 =	vmul.f32 v23, v21;
	v19 =	vsub.f32 v2, v22  }
0x273: {  	v23 =	vsel vm0, $0x3F800000, v14;
	v14 =	vld [tilespmem:s5+$0x34A8];
	v7 =	vadd.f32 v15, v7;
	v63 =	vmul.f32 v16, v18  }
0x274: {  	v15 =	vld [tilespmem:s5+$0x64A8];
	v13 =	vmul.f32 v23, v13;
	v16 =	vadd.f32 v17, v20;
	v20 =	vmul.f32 v21, v56  }
0x275: {  	s6 =	simm.s32 $0x1C0;
	v17 =	vld [tilespmem:s5+$0x4CA8];
	v21 =	vmul.f32 $6.000000000e+00, v19;
	v7 =	vmax.f32 v7, $1.000000000e-30;
	v22 =	vsub.f32 $1.500000000e+00, v63  }
.LBB2_3:
0x276: {  	p1 =	sne.s32 s6, $0x1FC0;
	v23 =	vld [tilespmem:s5+$0x44A8];
	s5 =	sshra.s32 s6, $0x2;
	s6 =	sadd.s32 $0x40, s6;
	v24 =	vshra.s32 v7, $0x1;
	v25 =	vmul.f32 $5.000000000e-01, v7;
	v5 =	vadd.f32 v13, v5  }
0x277: {  	v26 =	vmul.f32 v20, v3;
	v13 =	vld [tilespmem:s5+$0x34A8];
	v24 =	vsub.s32 $0x5F3759DF, v24;
	v22 =	vmul.f32 v22, v18  }
0x278: {  	v28 =	vmul.f32 v19, v19;
	vm0 =	vge.f32 v19, $1.000000000e+00;
	v27 =	vld [tilespmem:s5+$0x5CA8];
	v18 =	vmul.f32 v24, v25  }
0x279: {  	v20 =	vmul.f32 v20, v1;
	v21 =	vadd.f32 $-1.500000000e+01, v21;
	v29 =	vld [tilespmem:s5+$0x54A8];
	v30 =	vmul.f32 v22, v9;
	v31 =	vpop (erf)  }
0x27a: {  	v33 =	vsub.f32 v15, v17;
	v28 =	vmul.f32 v28, v19;
	v9 =	vmovc v25;
	v32 =	vld [tilespmem:s5+$0x74A8];
	v18 =	vmul.f32 v24, v18  }
0x27b: {  	v20 =	vsub.f32 v0, v20;
	v19 =	vmul.f32 v21, v19;
	v15 =	vld [tilespmem:s5+$0x64A8];
	v25 =	vmul.f32 v30, v22  }
0x27c: {  	v21 =	vmul.f32 v12, v12;
	v30 =	vadd.f32 $-2.000000000e+00, v31;
	v17 =	vld [tilespmem:s5+$0x4CA8];
	v18 =	vsub.f32 $1.500000000e+00, v18  }
0x27d: {  	v12 =	vadd.f32 v14, v33;
	v20 =	vmul.f32 $1.442695020e+00, v20;
	v19 =	vadd.f32 $1.000000000e+01, v19;
	v14 =	vmovc v13;
	v34 =	vld [tilespmem:s5+$0x6CA8]  }
0x27e: {  	v23 =	vadd.f32 v23, v11;
	v13 =	vld [tilespmem:s5+$0x3CA8];
	v18 =	vmul.f32 v24, v18;
	v24 =	vmul.f32 v30, v31  }
0x27f: {  	v19 =	vmul.f32 v19, v28;
	v11 =	vsub.f32 v32, v27;
	v27 =	vmul.f32 v8, v8;
	v8 =	vmovc v16  }
0x280: {  	v16 =	vmul.f32 v23, v23;
	v23 =	vsub.f32 $1.500000000e+00, v25;
	(erf) = vpow2.f32 v20  }
.Ltmp0:
0x281: {  	v19 =	vmax.f32 v19, $0.0e+00;
	v20 =	vadd.f32 v27, v21;
	v21 =	vmul.f32 v18, v9;
	(pc) =	sbr.rel @p1 .LBB2_3-.Ltmp0, $4  }
0x282: {  	v22 =	vmul.f32 v23, v22;
	v23 =	vsel vm0, $0x3F800000, v19;
	v25 =	vsub.f32 v34, v29  }
0x283: {  	v19 =	vsub.f32 v2, v26;
	v27 =	vadd.f32 v10, v20;
	v21 =	vmul.f32 v21, v18;
	v10 =	vmovc v16  }
0x284: {  	v20 =	vmul.f32 v22, v6;
	v6 =	vmovc v7;
	v16 =	vadd.f32 v13, v25;
	v13 =	vmul.f32 v23, v24  }
0x285: {  	v7 =	vmax.f32 v27, $1.000000000e-30;
	v22 =	vsub.f32 $1.500000000e+00, v21;
	v21 =	vmul.f32 $6.000000000e+00, v19  }
0x286: {  	v24 =	vmul.f32 $5.000000000e-01, v7  }
0x287: {  	v37 =	vmul.f32 v20, v3;
	v26 =	vmul.f32 v19, v19  }
0x288: {  	v23 =	vshra.s32 v7, $0x1;
	v38 =	vmul.f32 v20, v1;
	v12 =	vmul.f32 v12, v12  }
0x289: {  	v27 =	vld [tilespmem:s5+$0x44A8];
	v15 =	vsub.f32 v15, v17;
	v8 =	vmul.f32 v8, v8;
	v16 =	vmul.f32 v16, v16  }
0x28a: {  	v23 =	vsub.s32 $0x5F3759DF, v23;
	v18 =	vmul.f32 v22, v18;
	v21 =	vadd.f32 $-1.500000000e+01, v21  }
0x28b: {  	v25 =	vmul.f32 v23, v24;
	v40 =	vmul.f32 v26, v19;
	v20 =	vsub.f32 v0, v38  }
0x28c: {  	v14 =	vadd.f32 v14, v15;
	v8 =	vadd.f32 v8, v12;
	v9 =	vmul.f32 v18, v9  }
0x28d: {  	v22 =	vsub.f32 v2, v37;
	v41 =	vmul.f32 v21, v19;
	v42 =	vpop (erf);
	v39 =	vmul.f32 v23, v25  }
0x28e: {  	v14 =	vmul.f32 v14, v14;
	v43 =	vadd.f32 $-2.000000000e+00, v42;
	v11 =	vadd.f32 v27, v11  }
0x28f: {  	v20 =	vmul.f32 $1.442695020e+00, v20;
	v8 =	vadd.f32 v10, v8;
	v56 =	vmul.f32 $6.000000000e+00, v22  }
0x290: {  	v60 =	vmul.f32 v22, v22;
	v14 =	vadd.f32 v16, v14;
	v11 =	vmul.f32 v11, v11  }
0x291: {  	v9 =	vmul.f32 v9, v18;
	v44 =	vadd.f32 $1.000000000e+01, v41;
	v17 =	vsub.f32 $1.500000000e+00, v39  }
0x292: {  	v12 =	vmul.f32 v43, v42;
	v8 =	vmax.f32 v8, $1.000000000e-30;
	v11 =	vadd.f32 v11, v14  }
0x293: {  	(erf) = vpow2.f32 v20;
	v46 =	vshra.s32 v8, $0x1;
	v47 =	vmul.f32 $5.000000000e-01, v8  }
0x294: {  	v10 =	vmul.f32 v44, v40;
	v48 =	vsub.s32 $0x5F3759DF, v46;
	v11 =	vmax.f32 v11, $1.000000000e-30  }
0x295: {  	v16 =	vmul.f32 v48, v47;
	v50 =	vshra.s32 v11, $0x1;
	v51 =	vmul.f32 $5.000000000e-01, v11  }
0x296: {  	v9 =	vsub.f32 $1.500000000e+00, v9;
	v45 =	vmul.f32 v23, v17;
	v52 =	vsub.s32 $0x5F3759DF, v50  }
0x297: {  	vm0 =	vge.f32 v19, $1.000000000e+00;
	v16 =	vmul.f32 v48, v16;
	v20 =	vmul.f32 v52, v51  }
0x298: {  	v9 =	vmul.f32 v9, v18;
	v10 =	vmax.f32 v10, $0.0e+00;
	v49 =	vmul.f32 v45, v24  }
0x299: {  	v14 =	vadd.f32 $-1.500000000e+01, v56;
	v16 =	vsub.f32 $1.500000000e+00, v16;
	v54 =	vmul.f32 v52, v20  }
0x29a: {  	v10 =	vsel vm0, $0x3F800000, v10;
	v6 =	vmul.f32 v9, v6;
	v19 =	vmul.f32 v49, v45  }
0x29b: {  	v10 =	vmul.f32 v10, v12;
	v55 =	vmul.f32 v48, v16;
	v57 =	vsub.f32 $1.500000000e+00, v54  }
0x29c: {  	v14 =	vmul.f32 v14, v22;
	v58 =	vmul.f32 v6, v3;
	v53 =	vsub.f32 $1.500000000e+00, v19  }
0x29d: {  	v59 =	vmul.f32 v55, v47;
	v15 =	vmul.f32 v52, v57  }
0x29e: {  	v6 =	vmul.f32 v6, v1;
	v9 =	vmul.f32 v53, v45  }
0x29f: {  	vm11 =	vge.f32 v22, $1.000000000e+00;
	v61 =	vmul.f32 v59, v55;
	v62 =	vmul.f32 v15, v51  }
0x2a0: {  	v6 =	vsub.f32 v0, v6;
	v28 =	vsub.f32 v2, v58;
	v63 =	vmul.f32 v9, v24  }
0x2a1: {  	v20 =	vmul.f32 v60, v22;
	v18 =	vsub.f32 $1.500000000e+00, v61;
	v19 =	vmul.f32 v62, v15  }
0x2a2: {  	v14 =	vadd.f32 $1.000000000e+01, v14;
	v6 =	vmul.f32 $1.442695020e+00, v6;
	v24 =	vmul.f32 v63, v9  }
0x2a3: {  	v32 =	vmul.f32 $6.000000000e+00, v28;
	v12 =	vmul.f32 v18, v55;
	v19 =	vsub.f32 $1.500000000e+00, v19  }
0x2a4: {  	v35 =	vmul.f32 v28, v28;
	(erf) = vpow2.f32 v6;
	v22 =	vsub.f32 $1.500000000e+00, v24  }
0x2a5: {  	v25 =	vpop (erf);
	v17 =	vmul.f32 v12, v47;
	v27 =	vmul.f32 v19, v15  }
0x2a6: {  	v26 =	vadd.f32 $-2.000000000e+00, v25;
	v14 =	vmul.f32 v14, v20;
	v9 =	vmul.f32 v22, v9  }
0x2a7: {  	v29 =	vmul.f32 v17, v12;
	v31 =	vmul.f32 v27, v51  }
0x2a8: {  	v5 =	vadd.f32 v13, v5;
	v30 =	vmul.f32 v26, v25;
	v7 =	vmul.f32 v9, v7  }
0x2a9: {  	v6 =	vmax.f32 v14, $0.0e+00;
	v16 =	vsub.f32 $1.500000000e+00, v29;
	v33 =	vmul.f32 v31, v27  }
0x2aa: {  	v36 =	vmul.f32 v35, v28;
	v6 =	vsel vm11, $0x3F800000, v6;
	v34 =	vmul.f32 v7, v1  }
0x2ab: {  	v6 =	vmul.f32 v6, v30;
	v12 =	vmul.f32 v16, v12;
	v13 =	vsub.f32 $1.500000000e+00, v33  }
0x2ac: {  	v9 =	vadd.f32 $-1.500000000e+01, v32;
	v7 =	vmul.f32 v7, v3;
	v17 =	vsub.f32 v0, v34  }
0x2ad: {  	v5 =	vadd.f32 v10, v5;
	v38 =	vpop (erf);
	v8 =	vmul.f32 v12, v8;
	v37 =	vmul.f32 v13, v27  }
0x2ae: {  	v9 =	vmul.f32 v9, v28;
	v41 =	vadd.f32 $-2.000000000e+00, v38;
	v39 =	vmul.f32 $1.442695020e+00, v17  }
0x2af: {  	vm12 =	vge.f32 v28, $1.000000000e+00;
	v40 =	vmul.f32 v8, v1;
	v11 =	vmul.f32 v37, v11  }
0x2b0: {  	v9 =	vadd.f32 $1.000000000e+01, v9;
	v7 =	vsub.f32 v2, v7;
	v43 =	vmul.f32 v41, v38  }
0x2b1: {  	(erf) = vpow2.f32 v39;
	v42 =	vsub.f32 v0, v40;
	v44 =	vmul.f32 v11, v1  }
0x2b2: {  	v5 =	vadd.f32 v6, v5;
	v9 =	vmul.f32 v9, v36;
	v8 =	vmul.f32 v8, v3  }
0x2b3: {  	v45 =	vmul.f32 $6.000000000e+00, v7;
	v10 =	vmul.f32 $1.442695020e+00, v42;
	v13 =	vsub.f32 v0, v44  }
0x2b4: {  	v6 =	vmul.f32 v7, v7;
	v8 =	vsub.f32 v2, v8;
	v11 =	vmul.f32 v11, v3  }
0x2b5: {  	v9 =	vmax.f32 v9, $0.0e+00;
	(erf) = vpow2.f32 v10;
	v47 =	vmul.f32 $1.442695020e+00, v13  }
0x2b6: {  	v46 =	vadd.f32 $-1.500000000e+01, v45;
	v6 =	vmul.f32 v6, v7;
	v48 =	vmul.f32 $6.000000000e+00, v8  }
0x2b7: {  	v9 =	vsel vm12, $0x3F800000, v9;
	v11 =	vsub.f32 v2, v11;
	(erf) = vpow2.f32 v47  }
0x2b8: {  	v9 =	vmul.f32 v9, v43;
	v10 =	vmul.f32 v46, v7;
	v49 =	vadd.f32 $-1.500000000e+01, v48  }
0x2b9: {  	vm13 =	vge.f32 v7, $1.000000000e+00;
	v53 =	vmul.f32 v8, v8;
	v51 =	vmul.f32 $6.000000000e+00, v11  }
0x2ba: {  	v5 =	vadd.f32 v9, v5;
	v50 =	vpop (erf);
	v10 =	vadd.f32 $1.000000000e+01, v10;
	v9 =	vmul.f32 v49, v8  }
0x2bb: {  	v55 =	vmul.f32 v53, v8;
	v52 =	vadd.f32 $-2.000000000e+00, v50;
	v7 =	vadd.f32 $-1.500000000e+01, v51  }
0x2bc: {  	v57 =	vmul.f32 v11, v11;
	v6 =	vmul.f32 v10, v6;
	v9 =	vadd.f32 $1.000000000e+01, v9  }
0x2bd: {  	v54 =	vmul.f32 v52, v50;
	v7 =	vmul.f32 v7, v11  }
0x2be: {  	v59 =	vmul.f32 v57, v11;
	v6 =	vmax.f32 v6, $0.0e+00;
	v9 =	vmul.f32 v9, v55;
	v56 =	vpop (erf)  }
0x2bf: {  	v6 =	vsel vm13, $0x3F800000, v6;
	v7 =	vadd.f32 $1.000000000e+01, v7;
	v58 =	vadd.f32 $-2.000000000e+00, v56  }
0x2c0: {  	vm14 =	vge.f32 v8, $1.000000000e+00;
	v6 =	vmul.f32 v6, v54;
	v9 =	vmax.f32 v9, $0.0e+00;
	v61 =	vpop (erf)  }
0x2c1: {  	v7 =	vmul.f32 v7, v59;
	v60 =	vmul.f32 v58, v56;
	v62 =	vadd.f32 $-2.000000000e+00, v61  }
0x2c2: {  	s4 =	sadd.s32 $0x1, s4;
	vm15 =	vge.f32 v11, $1.000000000e+00;
	v9 =	vsel vm14, $0x3F800000, v9;
	v5 =	vadd.f32 v6, v5  }
0x2c3: {  	p1 =	sne.s32 s4, $0x18;
	v7 =	vmax.f32 v7, $0.0e+00;
	v6 =	vmul.f32 v9, v60;
	v63 =	vmul.f32 v62, v61  }
.Ltmp1:
0x2c4: {  	v7 =	vsel vm15, $0x3F800000, v7;
	(pc) =	sbr.rel @p1 .LBB2_2-.Ltmp1, $3  }
0x2c5: {  	v5 =	vadd.f32 v6, v5;
	v6 =	vmul.f32 v7, v63;
	_ =	sdelay $0x1  }
0x2c6: {  	v5 =	vadd.f32 v6, v5  }
0x2c7: {  	s5 =	simm.s32 $0x0  }
0x2c8: {  	s4 =	simm.s32 $0x0  }
.LBB2_6:
0x2c9: {  	s6 =	rddreg [dreg:$0xf]  }
0x2ca: {  	s6 =	sadd.s32 s4, s6  }
0x2cb: {  	s6 =	sand.u32 $0x1FFFFFF, s6  }
0x2cc: {  	s14 =	rddreg [dreg:$0x3];
	s13 =	sshll.u32 s6, $0x5  }
0x2cd: {  	s6 =	sshll.u32 s6, $0x4;
	s13 =	sadd.s32 s14, s13;
	s14 =	rddreg [dreg:$0x4]  }
0x2ce: {  	[tilespmem:s23], [sflag:$0x3] =	stream.linear.gather [hbm4b:s13+s5], $0x100, $0x38;
	[tilespmem:$0x8128] =	vst v63  }
0x2cf: {  	s13 =	sadd.s32 s14, s6;
	s14 =	simm.s32 $0x34A8  }
0x2d0: {  	[tilespmem:s14], [sflag:$0x4] =	stream.linear.gather [hbm4b:s13+s5], $0x80, $0x38;
	[tilespmem:$0x8128] =	vst v63  }
0x2d1: {  	s14 =	rddreg [dreg:$0x5]  }
0x2d2: {  	s13 =	sadd.s32 s14, s6;
	s14 =	simm.s32 $0x3CA8  }
0x2d3: {  	[tilespmem:s14], [sflag:$0x4] =	stream.linear.gather [hbm4b:s13+s5], $0x80, $0x38;
	[tilespmem:$0x8128] =	vst v63  }
0x2d4: {  	s14 =	rddreg [dreg:$0x6]  }
0x2d5: {  	s6 =	sadd.s32 s14, s6;
	s14 =	simm.s32 $0x44A8  }
0x2d6: {  	[tilespmem:s14], [sflag:$0x4] =	stream.linear.gather [hbm4b:s6+s5], $0x80, $0x38;
	[tilespmem:$0x8128] =	vst v63  }
0x2d7: {  	_ =	swait.ge [sflag:s28], $0x100  }
0x2d8: {  	[sflag:s28] =	ssyncset.done $0x0  }
0x2d9: {  	s14 =	simm.s32 $0x4CA8;
	[sflag:s28] =	ssyncadd.s32 $0xFFFFFF00  }
0x2da: {  	[tilespmem:s14], [sflag:$0x1] =	stream.indirect.gather [spmem:s9], $0x1, s23, s29, $0xb8;
	[tilespmem:$0x8128] =	vst v63  }
0x2db: {  	s13 =	simm.s32 $0x54A8  }
0x2dc: {  	[tilespmem:s13], [sflag:$0x1] =	stream.indirect.gather [spmem:s10], $0x1, s23, s29, $0xb8;
	[tilespmem:$0x8128] =	vst v63  }
0x2dd: {  	s14 =	simm.s32 $0x5CA8  }
0x2de: {  	[tilespmem:s14], [sflag:$0x1] =	stream.indirect.gather [spmem:s11], $0x1, s23, s29, $0xb8;
	[tilespmem:$0x8128] =	vst v63  }
0x2df: {  	s13 =	simm.s32 $0x64A8  }
0x2e0: {  	[tilespmem:s13], [sflag:$0x2] =	stream.indirect.gather [spmem:s9], $0x1, s0, s29, $0xb8;
	[tilespmem:$0x8128] =	vst v63  }
0x2e1: {  	s14 =	simm.s32 $0x6CA8  }
0x2e2: {  	[tilespmem:s14], [sflag:$0x2] =	stream.indirect.gather [spmem:s10], $0x1, s0, s29, $0xb8;
	[tilespmem:$0x8128] =	vst v63  }
0x2e3: {  	s13 =	simm.s32 $0x74A8  }
0x2e4: {  	[tilespmem:s13], [sflag:$0x2] =	stream.indirect.gather [spmem:s11], $0x1, s0, s29, $0xb8;
	[tilespmem:$0x8128] =	vst v63  }
0x2e5: {  	_ =	swait.ge [sflag:s17], $0x80  }
0x2e6: {  	[sflag:s17] =	ssyncset.done $0x0  }
0x2e7: {  	[sflag:s17] =	ssyncadd.s32 $0xFFFFFF80  }
0x2e8: {  	_ =	swait.ge [sflag:s17], $0x80  }
0x2e9: {  	[sflag:s17] =	ssyncset.done $0x0  }
0x2ea: {  	[sflag:s17] =	ssyncadd.s32 $0xFFFFFF80  }
0x2eb: {  	_ =	swait.ge [sflag:s17], $0x80  }
0x2ec: {  	[sflag:s17] =	ssyncset.done $0x0  }
0x2ed: {  	[sflag:s17] =	ssyncadd.s32 $0xFFFFFF80  }
0x2ee: {  	_ =	swait.ge [sflag:s16], $0x80  }
0x2ef: {  	[sflag:s16] =	ssyncset.done $0x0  }
0x2f0: {  	[sflag:s16] =	ssyncadd.s32 $0xFFFFFF80  }
0x2f1: {  	_ =	swait.ge [sflag:s16], $0x80  }
0x2f2: {  	[sflag:s16] =	ssyncset.done $0x0  }
0x2f3: {  	[sflag:s16] =	ssyncadd.s32 $0xFFFFFF80  }
0x2f4: {  	_ =	swait.ge [sflag:s16], $0x80  }
0x2f5: {  	[sflag:s16] =	ssyncset.done $0x0  }
0x2f6: {  	[sflag:s16] =	ssyncadd.s32 $0xFFFFFF80  }
0x2f7: {  	_ =	swait.ge [sflag:s3], $0x80  }
0x2f8: {  	[sflag:s3] =	ssyncset.done $0x0  }
0x2f9: {  	[sflag:s3] =	ssyncadd.s32 $0xFFFFFF80  }
0x2fa: {  	_ =	swait.ge [sflag:s3], $0x80  }
0x2fb: {  	[sflag:s3] =	ssyncset.done $0x0  }
0x2fc: {  	[sflag:s3] =	ssyncadd.s32 $0xFFFFFF80  }
0x2fd: {  	_ =	swait.ge [sflag:s3], $0x80  }
0x2fe: {  	[sflag:s3] =	ssyncset.done $0x0  }
0x2ff: {  	s14 =	simm.s32 $0x0;
	[sflag:s3] =	ssyncadd.s32 $0xFFFFFF80  }
0x300: {  	v6 =	vld [tilespmem:s14+$0x64A8]  }
0x301: {  	v7 =	vld [tilespmem:s14+$0x4CA8]  }
0x302: {  	v8 =	vld [tilespmem:s14+$0x34A8]  }
0x303: {  	v9 =	vld [tilespmem:s14+$0x6CA8]  }
0x304: {  	v10 =	vld [tilespmem:s14+$0x54A8]  }
0x305: {  	v11 =	vld [tilespmem:s14+$0x3CA8]  }
0x306: {  	v12 =	vld [tilespmem:s14+$0x74A8]  }
0x307: {  	v13 =	vld [tilespmem:s14+$0x5CA8];
	_ =	sdelay $0x1  }
0x308: {  	v6 =	vsub.f32 v6, v7;
	v7 =	vld [tilespmem:s14+$0x44A8]  }
0x309: {  	v9 =	vsub.f32 v9, v10  }
0x30a: {  	v6 =	vadd.f32 v8, v6  }
0x30b: {  	v8 =	vadd.f32 v11, v9;
	v9 =	vsub.f32 v12, v13;
	_ =	sdelay $0x1  }
0x30c: {  	v6 =	vmul.f32 v6, v6;
	v8 =	vmul.f32 v8, v8;
	v7 =	vadd.f32 v7, v9;
	_ =	sdelay $0x1  }
0x30d: {  	s13 =	simm.s32 $0x10;
	v6 =	vadd.f32 v8, v6;
	v7 =	vmul.f32 v7, v7  }
0x30e: {  	v14 =	vld [tilespmem:s13+$0x3CA8]  }
0x30f: {  	v15 =	vld [tilespmem:s13+$0x74A8];
	v6 =	vadd.f32 v7, v6  }
0x310: {  	v10 =	vld [tilespmem:s13+$0x6CA8]  }
0x311: {  	v9 =	vld [tilespmem:s13+$0x4CA8];
	v11 =	vmax.f32 v6, $1.000000000e-30  }
0x312: {  	v8 =	vld [tilespmem:s13+$0x64A8];
	v12 =	vshra.s32 v11, $0x1;
	v13 =	vmul.f32 $5.000000000e-01, v11  }
0x313: {  	v6 =	vld [tilespmem:s13+$0x54A8];
	v12 =	vsub.s32 $0x5F3759DF, v12  }
0x314: {  	v7 =	vld [tilespmem:s13+$0x34A8];
	v16 =	vmul.f32 v12, v13  }
0x315: {  	v17 =	vld [tilespmem:s13+$0x5CA8]  }
0x316: {  	v16 =	vmul.f32 v12, v16  }
0x317: {  	v8 =	vsub.f32 v8, v9;
	v9 =	vld [tilespmem:s13+$0x44A8]  }
0x318: {  	v6 =	vsub.f32 v10, v6;
	v10 =	vsub.f32 $1.500000000e+00, v16  }
0x319: {  	v7 =	vadd.f32 v7, v8  }
0x31a: {  	v8 =	vsub.f32 v15, v17;
	v6 =	vadd.f32 v14, v6;
	v10 =	vmul.f32 v12, v10  }
0x31b: {  	v7 =	vmul.f32 v7, v7  }
0x31c: {  	s14 =	simm.s32 $0x20;
	v8 =	vadd.f32 v9, v8;
	v6 =	vmul.f32 v6, v6;
	v9 =	vmul.f32 v10, v13  }
0x31d: {  	v18 =	vld [tilespmem:s14+$0x74A8]  }
0x31e: {  	v19 =	vld [tilespmem:s14+$0x5CA8];
	v8 =	vmul.f32 v8, v8;
	v6 =	vadd.f32 v6, v7;
	v7 =	vmul.f32 v9, v10  }
0x31f: {  	v15 =	vld [tilespmem:s14+$0x54A8]  }
0x320: {  	v12 =	vld [tilespmem:s14+$0x64A8];
	v6 =	vadd.f32 v8, v6;
	v7 =	vsub.f32 $1.500000000e+00, v7  }
0x321: {  	v9 =	vld [tilespmem:s14+$0x4CA8]  }
0x322: {  	v8 =	vld [tilespmem:s14+$0x6CA8];
	v6 =	vmax.f32 v6, $1.000000000e-30;
	v10 =	vmul.f32 v7, v10  }
0x323: {  	v14 =	vld [tilespmem:s14+$0x34A8];
	v17 =	vshra.s32 v6, $0x1;
	v7 =	vmul.f32 $5.000000000e-01, v6  }
0x324: {  	v16 =	vld [tilespmem:s14+$0x3CA8];
	v17 =	vsub.s32 $0x5F3759DF, v17;
	v13 =	vmul.f32 v10, v13  }
0x325: {  	v20 =	vmul.f32 v17, v7  }
0x326: {  	v9 =	vsub.f32 v12, v9;
	v12 =	vld [tilespmem:s14+$0x44A8];
	v13 =	vmul.f32 v13, v10  }
0x327: {  	v8 =	vsub.f32 v8, v15;
	v15 =	vsub.f32 v18, v19;
	v20 =	vmul.f32 v17, v20  }
0x328: {  	v9 =	vadd.f32 v14, v9;
	v13 =	vsub.f32 $1.500000000e+00, v13  }
0x329: {  	v8 =	vadd.f32 v16, v8;
	v14 =	vsub.f32 $1.500000000e+00, v20  }
0x32a: {  	v9 =	vmul.f32 v9, v9;
	v10 =	vmul.f32 v13, v10  }
0x32b: {  	s6 =	simm.s32 $0x30;
	v8 =	vmul.f32 v8, v8;
	v12 =	vadd.f32 v12, v15;
	v19 =	vmul.f32 v17, v14  }
0x32c: {  	v15 =	vld [tilespmem:s6+$0x4CA8];
	v10 =	vmul.f32 v10, v11  }
0x32d: {  	v8 =	vadd.f32 v8, v9;
	v13 =	vld [tilespmem:s6+$0x64A8];
	v12 =	vmul.f32 v12, v12;
	v14 =	vmul.f32 v19, v7  }
0x32e: {  	v18 =	vld [tilespmem:s6+$0x54A8];
	v9 =	vmul.f32 v10, v1  }
0x32f: {  	v17 =	vld [tilespmem:s6+$0x74A8];
	v8 =	vadd.f32 v12, v8;
	v16 =	vmul.f32 v14, v19  }
0x330: {  	v14 =	vld [tilespmem:s6+$0x6CA8];
	v9 =	vsub.f32 v0, v9  }
0x331: {  	v11 =	vld [tilespmem:s6+$0x34A8];
	v8 =	vmax.f32 v8, $1.000000000e-30;
	v12 =	vsub.f32 $1.500000000e+00, v16  }
0x332: {  	v15 =	vsub.f32 v13, v15;
	v16 =	vld [tilespmem:s6+$0x3CA8];
	v20 =	vmul.f32 $1.442695020e+00, v9;
	v9 =	vmul.f32 v10, v3  }
0x333: {  	v21 =	vshra.s32 v8, $0x1;
	v13 =	vmul.f32 $5.000000000e-01, v8;
	v10 =	vmul.f32 v12, v19;
	v19 =	vld [tilespmem:s6+$0x5CA8]  }
0x334: {  	s13 =	simm.s32 $0x100;
	v12 =	vsub.s32 $0x5F3759DF, v21;
	v9 =	vsub.f32 v2, v9;
	(erf) = vpow2.f32 v20  }
.LBB2_7:
0x335: {  	p1 =	sne.s32 s13, $0x1C0;
	v14 =	vsub.f32 v14, v18;
	v18 =	vld [tilespmem:s6+$0x44A8];
	v20 =	vmul.f32 v12, v13;
	v21 =	vmul.f32 v10, v7;
	v7 =	vmovc v13  }
0x336: {  	v11 =	vadd.f32 v11, v15;
	v13 =	vmul.f32 $6.000000000e+00, v9  }
0x337: {  	v14 =	vadd.f32 v16, v14;
	v15 =	vmul.f32 v12, v20;
	v16 =	vmul.f32 v21, v10  }
0x338: {  	v11 =	vmul.f32 v11, v11;
	v17 =	vsub.f32 v17, v19;
	v13 =	vadd.f32 $-1.500000000e+01, v13  }
0x339: {  	v14 =	vmul.f32 v14, v14;
	v15 =	vsub.f32 $1.500000000e+00, v15;
	v16 =	vsub.f32 $1.500000000e+00, v16  }
0x33a: {  	s6 =	sshra.s32 s13, $0x2;
	v17 =	vadd.f32 v18, v17;
	v18 =	vmul.f32 v9, v9;
	v13 =	vmul.f32 v13, v9  }
0x33b: {  	v19 =	vld [tilespmem:s6+$0x64A8];
	v12 =	vmul.f32 v12, v15;
	v10 =	vmul.f32 v16, v10  }
0x33c: {  	v15 =	vld [tilespmem:s6+$0x4CA8];
	v16 =	vmul.f32 v17, v17;
	v17 =	vmul.f32 v18, v9;
	v13 =	vadd.f32 $1.000000000e+01, v13  }
0x33d: {  	v14 =	vadd.f32 v14, v11;
	v18 =	vmul.f32 v12, v7;
	v10 =	vmul.f32 v10, v6;
	v20 =	vpop (erf)  }
0x33e: {  	v6 =	vmov v8;
	v13 =	vmul.f32 v13, v17;
	v17 =	vadd.f32 $-2.000000000e+00, v20  }
0x33f: {  	v8 =	vadd.f32 v16, v14;
	v11 =	vld [tilespmem:s6+$0x34A8];
	v21 =	vmul.f32 v18, v12;
	v16 =	vmul.f32 v10, v1  }
0x340: {  	vm0 =	vge.f32 v9, $1.000000000e+00;
	v14 =	vld [tilespmem:s6+$0x6CA8];
	v9 =	vmax.f32 v13, $0.0e+00;
	v13 =	vmul.f32 v17, v20  }
.Ltmp2:
0x341: {  	v15 =	vsub.f32 v19, v15;
	v18 =	vld [tilespmem:s6+$0x54A8];
	v19 =	vsub.f32 v0, v16;
	v9 =	vsel vm0, $0x3F800000, v9;
	(pc) =	sbr.rel @p1 .LBB2_7-.Ltmp2, $4  }
0x342: {  	v8 =	vmax.f32 v8, $1.000000000e-30;
	v20 =	vsub.f32 $1.500000000e+00, v21;
	v16 =	vld [tilespmem:s6+$0x3CA8];
	v9 =	vmul.f32 v9, v13  }
0x343: {  	v23 =	vmul.f32 v10, v3;
	v21 =	vshra.s32 v8, $0x1;
	v17 =	vld [tilespmem:s6+$0x74A8];
	v22 =	vmul.f32 $1.442695020e+00, v19  }
0x344: {  	v13 =	vmul.f32 $5.000000000e-01, v8;
	v10 =	vmul.f32 v20, v12;
	v19 =	vld [tilespmem:s6+$0x5CA8];
	v5 =	vadd.f32 v9, v5  }
0x345: {  	s13 =	sadd.s32 $0x40, s13;
	v12 =	vsub.s32 $0x5F3759DF, v21;
	v9 =	vsub.f32 v2, v23;
	(erf) = vpow2.f32 v22  }
0x346: {  	v20 =	vld [tilespmem:s6+$0x44A8]  }
0x347: {  	v14 =	vsub.f32 v14, v18  }
0x348: {  	v11 =	vadd.f32 v11, v15  }
0x349: {  	v14 =	vadd.f32 v16, v14;
	v60 =	vsub.f32 v17, v19;
	_ =	sdelay $0x1  }
0x34a: {  	v11 =	vmul.f32 v11, v11;
	v14 =	vmul.f32 v14, v14;
	v15 =	vadd.f32 v20, v60;
	_ =	sdelay $0x1  }
0x34b: {  	v11 =	vadd.f32 v14, v11;
	v15 =	vmul.f32 v15, v15;
	_ =	sdelay $0x1  }
0x34c: {  	v11 =	vadd.f32 v15, v11;
	_ =	sdelay $0x1  }
0x34d: {  	v61 =	vmul.f32 v12, v13;
	v11 =	vmax.f32 v11, $1.000000000e-30  }
0x34e: {  	v62 =	vshra.s32 v11, $0x1;
	v63 =	vmul.f32 $5.000000000e-01, v11  }
0x34f: {  	v14 =	vmul.f32 v12, v61;
	v15 =	vsub.s32 $0x5F3759DF, v62  }
0x350: {  	v20 =	vmul.f32 v15, v63  }
0x351: {  	v14 =	vsub.f32 $1.500000000e+00, v14  }
0x352: {  	v17 =	vmul.f32 v15, v20  }
0x353: {  	v21 =	vmul.f32 v12, v14  }
0x354: {  	v22 =	vsub.f32 $1.500000000e+00, v17  }
0x355: {  	v23 =	vmul.f32 v21, v13  }
0x356: {  	v14 =	vmul.f32 v15, v22  }
0x357: {  	v24 =	vmul.f32 v23, v21  }
0x358: {  	v25 =	vmul.f32 v14, v63  }
0x359: {  	v7 =	vmul.f32 v10, v7;
	v15 =	vsub.f32 $1.500000000e+00, v24  }
0x35a: {  	v17 =	vmul.f32 v25, v14  }
0x35b: {  	v7 =	vmul.f32 v7, v10;
	v12 =	vmul.f32 v15, v21  }
0x35c: {  	v26 =	vsub.f32 $1.500000000e+00, v17  }
0x35d: {  	v7 =	vsub.f32 $1.500000000e+00, v7;
	v27 =	vmul.f32 v12, v13  }
0x35e: {  	v28 =	vmul.f32 $6.000000000e+00, v9;
	v14 =	vmul.f32 v26, v14  }
0x35f: {  	v7 =	vmul.f32 v7, v10;
	v29 =	vmul.f32 v27, v12  }
0x360: {  	v15 =	vmul.f32 v14, v63  }
0x361: {  	v30 =	vadd.f32 $-1.500000000e+01, v28;
	v6 =	vmul.f32 v7, v6;
	v7 =	vsub.f32 $1.500000000e+00, v29  }
0x362: {  	v31 =	vmul.f32 v9, v9;
	v33 =	vmul.f32 v15, v14  }
0x363: {  	v32 =	vmul.f32 v30, v9;
	v7 =	vmul.f32 v7, v12  }
0x364: {  	v35 =	vmul.f32 v31, v9;
	v13 =	vsub.f32 $1.500000000e+00, v33  }
0x365: {  	v10 =	vadd.f32 $1.000000000e+01, v32;
	v34 =	vmul.f32 v6, v1;
	v7 =	vmul.f32 v7, v8  }
0x366: {  	v37 =	vmul.f32 v13, v14  }
0x367: {  	v36 =	vmul.f32 v10, v35;
	v15 =	vsub.f32 v0, v34;
	v40 =	vmul.f32 v7, v1  }
0x368: {  	vm0 =	vge.f32 v9, $1.000000000e+00;
	v6 =	vmul.f32 v6, v3;
	v10 =	vmul.f32 v37, v11  }
0x369: {  	v38 =	vpop (erf);
	v39 =	vmul.f32 $1.442695020e+00, v15;
	v7 =	vmul.f32 v7, v3;
	v42 =	vsub.f32 v0, v40  }
0x36a: {  	v41 =	vadd.f32 $-2.000000000e+00, v38;
	v6 =	vsub.f32 v2, v6;
	v44 =	vmul.f32 v10, v1  }
0x36b: {  	(erf) = vpow2.f32 v39;
	v7 =	vsub.f32 v2, v7;
	v9 =	vmul.f32 $1.442695020e+00, v42  }
0x36c: {  	v43 =	vmul.f32 v41, v38;
	v45 =	vmul.f32 $6.000000000e+00, v6;
	v12 =	vsub.f32 v0, v44  }
0x36d: {  	v8 =	vmax.f32 v36, $0.0e+00;
	v49 =	vmul.f32 $6.000000000e+00, v7;
	(erf) = vpow2.f32 v9  }
0x36e: {  	v8 =	vsel vm0, $0x3F800000, v8;
	v10 =	vmul.f32 v10, v3;
	v47 =	vmul.f32 $1.442695020e+00, v12  }
0x36f: {  	v48 =	vmul.f32 v6, v6;
	v46 =	vadd.f32 $-1.500000000e+01, v45;
	v8 =	vmul.f32 v8, v43  }
0x370: {  	v50 =	vadd.f32 $-1.500000000e+01, v49;
	v10 =	vsub.f32 v2, v10;
	(erf) = vpow2.f32 v47  }
0x371: {  	v54 =	vmul.f32 v7, v7;
	v9 =	vmul.f32 v46, v6  }
0x372: {  	v5 =	vadd.f32 v8, v5;
	v8 =	vmul.f32 v50, v7;
	v52 =	vmul.f32 $6.000000000e+00, v10  }
0x373: {  	vm13 =	vge.f32 v6, $1.000000000e+00;
	v9 =	vadd.f32 $1.000000000e+01, v9;
	v12 =	vmul.f32 v48, v6  }
0x374: {  	v55 =	vmul.f32 v54, v7;
	v8 =	vadd.f32 $1.000000000e+01, v8;
	v51 =	vpop (erf);
	v6 =	vadd.f32 $-1.500000000e+01, v52  }
0x375: {  	v57 =	vmul.f32 v10, v10;
	v53 =	vadd.f32 $-2.000000000e+00, v51;
	v9 =	vmul.f32 v9, v12  }
0x376: {  	v8 =	vmul.f32 v8, v55;
	v6 =	vmul.f32 v6, v10  }
0x377: {  	v59 =	vmul.f32 v57, v10;
	v11 =	vmul.f32 v53, v51;
	v9 =	vmax.f32 v9, $0.0e+00;
	v56 =	vpop (erf)  }
0x378: {  	v9 =	vsel vm13, $0x3F800000, v9;
	v58 =	vadd.f32 $-2.000000000e+00, v56;
	v6 =	vadd.f32 $1.000000000e+01, v6  }
0x379: {  	vm14 =	vge.f32 v7, $1.000000000e+00;
	v7 =	vmax.f32 v8, $0.0e+00;
	v9 =	vmul.f32 v9, v11;
	v61 =	vpop (erf)  }
0x37a: {  	s4 =	sadd.s32 $0x1, s4;
	s14 =	rddreg [dreg:$0xd];
	v60 =	vmul.f32 v58, v56;
	v6 =	vmul.f32 v6, v59;
	v62 =	vadd.f32 $-2.000000000e+00, v61  }
0x37b: {  	p1 =	sne.s32 s4, s14;
	vm15 =	vge.f32 v10, $1.000000000e+00;
	v7 =	vsel vm14, $0x3F800000, v7;
	v5 =	vadd.f32 v9, v5  }
.Ltmp3:
0x37c: {  	v7 =	vmul.f32 v7, v60;
	v6 =	vmax.f32 v6, $0.0e+00;
	v63 =	vmul.f32 v62, v61;
	(pc) =	sbr.rel @p1 .LBB2_6-.Ltmp3, $3  }
0x37d: {  	v6 =	vsel vm15, $0x3F800000, v6  }
0x37e: {  	v5 =	vadd.f32 v7, v5;
	v6 =	vmul.f32 v6, v63;
	_ =	sdelay $0x1  }
0x37f: {  	v5 =	vadd.f32 v6, v5  }
0x380: {  	_ = 	snop  }
0x381: {  	v0 =	vmul.f32 v5, v4;
	_ =	sdelay $0x1  }
0x382: {  	s6 =	simm.s32 $0x0;
	s4 =	rddreg [dreg:$0x10];
	s5 =	simm.s32 $0x80A8;
	[tilespmem:$0x80A8] =	vst v0  }
0x383: {  	[hbm4b:s4+s6] =	stream.linear.scatter [tilespmem:s5], [sflag:$0x5], $0x80, $0x38;
	[tilespmem:$0x8128] =	vst v63  }
0x384: {  	s5 =	simm.s32 $0x5  }
0x385: {  	_ =	swait.ge [sflag:s5], $0x80  }
0x386: {  	s13 =	rddreg [dreg:$0x15]  }
0x387: {  	s14 =	rddreg [dreg:$0x11];
	s6 =	sadd.s32 $0x1, s13  }
0x388: {  	p1 =	sne.s32 s6, s14  }
.Ltmp4:
0x389: {  	_ = 	snop;
	(pc) =	sbr.rel @p1 .LBB2_1-.Ltmp4, $3  }
0x38a: {  	_ =	sdelay $0x1  }
0x38b: {  	[sflag:s5] =	ssyncset.done $0x0  }
0x38c: {  	[sflag:s5] =	ssyncadd.s32 $0xFFFFFF80  }
0x38d: {  	_ =	sfence.sel $0x180000  }
0x38e: {  	[bflag:$0x0] =	sbarrier.arrive $0xFFFF  }
0x38f: {  	_ =	strace $0x90000047  }
0x390: {  	[bflag:$0x2] =	sbarrier.arrive $0xFFFF  }
0x391: {  	s0 =	rddreg [dreg:$0xc]  }
0x392: {  	s0 =	sadd.s32 @!p0 $0x100000, s0  }
0x393: {  	[sflag:s0] =	ssyncadd.tile.s32 @!p0 $0x1;
	_ =	shalt  }
.Lfunc_end2:
_tile_overlayer_lowered:
.L_overlay_start_2:
0x394: {  	(tag) =	ssettag $0x2  }
0x395: {  	s0 =	rddreg [dreg:$0x0];
	s2 =	stileid.u32  }
0x396: {  	s1 =	rddreg [dreg:$0x1];
	p0 =	sne.s32 s2, $0x0  }
0x397: {  	s3 =	rddreg [dreg:$0x2];
	[bflag:$0x3] =	sbarrier.arrive $0xFFFF;
	s2 =	simm.s32 @!p0 $0x1C05  }
0x398: {  	[timem:s3], [sflag:s2] =	dma.local @!p0 [hbm:s0], s1  }
0x399: {  	s0 =	simm.s32 @!p0 $0x5  }
0x39a: {  	_ =	swait.ge @!p0 [sflag:s0], s1  }
0x39b: {  	s1 =	ssub.s32 @!p0 $0x0, s1;
	[sflag:s0] =	ssyncset.done @!p0 $0x0  }
0x39c: {  	[sflag:s0] =	ssyncadd.s32 @!p0 s1  }
0x39d: {  	[bflag:$0x3] =	sbarrier.arrive $0xFFFF  }
0x39e: {  	_ =	shalt  }

</sc_bundles>
